<compile_context>
chip_gen: v7x
topology: tpu7x:2x2x1
jax: 0.10.2.dev20260603
libtpu: 0.0.44.dev20260713+nightly
codegen_flags: <defaults>
</compile_context>

<pallas_src>
import functools

import numpy as np
import jax
import jax.numpy as jnp
from jax import lax
from jax.experimental import pallas as pl
from jax.experimental.pallas import tpu as pltpu
from jax.experimental.pallas import tpu_sc as plsc

_MAX_LEN = 4096
_NC, _NS, _L = 2, 16, 16
_NW = _NC * _NS
_C = 16


def _pe_table(d_feature):
    pe = np.zeros((_MAX_LEN, d_feature), dtype=np.float32)
    position = np.arange(0, _MAX_LEN)[:, np.newaxis]
    scale_factor = -np.log(10000.0) / (d_feature // 2 - 1)
    div_term = np.exp(np.arange(0, d_feature // 2) * scale_factor)
    pe[:, :d_feature // 2] = np.sin(position * div_term)
    pe[:, d_feature // 2:2 * (d_feature // 2)] = np.cos(position * div_term)
    return jnp.asarray(pe)


def _sc_body(n_rows, d, x_hbm, pos_hbm, pe_hbm, out_hbm,
             idx_all, in0, in1, in2, pe0, pe1, pe2,
             sem_in0, sem_in1, sem_in2, sem_pe0, sem_pe1, sem_pe2,
             sem_out0, sem_out1, sem_out2):
    wid = lax.axis_index("s") * _NC + lax.axis_index("c")
    rows_per_w = n_rows // _NW
    base0 = wid * rows_per_w
    n_chunks = rows_per_w // _C
    n_vec = d // _L
    shift_r = n_vec.bit_length() - 1
    assert (1 << shift_r) == n_vec
    n_vec_chunk = _C * n_vec

    in_b = (in0, in1, in2)
    pe_b = (pe0, pe1, pe2)
    sem_in = (sem_in0, sem_in1, sem_in2)
    sem_pe = (sem_pe0, sem_pe1, sem_pe2)
    sem_out = (sem_out0, sem_out1, sem_out2)
    nbuf = 3

    pltpu.sync_copy(pos_hbm.at[pl.ds(base0, rows_per_w)], idx_all)

    def issue(g):
        b = g % nbuf
        base = base0 + g * _C
        ci = pltpu.async_copy(x_hbm.at[pl.ds(base, _C)], in_b[b], sem_in[b])
        cp = pltpu.async_copy(pe_hbm.at[idx_all.at[pl.ds(g * _C, _C)]],
                              pe_b[b], sem_pe[b])
        return ci, cp

    pending = [None] * nbuf
    out_desc = [None] * nbuf
    pending[0] = issue(0)
    pending[1] = issue(1)

    for g in range(n_chunks):
        b = g % nbuf
        ci, cp = pending[b]
        ci.wait()
        cp.wait()
        if g + 2 < n_chunks:
            nb = (g + 2) % nbuf
            if out_desc[nb] is not None:
                out_desc[nb].wait()
            pending[nb] = issue(g + 2)

        iv, pv = in_b[b], pe_b[b]

        @plsc.parallel_loop(0, n_vec_chunk, 1, unroll=8)
        def _(k):
            r = lax.shift_right_logical(k, shift_r)
            off = pl.multiple_of(lax.shift_left(k & (n_vec - 1), 4), _L)
            iv[r, pl.ds(off, _L)] = iv[r, pl.ds(off, _L)] + pv[r, pl.ds(off, _L)]

        out_desc[b] = pltpu.async_copy(
            iv, out_hbm.at[pl.ds(base0 + g * _C, _C)], sem_out[b])

    for b in range(nbuf):
        if out_desc[b] is not None:
            out_desc[b].wait()


def _make_sc_call(n_rows, d):
    mesh = plsc.VectorSubcoreMesh(
        core_axis_name="c", subcore_axis_name="s",
        num_cores=_NC, num_subcores=_NS)
    return pl.kernel(
        functools.partial(_sc_body, n_rows, d),
        out_type=jax.ShapeDtypeStruct((n_rows, d), jnp.float32),
        mesh=mesh,
        scratch_types=[
            pltpu.VMEM((n_rows // _NW,), jnp.int32),
        ] + [pltpu.VMEM((_C, d), jnp.float32)] * 6
          + [pltpu.SemaphoreType.DMA] * 9,
    )


def kernel(inputs, inputs_positions):
    b, t, d = inputs.shape
    n_rows = b * t
    x = inputs.reshape(n_rows, d)
    pos = inputs_positions.reshape(n_rows).astype(jnp.int32)
    pe = _pe_table(d)
    out = _make_sc_call(n_rows, d)(x, pos, pe)
    return out.reshape(b, t, d)

# --- scband reference (transcript-rebuilt; emitter-appended) ---
"""Pipeline reference for scband-add-position-embs-59648505807304 (READ-ONLY COPY).

The authoritative reference and input builder live on the scoring server;
editing this copy changes nothing except your own understanding.
"""

import jax, jax.numpy as jnp
import numpy as np

MAX_LEN = 4096


def sinusoidal_table(max_len, d_feature, min_scale=1.0, max_scale=10000.0):
    pe = np.zeros((max_len, d_feature), dtype=np.float32)
    position = np.arange(0, max_len)[:, np.newaxis]
    scale_factor = -np.log(max_scale / min_scale) / (d_feature // 2 - 1)
    div_term = min_scale * np.exp(np.arange(0, d_feature // 2) * scale_factor)
    pe[:, :d_feature // 2] = np.sin(position * div_term)
    pe[:, d_feature // 2:2 * (d_feature // 2)] = np.cos(position * div_term)
    pe = pe[np.newaxis, :, :]
    return jnp.array(pe)


def setup_inputs(seed: int = 0) -> dict:
    key = jax.random.key(seed)
    k1, k2 = jax.random.split(key)
    inputs = jax.random.normal(k1, (4, 4096, 1024), dtype=jnp.float32)
    inputs_positions = jax.random.randint(k2, (4, 4096), 0, MAX_LEN, dtype=jnp.int64 if jax.config.jax_enable_x64 else jnp.int32).astype(jnp.int32)
    return {"inputs": inputs, "inputs_positions": inputs_positions}


def reference(inputs, inputs_positions):
    # AddPositionEmbs with posemb_init=None -> fixed sinusoidal table, no cache.
    length = inputs.shape[1]
    d_feature = inputs.shape[-1]
    pos_embedding = sinusoidal_table(MAX_LEN, d_feature)  # (1, max_len, d)
    pe = pos_embedding[:, :length, :]
    # packed-sequence path: gather per-token position embeddings
    return inputs + jnp.take(pe[0], inputs_positions, axis=0)

if __name__ == "__main__":
    import jax
    _d = setup_inputs()
    print(jax.jit(kernel)(*tuple(_d.values())))

</pallas_src>

<mosaic_0001>
#map = affine_map<(d0, d1) -> (0, 0)>
#map1 = affine_map<(d0, d1) -> (0)>
module attributes {stable_mosaic.version = 14 : i64} {
  func.func @_sc_body(%arg0: i32, %arg1: i32, %arg2: memref<16384x1024xf32, #tpu.memory_space<hbm>>, %arg3: memref<16384xi32, #tpu.memory_space<hbm>>, %arg4: memref<4096x1024xf32, #tpu.memory_space<hbm>>, %arg5: memref<16384x1024xf32, #tpu.memory_space<hbm>>, %arg6: memref<512xi32, #tpu.memory_space<vmem>>, %arg7: memref<16x1024xf32, #tpu.memory_space<vmem>>, %arg8: memref<16x1024xf32, #tpu.memory_space<vmem>>, %arg9: memref<16x1024xf32, #tpu.memory_space<vmem>>, %arg10: memref<16x1024xf32, #tpu.memory_space<vmem>>, %arg11: memref<16x1024xf32, #tpu.memory_space<vmem>>, %arg12: memref<16x1024xf32, #tpu.memory_space<vmem>>, %arg13: memref<!tpu.dma_semaphore, #tpu.memory_space<semaphore_mem>>, %arg14: memref<!tpu.dma_semaphore, #tpu.memory_space<semaphore_mem>>, %arg15: memref<!tpu.dma_semaphore, #tpu.memory_space<semaphore_mem>>, %arg16: memref<!tpu.dma_semaphore, #tpu.memory_space<semaphore_mem>>, %arg17: memref<!tpu.dma_semaphore, #tpu.memory_space<semaphore_mem>>, %arg18: memref<!tpu.dma_semaphore, #tpu.memory_space<semaphore_mem>>, %arg19: memref<!tpu.dma_semaphore, #tpu.memory_space<semaphore_mem>>, %arg20: memref<!tpu.dma_semaphore, #tpu.memory_space<semaphore_mem>>, %arg21: memref<!tpu.dma_semaphore, #tpu.memory_space<semaphore_mem>>) attributes {dimension_semantics = [#tpu.dimension_semantics<core_parallel>, #tpu.dimension_semantics<subcore_parallel>], iteration_bounds = array<i64: 2, 16>, scalar_prefetch = 0 : i64, scratch_operands = 16 : i64, tpu.core_type = #tpu.core_type<sc_vector_subcore>, window_params = [{transform_indices = #map}, {transform_indices = #map1}, {transform_indices = #map}, {transform_indices = #map}]} {
    %mul3A = arith.constant 2 : i32
    %mul3A_0 = arith.muli %arg1, %mul3A : i32
    %add3A = arith.addi %mul3A_0, %arg0 : i32
    %mul3A_1 = arith.constant 512 : i32
    %mul3A_2 = arith.muli %add3A, %mul3A_1 : i32
    "tpu.region"() ({
      %run_scoped3A = tpu.sem_alloc : memref<!tpu.dma_semaphore, #tpu.memory_space<semaphore_mem>>
      %dma_start3A_1056 = tpu.memref_slice %arg3[%mul3A_2] : memref<16384xi32, #tpu.memory_space<hbm>> -> memref<512xi32, #tpu.memory_space<hbm>>
      %dma_start3A_1057 = tpu.memref_slice %arg3[%mul3A_2] : memref<16384xi32, #tpu.memory_space<hbm>> -> memref<512xi32, #tpu.memory_space<hbm>>
      tpu.enqueue_dma source(%dma_start3A_1057 : memref<512xi32, #tpu.memory_space<hbm>>) target(%arg6 : memref<512xi32, #tpu.memory_space<vmem>>) target_semaphore(%run_scoped3A : memref<!tpu.dma_semaphore, #tpu.memory_space<semaphore_mem>>)
      %dma_wait3A_1058 = tpu.memref_slice %arg3[%mul3A_2] : memref<16384xi32, #tpu.memory_space<hbm>> -> memref<512xi32, #tpu.memory_space<hbm>>
      %dma_wait3A_1059 = tpu.memref_slice %arg3[%mul3A_2] : memref<16384xi32, #tpu.memory_space<hbm>> -> memref<512xi32, #tpu.memory_space<hbm>>
      tpu.wait_dma2 semaphore(%run_scoped3A : memref<!tpu.dma_semaphore, #tpu.memory_space<semaphore_mem>>) src(%dma_wait3A_1059 : memref<512xi32, #tpu.memory_space<hbm>>) dst(%arg6 : memref<512xi32, #tpu.memory_space<vmem>>)
      tpu.yield
    }) : () -> ()
    %add3A_3 = arith.constant 0 : i32
    %add3A_4 = arith.addi %mul3A_2, %add3A_3 : i32
    %dma_start3A = arith.constant 0 : i32
    %dma_start3A_5 = tpu.memref_slice %arg2[%add3A_4, %dma_start3A] : memref<16384x1024xf32, #tpu.memory_space<hbm>> -> memref<16x1024xf32, #tpu.memory_space<hbm>>
    %dma_start3A_6 = arith.constant 0 : i32
    %dma_start3A_7 = tpu.memref_slice %arg2[%add3A_4, %dma_start3A_6] : memref<16384x1024xf32, #tpu.memory_space<hbm>> -> memref<16x1024xf32, #tpu.memory_space<hbm>>
    tpu.enqueue_dma source(%dma_start3A_7 : memref<16x1024xf32, #tpu.memory_space<hbm>>) target(%arg7 : memref<16x1024xf32, #tpu.memory_space<vmem>>) target_semaphore(%arg13 : memref<!tpu.dma_semaphore, #tpu.memory_space<semaphore_mem>>)
    %dma_start3A_8 = arith.constant 0 : i32
    %dma_start3A_9 = tpu.memref_slice %arg6[%dma_start3A_8] : memref<512xi32, #tpu.memory_space<vmem>> -> memref<16xi32, #tpu.memory_space<vmem>>
    %dma_start3A_10 = arith.constant 0 : i32
    %dma_start3A_11 = arith.constant 0 : i32
    %dma_start3A_12 = tpu.memref_slice %arg4[%dma_start3A_10, %dma_start3A_11] : memref<4096x1024xf32, #tpu.memory_space<hbm>> -> memref<4096x1024xf32, #tpu.memory_space<hbm>>
    tpu.enqueue_indirect_dma source(%dma_start3A_12 : memref<4096x1024xf32, #tpu.memory_space<hbm>>) target(%arg10 : memref<16x1024xf32, #tpu.memory_space<vmem>>) offsets(%dma_start3A_9 : memref<16xi32, #tpu.memory_space<vmem>>) semaphore(%arg16 : memref<!tpu.dma_semaphore, #tpu.memory_space<semaphore_mem>>)
    %add3A_13 = arith.constant 16 : i32
    %add3A_14 = arith.addi %mul3A_2, %add3A_13 : i32
    %dma_start3A_15 = arith.constant 0 : i32
    %dma_start3A_16 = tpu.memref_slice %arg2[%add3A_14, %dma_start3A_15] : memref<16384x1024xf32, #tpu.memory_space<hbm>> -> memref<16x1024xf32, #tpu.memory_space<hbm>>
    %dma_start3A_17 = arith.constant 0 : i32
    %dma_start3A_18 = tpu.memref_slice %arg2[%add3A_14, %dma_start3A_17] : memref<16384x1024xf32, #tpu.memory_space<hbm>> -> memref<16x1024xf32, #tpu.memory_space<hbm>>
    tpu.enqueue_dma source(%dma_start3A_18 : memref<16x1024xf32, #tpu.memory_space<hbm>>) target(%arg8 : memref<16x1024xf32, #tpu.memory_space<vmem>>) target_semaphore(%arg14 : memref<!tpu.dma_semaphore, #tpu.memory_space<semaphore_mem>>)
    %dma_start3A_19 = arith.constant 16 : i32
    %dma_start3A_20 = tpu.memref_slice %arg6[%dma_start3A_19] : memref<512xi32, #tpu.memory_space<vmem>> -> memref<16xi32, #tpu.memory_space<vmem>>
    %dma_start3A_21 = arith.constant 0 : i32
    %dma_start3A_22 = arith.constant 0 : i32
    %dma_start3A_23 = tpu.memref_slice %arg4[%dma_start3A_21, %dma_start3A_22] : memref<4096x1024xf32, #tpu.memory_space<hbm>> -> memref<4096x1024xf32, #tpu.memory_space<hbm>>
    tpu.enqueue_indirect_dma source(%dma_start3A_23 : memref<4096x1024xf32, #tpu.memory_space<hbm>>) target(%arg11 : memref<16x1024xf32, #tpu.memory_space<vmem>>) offsets(%dma_start3A_20 : memref<16xi32, #tpu.memory_space<vmem>>) semaphore(%arg17 : memref<!tpu.dma_semaphore, #tpu.memory_space<semaphore_mem>>)
    %dma_wait3A = arith.constant 0 : i32
    %dma_wait3A_24 = tpu.memref_slice %arg2[%add3A_4, %dma_wait3A] : memref<16384x1024xf32, #tpu.memory_space<hbm>> -> memref<16x1024xf32, #tpu.memory_space<hbm>>
    %dma_wait3A_25 = arith.constant 0 : i32
    %dma_wait3A_26 = tpu.memref_slice %arg2[%add3A_4, %dma_wait3A_25] : memref<16384x1024xf32, #tpu.memory_space<hbm>> -> memref<16x1024xf32, #tpu.memory_space<hbm>>
    tpu.wait_dma2 semaphore(%arg13 : memref<!tpu.dma_semaphore, #tpu.memory_space<semaphore_mem>>) src(%dma_wait3A_26 : memref<16x1024xf32, #tpu.memory_space<hbm>>) dst(%arg7 : memref<16x1024xf32, #tpu.memory_space<vmem>>)
    %dma_wait3A_27 = arith.constant 0 : i32
    %dma_wait3A_28 = tpu.memref_slice %arg6[%dma_wait3A_27] : memref<512xi32, #tpu.memory_space<vmem>> -> memref<16xi32, #tpu.memory_space<vmem>>
    %dma_wait3A_29 = arith.constant 0 : i32
    %dma_wait3A_30 = arith.constant 0 : i32
    %dma_wait3A_31 = tpu.memref_slice %arg4[%dma_wait3A_29, %dma_wait3A_30] : memref<4096x1024xf32, #tpu.memory_space<hbm>> -> memref<4096x1024xf32, #tpu.memory_space<hbm>>
    tpu.wait_indirect_dma semaphore(%arg16 : memref<!tpu.dma_semaphore, #tpu.memory_space<semaphore_mem>>) src(%dma_wait3A_31 : memref<4096x1024xf32, #tpu.memory_space<hbm>>) dst(%arg10 : memref<16x1024xf32, #tpu.memory_space<vmem>>)
    %add3A_32 = arith.constant 32 : i32
    %add3A_33 = arith.addi %mul3A_2, %add3A_32 : i32
    %dma_start3A_34 = arith.constant 0 : i32
    %dma_start3A_35 = tpu.memref_slice %arg2[%add3A_33, %dma_start3A_34] : memref<16384x1024xf32, #tpu.memory_space<hbm>> -> memref<16x1024xf32, #tpu.memory_space<hbm>>
    %dma_start3A_36 = arith.constant 0 : i32
    %dma_start3A_37 = tpu.memref_slice %arg2[%add3A_33, %dma_start3A_36] : memref<16384x1024xf32, #tpu.memory_space<hbm>> -> memref<16x1024xf32, #tpu.memory_space<hbm>>
    tpu.enqueue_dma source(%dma_start3A_37 : memref<16x1024xf32, #tpu.memory_space<hbm>>) target(%arg9 : memref<16x1024xf32, #tpu.memory_space<vmem>>) target_semaphore(%arg15 : memref<!tpu.dma_semaphore, #tpu.memory_space<semaphore_mem>>)
    %dma_start3A_38 = arith.constant 32 : i32
    %dma_start3A_39 = tpu.memref_slice %arg6[%dma_start3A_38] : memref<512xi32, #tpu.memory_space<vmem>> -> memref<16xi32, #tpu.memory_space<vmem>>
    %dma_start3A_40 = arith.constant 0 : i32
    %dma_start3A_41 = arith.constant 0 : i32
    %dma_start3A_42 = tpu.memref_slice %arg4[%dma_start3A_40, %dma_start3A_41] : memref<4096x1024xf32, #tpu.memory_space<hbm>> -> memref<4096x1024xf32, #tpu.memory_space<hbm>>
    tpu.enqueue_indirect_dma source(%dma_start3A_42 : memref<4096x1024xf32, #tpu.memory_space<hbm>>) target(%arg12 : memref<16x1024xf32, #tpu.memory_space<vmem>>) offsets(%dma_start3A_39 : memref<16xi32, #tpu.memory_space<vmem>>) semaphore(%arg18 : memref<!tpu.dma_semaphore, #tpu.memory_space<semaphore_mem>>)
    %parallel_loop3A = arith.constant 0 : i32
    %parallel_loop3A_43 = arith.constant 1024 : i32
    %parallel_loop3A_44 = arith.constant 1 : i32
    scf.for %parallel_loop3A_1056 = %parallel_loop3A to %parallel_loop3A_43 step %parallel_loop3A_44  : i32 {
      %parallel_loop3A_1057 = arith.constant 6 : i32
      %parallel_loop3A_1058 = arith.shrui %parallel_loop3A_1056, %parallel_loop3A_1057 : i32
      %parallel_loop3A_1059 = arith.constant 63 : i32
      %parallel_loop3A_1060 = arith.andi %parallel_loop3A_1056, %parallel_loop3A_1059 : i32
      %parallel_loop3A_1061 = arith.constant 4 : i32
      %parallel_loop3A_1062 = arith.shli %parallel_loop3A_1060, %parallel_loop3A_1061 : i32
      %parallel_loop3A_1063 = tpu.assume_multiple %parallel_loop3A_1062, 16 : i32
      %parallel_loop3A_1064 = arith.index_cast %parallel_loop3A_1058 : i32 to index
      %parallel_loop3A_1065 = arith.index_cast %parallel_loop3A_1063 : i32 to index
      %parallel_loop3A_1066 = tpu.vector_load %arg7[%parallel_loop3A_1064, %parallel_loop3A_1065] {strides = array<i32>} : memref<16x1024xf32, #tpu.memory_space<vmem>>, vector<1x16xf32>,
      %parallel_loop3A_1067 = vector.shape_cast %parallel_loop3A_1066 : vector<1x16xf32> to vector<16xf32>
      %parallel_loop3A_1068 = arith.index_cast %parallel_loop3A_1058 : i32 to index
      %parallel_loop3A_1069 = arith.index_cast %parallel_loop3A_1063 : i32 to index
      %parallel_loop3A_1070 = tpu.vector_load %arg10[%parallel_loop3A_1068, %parallel_loop3A_1069] {strides = array<i32>} : memref<16x1024xf32, #tpu.memory_space<vmem>>, vector<1x16xf32>,
      %parallel_loop3A_1071 = vector.shape_cast %parallel_loop3A_1070 : vector<1x16xf32> to vector<16xf32>
      %parallel_loop3A_1072 = arith.addf %parallel_loop3A_1067, %parallel_loop3A_1071 : vector<16xf32>
      %parallel_loop3A_1073 = arith.index_cast %parallel_loop3A_1058 : i32 to index
      %parallel_loop3A_1074 = arith.index_cast %parallel_loop3A_1063 : i32 to index
      %parallel_loop3A_1075 = tpu.vector_load %arg7[%parallel_loop3A_1073, %parallel_loop3A_1074] {strides = array<i32>} : memref<16x1024xf32, #tpu.memory_space<vmem>>, vector<1x16xf32>,
      %parallel_loop3A_1076 = vector.shape_cast %parallel_loop3A_1075 : vector<1x16xf32> to vector<16xf32>
      %parallel_loop3A_1077 = vector.shape_cast %parallel_loop3A_1072 : vector<16xf32> to vector<1x16xf32>
      tpu.vector_store %arg7[%parallel_loop3A_1073, %parallel_loop3A_1074], %parallel_loop3A_1077 {strides = array<i32>} : memref<16x1024xf32, #tpu.memory_space<vmem>>, vector<1x16xf32>,
    } {sc.loop_unroll_factor = 8 : i64, sc.parallel_access}
    %add3A_45 = arith.constant 0 : i32
    %add3A_46 = arith.addi %mul3A_2, %add3A_45 : i32
    %dma_start3A_47 = arith.constant 0 : i32
    %dma_start3A_48 = tpu.memref_slice %arg5[%add3A_46, %dma_start3A_47] : memref<16384x1024xf32, #tpu.memory_space<hbm>> -> memref<16x1024xf32, #tpu.memory_space<hbm>>
    %dma_start3A_49 = arith.constant 0 : i32
    %dma_start3A_50 = tpu.memref_slice %arg5[%add3A_46, %dma_start3A_49] : memref<16384x1024xf32, #tpu.memory_space<hbm>> -> memref<16x1024xf32, #tpu.memory_space<hbm>>
    tpu.enqueue_dma source(%arg7 : memref<16x1024xf32, #tpu.memory_space<vmem>>) target(%dma_start3A_50 : memref<16x1024xf32, #tpu.memory_space<hbm>>) target_semaphore(%arg19 : memref<!tpu.dma_semaphore, #tpu.memory_space<semaphore_mem>>)
    %dma_wait3A_51 = arith.constant 0 : i32
    %dma_wait3A_52 = tpu.memref_slice %arg2[%add3A_14, %dma_wait3A_51] : memref<16384x1024xf32, #tpu.memory_space<hbm>> -> memref<16x1024xf32, #tpu.memory_space<hbm>>
    %dma_wait3A_53 = arith.constant 0 : i32
    %dma_wait3A_54 = tpu.memref_slice %arg2[%add3A_14, %dma_wait3A_53] : memref<16384x1024xf32, #tpu.memory_space<hbm>> -> memref<16x1024xf32, #tpu.memory_space<hbm>>
    tpu.wait_dma2 semaphore(%arg14 : memref<!tpu.dma_semaphore, #tpu.memory_space<semaphore_mem>>) src(%dma_wait3A_54 : memref<16x1024xf32, #tpu.memory_space<hbm>>) dst(%arg8 : memref<16x1024xf32, #tpu.memory_space<vmem>>)
    %dma_wait3A_55 = arith.constant 16 : i32
    %dma_wait3A_56 = tpu.memref_slice %arg6[%dma_wait3A_55] : memref<512xi32, #tpu.memory_space<vmem>> -> memref<16xi32, #tpu.memory_space<vmem>>
    %dma_wait3A_57 = arith.constant 0 : i32
    %dma_wait3A_58 = arith.constant 0 : i32
    %dma_wait3A_59 = tpu.memref_slice %arg4[%dma_wait3A_57, %dma_wait3A_58] : memref<4096x1024xf32, #tpu.memory_space<hbm>> -> memref<4096x1024xf32, #tpu.memory_space<hbm>>
    tpu.wait_indirect_dma semaphore(%arg17 : memref<!tpu.dma_semaphore, #tpu.memory_space<semaphore_mem>>) src(%dma_wait3A_59 : memref<4096x1024xf32, #tpu.memory_space<hbm>>) dst(%arg11 : memref<16x1024xf32, #tpu.memory_space<vmem>>)
    %dma_wait3A_60 = arith.constant 0 : i32
    %dma_wait3A_61 = tpu.memref_slice %arg5[%add3A_46, %dma_wait3A_60] : memref<16384x1024xf32, #tpu.memory_space<hbm>> -> memref<16x1024xf32, #tpu.memory_space<hbm>>
    %dma_wait3A_62 = arith.constant 0 : i32
    %dma_wait3A_63 = tpu.memref_slice %arg5[%add3A_46, %dma_wait3A_62] : memref<16384x1024xf32, #tpu.memory_space<hbm>> -> memref<16x1024xf32, #tpu.memory_space<hbm>>
    tpu.wait_dma2 semaphore(%arg19 : memref<!tpu.dma_semaphore, #tpu.memory_space<semaphore_mem>>) src(%arg7 : memref<16x1024xf32, #tpu.memory_space<vmem>>) dst(%dma_wait3A_63 : memref<16x1024xf32, #tpu.memory_space<hbm>>)
    %add3A_64 = arith.constant 48 : i32
    %add3A_65 = arith.addi %mul3A_2, %add3A_64 : i32
    %dma_start3A_66 = arith.constant 0 : i32
    %dma_start3A_67 = tpu.memref_slice %arg2[%add3A_65, %dma_start3A_66] : memref<16384x1024xf32, #tpu.memory_space<hbm>> -> memref<16x1024xf32, #tpu.memory_space<hbm>>
    %dma_start3A_68 = arith.constant 0 : i32
    %dma_start3A_69 = tpu.memref_slice %arg2[%add3A_65, %dma_start3A_68] : memref<16384x1024xf32, #tpu.memory_space<hbm>> -> memref<16x1024xf32, #tpu.memory_space<hbm>>
    tpu.enqueue_dma source(%dma_start3A_69 : memref<16x1024xf32, #tpu.memory_space<hbm>>) target(%arg7 : memref<16x1024xf32, #tpu.memory_space<vmem>>) target_semaphore(%arg13 : memref<!tpu.dma_semaphore, #tpu.memory_space<semaphore_mem>>)
    %dma_start3A_70 = arith.constant 48 : i32
    %dma_start3A_71 = tpu.memref_slice %arg6[%dma_start3A_70] : memref<512xi32, #tpu.memory_space<vmem>> -> memref<16xi32, #tpu.memory_space<vmem>>
    %dma_start3A_72 = arith.constant 0 : i32
    %dma_start3A_73 = arith.constant 0 : i32
    %dma_start3A_74 = tpu.memref_slice %arg4[%dma_start3A_72, %dma_start3A_73] : memref<4096x1024xf32, #tpu.memory_space<hbm>> -> memref<4096x1024xf32, #tpu.memory_space<hbm>>
    tpu.enqueue_indirect_dma source(%dma_start3A_74 : memref<4096x1024xf32, #tpu.memory_space<hbm>>) target(%arg10 : memref<16x1024xf32, #tpu.memory_space<vmem>>) offsets(%dma_start3A_71 : memref<16xi32, #tpu.memory_space<vmem>>) semaphore(%arg16 : memref<!tpu.dma_semaphore, #tpu.memory_space<semaphore_mem>>)
    %parallel_loop3A_75 = arith.constant 0 : i32
    %parallel_loop3A_76 = arith.constant 1024 : i32
    %parallel_loop3A_77 = arith.constant 1 : i32
    scf.for %parallel_loop3A_1056 = %parallel_loop3A_75 to %parallel_loop3A_76 step %parallel_loop3A_77  : i32 {
      %parallel_loop3A_1057 = arith.constant 6 : i32
      %parallel_loop3A_1058 = arith.shrui %parallel_loop3A_1056, %parallel_loop3A_1057 : i32
      %parallel_loop3A_1059 = arith.constant 63 : i32
      %parallel_loop3A_1060 = arith.andi %parallel_loop3A_1056, %parallel_loop3A_1059 : i32
      %parallel_loop3A_1061 = arith.constant 4 : i32
      %parallel_loop3A_1062 = arith.shli %parallel_loop3A_1060, %parallel_loop3A_1061 : i32
      %parallel_loop3A_1063 = tpu.assume_multiple %parallel_loop3A_1062, 16 : i32
      %parallel_loop3A_1064 = arith.index_cast %parallel_loop3A_1058 : i32 to index
      %parallel_loop3A_1065 = arith.index_cast %parallel_loop3A_1063 : i32 to index
      %parallel_loop3A_1066 = tpu.vector_load %arg8[%parallel_loop3A_1064, %parallel_loop3A_1065] {strides = array<i32>} : memref<16x1024xf32, #tpu.memory_space<vmem>>, vector<1x16xf32>,
      %parallel_loop3A_1067 = vector.shape_cast %parallel_loop3A_1066 : vector<1x16xf32> to vector<16xf32>
      %parallel_loop3A_1068 = arith.index_cast %parallel_loop3A_1058 : i32 to index
      %parallel_loop3A_1069 = arith.index_cast %parallel_loop3A_1063 : i32 to index
      %parallel_loop3A_1070 = tpu.vector_load %arg11[%parallel_loop3A_1068, %parallel_loop3A_1069] {strides = array<i32>} : memref<16x1024xf32, #tpu.memory_space<vmem>>, vector<1x16xf32>,
      %parallel_loop3A_1071 = vector.shape_cast %parallel_loop3A_1070 : vector<1x16xf32> to vector<16xf32>
      %parallel_loop3A_1072 = arith.addf %parallel_loop3A_1067, %parallel_loop3A_1071 : vector<16xf32>
      %parallel_loop3A_1073 = arith.index_cast %parallel_loop3A_1058 : i32 to index
      %parallel_loop3A_1074 = arith.index_cast %parallel_loop3A_1063 : i32 to index
      %parallel_loop3A_1075 = tpu.vector_load %arg8[%parallel_loop3A_1073, %parallel_loop3A_1074] {strides = array<i32>} : memref<16x1024xf32, #tpu.memory_space<vmem>>, vector<1x16xf32>,
      %parallel_loop3A_1076 = vector.shape_cast %parallel_loop3A_1075 : vector<1x16xf32> to vector<16xf32>
      %parallel_loop3A_1077 = vector.shape_cast %parallel_loop3A_1072 : vector<16xf32> to vector<1x16xf32>
      tpu.vector_store %arg8[%parallel_loop3A_1073, %parallel_loop3A_1074], %parallel_loop3A_1077 {strides = array<i32>} : memref<16x1024xf32, #tpu.memory_space<vmem>>, vector<1x16xf32>,
    } {sc.loop_unroll_factor = 8 : i64, sc.parallel_access}
    %add3A_78 = arith.constant 16 : i32
    %add3A_79 = arith.addi %mul3A_2, %add3A_78 : i32
    %dma_start3A_80 = arith.constant 0 : i32
    %dma_start3A_81 = tpu.memref_slice %arg5[%add3A_79, %dma_start3A_80] : memref<16384x1024xf32, #tpu.memory_space<hbm>> -> memref<16x1024xf32, #tpu.memory_space<hbm>>
    %dma_start3A_82 = arith.constant 0 : i32
    %dma_start3A_83 = tpu.memref_slice %arg5[%add3A_79, %dma_start3A_82] : memref<16384x1024xf32, #tpu.memory_space<hbm>> -> memref<16x1024xf32, #tpu.memory_space<hbm>>
    tpu.enqueue_dma source(%arg8 : memref<16x1024xf32, #tpu.memory_space<vmem>>) target(%dma_start3A_83 : memref<16x1024xf32, #tpu.memory_space<hbm>>) target_semaphore(%arg20 : memref<!tpu.dma_semaphore, #tpu.memory_space<semaphore_mem>>)
    %dma_wait3A_84 = arith.constant 0 : i32
    %dma_wait3A_85 = tpu.memref_slice %arg2[%add3A_33, %dma_wait3A_84] : memref<16384x1024xf32, #tpu.memory_space<hbm>> -> memref<16x1024xf32, #tpu.memory_space<hbm>>
    %dma_wait3A_86 = arith.constant 0 : i32
    %dma_wait3A_87 = tpu.memref_slice %arg2[%add3A_33, %dma_wait3A_86] : memref<16384x1024xf32, #tpu.memory_space<hbm>> -> memref<16x1024xf32, #tpu.memory_space<hbm>>
    tpu.wait_dma2 semaphore(%arg15 : memref<!tpu.dma_semaphore, #tpu.memory_space<semaphore_mem>>) src(%dma_wait3A_87 : memref<16x1024xf32, #tpu.memory_space<hbm>>) dst(%arg9 : memref<16x1024xf32, #tpu.memory_space<vmem>>)
    %dma_wait3A_88 = arith.constant 32 : i32
    %dma_wait3A_89 = tpu.memref_slice %arg6[%dma_wait3A_88] : memref<512xi32, #tpu.memory_space<vmem>> -> memref<16xi32, #tpu.memory_space<vmem>>
    %dma_wait3A_90 = arith.constant 0 : i32
    %dma_wait3A_91 = arith.constant 0 : i32
    %dma_wait3A_92 = tpu.memref_slice %arg4[%dma_wait3A_90, %dma_wait3A_91] : memref<4096x1024xf32, #tpu.memory_space<hbm>> -> memref<4096x1024xf32, #tpu.memory_space<hbm>>
    tpu.wait_indirect_dma semaphore(%arg18 : memref<!tpu.dma_semaphore, #tpu.memory_space<semaphore_mem>>) src(%dma_wait3A_92 : memref<4096x1024xf32, #tpu.memory_space<hbm>>) dst(%arg12 : memref<16x1024xf32, #tpu.memory_space<vmem>>)
    %dma_wait3A_93 = arith.constant 0 : i32
    %dma_wait3A_94 = tpu.memref_slice %arg5[%add3A_79, %dma_wait3A_93] : memref<16384x1024xf32, #tpu.memory_space<hbm>> -> memref<16x1024xf32, #tpu.memory_space<hbm>>
    %dma_wait3A_95 = arith.constant 0 : i32
    %dma_wait3A_96 = tpu.memref_slice %arg5[%add3A_79, %dma_wait3A_95] : memref<16384x1024xf32, #tpu.memory_space<hbm>> -> memref<16x1024xf32, #tpu.memory_space<hbm>>
    tpu.wait_dma2 semaphore(%arg20 : memref<!tpu.dma_semaphore, #tpu.memory_space<semaphore_mem>>) src(%arg8 : memref<16x1024xf32, #tpu.memory_space<vmem>>) dst(%dma_wait3A_96 : memref<16x1024xf32, #tpu.memory_space<hbm>>)
    %add3A_97 = arith.constant 64 : i32
    %add3A_98 = arith.addi %mul3A_2, %add3A_97 : i32
    %dma_start3A_99 = arith.constant 0 : i32
    %dma_start3A_100 = tpu.memref_slice %arg2[%add3A_98, %dma_start3A_99] : memref<16384x1024xf32, #tpu.memory_space<hbm>> -> memref<16x1024xf32, #tpu.memory_space<hbm>>
    %dma_start3A_101 = arith.constant 0 : i32
    %dma_start3A_102 = tpu.memref_slice %arg2[%add3A_98, %dma_start3A_101] : memref<16384x1024xf32, #tpu.memory_space<hbm>> -> memref<16x1024xf32, #tpu.memory_space<hbm>>
    tpu.enqueue_dma source(%dma_start3A_102 : memref<16x1024xf32, #tpu.memory_space<hbm>>) target(%arg8 : memref<16x1024xf32, #tpu.memory_space<vmem>>) target_semaphore(%arg14 : memref<!tpu.dma_semaphore, #tpu.memory_space<semaphore_mem>>)
    %dma_start3A_103 = arith.constant 64 : i32
    %dma_start3A_104 = tpu.memref_slice %arg6[%dma_start3A_103] : memref<512xi32, #tpu.memory_space<vmem>> -> memref<16xi32, #tpu.memory_space<vmem>>
    %dma_start3A_105 = arith.constant 0 : i32
    %dma_start3A_106 = arith.constant 0 : i32
    %dma_start3A_107 = tpu.memref_slice %arg4[%dma_start3A_105, %dma_start3A_106] : memref<4096x1024xf32, #tpu.memory_space<hbm>> -> memref<4096x1024xf32, #tpu.memory_space<hbm>>
    tpu.enqueue_indirect_dma source(%dma_start3A_107 : memref<4096x1024xf32, #tpu.memory_space<hbm>>) target(%arg11 : memref<16x1024xf32, #tpu.memory_space<vmem>>) offsets(%dma_start3A_104 : memref<16xi32, #tpu.memory_space<vmem>>) semaphore(%arg17 : memref<!tpu.dma_semaphore, #tpu.memory_space<semaphore_mem>>)
    %parallel_loop3A_108 = arith.constant 0 : i32
    %parallel_loop3A_109 = arith.constant 1024 : i32
    %parallel_loop3A_110 = arith.constant 1 : i32
    scf.for %parallel_loop3A_1056 = %parallel_loop3A_108 to %parallel_loop3A_109 step %parallel_loop3A_110  : i32 {
      %parallel_loop3A_1057 = arith.constant 6 : i32
      %parallel_loop3A_1058 = arith.shrui %parallel_loop3A_1056, %parallel_loop3A_1057 : i32
      %parallel_loop3A_1059 = arith.constant 63 : i32
      %parallel_loop3A_1060 = arith.andi %parallel_loop3A_1056, %parallel_loop3A_1059 : i32
      %parallel_loop3A_1061 = arith.constant 4 : i32
      %parallel_loop3A_1062 = arith.shli %parallel_loop3A_1060, %parallel_loop3A_1061 : i32
      %parallel_loop3A_1063 = tpu.assume_multiple %parallel_loop3A_1062, 16 : i32
      %parallel_loop3A_1064 = arith.index_cast %parallel_loop3A_1058 : i32 to index
      %parallel_loop3A_1065 = arith.index_cast %parallel_loop3A_1063 : i32 to index
      %parallel_loop3A_1066 = tpu.vector_load %arg9[%parallel_loop3A_1064, %parallel_loop3A_1065] {strides = array<i32>} : memref<16x1024xf32, #tpu.memory_space<vmem>>, vector<1x16xf32>,
      %parallel_loop3A_1067 = vector.shape_cast %parallel_loop3A_1066 : vector<1x16xf32> to vector<16xf32>
      %parallel_loop3A_1068 = arith.index_cast %parallel_loop3A_1058 : i32 to index
      %parallel_loop3A_1069 = arith.index_cast %parallel_loop3A_1063 : i32 to index
      %parallel_loop3A_1070 = tpu.vector_load %arg12[%parallel_loop3A_1068, %parallel_loop3A_1069] {strides = array<i32>} : memref<16x1024xf32, #tpu.memory_space<vmem>>, vector<1x16xf32>,
      %parallel_loop3A_1071 = vector.shape_cast %parallel_loop3A_1070 : vector<1x16xf32> to vector<16xf32>
      %parallel_loop3A_1072 = arith.addf %parallel_loop3A_1067, %parallel_loop3A_1071 : vector<16xf32>
      %parallel_loop3A_1073 = arith.index_cast %parallel_loop3A_1058 : i32 to index
      %parallel_loop3A_1074 = arith.index_cast %parallel_loop3A_1063 : i32 to index
      %parallel_loop3A_1075 = tpu.vector_load %arg9[%parallel_loop3A_1073, %parallel_loop3A_1074] {strides = array<i32>} : memref<16x1024xf32, #tpu.memory_space<vmem>>, vector<1x16xf32>,
      %parallel_loop3A_1076 = vector.shape_cast %parallel_loop3A_1075 : vector<1x16xf32> to vector<16xf32>
      %parallel_loop3A_1077 = vector.shape_cast %parallel_loop3A_1072 : vector<16xf32> to vector<1x16xf32>
      tpu.vector_store %arg9[%parallel_loop3A_1073, %parallel_loop3A_1074], %parallel_loop3A_1077 {strides = array<i32>} : memref<16x1024xf32, #tpu.memory_space<vmem>>, vector<1x16xf32>,
    } {sc.loop_unroll_factor = 8 : i64, sc.parallel_access}
    %add3A_111 = arith.constant 32 : i32
    %add3A_112 = arith.addi %mul3A_2, %add3A_111 : i32
    %dma_start3A_113 = arith.constant 0 : i32
    %dma_start3A_114 = tpu.memref_slice %arg5[%add3A_112, %dma_start3A_113] : memref<16384x1024xf32, #tpu.memory_space<hbm>> -> memref<16x1024xf32, #tpu.memory_space<hbm>>
    %dma_start3A_115 = arith.constant 0 : i32
    %dma_start3A_116 = tpu.memref_slice %arg5[%add3A_112, %dma_start3A_115] : memref<16384x1024xf32, #tpu.memory_space<hbm>> -> memref<16x1024xf32, #tpu.memory_space<hbm>>
    tpu.enqueue_dma source(%arg9 : memref<16x1024xf32, #tpu.memory_space<vmem>>) target(%dma_start3A_116 : memref<16x1024xf32, #tpu.memory_space<hbm>>) target_semaphore(%arg21 : memref<!tpu.dma_semaphore, #tpu.memory_space<semaphore_mem>>)
    %dma_wait3A_117 = arith.constant 0 : i32
    %dma_wait3A_118 = tpu.memref_slice %arg2[%add3A_65, %dma_wait3A_117] : memref<16384x1024xf32, #tpu.memory_space<hbm>> -> memref<16x1024xf32, #tpu.memory_space<hbm>>
    %dma_wait3A_119 = arith.constant 0 : i32
    %dma_wait3A_120 = tpu.memref_slice %arg2[%add3A_65, %dma_wait3A_119] : memref<16384x1024xf32, #tpu.memory_space<hbm>> -> memref<16x1024xf32, #tpu.memory_space<hbm>>
    tpu.wait_dma2 semaphore(%arg13 : memref<!tpu.dma_semaphore, #tpu.memory_space<semaphore_mem>>) src(%dma_wait3A_120 : memref<16x1024xf32, #tpu.memory_space<hbm>>) dst(%arg7 : memref<16x1024xf32, #tpu.memory_space<vmem>>)
    %dma_wait3A_121 = arith.constant 48 : i32
    %dma_wait3A_122 = tpu.memref_slice %arg6[%dma_wait3A_121] : memref<512xi32, #tpu.memory_space<vmem>> -> memref<16xi32, #tpu.memory_space<vmem>>
    %dma_wait3A_123 = arith.constant 0 : i32
    %dma_wait3A_124 = arith.constant 0 : i32
    %dma_wait3A_125 = tpu.memref_slice %arg4[%dma_wait3A_123, %dma_wait3A_124] : memref<4096x1024xf32, #tpu.memory_space<hbm>> -> memref<4096x1024xf32, #tpu.memory_space<hbm>>
    tpu.wait_indirect_dma semaphore(%arg16 : memref<!tpu.dma_semaphore, #tpu.memory_space<semaphore_mem>>) src(%dma_wait3A_125 : memref<4096x1024xf32, #tpu.memory_space<hbm>>) dst(%arg10 : memref<16x1024xf32, #tpu.memory_space<vmem>>)
    %dma_wait3A_126 = arith.constant 0 : i32
    %dma_wait3A_127 = tpu.memref_slice %arg5[%add3A_112, %dma_wait3A_126] : memref<16384x1024xf32, #tpu.memory_space<hbm>> -> memref<16x1024xf32, #tpu.memory_space<hbm>>
    %dma_wait3A_128 = arith.constant 0 : i32
    %dma_wait3A_129 = tpu.memref_slice %arg5[%add3A_112, %dma_wait3A_128] : memref<16384x1024xf32, #tpu.memory_space<hbm>> -> memref<16x1024xf32, #tpu.memory_space<hbm>>
    tpu.wait_dma2 semaphore(%arg21 : memref<!tpu.dma_semaphore, #tpu.memory_space<semaphore_mem>>) src(%arg9 : memref<16x1024xf32, #tpu.memory_space<vmem>>) dst(%dma_wait3A_129 : memref<16x1024xf32, #tpu.memory_space<hbm>>)
    %add3A_130 = arith.constant 80 : i32
    %add3A_131 = arith.addi %mul3A_2, %add3A_130 : i32
    %dma_start3A_132 = arith.constant 0 : i32
    %dma_start3A_133 = tpu.memref_slice %arg2[%add3A_131, %dma_start3A_132] : memref<16384x1024xf32, #tpu.memory_space<hbm>> -> memref<16x1024xf32, #tpu.memory_space<hbm>>
    %dma_start3A_134 = arith.constant 0 : i32
    %dma_start3A_135 = tpu.memref_slice %arg2[%add3A_131, %dma_start3A_134] : memref<16384x1024xf32, #tpu.memory_space<hbm>> -> memref<16x1024xf32, #tpu.memory_space<hbm>>
    tpu.enqueue_dma source(%dma_start3A_135 : memref<16x1024xf32, #tpu.memory_space<hbm>>) target(%arg9 : memref<16x1024xf32, #tpu.memory_space<vmem>>) target_semaphore(%arg15 : memref<!tpu.dma_semaphore, #tpu.memory_space<semaphore_mem>>)
    %dma_start3A_136 = arith.constant 80 : i32
    %dma_start3A_137 = tpu.memref_slice %arg6[%dma_start3A_136] : memref<512xi32, #tpu.memory_space<vmem>> -> memref<16xi32, #tpu.memory_space<vmem>>
    %dma_start3A_138 = arith.constant 0 : i32
    %dma_start3A_139 = arith.constant 0 : i32
    %dma_start3A_140 = tpu.memref_slice %arg4[%dma_start3A_138, %dma_start3A_139] : memref<4096x1024xf32, #tpu.memory_space<hbm>> -> memref<4096x1024xf32, #tpu.memory_space<hbm>>
    tpu.enqueue_indirect_dma source(%dma_start3A_140 : memref<4096x1024xf32, #tpu.memory_space<hbm>>) target(%arg12 : memref<16x1024xf32, #tpu.memory_space<vmem>>) offsets(%dma_start3A_137 : memref<16xi32, #tpu.memory_space<vmem>>) semaphore(%arg18 : memref<!tpu.dma_semaphore, #tpu.memory_space<semaphore_mem>>)
    %parallel_loop3A_141 = arith.constant 0 : i32
    %parallel_loop3A_142 = arith.constant 1024 : i32
    %parallel_loop3A_143 = arith.constant 1 : i32
    scf.for %parallel_loop3A_1056 = %parallel_loop3A_141 to %parallel_loop3A_142 step %parallel_loop3A_143  : i32 {
      %parallel_loop3A_1057 = arith.constant 6 : i32
      %parallel_loop3A_1058 = arith.shrui %parallel_loop3A_1056, %parallel_loop3A_1057 : i32
      %parallel_loop3A_1059 = arith.constant 63 : i32
      %parallel_loop3A_1060 = arith.andi %parallel_loop3A_1056, %parallel_loop3A_1059 : i32
      %parallel_loop3A_1061 = arith.constant 4 : i32
      %parallel_loop3A_1062 = arith.shli %parallel_loop3A_1060, %parallel_loop3A_1061 : i32
      %parallel_loop3A_1063 = tpu.assume_multiple %parallel_loop3A_1062, 16 : i32
      %parallel_loop3A_1064 = arith.index_cast %parallel_loop3A_1058 : i32 to index
      %parallel_loop3A_1065 = arith.index_cast %parallel_loop3A_1063 : i32 to index
      %parallel_loop3A_1066 = tpu.vector_load %arg7[%parallel_loop3A_1064, %parallel_loop3A_1065] {strides = array<i32>} : memref<16x1024xf32, #tpu.memory_space<vmem>>, vector<1x16xf32>,
      %parallel_loop3A_1067 = vector.shape_cast %parallel_loop3A_1066 : vector<1x16xf32> to vector<16xf32>
      %parallel_loop3A_1068 = arith.index_cast %parallel_loop3A_1058 : i32 to index
      %parallel_loop3A_1069 = arith.index_cast %parallel_loop3A_1063 : i32 to index
      %parallel_loop3A_1070 = tpu.vector_load %arg10[%parallel_loop3A_1068, %parallel_loop3A_1069] {strides = array<i32>} : memref<16x1024xf32, #tpu.memory_space<vmem>>, vector<1x16xf32>,
      %parallel_loop3A_1071 = vector.shape_cast %parallel_loop3A_1070 : vector<1x16xf32> to vector<16xf32>
      %parallel_loop3A_1072 = arith.addf %parallel_loop3A_1067, %parallel_loop3A_1071 : vector<16xf32>
      %parallel_loop3A_1073 = arith.index_cast %parallel_loop3A_1058 : i32 to index
      %parallel_loop3A_1074 = arith.index_cast %parallel_loop3A_1063 : i32 to index
      %parallel_loop3A_1075 = tpu.vector_load %arg7[%parallel_loop3A_1073, %parallel_loop3A_1074] {strides = array<i32>} : memref<16x1024xf32, #tpu.memory_space<vmem>>, vector<1x16xf32>,
      %parallel_loop3A_1076 = vector.shape_cast %parallel_loop3A_1075 : vector<1x16xf32> to vector<16xf32>
      %parallel_loop3A_1077 = vector.shape_cast %parallel_loop3A_1072 : vector<16xf32> to vector<1x16xf32>
      tpu.vector_store %arg7[%parallel_loop3A_1073, %parallel_loop3A_1074], %parallel_loop3A_1077 {strides = array<i32>} : memref<16x1024xf32, #tpu.memory_space<vmem>>, vector<1x16xf32>,
    } {sc.loop_unroll_factor = 8 : i64, sc.parallel_access}
    %add3A_144 = arith.constant 48 : i32
    %add3A_145 = arith.addi %mul3A_2, %add3A_144 : i32
    %dma_start3A_146 = arith.constant 0 : i32
    %dma_start3A_147 = tpu.memref_slice %arg5[%add3A_145, %dma_start3A_146] : memref<16384x1024xf32, #tpu.memory_space<hbm>> -> memref<16x1024xf32, #tpu.memory_space<hbm>>
    %dma_start3A_148 = arith.constant 0 : i32
    %dma_start3A_149 = tpu.memref_slice %arg5[%add3A_145, %dma_start3A_148] : memref<16384x1024xf32, #tpu.memory_space<hbm>> -> memref<16x1024xf32, #tpu.memory_space<hbm>>
    tpu.enqueue_dma source(%arg7 : memref<16x1024xf32, #tpu.memory_space<vmem>>) target(%dma_start3A_149 : memref<16x1024xf32, #tpu.memory_space<hbm>>) target_semaphore(%arg19 : memref<!tpu.dma_semaphore, #tpu.memory_space<semaphore_mem>>)
    %dma_wait3A_150 = arith.constant 0 : i32
    %dma_wait3A_151 = tpu.memref_slice %arg2[%add3A_98, %dma_wait3A_150] : memref<16384x1024xf32, #tpu.memory_space<hbm>> -> memref<16x1024xf32, #tpu.memory_space<hbm>>
    %dma_wait3A_152 = arith.constant 0 : i32
    %dma_wait3A_153 = tpu.memref_slice %arg2[%add3A_98, %dma_wait3A_152] : memref<16384x1024xf32, #tpu.memory_space<hbm>> -> memref<16x1024xf32, #tpu.memory_space<hbm>>
    tpu.wait_dma2 semaphore(%arg14 : memref<!tpu.dma_semaphore, #tpu.memory_space<semaphore_mem>>) src(%dma_wait3A_153 : memref<16x1024xf32, #tpu.memory_space<hbm>>) dst(%arg8 : memref<16x1024xf32, #tpu.memory_space<vmem>>)
    %dma_wait3A_154 = arith.constant 64 : i32
    %dma_wait3A_155 = tpu.memref_slice %arg6[%dma_wait3A_154] : memref<512xi32, #tpu.memory_space<vmem>> -> memref<16xi32, #tpu.memory_space<vmem>>
    %dma_wait3A_156 = arith.constant 0 : i32
    %dma_wait3A_157 = arith.constant 0 : i32
    %dma_wait3A_158 = tpu.memref_slice %arg4[%dma_wait3A_156, %dma_wait3A_157] : memref<4096x1024xf32, #tpu.memory_space<hbm>> -> memref<4096x1024xf32, #tpu.memory_space<hbm>>
    tpu.wait_indirect_dma semaphore(%arg17 : memref<!tpu.dma_semaphore, #tpu.memory_space<semaphore_mem>>) src(%dma_wait3A_158 : memref<4096x1024xf32, #tpu.memory_space<hbm>>) dst(%arg11 : memref<16x1024xf32, #tpu.memory_space<vmem>>)
    %dma_wait3A_159 = arith.constant 0 : i32
    %dma_wait3A_160 = tpu.memref_slice %arg5[%add3A_145, %dma_wait3A_159] : memref<16384x1024xf32, #tpu.memory_space<hbm>> -> memref<16x1024xf32, #tpu.memory_space<hbm>>
    %dma_wait3A_161 = arith.constant 0 : i32
    %dma_wait3A_162 = tpu.memref_slice %arg5[%add3A_145, %dma_wait3A_161] : memref<16384x1024xf32, #tpu.memory_space<hbm>> -> memref<16x1024xf32, #tpu.memory_space<hbm>>
    tpu.wait_dma2 semaphore(%arg19 : memref<!tpu.dma_semaphore, #tpu.memory_space<semaphore_mem>>) src(%arg7 : memref<16x1024xf32, #tpu.memory_space<vmem>>) dst(%dma_wait3A_162 : memref<16x1024xf32, #tpu.memory_space<hbm>>)
    %add3A_163 = arith.constant 96 : i32
    %add3A_164 = arith.addi %mul3A_2, %add3A_163 : i32
    %dma_start3A_165 = arith.constant 0 : i32
    %dma_start3A_166 = tpu.memref_slice %arg2[%add3A_164, %dma_start3A_165] : memref<16384x1024xf32, #tpu.memory_space<hbm>> -> memref<16x1024xf32, #tpu.memory_space<hbm>>
    %dma_start3A_167 = arith.constant 0 : i32
    %dma_start3A_168 = tpu.memref_slice %arg2[%add3A_164, %dma_start3A_167] : memref<16384x1024xf32, #tpu.memory_space<hbm>> -> memref<16x1024xf32, #tpu.memory_space<hbm>>
    tpu.enqueue_dma source(%dma_start3A_168 : memref<16x1024xf32, #tpu.memory_space<hbm>>) target(%arg7 : memref<16x1024xf32, #tpu.memory_space<vmem>>) target_semaphore(%arg13 : memref<!tpu.dma_semaphore, #tpu.memory_space<semaphore_mem>>)
    %dma_start3A_169 = arith.constant 96 : i32
    %dma_start3A_170 = tpu.memref_slice %arg6[%dma_start3A_169] : memref<512xi32, #tpu.memory_space<vmem>> -> memref<16xi32, #tpu.memory_space<vmem>>
    %dma_start3A_171 = arith.constant 0 : i32
    %dma_start3A_172 = arith.constant 0 : i32
    %dma_start3A_173 = tpu.memref_slice %arg4[%dma_start3A_171, %dma_start3A_172] : memref<4096x1024xf32, #tpu.memory_space<hbm>> -> memref<4096x1024xf32, #tpu.memory_space<hbm>>
    tpu.enqueue_indirect_dma source(%dma_start3A_173 : memref<4096x1024xf32, #tpu.memory_space<hbm>>) target(%arg10 : memref<16x1024xf32, #tpu.memory_space<vmem>>) offsets(%dma_start3A_170 : memref<16xi32, #tpu.memory_space<vmem>>) semaphore(%arg16 : memref<!tpu.dma_semaphore, #tpu.memory_space<semaphore_mem>>)
    %parallel_loop3A_174 = arith.constant 0 : i32
    %parallel_loop3A_175 = arith.constant 1024 : i32
    %parallel_loop3A_176 = arith.constant 1 : i32
    scf.for %parallel_loop3A_1056 = %parallel_loop3A_174 to %parallel_loop3A_175 step %parallel_loop3A_176  : i32 {
      %parallel_loop3A_1057 = arith.constant 6 : i32
      %parallel_loop3A_1058 = arith.shrui %parallel_loop3A_1056, %parallel_loop3A_1057 : i32
      %parallel_loop3A_1059 = arith.constant 63 : i32
      %parallel_loop3A_1060 = arith.andi %parallel_loop3A_1056, %parallel_loop3A_1059 : i32
      %parallel_loop3A_1061 = arith.constant 4 : i32
      %parallel_loop3A_1062 = arith.shli %parallel_loop3A_1060, %parallel_loop3A_1061 : i32
      %parallel_loop3A_1063 = tpu.assume_multiple %parallel_loop3A_1062, 16 : i32
      %parallel_loop3A_1064 = arith.index_cast %parallel_loop3A_1058 : i32 to index
      %parallel_loop3A_1065 = arith.index_cast %parallel_loop3A_1063 : i32 to index
      %parallel_loop3A_1066 = tpu.vector_load %arg8[%parallel_loop3A_1064, %parallel_loop3A_1065] {strides = array<i32>} : memref<16x1024xf32, #tpu.memory_space<vmem>>, vector<1x16xf32>,
      %parallel_loop3A_1067 = vector.shape_cast %parallel_loop3A_1066 : vector<1x16xf32> to vector<16xf32>
      %parallel_loop3A_1068 = arith.index_cast %parallel_loop3A_1058 : i32 to index
      %parallel_loop3A_1069 = arith.index_cast %parallel_loop3A_1063 : i32 to index
      %parallel_loop3A_1070 = tpu.vector_load %arg11[%parallel_loop3A_1068, %parallel_loop3A_1069] {strides = array<i32>} : memref<16x1024xf32, #tpu.memory_space<vmem>>, vector<1x16xf32>,
      %parallel_loop3A_1071 = vector.shape_cast %parallel_loop3A_1070 : vector<1x16xf32> to vector<16xf32>
      %parallel_loop3A_1072 = arith.addf %parallel_loop3A_1067, %parallel_loop3A_1071 : vector<16xf32>
      %parallel_loop3A_1073 = arith.index_cast %parallel_loop3A_1058 : i32 to index
      %parallel_loop3A_1074 = arith.index_cast %parallel_loop3A_1063 : i32 to index
      %parallel_loop3A_1075 = tpu.vector_load %arg8[%parallel_loop3A_1073, %parallel_loop3A_1074] {strides = array<i32>} : memref<16x1024xf32, #tpu.memory_space<vmem>>, vector<1x16xf32>,
      %parallel_loop3A_1076 = vector.shape_cast %parallel_loop3A_1075 : vector<1x16xf32> to vector<16xf32>
      %parallel_loop3A_1077 = vector.shape_cast %parallel_loop3A_1072 : vector<16xf32> to vector<1x16xf32>
      tpu.vector_store %arg8[%parallel_loop3A_1073, %parallel_loop3A_1074], %parallel_loop3A_1077 {strides = array<i32>} : memref<16x1024xf32, #tpu.memory_space<vmem>>, vector<1x16xf32>,
    } {sc.loop_unroll_factor = 8 : i64, sc.parallel_access}
    %add3A_177 = arith.constant 64 : i32
    %add3A_178 = arith.addi %mul3A_2, %add3A_177 : i32
    %dma_start3A_179 = arith.constant 0 : i32
    %dma_start3A_180 = tpu.memref_slice %arg5[%add3A_178, %dma_start3A_179] : memref<16384x1024xf32, #tpu.memory_space<hbm>> -> memref<16x1024xf32, #tpu.memory_space<hbm>>
    %dma_start3A_181 = arith.constant 0 : i32
    %dma_start3A_182 = tpu.memref_slice %arg5[%add3A_178, %dma_start3A_181] : memref<16384x1024xf32, #tpu.memory_space<hbm>> -> memref<16x1024xf32, #tpu.memory_space<hbm>>
    tpu.enqueue_dma source(%arg8 : memref<16x1024xf32, #tpu.memory_space<vmem>>) target(%dma_start3A_182 : memref<16x1024xf32, #tpu.memory_space<hbm>>) target_semaphore(%arg20 : memref<!tpu.dma_semaphore, #tpu.memory_space<semaphore_mem>>)
    %dma_wait3A_183 = arith.constant 0 : i32
    %dma_wait3A_184 = tpu.memref_slice %arg2[%add3A_131, %dma_wait3A_183] : memref<16384x1024xf32, #tpu.memory_space<hbm>> -> memref<16x1024xf32, #tpu.memory_space<hbm>>
    %dma_wait3A_185 = arith.constant 0 : i32
    %dma_wait3A_186 = tpu.memref_slice %arg2[%add3A_131, %dma_wait3A_185] : memref<16384x1024xf32, #tpu.memory_space<hbm>> -> memref<16x1024xf32, #tpu.memory_space<hbm>>
    tpu.wait_dma2 semaphore(%arg15 : memref<!tpu.dma_semaphore, #tpu.memory_space<semaphore_mem>>) src(%dma_wait3A_186 : memref<16x1024xf32, #tpu.memory_space<hbm>>) dst(%arg9 : memref<16x1024xf32, #tpu.memory_space<vmem>>)
    %dma_wait3A_187 = arith.constant 80 : i32
    %dma_wait3A_188 = tpu.memref_slice %arg6[%dma_wait3A_187] : memref<512xi32, #tpu.memory_space<vmem>> -> memref<16xi32, #tpu.memory_space<vmem>>
    %dma_wait3A_189 = arith.constant 0 : i32
    %dma_wait3A_190 = arith.constant 0 : i32
    %dma_wait3A_191 = tpu.memref_slice %arg4[%dma_wait3A_189, %dma_wait3A_190] : memref<4096x1024xf32, #tpu.memory_space<hbm>> -> memref<4096x1024xf32, #tpu.memory_space<hbm>>
    tpu.wait_indirect_dma semaphore(%arg18 : memref<!tpu.dma_semaphore, #tpu.memory_space<semaphore_mem>>) src(%dma_wait3A_191 : memref<4096x1024xf32, #tpu.memory_space<hbm>>) dst(%arg12 : memref<16x1024xf32, #tpu.memory_space<vmem>>)
    %dma_wait3A_192 = arith.constant 0 : i32
    %dma_wait3A_193 = tpu.memref_slice %arg5[%add3A_178, %dma_wait3A_192] : memref<16384x1024xf32, #tpu.memory_space<hbm>> -> memref<16x1024xf32, #tpu.memory_space<hbm>>
    %dma_wait3A_194 = arith.constant 0 : i32
    %dma_wait3A_195 = tpu.memref_slice %arg5[%add3A_178, %dma_wait3A_194] : memref<16384x1024xf32, #tpu.memory_space<hbm>> -> memref<16x1024xf32, #tpu.memory_space<hbm>>
    tpu.wait_dma2 semaphore(%arg20 : memref<!tpu.dma_semaphore, #tpu.memory_space<semaphore_mem>>) src(%arg8 : memref<16x1024xf32, #tpu.memory_space<vmem>>) dst(%dma_wait3A_195 : memref<16x1024xf32, #tpu.memory_space<hbm>>)
    %add3A_196 = arith.constant 112 : i32
    %add3A_197 = arith.addi %mul3A_2, %add3A_196 : i32
    %dma_start3A_198 = arith.constant 0 : i32
    %dma_start3A_199 = tpu.memref_slice %arg2[%add3A_197, %dma_start3A_198] : memref<16384x1024xf32, #tpu.memory_space<hbm>> -> memref<16x1024xf32, #tpu.memory_space<hbm>>
    %dma_start3A_200 = arith.constant 0 : i32
    %dma_start3A_201 = tpu.memref_slice %arg2[%add3A_197, %dma_start3A_200] : memref<16384x1024xf32, #tpu.memory_space<hbm>> -> memref<16x1024xf32, #tpu.memory_space<hbm>>
    tpu.enqueue_dma source(%dma_start3A_201 : memref<16x1024xf32, #tpu.memory_space<hbm>>) target(%arg8 : memref<16x1024xf32, #tpu.memory_space<vmem>>) target_semaphore(%arg14 : memref<!tpu.dma_semaphore, #tpu.memory_space<semaphore_mem>>)
    %dma_start3A_202 = arith.constant 112 : i32
    %dma_start3A_203 = tpu.memref_slice %arg6[%dma_start3A_202] : memref<512xi32, #tpu.memory_space<vmem>> -> memref<16xi32, #tpu.memory_space<vmem>>
    %dma_start3A_204 = arith.constant 0 : i32
    %dma_start3A_205 = arith.constant 0 : i32
    %dma_start3A_206 = tpu.memref_slice %arg4[%dma_start3A_204, %dma_start3A_205] : memref<4096x1024xf32, #tpu.memory_space<hbm>> -> memref<4096x1024xf32, #tpu.memory_space<hbm>>
    tpu.enqueue_indirect_dma source(%dma_start3A_206 : memref<4096x1024xf32, #tpu.memory_space<hbm>>) target(%arg11 : memref<16x1024xf32, #tpu.memory_space<vmem>>) offsets(%dma_start3A_203 : memref<16xi32, #tpu.memory_space<vmem>>) semaphore(%arg17 : memref<!tpu.dma_semaphore, #tpu.memory_space<semaphore_mem>>)
    %parallel_loop3A_207 = arith.constant 0 : i32
    %parallel_loop3A_208 = arith.constant 1024 : i32
    %parallel_loop3A_209 = arith.constant 1 : i32
    scf.for %parallel_loop3A_1056 = %parallel_loop3A_207 to %parallel_loop3A_208 step %parallel_loop3A_209  : i32 {
      %parallel_loop3A_1057 = arith.constant 6 : i32
      %parallel_loop3A_1058 = arith.shrui %parallel_loop3A_1056, %parallel_loop3A_1057 : i32
      %parallel_loop3A_1059 = arith.constant 63 : i32
      %parallel_loop3A_1060 = arith.andi %parallel_loop3A_1056, %parallel_loop3A_1059 : i32
      %parallel_loop3A_1061 = arith.constant 4 : i32
      %parallel_loop3A_1062 = arith.shli %parallel_loop3A_1060, %parallel_loop3A_1061 : i32
      %parallel_loop3A_1063 = tpu.assume_multiple %parallel_loop3A_1062, 16 : i32
      %parallel_loop3A_1064 = arith.index_cast %parallel_loop3A_1058 : i32 to index
      %parallel_loop3A_1065 = arith.index_cast %parallel_loop3A_1063 : i32 to index
      %parallel_loop3A_1066 = tpu.vector_load %arg9[%parallel_loop3A_1064, %parallel_loop3A_1065] {strides = array<i32>} : memref<16x1024xf32, #tpu.memory_space<vmem>>, vector<1x16xf32>,
      %parallel_loop3A_1067 = vector.shape_cast %parallel_loop3A_1066 : vector<1x16xf32> to vector<16xf32>
      %parallel_loop3A_1068 = arith.index_cast %parallel_loop3A_1058 : i32 to index
      %parallel_loop3A_1069 = arith.index_cast %parallel_loop3A_1063 : i32 to index
      %parallel_loop3A_1070 = tpu.vector_load %arg12[%parallel_loop3A_1068, %parallel_loop3A_1069] {strides = array<i32>} : memref<16x1024xf32, #tpu.memory_space<vmem>>, vector<1x16xf32>,
      %parallel_loop3A_1071 = vector.shape_cast %parallel_loop3A_1070 : vector<1x16xf32> to vector<16xf32>
      %parallel_loop3A_1072 = arith.addf %parallel_loop3A_1067, %parallel_loop3A_1071 : vector<16xf32>
      %parallel_loop3A_1073 = arith.index_cast %parallel_loop3A_1058 : i32 to index
      %parallel_loop3A_1074 = arith.index_cast %parallel_loop3A_1063 : i32 to index
      %parallel_loop3A_1075 = tpu.vector_load %arg9[%parallel_loop3A_1073, %parallel_loop3A_1074] {strides = array<i32>} : memref<16x1024xf32, #tpu.memory_space<vmem>>, vector<1x16xf32>,
      %parallel_loop3A_1076 = vector.shape_cast %parallel_loop3A_1075 : vector<1x16xf32> to vector<16xf32>
      %parallel_loop3A_1077 = vector.shape_cast %parallel_loop3A_1072 : vector<16xf32> to vector<1x16xf32>
      tpu.vector_store %arg9[%parallel_loop3A_1073, %parallel_loop3A_1074], %parallel_loop3A_1077 {strides = array<i32>} : memref<16x1024xf32, #tpu.memory_space<vmem>>, vector<1x16xf32>,
    } {sc.loop_unroll_factor = 8 : i64, sc.parallel_access}
    %add3A_210 = arith.constant 80 : i32
    %add3A_211 = arith.addi %mul3A_2, %add3A_210 : i32
    %dma_start3A_212 = arith.constant 0 : i32
    %dma_start3A_213 = tpu.memref_slice %arg5[%add3A_211, %dma_start3A_212] : memref<16384x1024xf32, #tpu.memory_space<hbm>> -> memref<16x1024xf32, #tpu.memory_space<hbm>>
    %dma_start3A_214 = arith.constant 0 : i32
    %dma_start3A_215 = tpu.memref_slice %arg5[%add3A_211, %dma_start3A_214] : memref<16384x1024xf32, #tpu.memory_space<hbm>> -> memref<16x1024xf32, #tpu.memory_space<hbm>>
    tpu.enqueue_dma source(%arg9 : memref<16x1024xf32, #tpu.memory_space<vmem>>) target(%dma_start3A_215 : memref<16x1024xf32, #tpu.memory_space<hbm>>) target_semaphore(%arg21 : memref<!tpu.dma_semaphore, #tpu.memory_space<semaphore_mem>>)
    %dma_wait3A_216 = arith.constant 0 : i32
    %dma_wait3A_217 = tpu.memref_slice %arg2[%add3A_164, %dma_wait3A_216] : memref<16384x1024xf32, #tpu.memory_space<hbm>> -> memref<16x1024xf32, #tpu.memory_space<hbm>>
    %dma_wait3A_218 = arith.constant 0 : i32
    %dma_wait3A_219 = tpu.memref_slice %arg2[%add3A_164, %dma_wait3A_218] : memref<16384x1024xf32, #tpu.memory_space<hbm>> -> memref<16x1024xf32, #tpu.memory_space<hbm>>
    tpu.wait_dma2 semaphore(%arg13 : memref<!tpu.dma_semaphore, #tpu.memory_space<semaphore_mem>>) src(%dma_wait3A_219 : memref<16x1024xf32, #tpu.memory_space<hbm>>) dst(%arg7 : memref<16x1024xf32, #tpu.memory_space<vmem>>)
    %dma_wait3A_220 = arith.constant 96 : i32
    %dma_wait3A_221 = tpu.memref_slice %arg6[%dma_wait3A_220] : memref<512xi32, #tpu.memory_space<vmem>> -> memref<16xi32, #tpu.memory_space<vmem>>
    %dma_wait3A_222 = arith.constant 0 : i32
    %dma_wait3A_223 = arith.constant 0 : i32
    %dma_wait3A_224 = tpu.memref_slice %arg4[%dma_wait3A_222, %dma_wait3A_223] : memref<4096x1024xf32, #tpu.memory_space<hbm>> -> memref<4096x1024xf32, #tpu.memory_space<hbm>>
    tpu.wait_indirect_dma semaphore(%arg16 : memref<!tpu.dma_semaphore, #tpu.memory_space<semaphore_mem>>) src(%dma_wait3A_224 : memref<4096x1024xf32, #tpu.memory_space<hbm>>) dst(%arg10 : memref<16x1024xf32, #tpu.memory_space<vmem>>)
    %dma_wait3A_225 = arith.constant 0 : i32
    %dma_wait3A_226 = tpu.memref_slice %arg5[%add3A_211, %dma_wait3A_225] : memref<16384x1024xf32, #tpu.memory_space<hbm>> -> memref<16x1024xf32, #tpu.memory_space<hbm>>
    %dma_wait3A_227 = arith.constant 0 : i32
    %dma_wait3A_228 = tpu.memref_slice %arg5[%add3A_211, %dma_wait3A_227] : memref<16384x1024xf32, #tpu.memory_space<hbm>> -> memref<16x1024xf32, #tpu.memory_space<hbm>>
    tpu.wait_dma2 semaphore(%arg21 : memref<!tpu.dma_semaphore, #tpu.memory_space<semaphore_mem>>) src(%arg9 : memref<16x1024xf32, #tpu.memory_space<vmem>>) dst(%dma_wait3A_228 : memref<16x1024xf32, #tpu.memory_space<hbm>>)
    %add3A_229 = arith.constant 128 : i32
    %add3A_230 = arith.addi %mul3A_2, %add3A_229 : i32
    %dma_start3A_231 = arith.constant 0 : i32
    %dma_start3A_232 = tpu.memref_slice %arg2[%add3A_230, %dma_start3A_231] : memref<16384x1024xf32, #tpu.memory_space<hbm>> -> memref<16x1024xf32, #tpu.memory_space<hbm>>
    %dma_start3A_233 = arith.constant 0 : i32
    %dma_start3A_234 = tpu.memref_slice %arg2[%add3A_230, %dma_start3A_233] : memref<16384x1024xf32, #tpu.memory_space<hbm>> -> memref<16x1024xf32, #tpu.memory_space<hbm>>
    tpu.enqueue_dma source(%dma_start3A_234 : memref<16x1024xf32, #tpu.memory_space<hbm>>) target(%arg9 : memref<16x1024xf32, #tpu.memory_space<vmem>>) target_semaphore(%arg15 : memref<!tpu.dma_semaphore, #tpu.memory_space<semaphore_mem>>)
    %dma_start3A_235 = arith.constant 128 : i32
    %dma_start3A_236 = tpu.memref_slice %arg6[%dma_start3A_235] : memref<512xi32, #tpu.memory_space<vmem>> -> memref<16xi32, #tpu.memory_space<vmem>>
    %dma_start3A_237 = arith.constant 0 : i32
    %dma_start3A_238 = arith.constant 0 : i32
    %dma_start3A_239 = tpu.memref_slice %arg4[%dma_start3A_237, %dma_start3A_238] : memref<4096x1024xf32, #tpu.memory_space<hbm>> -> memref<4096x1024xf32, #tpu.memory_space<hbm>>
    tpu.enqueue_indirect_dma source(%dma_start3A_239 : memref<4096x1024xf32, #tpu.memory_space<hbm>>) target(%arg12 : memref<16x1024xf32, #tpu.memory_space<vmem>>) offsets(%dma_start3A_236 : memref<16xi32, #tpu.memory_space<vmem>>) semaphore(%arg18 : memref<!tpu.dma_semaphore, #tpu.memory_space<semaphore_mem>>)
    %parallel_loop3A_240 = arith.constant 0 : i32
    %parallel_loop3A_241 = arith.constant 1024 : i32
    %parallel_loop3A_242 = arith.constant 1 : i32
    scf.for %parallel_loop3A_1056 = %parallel_loop3A_240 to %parallel_loop3A_241 step %parallel_loop3A_242  : i32 {
      %parallel_loop3A_1057 = arith.constant 6 : i32
      %parallel_loop3A_1058 = arith.shrui %parallel_loop3A_1056, %parallel_loop3A_1057 : i32
      %parallel_loop3A_1059 = arith.constant 63 : i32
      %parallel_loop3A_1060 = arith.andi %parallel_loop3A_1056, %parallel_loop3A_1059 : i32
      %parallel_loop3A_1061 = arith.constant 4 : i32
      %parallel_loop3A_1062 = arith.shli %parallel_loop3A_1060, %parallel_loop3A_1061 : i32
      %parallel_loop3A_1063 = tpu.assume_multiple %parallel_loop3A_1062, 16 : i32
      %parallel_loop3A_1064 = arith.index_cast %parallel_loop3A_1058 : i32 to index
      %parallel_loop3A_1065 = arith.index_cast %parallel_loop3A_1063 : i32 to index
      %parallel_loop3A_1066 = tpu.vector_load %arg7[%parallel_loop3A_1064, %parallel_loop3A_1065] {strides = array<i32>} : memref<16x1024xf32, #tpu.memory_space<vmem>>, vector<1x16xf32>,
      %parallel_loop3A_1067 = vector.shape_cast %parallel_loop3A_1066 : vector<1x16xf32> to vector<16xf32>
      %parallel_loop3A_1068 = arith.index_cast %parallel_loop3A_1058 : i32 to index
      %parallel_loop3A_1069 = arith.index_cast %parallel_loop3A_1063 : i32 to index
      %parallel_loop3A_1070 = tpu.vector_load %arg10[%parallel_loop3A_1068, %parallel_loop3A_1069] {strides = array<i32>} : memref<16x1024xf32, #tpu.memory_space<vmem>>, vector<1x16xf32>,
      %parallel_loop3A_1071 = vector.shape_cast %parallel_loop3A_1070 : vector<1x16xf32> to vector<16xf32>
      %parallel_loop3A_1072 = arith.addf %parallel_loop3A_1067, %parallel_loop3A_1071 : vector<16xf32>
      %parallel_loop3A_1073 = arith.index_cast %parallel_loop3A_1058 : i32 to index
      %parallel_loop3A_1074 = arith.index_cast %parallel_loop3A_1063 : i32 to index
      %parallel_loop3A_1075 = tpu.vector_load %arg7[%parallel_loop3A_1073, %parallel_loop3A_1074] {strides = array<i32>} : memref<16x1024xf32, #tpu.memory_space<vmem>>, vector<1x16xf32>,
      %parallel_loop3A_1076 = vector.shape_cast %parallel_loop3A_1075 : vector<1x16xf32> to vector<16xf32>
      %parallel_loop3A_1077 = vector.shape_cast %parallel_loop3A_1072 : vector<16xf32> to vector<1x16xf32>
      tpu.vector_store %arg7[%parallel_loop3A_1073, %parallel_loop3A_1074], %parallel_loop3A_1077 {strides = array<i32>} : memref<16x1024xf32, #tpu.memory_space<vmem>>, vector<1x16xf32>,
    } {sc.loop_unroll_factor = 8 : i64, sc.parallel_access}
    %add3A_243 = arith.constant 96 : i32
    %add3A_244 = arith.addi %mul3A_2, %add3A_243 : i32
    %dma_start3A_245 = arith.constant 0 : i32
    %dma_start3A_246 = tpu.memref_slice %arg5[%add3A_244, %dma_start3A_245] : memref<16384x1024xf32, #tpu.memory_space<hbm>> -> memref<16x1024xf32, #tpu.memory_space<hbm>>
    %dma_start3A_247 = arith.constant 0 : i32
    %dma_start3A_248 = tpu.memref_slice %arg5[%add3A_244, %dma_start3A_247] : memref<16384x1024xf32, #tpu.memory_space<hbm>> -> memref<16x1024xf32, #tpu.memory_space<hbm>>
    tpu.enqueue_dma source(%arg7 : memref<16x1024xf32, #tpu.memory_space<vmem>>) target(%dma_start3A_248 : memref<16x1024xf32, #tpu.memory_space<hbm>>) target_semaphore(%arg19 : memref<!tpu.dma_semaphore, #tpu.memory_space<semaphore_mem>>)
    %dma_wait3A_249 = arith.constant 0 : i32
    %dma_wait3A_250 = tpu.memref_slice %arg2[%add3A_197, %dma_wait3A_249] : memref<16384x1024xf32, #tpu.memory_space<hbm>> -> memref<16x1024xf32, #tpu.memory_space<hbm>>
    %dma_wait3A_251 = arith.constant 0 : i32
    %dma_wait3A_252 = tpu.memref_slice %arg2[%add3A_197, %dma_wait3A_251] : memref<16384x1024xf32, #tpu.memory_space<hbm>> -> memref<16x1024xf32, #tpu.memory_space<hbm>>
    tpu.wait_dma2 semaphore(%arg14 : memref<!tpu.dma_semaphore, #tpu.memory_space<semaphore_mem>>) src(%dma_wait3A_252 : memref<16x1024xf32, #tpu.memory_space<hbm>>) dst(%arg8 : memref<16x1024xf32, #tpu.memory_space<vmem>>)
    %dma_wait3A_253 = arith.constant 112 : i32
    %dma_wait3A_254 = tpu.memref_slice %arg6[%dma_wait3A_253] : memref<512xi32, #tpu.memory_space<vmem>> -> memref<16xi32, #tpu.memory_space<vmem>>
    %dma_wait3A_255 = arith.constant 0 : i32
    %dma_wait3A_256 = arith.constant 0 : i32
    %dma_wait3A_257 = tpu.memref_slice %arg4[%dma_wait3A_255, %dma_wait3A_256] : memref<4096x1024xf32, #tpu.memory_space<hbm>> -> memref<4096x1024xf32, #tpu.memory_space<hbm>>
    tpu.wait_indirect_dma semaphore(%arg17 : memref<!tpu.dma_semaphore, #tpu.memory_space<semaphore_mem>>) src(%dma_wait3A_257 : memref<4096x1024xf32, #tpu.memory_space<hbm>>) dst(%arg11 : memref<16x1024xf32, #tpu.memory_space<vmem>>)
    %dma_wait3A_258 = arith.constant 0 : i32
    %dma_wait3A_259 = tpu.memref_slice %arg5[%add3A_244, %dma_wait3A_258] : memref<16384x1024xf32, #tpu.memory_space<hbm>> -> memref<16x1024xf32, #tpu.memory_space<hbm>>
    %dma_wait3A_260 = arith.constant 0 : i32
    %dma_wait3A_261 = tpu.memref_slice %arg5[%add3A_244, %dma_wait3A_260] : memref<16384x1024xf32, #tpu.memory_space<hbm>> -> memref<16x1024xf32, #tpu.memory_space<hbm>>
    tpu.wait_dma2 semaphore(%arg19 : memref<!tpu.dma_semaphore, #tpu.memory_space<semaphore_mem>>) src(%arg7 : memref<16x1024xf32, #tpu.memory_space<vmem>>) dst(%dma_wait3A_261 : memref<16x1024xf32, #tpu.memory_space<hbm>>)
    %add3A_262 = arith.constant 144 : i32
    %add3A_263 = arith.addi %mul3A_2, %add3A_262 : i32
    %dma_start3A_264 = arith.constant 0 : i32
    %dma_start3A_265 = tpu.memref_slice %arg2[%add3A_263, %dma_start3A_264] : memref<16384x1024xf32, #tpu.memory_space<hbm>> -> memref<16x1024xf32, #tpu.memory_space<hbm>>
    %dma_start3A_266 = arith.constant 0 : i32
    %dma_start3A_267 = tpu.memref_slice %arg2[%add3A_263, %dma_start3A_266] : memref<16384x1024xf32, #tpu.memory_space<hbm>> -> memref<16x1024xf32, #tpu.memory_space<hbm>>
    tpu.enqueue_dma source(%dma_start3A_267 : memref<16x1024xf32, #tpu.memory_space<hbm>>) target(%arg7 : memref<16x1024xf32, #tpu.memory_space<vmem>>) target_semaphore(%arg13 : memref<!tpu.dma_semaphore, #tpu.memory_space<semaphore_mem>>)
    %dma_start3A_268 = arith.constant 144 : i32
    %dma_start3A_269 = tpu.memref_slice %arg6[%dma_start3A_268] : memref<512xi32, #tpu.memory_space<vmem>> -> memref<16xi32, #tpu.memory_space<vmem>>
    %dma_start3A_270 = arith.constant 0 : i32
    %dma_start3A_271 = arith.constant 0 : i32
    %dma_start3A_272 = tpu.memref_slice %arg4[%dma_start3A_270, %dma_start3A_271] : memref<4096x1024xf32, #tpu.memory_space<hbm>> -> memref<4096x1024xf32, #tpu.memory_space<hbm>>
    tpu.enqueue_indirect_dma source(%dma_start3A_272 : memref<4096x1024xf32, #tpu.memory_space<hbm>>) target(%arg10 : memref<16x1024xf32, #tpu.memory_space<vmem>>) offsets(%dma_start3A_269 : memref<16xi32, #tpu.memory_space<vmem>>) semaphore(%arg16 : memref<!tpu.dma_semaphore, #tpu.memory_space<semaphore_mem>>)
    %parallel_loop3A_273 = arith.constant 0 : i32
    %parallel_loop3A_274 = arith.constant 1024 : i32
    %parallel_loop3A_275 = arith.constant 1 : i32
    scf.for %parallel_loop3A_1056 = %parallel_loop3A_273 to %parallel_loop3A_274 step %parallel_loop3A_275  : i32 {
      %parallel_loop3A_1057 = arith.constant 6 : i32
      %parallel_loop3A_1058 = arith.shrui %parallel_loop3A_1056, %parallel_loop3A_1057 : i32
      %parallel_loop3A_1059 = arith.constant 63 : i32
      %parallel_loop3A_1060 = arith.andi %parallel_loop3A_1056, %parallel_loop3A_1059 : i32
      %parallel_loop3A_1061 = arith.constant 4 : i32
      %parallel_loop3A_1062 = arith.shli %parallel_loop3A_1060, %parallel_loop3A_1061 : i32
      %parallel_loop3A_1063 = tpu.assume_multiple %parallel_loop3A_1062, 16 : i32
      %parallel_loop3A_1064 = arith.index_cast %parallel_loop3A_1058 : i32 to index
      %parallel_loop3A_1065 = arith.index_cast %parallel_loop3A_1063 : i32 to index
      %parallel_loop3A_1066 = tpu.vector_load %arg8[%parallel_loop3A_1064, %parallel_loop3A_1065] {strides = array<i32>} : memref<16x1024xf32, #tpu.memory_space<vmem>>, vector<1x16xf32>,
      %parallel_loop3A_1067 = vector.shape_cast %parallel_loop3A_1066 : vector<1x16xf32> to vector<16xf32>
      %parallel_loop3A_1068 = arith.index_cast %parallel_loop3A_1058 : i32 to index
      %parallel_loop3A_1069 = arith.index_cast %parallel_loop3A_1063 : i32 to index
      %parallel_loop3A_1070 = tpu.vector_load %arg11[%parallel_loop3A_1068, %parallel_loop3A_1069] {strides = array<i32>} : memref<16x1024xf32, #tpu.memory_space<vmem>>, vector<1x16xf32>,
      %parallel_loop3A_1071 = vector.shape_cast %parallel_loop3A_1070 : vector<1x16xf32> to vector<16xf32>
      %parallel_loop3A_1072 = arith.addf %parallel_loop3A_1067, %parallel_loop3A_1071 : vector<16xf32>
      %parallel_loop3A_1073 = arith.index_cast %parallel_loop3A_1058 : i32 to index
      %parallel_loop3A_1074 = arith.index_cast %parallel_loop3A_1063 : i32 to index
      %parallel_loop3A_1075 = tpu.vector_load %arg8[%parallel_loop3A_1073, %parallel_loop3A_1074] {strides = array<i32>} : memref<16x1024xf32, #tpu.memory_space<vmem>>, vector<1x16xf32>,
      %parallel_loop3A_1076 = vector.shape_cast %parallel_loop3A_1075 : vector<1x16xf32> to vector<16xf32>
      %parallel_loop3A_1077 = vector.shape_cast %parallel_loop3A_1072 : vector<16xf32> to vector<1x16xf32>
      tpu.vector_store %arg8[%parallel_loop3A_1073, %parallel_loop3A_1074], %parallel_loop3A_1077 {strides = array<i32>} : memref<16x1024xf32, #tpu.memory_space<vmem>>, vector<1x16xf32>,
    } {sc.loop_unroll_factor = 8 : i64, sc.parallel_access}
    %add3A_276 = arith.constant 112 : i32
    %add3A_277 = arith.addi %mul3A_2, %add3A_276 : i32
    %dma_start3A_278 = arith.constant 0 : i32
    %dma_start3A_279 = tpu.memref_slice %arg5[%add3A_277, %dma_start3A_278] : memref<16384x1024xf32, #tpu.memory_space<hbm>> -> memref<16x1024xf32, #tpu.memory_space<hbm>>
    %dma_start3A_280 = arith.constant 0 : i32
    %dma_start3A_281 = tpu.memref_slice %arg5[%add3A_277, %dma_start3A_280] : memref<16384x1024xf32, #tpu.memory_space<hbm>> -> memref<16x1024xf32, #tpu.memory_space<hbm>>
    tpu.enqueue_dma source(%arg8 : memref<16x1024xf32, #tpu.memory_space<vmem>>) target(%dma_start3A_281 : memref<16x1024xf32, #tpu.memory_space<hbm>>) target_semaphore(%arg20 : memref<!tpu.dma_semaphore, #tpu.memory_space<semaphore_mem>>)
    %dma_wait3A_282 = arith.constant 0 : i32
    %dma_wait3A_283 = tpu.memref_slice %arg2[%add3A_230, %dma_wait3A_282] : memref<16384x1024xf32, #tpu.memory_space<hbm>> -> memref<16x1024xf32, #tpu.memory_space<hbm>>
    %dma_wait3A_284 = arith.constant 0 : i32
    %dma_wait3A_285 = tpu.memref_slice %arg2[%add3A_230, %dma_wait3A_284] : memref<16384x1024xf32, #tpu.memory_space<hbm>> -> memref<16x1024xf32, #tpu.memory_space<hbm>>
    tpu.wait_dma2 semaphore(%arg15 : memref<!tpu.dma_semaphore, #tpu.memory_space<semaphore_mem>>) src(%dma_wait3A_285 : memref<16x1024xf32, #tpu.memory_space<hbm>>) dst(%arg9 : memref<16x1024xf32, #tpu.memory_space<vmem>>)
    %dma_wait3A_286 = arith.constant 128 : i32
    %dma_wait3A_287 = tpu.memref_slice %arg6[%dma_wait3A_286] : memref<512xi32, #tpu.memory_space<vmem>> -> memref<16xi32, #tpu.memory_space<vmem>>
    %dma_wait3A_288 = arith.constant 0 : i32
    %dma_wait3A_289 = arith.constant 0 : i32
    %dma_wait3A_290 = tpu.memref_slice %arg4[%dma_wait3A_288, %dma_wait3A_289] : memref<4096x1024xf32, #tpu.memory_space<hbm>> -> memref<4096x1024xf32, #tpu.memory_space<hbm>>
    tpu.wait_indirect_dma semaphore(%arg18 : memref<!tpu.dma_semaphore, #tpu.memory_space<semaphore_mem>>) src(%dma_wait3A_290 : memref<4096x1024xf32, #tpu.memory_space<hbm>>) dst(%arg12 : memref<16x1024xf32, #tpu.memory_space<vmem>>)
    %dma_wait3A_291 = arith.constant 0 : i32
    %dma_wait3A_292 = tpu.memref_slice %arg5[%add3A_277, %dma_wait3A_291] : memref<16384x1024xf32, #tpu.memory_space<hbm>> -> memref<16x1024xf32, #tpu.memory_space<hbm>>
    %dma_wait3A_293 = arith.constant 0 : i32
    %dma_wait3A_294 = tpu.memref_slice %arg5[%add3A_277, %dma_wait3A_293] : memref<16384x1024xf32, #tpu.memory_space<hbm>> -> memref<16x1024xf32, #tpu.memory_space<hbm>>
    tpu.wait_dma2 semaphore(%arg20 : memref<!tpu.dma_semaphore, #tpu.memory_space<semaphore_mem>>) src(%arg8 : memref<16x1024xf32, #tpu.memory_space<vmem>>) dst(%dma_wait3A_294 : memref<16x1024xf32, #tpu.memory_space<hbm>>)
    %add3A_295 = arith.constant 160 : i32
    %add3A_296 = arith.addi %mul3A_2, %add3A_295 : i32
    %dma_start3A_297 = arith.constant 0 : i32
    %dma_start3A_298 = tpu.memref_slice %arg2[%add3A_296, %dma_start3A_297] : memref<16384x1024xf32, #tpu.memory_space<hbm>> -> memref<16x1024xf32, #tpu.memory_space<hbm>>
    %dma_start3A_299 = arith.constant 0 : i32
    %dma_start3A_300 = tpu.memref_slice %arg2[%add3A_296, %dma_start3A_299] : memref<16384x1024xf32, #tpu.memory_space<hbm>> -> memref<16x1024xf32, #tpu.memory_space<hbm>>
    tpu.enqueue_dma source(%dma_start3A_300 : memref<16x1024xf32, #tpu.memory_space<hbm>>) target(%arg8 : memref<16x1024xf32, #tpu.memory_space<vmem>>) target_semaphore(%arg14 : memref<!tpu.dma_semaphore, #tpu.memory_space<semaphore_mem>>)
    %dma_start3A_301 = arith.constant 160 : i32
    %dma_start3A_302 = tpu.memref_slice %arg6[%dma_start3A_301] : memref<512xi32, #tpu.memory_space<vmem>> -> memref<16xi32, #tpu.memory_space<vmem>>
    %dma_start3A_303 = arith.constant 0 : i32
    %dma_start3A_304 = arith.constant 0 : i32
    %dma_start3A_305 = tpu.memref_slice %arg4[%dma_start3A_303, %dma_start3A_304] : memref<4096x1024xf32, #tpu.memory_space<hbm>> -> memref<4096x1024xf32, #tpu.memory_space<hbm>>
    tpu.enqueue_indirect_dma source(%dma_start3A_305 : memref<4096x1024xf32, #tpu.memory_space<hbm>>) target(%arg11 : memref<16x1024xf32, #tpu.memory_space<vmem>>) offsets(%dma_start3A_302 : memref<16xi32, #tpu.memory_space<vmem>>) semaphore(%arg17 : memref<!tpu.dma_semaphore, #tpu.memory_space<semaphore_mem>>)
    %parallel_loop3A_306 = arith.constant 0 : i32
    %parallel_loop3A_307 = arith.constant 1024 : i32
    %parallel_loop3A_308 = arith.constant 1 : i32
    scf.for %parallel_loop3A_1056 = %parallel_loop3A_306 to %parallel_loop3A_307 step %parallel_loop3A_308  : i32 {
      %parallel_loop3A_1057 = arith.constant 6 : i32
      %parallel_loop3A_1058 = arith.shrui %parallel_loop3A_1056, %parallel_loop3A_1057 : i32
      %parallel_loop3A_1059 = arith.constant 63 : i32
      %parallel_loop3A_1060 = arith.andi %parallel_loop3A_1056, %parallel_loop3A_1059 : i32
      %parallel_loop3A_1061 = arith.constant 4 : i32
      %parallel_loop3A_1062 = arith.shli %parallel_loop3A_1060, %parallel_loop3A_1061 : i32
      %parallel_loop3A_1063 = tpu.assume_multiple %parallel_loop3A_1062, 16 : i32
      %parallel_loop3A_1064 = arith.index_cast %parallel_loop3A_1058 : i32 to index
      %parallel_loop3A_1065 = arith.index_cast %parallel_loop3A_1063 : i32 to index
      %parallel_loop3A_1066 = tpu.vector_load %arg9[%parallel_loop3A_1064, %parallel_loop3A_1065] {strides = array<i32>} : memref<16x1024xf32, #tpu.memory_space<vmem>>, vector<1x16xf32>,
      %parallel_loop3A_1067 = vector.shape_cast %parallel_loop3A_1066 : vector<1x16xf32> to vector<16xf32>
      %parallel_loop3A_1068 = arith.index_cast %parallel_loop3A_1058 : i32 to index
      %parallel_loop3A_1069 = arith.index_cast %parallel_loop3A_1063 : i32 to index
      %parallel_loop3A_1070 = tpu.vector_load %arg12[%parallel_loop3A_1068, %parallel_loop3A_1069] {strides = array<i32>} : memref<16x1024xf32, #tpu.memory_space<vmem>>, vector<1x16xf32>,
      %parallel_loop3A_1071 = vector.shape_cast %parallel_loop3A_1070 : vector<1x16xf32> to vector<16xf32>
      %parallel_loop3A_1072 = arith.addf %parallel_loop3A_1067, %parallel_loop3A_1071 : vector<16xf32>
      %parallel_loop3A_1073 = arith.index_cast %parallel_loop3A_1058 : i32 to index
      %parallel_loop3A_1074 = arith.index_cast %parallel_loop3A_1063 : i32 to index
      %parallel_loop3A_1075 = tpu.vector_load %arg9[%parallel_loop3A_1073, %parallel_loop3A_1074] {strides = array<i32>} : memref<16x1024xf32, #tpu.memory_space<vmem>>, vector<1x16xf32>,
      %parallel_loop3A_1076 = vector.shape_cast %parallel_loop3A_1075 : vector<1x16xf32> to vector<16xf32>
      %parallel_loop3A_1077 = vector.shape_cast %parallel_loop3A_1072 : vector<16xf32> to vector<1x16xf32>
      tpu.vector_store %arg9[%parallel_loop3A_1073, %parallel_loop3A_1074], %parallel_loop3A_1077 {strides = array<i32>} : memref<16x1024xf32, #tpu.memory_space<vmem>>, vector<1x16xf32>,
    } {sc.loop_unroll_factor = 8 : i64, sc.parallel_access}
    %add3A_309 = arith.constant 128 : i32
    %add3A_310 = arith.addi %mul3A_2, %add3A_309 : i32
    %dma_start3A_311 = arith.constant 0 : i32
    %dma_start3A_312 = tpu.memref_slice %arg5[%add3A_310, %dma_start3A_311] : memref<16384x1024xf32, #tpu.memory_space<hbm>> -> memref<16x1024xf32, #tpu.memory_space<hbm>>
    %dma_start3A_313 = arith.constant 0 : i32
    %dma_start3A_314 = tpu.memref_slice %arg5[%add3A_310, %dma_start3A_313] : memref<16384x1024xf32, #tpu.memory_space<hbm>> -> memref<16x1024xf32, #tpu.memory_space<hbm>>
    tpu.enqueue_dma source(%arg9 : memref<16x1024xf32, #tpu.memory_space<vmem>>) target(%dma_start3A_314 : memref<16x1024xf32, #tpu.memory_space<hbm>>) target_semaphore(%arg21 : memref<!tpu.dma_semaphore, #tpu.memory_space<semaphore_mem>>)
    %dma_wait3A_315 = arith.constant 0 : i32
    %dma_wait3A_316 = tpu.memref_slice %arg2[%add3A_263, %dma_wait3A_315] : memref<16384x1024xf32, #tpu.memory_space<hbm>> -> memref<16x1024xf32, #tpu.memory_space<hbm>>
    %dma_wait3A_317 = arith.constant 0 : i32
    %dma_wait3A_318 = tpu.memref_slice %arg2[%add3A_263, %dma_wait3A_317] : memref<16384x1024xf32, #tpu.memory_space<hbm>> -> memref<16x1024xf32, #tpu.memory_space<hbm>>
    tpu.wait_dma2 semaphore(%arg13 : memref<!tpu.dma_semaphore, #tpu.memory_space<semaphore_mem>>) src(%dma_wait3A_318 : memref<16x1024xf32, #tpu.memory_space<hbm>>) dst(%arg7 : memref<16x1024xf32, #tpu.memory_space<vmem>>)
    %dma_wait3A_319 = arith.constant 144 : i32
    %dma_wait3A_320 = tpu.memref_slice %arg6[%dma_wait3A_319] : memref<512xi32, #tpu.memory_space<vmem>> -> memref<16xi32, #tpu.memory_space<vmem>>
    %dma_wait3A_321 = arith.constant 0 : i32
    %dma_wait3A_322 = arith.constant 0 : i32
    %dma_wait3A_323 = tpu.memref_slice %arg4[%dma_wait3A_321, %dma_wait3A_322] : memref<4096x1024xf32, #tpu.memory_space<hbm>> -> memref<4096x1024xf32, #tpu.memory_space<hbm>>
    tpu.wait_indirect_dma semaphore(%arg16 : memref<!tpu.dma_semaphore, #tpu.memory_space<semaphore_mem>>) src(%dma_wait3A_323 : memref<4096x1024xf32, #tpu.memory_space<hbm>>) dst(%arg10 : memref<16x1024xf32, #tpu.memory_space<vmem>>)
    %dma_wait3A_324 = arith.constant 0 : i32
    %dma_wait3A_325 = tpu.memref_slice %arg5[%add3A_310, %dma_wait3A_324] : memref<16384x1024xf32, #tpu.memory_space<hbm>> -> memref<16x1024xf32, #tpu.memory_space<hbm>>
    %dma_wait3A_326 = arith.constant 0 : i32
    %dma_wait3A_327 = tpu.memref_slice %arg5[%add3A_310, %dma_wait3A_326] : memref<16384x1024xf32, #tpu.memory_space<hbm>> -> memref<16x1024xf32, #tpu.memory_space<hbm>>
    tpu.wait_dma2 semaphore(%arg21 : memref<!tpu.dma_semaphore, #tpu.memory_space<semaphore_mem>>) src(%arg9 : memref<16x1024xf32, #tpu.memory_space<vmem>>) dst(%dma_wait3A_327 : memref<16x1024xf32, #tpu.memory_space<hbm>>)
    %add3A_328 = arith.constant 176 : i32
    %add3A_329 = arith.addi %mul3A_2, %add3A_328 : i32
    %dma_start3A_330 = arith.constant 0 : i32
    %dma_start3A_331 = tpu.memref_slice %arg2[%add3A_329, %dma_start3A_330] : memref<16384x1024xf32, #tpu.memory_space<hbm>> -> memref<16x1024xf32, #tpu.memory_space<hbm>>
    %dma_start3A_332 = arith.constant 0 : i32
    %dma_start3A_333 = tpu.memref_slice %arg2[%add3A_329, %dma_start3A_332] : memref<16384x1024xf32, #tpu.memory_space<hbm>> -> memref<16x1024xf32, #tpu.memory_space<hbm>>
    tpu.enqueue_dma source(%dma_start3A_333 : memref<16x1024xf32, #tpu.memory_space<hbm>>) target(%arg9 : memref<16x1024xf32, #tpu.memory_space<vmem>>) target_semaphore(%arg15 : memref<!tpu.dma_semaphore, #tpu.memory_space<semaphore_mem>>)
    %dma_start3A_334 = arith.constant 176 : i32
    %dma_start3A_335 = tpu.memref_slice %arg6[%dma_start3A_334] : memref<512xi32, #tpu.memory_space<vmem>> -> memref<16xi32, #tpu.memory_space<vmem>>
    %dma_start3A_336 = arith.constant 0 : i32
    %dma_start3A_337 = arith.constant 0 : i32
    %dma_start3A_338 = tpu.memref_slice %arg4[%dma_start3A_336, %dma_start3A_337] : memref<4096x1024xf32, #tpu.memory_space<hbm>> -> memref<4096x1024xf32, #tpu.memory_space<hbm>>
    tpu.enqueue_indirect_dma source(%dma_start3A_338 : memref<4096x1024xf32, #tpu.memory_space<hbm>>) target(%arg12 : memref<16x1024xf32, #tpu.memory_space<vmem>>) offsets(%dma_start3A_335 : memref<16xi32, #tpu.memory_space<vmem>>) semaphore(%arg18 : memref<!tpu.dma_semaphore, #tpu.memory_space<semaphore_mem>>)
    %parallel_loop3A_339 = arith.constant 0 : i32
    %parallel_loop3A_340 = arith.constant 1024 : i32
    %parallel_loop3A_341 = arith.constant 1 : i32
    scf.for %parallel_loop3A_1056 = %parallel_loop3A_339 to %parallel_loop3A_340 step %parallel_loop3A_341  : i32 {
      %parallel_loop3A_1057 = arith.constant 6 : i32
      %parallel_loop3A_1058 = arith.shrui %parallel_loop3A_1056, %parallel_loop3A_1057 : i32
      %parallel_loop3A_1059 = arith.constant 63 : i32
      %parallel_loop3A_1060 = arith.andi %parallel_loop3A_1056, %parallel_loop3A_1059 : i32
      %parallel_loop3A_1061 = arith.constant 4 : i32
      %parallel_loop3A_1062 = arith.shli %parallel_loop3A_1060, %parallel_loop3A_1061 : i32
      %parallel_loop3A_1063 = tpu.assume_multiple %parallel_loop3A_1062, 16 : i32
      %parallel_loop3A_1064 = arith.index_cast %parallel_loop3A_1058 : i32 to index
      %parallel_loop3A_1065 = arith.index_cast %parallel_loop3A_1063 : i32 to index
      %parallel_loop3A_1066 = tpu.vector_load %arg7[%parallel_loop3A_1064, %parallel_loop3A_1065] {strides = array<i32>} : memref<16x1024xf32, #tpu.memory_space<vmem>>, vector<1x16xf32>,
      %parallel_loop3A_1067 = vector.shape_cast %parallel_loop3A_1066 : vector<1x16xf32> to vector<16xf32>
      %parallel_loop3A_1068 = arith.index_cast %parallel_loop3A_1058 : i32 to index
      %parallel_loop3A_1069 = arith.index_cast %parallel_loop3A_1063 : i32 to index
      %parallel_loop3A_1070 = tpu.vector_load %arg10[%parallel_loop3A_1068, %parallel_loop3A_1069] {strides = array<i32>} : memref<16x1024xf32, #tpu.memory_space<vmem>>, vector<1x16xf32>,
      %parallel_loop3A_1071 = vector.shape_cast %parallel_loop3A_1070 : vector<1x16xf32> to vector<16xf32>
      %parallel_loop3A_1072 = arith.addf %parallel_loop3A_1067, %parallel_loop3A_1071 : vector<16xf32>
      %parallel_loop3A_1073 = arith.index_cast %parallel_loop3A_1058 : i32 to index
      %parallel_loop3A_1074 = arith.index_cast %parallel_loop3A_1063 : i32 to index
      %parallel_loop3A_1075 = tpu.vector_load %arg7[%parallel_loop3A_1073, %parallel_loop3A_1074] {strides = array<i32>} : memref<16x1024xf32, #tpu.memory_space<vmem>>, vector<1x16xf32>,
      %parallel_loop3A_1076 = vector.shape_cast %parallel_loop3A_1075 : vector<1x16xf32> to vector<16xf32>
      %parallel_loop3A_1077 = vector.shape_cast %parallel_loop3A_1072 : vector<16xf32> to vector<1x16xf32>
      tpu.vector_store %arg7[%parallel_loop3A_1073, %parallel_loop3A_1074], %parallel_loop3A_1077 {strides = array<i32>} : memref<16x1024xf32, #tpu.memory_space<vmem>>, vector<1x16xf32>,
    } {sc.loop_unroll_factor = 8 : i64, sc.parallel_access}
    %add3A_342 = arith.constant 144 : i32
    %add3A_343 = arith.addi %mul3A_2, %add3A_342 : i32
    %dma_start3A_344 = arith.constant 0 : i32
    %dma_start3A_345 = tpu.memref_slice %arg5[%add3A_343, %dma_start3A_344] : memref<16384x1024xf32, #tpu.memory_space<hbm>> -> memref<16x1024xf32, #tpu.memory_space<hbm>>
    %dma_start3A_346 = arith.constant 0 : i32
    %dma_start3A_347 = tpu.memref_slice %arg5[%add3A_343, %dma_start3A_346] : memref<16384x1024xf32, #tpu.memory_space<hbm>> -> memref<16x1024xf32, #tpu.memory_space<hbm>>
    tpu.enqueue_dma source(%arg7 : memref<16x1024xf32, #tpu.memory_space<vmem>>) target(%dma_start3A_347 : memref<16x1024xf32, #tpu.memory_space<hbm>>) target_semaphore(%arg19 : memref<!tpu.dma_semaphore, #tpu.memory_space<semaphore_mem>>)
    %dma_wait3A_348 = arith.constant 0 : i32
    %dma_wait3A_349 = tpu.memref_slice %arg2[%add3A_296, %dma_wait3A_348] : memref<16384x1024xf32, #tpu.memory_space<hbm>> -> memref<16x1024xf32, #tpu.memory_space<hbm>>
    %dma_wait3A_350 = arith.constant 0 : i32
    %dma_wait3A_351 = tpu.memref_slice %arg2[%add3A_296, %dma_wait3A_350] : memref<16384x1024xf32, #tpu.memory_space<hbm>> -> memref<16x1024xf32, #tpu.memory_space<hbm>>
    tpu.wait_dma2 semaphore(%arg14 : memref<!tpu.dma_semaphore, #tpu.memory_space<semaphore_mem>>) src(%dma_wait3A_351 : memref<16x1024xf32, #tpu.memory_space<hbm>>) dst(%arg8 : memref<16x1024xf32, #tpu.memory_space<vmem>>)
    %dma_wait3A_352 = arith.constant 160 : i32
    %dma_wait3A_353 = tpu.memref_slice %arg6[%dma_wait3A_352] : memref<512xi32, #tpu.memory_space<vmem>> -> memref<16xi32, #tpu.memory_space<vmem>>
    %dma_wait3A_354 = arith.constant 0 : i32
    %dma_wait3A_355 = arith.constant 0 : i32
    %dma_wait3A_356 = tpu.memref_slice %arg4[%dma_wait3A_354, %dma_wait3A_355] : memref<4096x1024xf32, #tpu.memory_space<hbm>> -> memref<4096x1024xf32, #tpu.memory_space<hbm>>
    tpu.wait_indirect_dma semaphore(%arg17 : memref<!tpu.dma_semaphore, #tpu.memory_space<semaphore_mem>>) src(%dma_wait3A_356 : memref<4096x1024xf32, #tpu.memory_space<hbm>>) dst(%arg11 : memref<16x1024xf32, #tpu.memory_space<vmem>>)
    %dma_wait3A_357 = arith.constant 0 : i32
    %dma_wait3A_358 = tpu.memref_slice %arg5[%add3A_343, %dma_wait3A_357] : memref<16384x1024xf32, #tpu.memory_space<hbm>> -> memref<16x1024xf32, #tpu.memory_space<hbm>>
    %dma_wait3A_359 = arith.constant 0 : i32
    %dma_wait3A_360 = tpu.memref_slice %arg5[%add3A_343, %dma_wait3A_359] : memref<16384x1024xf32, #tpu.memory_space<hbm>> -> memref<16x1024xf32, #tpu.memory_space<hbm>>
    tpu.wait_dma2 semaphore(%arg19 : memref<!tpu.dma_semaphore, #tpu.memory_space<semaphore_mem>>) src(%arg7 : memref<16x1024xf32, #tpu.memory_space<vmem>>) dst(%dma_wait3A_360 : memref<16x1024xf32, #tpu.memory_space<hbm>>)
    %add3A_361 = arith.constant 192 : i32
    %add3A_362 = arith.addi %mul3A_2, %add3A_361 : i32
    %dma_start3A_363 = arith.constant 0 : i32
    %dma_start3A_364 = tpu.memref_slice %arg2[%add3A_362, %dma_start3A_363] : memref<16384x1024xf32, #tpu.memory_space<hbm>> -> memref<16x1024xf32, #tpu.memory_space<hbm>>
    %dma_start3A_365 = arith.constant 0 : i32
    %dma_start3A_366 = tpu.memref_slice %arg2[%add3A_362, %dma_start3A_365] : memref<16384x1024xf32, #tpu.memory_space<hbm>> -> memref<16x1024xf32, #tpu.memory_space<hbm>>
    tpu.enqueue_dma source(%dma_start3A_366 : memref<16x1024xf32, #tpu.memory_space<hbm>>) target(%arg7 : memref<16x1024xf32, #tpu.memory_space<vmem>>) target_semaphore(%arg13 : memref<!tpu.dma_semaphore, #tpu.memory_space<semaphore_mem>>)
    %dma_start3A_367 = arith.constant 192 : i32
    %dma_start3A_368 = tpu.memref_slice %arg6[%dma_start3A_367] : memref<512xi32, #tpu.memory_space<vmem>> -> memref<16xi32, #tpu.memory_space<vmem>>
    %dma_start3A_369 = arith.constant 0 : i32
    %dma_start3A_370 = arith.constant 0 : i32
    %dma_start3A_371 = tpu.memref_slice %arg4[%dma_start3A_369, %dma_start3A_370] : memref<4096x1024xf32, #tpu.memory_space<hbm>> -> memref<4096x1024xf32, #tpu.memory_space<hbm>>
    tpu.enqueue_indirect_dma source(%dma_start3A_371 : memref<4096x1024xf32, #tpu.memory_space<hbm>>) target(%arg10 : memref<16x1024xf32, #tpu.memory_space<vmem>>) offsets(%dma_start3A_368 : memref<16xi32, #tpu.memory_space<vmem>>) semaphore(%arg16 : memref<!tpu.dma_semaphore, #tpu.memory_space<semaphore_mem>>)
    %parallel_loop3A_372 = arith.constant 0 : i32
    %parallel_loop3A_373 = arith.constant 1024 : i32
    %parallel_loop3A_374 = arith.constant 1 : i32
    scf.for %parallel_loop3A_1056 = %parallel_loop3A_372 to %parallel_loop3A_373 step %parallel_loop3A_374  : i32 {
      %parallel_loop3A_1057 = arith.constant 6 : i32
      %parallel_loop3A_1058 = arith.shrui %parallel_loop3A_1056, %parallel_loop3A_1057 : i32
      %parallel_loop3A_1059 = arith.constant 63 : i32
      %parallel_loop3A_1060 = arith.andi %parallel_loop3A_1056, %parallel_loop3A_1059 : i32
      %parallel_loop3A_1061 = arith.constant 4 : i32
      %parallel_loop3A_1062 = arith.shli %parallel_loop3A_1060, %parallel_loop3A_1061 : i32
      %parallel_loop3A_1063 = tpu.assume_multiple %parallel_loop3A_1062, 16 : i32
      %parallel_loop3A_1064 = arith.index_cast %parallel_loop3A_1058 : i32 to index
      %parallel_loop3A_1065 = arith.index_cast %parallel_loop3A_1063 : i32 to index
      %parallel_loop3A_1066 = tpu.vector_load %arg8[%parallel_loop3A_1064, %parallel_loop3A_1065] {strides = array<i32>} : memref<16x1024xf32, #tpu.memory_space<vmem>>, vector<1x16xf32>,
      %parallel_loop3A_1067 = vector.shape_cast %parallel_loop3A_1066 : vector<1x16xf32> to vector<16xf32>
      %parallel_loop3A_1068 = arith.index_cast %parallel_loop3A_1058 : i32 to index
      %parallel_loop3A_1069 = arith.index_cast %parallel_loop3A_1063 : i32 to index
      %parallel_loop3A_1070 = tpu.vector_load %arg11[%parallel_loop3A_1068, %parallel_loop3A_1069] {strides = array<i32>} : memref<16x1024xf32, #tpu.memory_space<vmem>>, vector<1x16xf32>,
      %parallel_loop3A_1071 = vector.shape_cast %parallel_loop3A_1070 : vector<1x16xf32> to vector<16xf32>
      %parallel_loop3A_1072 = arith.addf %parallel_loop3A_1067, %parallel_loop3A_1071 : vector<16xf32>
      %parallel_loop3A_1073 = arith.index_cast %parallel_loop3A_1058 : i32 to index
      %parallel_loop3A_1074 = arith.index_cast %parallel_loop3A_1063 : i32 to index
      %parallel_loop3A_1075 = tpu.vector_load %arg8[%parallel_loop3A_1073, %parallel_loop3A_1074] {strides = array<i32>} : memref<16x1024xf32, #tpu.memory_space<vmem>>, vector<1x16xf32>,
      %parallel_loop3A_1076 = vector.shape_cast %parallel_loop3A_1075 : vector<1x16xf32> to vector<16xf32>
      %parallel_loop3A_1077 = vector.shape_cast %parallel_loop3A_1072 : vector<16xf32> to vector<1x16xf32>
      tpu.vector_store %arg8[%parallel_loop3A_1073, %parallel_loop3A_1074], %parallel_loop3A_1077 {strides = array<i32>} : memref<16x1024xf32, #tpu.memory_space<vmem>>, vector<1x16xf32>,
    } {sc.loop_unroll_factor = 8 : i64, sc.parallel_access}
    %add3A_375 = arith.constant 160 : i32
    %add3A_376 = arith.addi %mul3A_2, %add3A_375 : i32
    %dma_start3A_377 = arith.constant 0 : i32
    %dma_start3A_378 = tpu.memref_slice %arg5[%add3A_376, %dma_start3A_377] : memref<16384x1024xf32, #tpu.memory_space<hbm>> -> memref<16x1024xf32, #tpu.memory_space<hbm>>
    %dma_start3A_379 = arith.constant 0 : i32
    %dma_start3A_380 = tpu.memref_slice %arg5[%add3A_376, %dma_start3A_379] : memref<16384x1024xf32, #tpu.memory_space<hbm>> -> memref<16x1024xf32, #tpu.memory_space<hbm>>
    tpu.enqueue_dma source(%arg8 : memref<16x1024xf32, #tpu.memory_space<vmem>>) target(%dma_start3A_380 : memref<16x1024xf32, #tpu.memory_space<hbm>>) target_semaphore(%arg20 : memref<!tpu.dma_semaphore, #tpu.memory_space<semaphore_mem>>)
    %dma_wait3A_381 = arith.constant 0 : i32
    %dma_wait3A_382 = tpu.memref_slice %arg2[%add3A_329, %dma_wait3A_381] : memref<16384x1024xf32, #tpu.memory_space<hbm>> -> memref<16x1024xf32, #tpu.memory_space<hbm>>
    %dma_wait3A_383 = arith.constant 0 : i32
    %dma_wait3A_384 = tpu.memref_slice %arg2[%add3A_329, %dma_wait3A_383] : memref<16384x1024xf32, #tpu.memory_space<hbm>> -> memref<16x1024xf32, #tpu.memory_space<hbm>>
    tpu.wait_dma2 semaphore(%arg15 : memref<!tpu.dma_semaphore, #tpu.memory_space<semaphore_mem>>) src(%dma_wait3A_384 : memref<16x1024xf32, #tpu.memory_space<hbm>>) dst(%arg9 : memref<16x1024xf32, #tpu.memory_space<vmem>>)
    %dma_wait3A_385 = arith.constant 176 : i32
    %dma_wait3A_386 = tpu.memref_slice %arg6[%dma_wait3A_385] : memref<512xi32, #tpu.memory_space<vmem>> -> memref<16xi32, #tpu.memory_space<vmem>>
    %dma_wait3A_387 = arith.constant 0 : i32
    %dma_wait3A_388 = arith.constant 0 : i32
    %dma_wait3A_389 = tpu.memref_slice %arg4[%dma_wait3A_387, %dma_wait3A_388] : memref<4096x1024xf32, #tpu.memory_space<hbm>> -> memref<4096x1024xf32, #tpu.memory_space<hbm>>
    tpu.wait_indirect_dma semaphore(%arg18 : memref<!tpu.dma_semaphore, #tpu.memory_space<semaphore_mem>>) src(%dma_wait3A_389 : memref<4096x1024xf32, #tpu.memory_space<hbm>>) dst(%arg12 : memref<16x1024xf32, #tpu.memory_space<vmem>>)
    %dma_wait3A_390 = arith.constant 0 : i32
    %dma_wait3A_391 = tpu.memref_slice %arg5[%add3A_376, %dma_wait3A_390] : memref<16384x1024xf32, #tpu.memory_space<hbm>> -> memref<16x1024xf32, #tpu.memory_space<hbm>>
    %dma_wait3A_392 = arith.constant 0 : i32
    %dma_wait3A_393 = tpu.memref_slice %arg5[%add3A_376, %dma_wait3A_392] : memref<16384x1024xf32, #tpu.memory_space<hbm>> -> memref<16x1024xf32, #tpu.memory_space<hbm>>
    tpu.wait_dma2 semaphore(%arg20 : memref<!tpu.dma_semaphore, #tpu.memory_space<semaphore_mem>>) src(%arg8 : memref<16x1024xf32, #tpu.memory_space<vmem>>) dst(%dma_wait3A_393 : memref<16x1024xf32, #tpu.memory_space<hbm>>)
    %add3A_394 = arith.constant 208 : i32
    %add3A_395 = arith.addi %mul3A_2, %add3A_394 : i32
    %dma_start3A_396 = arith.constant 0 : i32
    %dma_start3A_397 = tpu.memref_slice %arg2[%add3A_395, %dma_start3A_396] : memref<16384x1024xf32, #tpu.memory_space<hbm>> -> memref<16x1024xf32, #tpu.memory_space<hbm>>
    %dma_start3A_398 = arith.constant 0 : i32
    %dma_start3A_399 = tpu.memref_slice %arg2[%add3A_395, %dma_start3A_398] : memref<16384x1024xf32, #tpu.memory_space<hbm>> -> memref<16x1024xf32, #tpu.memory_space<hbm>>
    tpu.enqueue_dma source(%dma_start3A_399 : memref<16x1024xf32, #tpu.memory_space<hbm>>) target(%arg8 : memref<16x1024xf32, #tpu.memory_space<vmem>>) target_semaphore(%arg14 : memref<!tpu.dma_semaphore, #tpu.memory_space<semaphore_mem>>)
    %dma_start3A_400 = arith.constant 208 : i32
    %dma_start3A_401 = tpu.memref_slice %arg6[%dma_start3A_400] : memref<512xi32, #tpu.memory_space<vmem>> -> memref<16xi32, #tpu.memory_space<vmem>>
    %dma_start3A_402 = arith.constant 0 : i32
    %dma_start3A_403 = arith.constant 0 : i32
    %dma_start3A_404 = tpu.memref_slice %arg4[%dma_start3A_402, %dma_start3A_403] : memref<4096x1024xf32, #tpu.memory_space<hbm>> -> memref<4096x1024xf32, #tpu.memory_space<hbm>>
    tpu.enqueue_indirect_dma source(%dma_start3A_404 : memref<4096x1024xf32, #tpu.memory_space<hbm>>) target(%arg11 : memref<16x1024xf32, #tpu.memory_space<vmem>>) offsets(%dma_start3A_401 : memref<16xi32, #tpu.memory_space<vmem>>) semaphore(%arg17 : memref<!tpu.dma_semaphore, #tpu.memory_space<semaphore_mem>>)
    %parallel_loop3A_405 = arith.constant 0 : i32
    %parallel_loop3A_406 = arith.constant 1024 : i32
    %parallel_loop3A_407 = arith.constant 1 : i32
    scf.for %parallel_loop3A_1056 = %parallel_loop3A_405 to %parallel_loop3A_406 step %parallel_loop3A_407  : i32 {
      %parallel_loop3A_1057 = arith.constant 6 : i32
      %parallel_loop3A_1058 = arith.shrui %parallel_loop3A_1056, %parallel_loop3A_1057 : i32
      %parallel_loop3A_1059 = arith.constant 63 : i32
      %parallel_loop3A_1060 = arith.andi %parallel_loop3A_1056, %parallel_loop3A_1059 : i32
      %parallel_loop3A_1061 = arith.constant 4 : i32
      %parallel_loop3A_1062 = arith.shli %parallel_loop3A_1060, %parallel_loop3A_1061 : i32
      %parallel_loop3A_1063 = tpu.assume_multiple %parallel_loop3A_1062, 16 : i32
      %parallel_loop3A_1064 = arith.index_cast %parallel_loop3A_1058 : i32 to index
      %parallel_loop3A_1065 = arith.index_cast %parallel_loop3A_1063 : i32 to index
      %parallel_loop3A_1066 = tpu.vector_load %arg9[%parallel_loop3A_1064, %parallel_loop3A_1065] {strides = array<i32>} : memref<16x1024xf32, #tpu.memory_space<vmem>>, vector<1x16xf32>,
      %parallel_loop3A_1067 = vector.shape_cast %parallel_loop3A_1066 : vector<1x16xf32> to vector<16xf32>
      %parallel_loop3A_1068 = arith.index_cast %parallel_loop3A_1058 : i32 to index
      %parallel_loop3A_1069 = arith.index_cast %parallel_loop3A_1063 : i32 to index
      %parallel_loop3A_1070 = tpu.vector_load %arg12[%parallel_loop3A_1068, %parallel_loop3A_1069] {strides = array<i32>} : memref<16x1024xf32, #tpu.memory_space<vmem>>, vector<1x16xf32>,
      %parallel_loop3A_1071 = vector.shape_cast %parallel_loop3A_1070 : vector<1x16xf32> to vector<16xf32>
      %parallel_loop3A_1072 = arith.addf %parallel_loop3A_1067, %parallel_loop3A_1071 : vector<16xf32>
      %parallel_loop3A_1073 = arith.index_cast %parallel_loop3A_1058 : i32 to index
      %parallel_loop3A_1074 = arith.index_cast %parallel_loop3A_1063 : i32 to index
      %parallel_loop3A_1075 = tpu.vector_load %arg9[%parallel_loop3A_1073, %parallel_loop3A_1074] {strides = array<i32>} : memref<16x1024xf32, #tpu.memory_space<vmem>>, vector<1x16xf32>,
      %parallel_loop3A_1076 = vector.shape_cast %parallel_loop3A_1075 : vector<1x16xf32> to vector<16xf32>
      %parallel_loop3A_1077 = vector.shape_cast %parallel_loop3A_1072 : vector<16xf32> to vector<1x16xf32>
      tpu.vector_store %arg9[%parallel_loop3A_1073, %parallel_loop3A_1074], %parallel_loop3A_1077 {strides = array<i32>} : memref<16x1024xf32, #tpu.memory_space<vmem>>, vector<1x16xf32>,
    } {sc.loop_unroll_factor = 8 : i64, sc.parallel_access}
    %add3A_408 = arith.constant 176 : i32
    %add3A_409 = arith.addi %mul3A_2, %add3A_408 : i32
    %dma_start3A_410 = arith.constant 0 : i32
    %dma_start3A_411 = tpu.memref_slice %arg5[%add3A_409, %dma_start3A_410] : memref<16384x1024xf32, #tpu.memory_space<hbm>> -> memref<16x1024xf32, #tpu.memory_space<hbm>>
    %dma_start3A_412 = arith.constant 0 : i32
    %dma_start3A_413 = tpu.memref_slice %arg5[%add3A_409, %dma_start3A_412] : memref<16384x1024xf32, #tpu.memory_space<hbm>> -> memref<16x1024xf32, #tpu.memory_space<hbm>>
    tpu.enqueue_dma source(%arg9 : memref<16x1024xf32, #tpu.memory_space<vmem>>) target(%dma_start3A_413 : memref<16x1024xf32, #tpu.memory_space<hbm>>) target_semaphore(%arg21 : memref<!tpu.dma_semaphore, #tpu.memory_space<semaphore_mem>>)
    %dma_wait3A_414 = arith.constant 0 : i32
    %dma_wait3A_415 = tpu.memref_slice %arg2[%add3A_362, %dma_wait3A_414] : memref<16384x1024xf32, #tpu.memory_space<hbm>> -> memref<16x1024xf32, #tpu.memory_space<hbm>>
    %dma_wait3A_416 = arith.constant 0 : i32
    %dma_wait3A_417 = tpu.memref_slice %arg2[%add3A_362, %dma_wait3A_416] : memref<16384x1024xf32, #tpu.memory_space<hbm>> -> memref<16x1024xf32, #tpu.memory_space<hbm>>
    tpu.wait_dma2 semaphore(%arg13 : memref<!tpu.dma_semaphore, #tpu.memory_space<semaphore_mem>>) src(%dma_wait3A_417 : memref<16x1024xf32, #tpu.memory_space<hbm>>) dst(%arg7 : memref<16x1024xf32, #tpu.memory_space<vmem>>)
    %dma_wait3A_418 = arith.constant 192 : i32
    %dma_wait3A_419 = tpu.memref_slice %arg6[%dma_wait3A_418] : memref<512xi32, #tpu.memory_space<vmem>> -> memref<16xi32, #tpu.memory_space<vmem>>
    %dma_wait3A_420 = arith.constant 0 : i32
    %dma_wait3A_421 = arith.constant 0 : i32
    %dma_wait3A_422 = tpu.memref_slice %arg4[%dma_wait3A_420, %dma_wait3A_421] : memref<4096x1024xf32, #tpu.memory_space<hbm>> -> memref<4096x1024xf32, #tpu.memory_space<hbm>>
    tpu.wait_indirect_dma semaphore(%arg16 : memref<!tpu.dma_semaphore, #tpu.memory_space<semaphore_mem>>) src(%dma_wait3A_422 : memref<4096x1024xf32, #tpu.memory_space<hbm>>) dst(%arg10 : memref<16x1024xf32, #tpu.memory_space<vmem>>)
    %dma_wait3A_423 = arith.constant 0 : i32
    %dma_wait3A_424 = tpu.memref_slice %arg5[%add3A_409, %dma_wait3A_423] : memref<16384x1024xf32, #tpu.memory_space<hbm>> -> memref<16x1024xf32, #tpu.memory_space<hbm>>
    %dma_wait3A_425 = arith.constant 0 : i32
    %dma_wait3A_426 = tpu.memref_slice %arg5[%add3A_409, %dma_wait3A_425] : memref<16384x1024xf32, #tpu.memory_space<hbm>> -> memref<16x1024xf32, #tpu.memory_space<hbm>>
    tpu.wait_dma2 semaphore(%arg21 : memref<!tpu.dma_semaphore, #tpu.memory_space<semaphore_mem>>) src(%arg9 : memref<16x1024xf32, #tpu.memory_space<vmem>>) dst(%dma_wait3A_426 : memref<16x1024xf32, #tpu.memory_space<hbm>>)
    %add3A_427 = arith.constant 224 : i32
    %add3A_428 = arith.addi %mul3A_2, %add3A_427 : i32
    %dma_start3A_429 = arith.constant 0 : i32
    %dma_start3A_430 = tpu.memref_slice %arg2[%add3A_428, %dma_start3A_429] : memref<16384x1024xf32, #tpu.memory_space<hbm>> -> memref<16x1024xf32, #tpu.memory_space<hbm>>
    %dma_start3A_431 = arith.constant 0 : i32
    %dma_start3A_432 = tpu.memref_slice %arg2[%add3A_428, %dma_start3A_431] : memref<16384x1024xf32, #tpu.memory_space<hbm>> -> memref<16x1024xf32, #tpu.memory_space<hbm>>
    tpu.enqueue_dma source(%dma_start3A_432 : memref<16x1024xf32, #tpu.memory_space<hbm>>) target(%arg9 : memref<16x1024xf32, #tpu.memory_space<vmem>>) target_semaphore(%arg15 : memref<!tpu.dma_semaphore, #tpu.memory_space<semaphore_mem>>)
    %dma_start3A_433 = arith.constant 224 : i32
    %dma_start3A_434 = tpu.memref_slice %arg6[%dma_start3A_433] : memref<512xi32, #tpu.memory_space<vmem>> -> memref<16xi32, #tpu.memory_space<vmem>>
    %dma_start3A_435 = arith.constant 0 : i32
    %dma_start3A_436 = arith.constant 0 : i32
    %dma_start3A_437 = tpu.memref_slice %arg4[%dma_start3A_435, %dma_start3A_436] : memref<4096x1024xf32, #tpu.memory_space<hbm>> -> memref<4096x1024xf32, #tpu.memory_space<hbm>>
    tpu.enqueue_indirect_dma source(%dma_start3A_437 : memref<4096x1024xf32, #tpu.memory_space<hbm>>) target(%arg12 : memref<16x1024xf32, #tpu.memory_space<vmem>>) offsets(%dma_start3A_434 : memref<16xi32, #tpu.memory_space<vmem>>) semaphore(%arg18 : memref<!tpu.dma_semaphore, #tpu.memory_space<semaphore_mem>>)
    %parallel_loop3A_438 = arith.constant 0 : i32
    %parallel_loop3A_439 = arith.constant 1024 : i32
    %parallel_loop3A_440 = arith.constant 1 : i32
    scf.for %parallel_loop3A_1056 = %parallel_loop3A_438 to %parallel_loop3A_439 step %parallel_loop3A_440  : i32 {
      %parallel_loop3A_1057 = arith.constant 6 : i32
      %parallel_loop3A_1058 = arith.shrui %parallel_loop3A_1056, %parallel_loop3A_1057 : i32
      %parallel_loop3A_1059 = arith.constant 63 : i32
      %parallel_loop3A_1060 = arith.andi %parallel_loop3A_1056, %parallel_loop3A_1059 : i32
      %parallel_loop3A_1061 = arith.constant 4 : i32
      %parallel_loop3A_1062 = arith.shli %parallel_loop3A_1060, %parallel_loop3A_1061 : i32
      %parallel_loop3A_1063 = tpu.assume_multiple %parallel_loop3A_1062, 16 : i32
      %parallel_loop3A_1064 = arith.index_cast %parallel_loop3A_1058 : i32 to index
      %parallel_loop3A_1065 = arith.index_cast %parallel_loop3A_1063 : i32 to index
      %parallel_loop3A_1066 = tpu.vector_load %arg7[%parallel_loop3A_1064, %parallel_loop3A_1065] {strides = array<i32>} : memref<16x1024xf32, #tpu.memory_space<vmem>>, vector<1x16xf32>,
      %parallel_loop3A_1067 = vector.shape_cast %parallel_loop3A_1066 : vector<1x16xf32> to vector<16xf32>
      %parallel_loop3A_1068 = arith.index_cast %parallel_loop3A_1058 : i32 to index
      %parallel_loop3A_1069 = arith.index_cast %parallel_loop3A_1063 : i32 to index
      %parallel_loop3A_1070 = tpu.vector_load %arg10[%parallel_loop3A_1068, %parallel_loop3A_1069] {strides = array<i32>} : memref<16x1024xf32, #tpu.memory_space<vmem>>, vector<1x16xf32>,
      %parallel_loop3A_1071 = vector.shape_cast %parallel_loop3A_1070 : vector<1x16xf32> to vector<16xf32>
      %parallel_loop3A_1072 = arith.addf %parallel_loop3A_1067, %parallel_loop3A_1071 : vector<16xf32>
      %parallel_loop3A_1073 = arith.index_cast %parallel_loop3A_1058 : i32 to index
      %parallel_loop3A_1074 = arith.index_cast %parallel_loop3A_1063 : i32 to index
      %parallel_loop3A_1075 = tpu.vector_load %arg7[%parallel_loop3A_1073, %parallel_loop3A_1074] {strides = array<i32>} : memref<16x1024xf32, #tpu.memory_space<vmem>>, vector<1x16xf32>,
      %parallel_loop3A_1076 = vector.shape_cast %parallel_loop3A_1075 : vector<1x16xf32> to vector<16xf32>
      %parallel_loop3A_1077 = vector.shape_cast %parallel_loop3A_1072 : vector<16xf32> to vector<1x16xf32>
      tpu.vector_store %arg7[%parallel_loop3A_1073, %parallel_loop3A_1074], %parallel_loop3A_1077 {strides = array<i32>} : memref<16x1024xf32, #tpu.memory_space<vmem>>, vector<1x16xf32>,
    } {sc.loop_unroll_factor = 8 : i64, sc.parallel_access}
    %add3A_441 = arith.constant 192 : i32
    %add3A_442 = arith.addi %mul3A_2, %add3A_441 : i32
    %dma_start3A_443 = arith.constant 0 : i32
    %dma_start3A_444 = tpu.memref_slice %arg5[%add3A_442, %dma_start3A_443] : memref<16384x1024xf32, #tpu.memory_space<hbm>> -> memref<16x1024xf32, #tpu.memory_space<hbm>>
    %dma_start3A_445 = arith.constant 0 : i32
    %dma_start3A_446 = tpu.memref_slice %arg5[%add3A_442, %dma_start3A_445] : memref<16384x1024xf32, #tpu.memory_space<hbm>> -> memref<16x1024xf32, #tpu.memory_space<hbm>>
    tpu.enqueue_dma source(%arg7 : memref<16x1024xf32, #tpu.memory_space<vmem>>) target(%dma_start3A_446 : memref<16x1024xf32, #tpu.memory_space<hbm>>) target_semaphore(%arg19 : memref<!tpu.dma_semaphore, #tpu.memory_space<semaphore_mem>>)
    %dma_wait3A_447 = arith.constant 0 : i32
    %dma_wait3A_448 = tpu.memref_slice %arg2[%add3A_395, %dma_wait3A_447] : memref<16384x1024xf32, #tpu.memory_space<hbm>> -> memref<16x1024xf32, #tpu.memory_space<hbm>>
    %dma_wait3A_449 = arith.constant 0 : i32
    %dma_wait3A_450 = tpu.memref_slice %arg2[%add3A_395, %dma_wait3A_449] : memref<16384x1024xf32, #tpu.memory_space<hbm>> -> memref<16x1024xf32, #tpu.memory_space<hbm>>
    tpu.wait_dma2 semaphore(%arg14 : memref<!tpu.dma_semaphore, #tpu.memory_space<semaphore_mem>>) src(%dma_wait3A_450 : memref<16x1024xf32, #tpu.memory_space<hbm>>) dst(%arg8 : memref<16x1024xf32, #tpu.memory_space<vmem>>)
    %dma_wait3A_451 = arith.constant 208 : i32
    %dma_wait3A_452 = tpu.memref_slice %arg6[%dma_wait3A_451] : memref<512xi32, #tpu.memory_space<vmem>> -> memref<16xi32, #tpu.memory_space<vmem>>
    %dma_wait3A_453 = arith.constant 0 : i32
    %dma_wait3A_454 = arith.constant 0 : i32
    %dma_wait3A_455 = tpu.memref_slice %arg4[%dma_wait3A_453, %dma_wait3A_454] : memref<4096x1024xf32, #tpu.memory_space<hbm>> -> memref<4096x1024xf32, #tpu.memory_space<hbm>>
    tpu.wait_indirect_dma semaphore(%arg17 : memref<!tpu.dma_semaphore, #tpu.memory_space<semaphore_mem>>) src(%dma_wait3A_455 : memref<4096x1024xf32, #tpu.memory_space<hbm>>) dst(%arg11 : memref<16x1024xf32, #tpu.memory_space<vmem>>)
    %dma_wait3A_456 = arith.constant 0 : i32
    %dma_wait3A_457 = tpu.memref_slice %arg5[%add3A_442, %dma_wait3A_456] : memref<16384x1024xf32, #tpu.memory_space<hbm>> -> memref<16x1024xf32, #tpu.memory_space<hbm>>
    %dma_wait3A_458 = arith.constant 0 : i32
    %dma_wait3A_459 = tpu.memref_slice %arg5[%add3A_442, %dma_wait3A_458] : memref<16384x1024xf32, #tpu.memory_space<hbm>> -> memref<16x1024xf32, #tpu.memory_space<hbm>>
    tpu.wait_dma2 semaphore(%arg19 : memref<!tpu.dma_semaphore, #tpu.memory_space<semaphore_mem>>) src(%arg7 : memref<16x1024xf32, #tpu.memory_space<vmem>>) dst(%dma_wait3A_459 : memref<16x1024xf32, #tpu.memory_space<hbm>>)
    %add3A_460 = arith.constant 240 : i32
    %add3A_461 = arith.addi %mul3A_2, %add3A_460 : i32
    %dma_start3A_462 = arith.constant 0 : i32
    %dma_start3A_463 = tpu.memref_slice %arg2[%add3A_461, %dma_start3A_462] : memref<16384x1024xf32, #tpu.memory_space<hbm>> -> memref<16x1024xf32, #tpu.memory_space<hbm>>
    %dma_start3A_464 = arith.constant 0 : i32
    %dma_start3A_465 = tpu.memref_slice %arg2[%add3A_461, %dma_start3A_464] : memref<16384x1024xf32, #tpu.memory_space<hbm>> -> memref<16x1024xf32, #tpu.memory_space<hbm>>
    tpu.enqueue_dma source(%dma_start3A_465 : memref<16x1024xf32, #tpu.memory_space<hbm>>) target(%arg7 : memref<16x1024xf32, #tpu.memory_space<vmem>>) target_semaphore(%arg13 : memref<!tpu.dma_semaphore, #tpu.memory_space<semaphore_mem>>)
    %dma_start3A_466 = arith.constant 240 : i32
    %dma_start3A_467 = tpu.memref_slice %arg6[%dma_start3A_466] : memref<512xi32, #tpu.memory_space<vmem>> -> memref<16xi32, #tpu.memory_space<vmem>>
    %dma_start3A_468 = arith.constant 0 : i32
    %dma_start3A_469 = arith.constant 0 : i32
    %dma_start3A_470 = tpu.memref_slice %arg4[%dma_start3A_468, %dma_start3A_469] : memref<4096x1024xf32, #tpu.memory_space<hbm>> -> memref<4096x1024xf32, #tpu.memory_space<hbm>>
    tpu.enqueue_indirect_dma source(%dma_start3A_470 : memref<4096x1024xf32, #tpu.memory_space<hbm>>) target(%arg10 : memref<16x1024xf32, #tpu.memory_space<vmem>>) offsets(%dma_start3A_467 : memref<16xi32, #tpu.memory_space<vmem>>) semaphore(%arg16 : memref<!tpu.dma_semaphore, #tpu.memory_space<semaphore_mem>>)
    %parallel_loop3A_471 = arith.constant 0 : i32
    %parallel_loop3A_472 = arith.constant 1024 : i32
    %parallel_loop3A_473 = arith.constant 1 : i32
    scf.for %parallel_loop3A_1056 = %parallel_loop3A_471 to %parallel_loop3A_472 step %parallel_loop3A_473  : i32 {
      %parallel_loop3A_1057 = arith.constant 6 : i32
      %parallel_loop3A_1058 = arith.shrui %parallel_loop3A_1056, %parallel_loop3A_1057 : i32
      %parallel_loop3A_1059 = arith.constant 63 : i32
      %parallel_loop3A_1060 = arith.andi %parallel_loop3A_1056, %parallel_loop3A_1059 : i32
      %parallel_loop3A_1061 = arith.constant 4 : i32
      %parallel_loop3A_1062 = arith.shli %parallel_loop3A_1060, %parallel_loop3A_1061 : i32
      %parallel_loop3A_1063 = tpu.assume_multiple %parallel_loop3A_1062, 16 : i32
      %parallel_loop3A_1064 = arith.index_cast %parallel_loop3A_1058 : i32 to index
      %parallel_loop3A_1065 = arith.index_cast %parallel_loop3A_1063 : i32 to index
      %parallel_loop3A_1066 = tpu.vector_load %arg8[%parallel_loop3A_1064, %parallel_loop3A_1065] {strides = array<i32>} : memref<16x1024xf32, #tpu.memory_space<vmem>>, vector<1x16xf32>,
      %parallel_loop3A_1067 = vector.shape_cast %parallel_loop3A_1066 : vector<1x16xf32> to vector<16xf32>
      %parallel_loop3A_1068 = arith.index_cast %parallel_loop3A_1058 : i32 to index
      %parallel_loop3A_1069 = arith.index_cast %parallel_loop3A_1063 : i32 to index
      %parallel_loop3A_1070 = tpu.vector_load %arg11[%parallel_loop3A_1068, %parallel_loop3A_1069] {strides = array<i32>} : memref<16x1024xf32, #tpu.memory_space<vmem>>, vector<1x16xf32>,
      %parallel_loop3A_1071 = vector.shape_cast %parallel_loop3A_1070 : vector<1x16xf32> to vector<16xf32>
      %parallel_loop3A_1072 = arith.addf %parallel_loop3A_1067, %parallel_loop3A_1071 : vector<16xf32>
      %parallel_loop3A_1073 = arith.index_cast %parallel_loop3A_1058 : i32 to index
      %parallel_loop3A_1074 = arith.index_cast %parallel_loop3A_1063 : i32 to index
      %parallel_loop3A_1075 = tpu.vector_load %arg8[%parallel_loop3A_1073, %parallel_loop3A_1074] {strides = array<i32>} : memref<16x1024xf32, #tpu.memory_space<vmem>>, vector<1x16xf32>,
      %parallel_loop3A_1076 = vector.shape_cast %parallel_loop3A_1075 : vector<1x16xf32> to vector<16xf32>
      %parallel_loop3A_1077 = vector.shape_cast %parallel_loop3A_1072 : vector<16xf32> to vector<1x16xf32>
      tpu.vector_store %arg8[%parallel_loop3A_1073, %parallel_loop3A_1074], %parallel_loop3A_1077 {strides = array<i32>} : memref<16x1024xf32, #tpu.memory_space<vmem>>, vector<1x16xf32>,
    } {sc.loop_unroll_factor = 8 : i64, sc.parallel_access}
    %add3A_474 = arith.constant 208 : i32
    %add3A_475 = arith.addi %mul3A_2, %add3A_474 : i32
    %dma_start3A_476 = arith.constant 0 : i32
    %dma_start3A_477 = tpu.memref_slice %arg5[%add3A_475, %dma_start3A_476] : memref<16384x1024xf32, #tpu.memory_space<hbm>> -> memref<16x1024xf32, #tpu.memory_space<hbm>>
    %dma_start3A_478 = arith.constant 0 : i32
    %dma_start3A_479 = tpu.memref_slice %arg5[%add3A_475, %dma_start3A_478] : memref<16384x1024xf32, #tpu.memory_space<hbm>> -> memref<16x1024xf32, #tpu.memory_space<hbm>>
    tpu.enqueue_dma source(%arg8 : memref<16x1024xf32, #tpu.memory_space<vmem>>) target(%dma_start3A_479 : memref<16x1024xf32, #tpu.memory_space<hbm>>) target_semaphore(%arg20 : memref<!tpu.dma_semaphore, #tpu.memory_space<semaphore_mem>>)
    %dma_wait3A_480 = arith.constant 0 : i32
    %dma_wait3A_481 = tpu.memref_slice %arg2[%add3A_428, %dma_wait3A_480] : memref<16384x1024xf32, #tpu.memory_space<hbm>> -> memref<16x1024xf32, #tpu.memory_space<hbm>>
    %dma_wait3A_482 = arith.constant 0 : i32
    %dma_wait3A_483 = tpu.memref_slice %arg2[%add3A_428, %dma_wait3A_482] : memref<16384x1024xf32, #tpu.memory_space<hbm>> -> memref<16x1024xf32, #tpu.memory_space<hbm>>
    tpu.wait_dma2 semaphore(%arg15 : memref<!tpu.dma_semaphore, #tpu.memory_space<semaphore_mem>>) src(%dma_wait3A_483 : memref<16x1024xf32, #tpu.memory_space<hbm>>) dst(%arg9 : memref<16x1024xf32, #tpu.memory_space<vmem>>)
    %dma_wait3A_484 = arith.constant 224 : i32
    %dma_wait3A_485 = tpu.memref_slice %arg6[%dma_wait3A_484] : memref<512xi32, #tpu.memory_space<vmem>> -> memref<16xi32, #tpu.memory_space<vmem>>
    %dma_wait3A_486 = arith.constant 0 : i32
    %dma_wait3A_487 = arith.constant 0 : i32
    %dma_wait3A_488 = tpu.memref_slice %arg4[%dma_wait3A_486, %dma_wait3A_487] : memref<4096x1024xf32, #tpu.memory_space<hbm>> -> memref<4096x1024xf32, #tpu.memory_space<hbm>>
    tpu.wait_indirect_dma semaphore(%arg18 : memref<!tpu.dma_semaphore, #tpu.memory_space<semaphore_mem>>) src(%dma_wait3A_488 : memref<4096x1024xf32, #tpu.memory_space<hbm>>) dst(%arg12 : memref<16x1024xf32, #tpu.memory_space<vmem>>)
    %dma_wait3A_489 = arith.constant 0 : i32
    %dma_wait3A_490 = tpu.memref_slice %arg5[%add3A_475, %dma_wait3A_489] : memref<16384x1024xf32, #tpu.memory_space<hbm>> -> memref<16x1024xf32, #tpu.memory_space<hbm>>
    %dma_wait3A_491 = arith.constant 0 : i32
    %dma_wait3A_492 = tpu.memref_slice %arg5[%add3A_475, %dma_wait3A_491] : memref<16384x1024xf32, #tpu.memory_space<hbm>> -> memref<16x1024xf32, #tpu.memory_space<hbm>>
    tpu.wait_dma2 semaphore(%arg20 : memref<!tpu.dma_semaphore, #tpu.memory_space<semaphore_mem>>) src(%arg8 : memref<16x1024xf32, #tpu.memory_space<vmem>>) dst(%dma_wait3A_492 : memref<16x1024xf32, #tpu.memory_space<hbm>>)
    %add3A_493 = arith.constant 256 : i32
    %add3A_494 = arith.addi %mul3A_2, %add3A_493 : i32
    %dma_start3A_495 = arith.constant 0 : i32
    %dma_start3A_496 = tpu.memref_slice %arg2[%add3A_494, %dma_start3A_495] : memref<16384x1024xf32, #tpu.memory_space<hbm>> -> memref<16x1024xf32, #tpu.memory_space<hbm>>
    %dma_start3A_497 = arith.constant 0 : i32
    %dma_start3A_498 = tpu.memref_slice %arg2[%add3A_494, %dma_start3A_497] : memref<16384x1024xf32, #tpu.memory_space<hbm>> -> memref<16x1024xf32, #tpu.memory_space<hbm>>
    tpu.enqueue_dma source(%dma_start3A_498 : memref<16x1024xf32, #tpu.memory_space<hbm>>) target(%arg8 : memref<16x1024xf32, #tpu.memory_space<vmem>>) target_semaphore(%arg14 : memref<!tpu.dma_semaphore, #tpu.memory_space<semaphore_mem>>)
    %dma_start3A_499 = arith.constant 256 : i32
    %dma_start3A_500 = tpu.memref_slice %arg6[%dma_start3A_499] : memref<512xi32, #tpu.memory_space<vmem>> -> memref<16xi32, #tpu.memory_space<vmem>>
    %dma_start3A_501 = arith.constant 0 : i32
    %dma_start3A_502 = arith.constant 0 : i32
    %dma_start3A_503 = tpu.memref_slice %arg4[%dma_start3A_501, %dma_start3A_502] : memref<4096x1024xf32, #tpu.memory_space<hbm>> -> memref<4096x1024xf32, #tpu.memory_space<hbm>>
    tpu.enqueue_indirect_dma source(%dma_start3A_503 : memref<4096x1024xf32, #tpu.memory_space<hbm>>) target(%arg11 : memref<16x1024xf32, #tpu.memory_space<vmem>>) offsets(%dma_start3A_500 : memref<16xi32, #tpu.memory_space<vmem>>) semaphore(%arg17 : memref<!tpu.dma_semaphore, #tpu.memory_space<semaphore_mem>>)
    %parallel_loop3A_504 = arith.constant 0 : i32
    %parallel_loop3A_505 = arith.constant 1024 : i32
    %parallel_loop3A_506 = arith.constant 1 : i32
    scf.for %parallel_loop3A_1056 = %parallel_loop3A_504 to %parallel_loop3A_505 step %parallel_loop3A_506  : i32 {
      %parallel_loop3A_1057 = arith.constant 6 : i32
      %parallel_loop3A_1058 = arith.shrui %parallel_loop3A_1056, %parallel_loop3A_1057 : i32
      %parallel_loop3A_1059 = arith.constant 63 : i32
      %parallel_loop3A_1060 = arith.andi %parallel_loop3A_1056, %parallel_loop3A_1059 : i32
      %parallel_loop3A_1061 = arith.constant 4 : i32
      %parallel_loop3A_1062 = arith.shli %parallel_loop3A_1060, %parallel_loop3A_1061 : i32
      %parallel_loop3A_1063 = tpu.assume_multiple %parallel_loop3A_1062, 16 : i32
      %parallel_loop3A_1064 = arith.index_cast %parallel_loop3A_1058 : i32 to index
      %parallel_loop3A_1065 = arith.index_cast %parallel_loop3A_1063 : i32 to index
      %parallel_loop3A_1066 = tpu.vector_load %arg9[%parallel_loop3A_1064, %parallel_loop3A_1065] {strides = array<i32>} : memref<16x1024xf32, #tpu.memory_space<vmem>>, vector<1x16xf32>,
      %parallel_loop3A_1067 = vector.shape_cast %parallel_loop3A_1066 : vector<1x16xf32> to vector<16xf32>
      %parallel_loop3A_1068 = arith.index_cast %parallel_loop3A_1058 : i32 to index
      %parallel_loop3A_1069 = arith.index_cast %parallel_loop3A_1063 : i32 to index
      %parallel_loop3A_1070 = tpu.vector_load %arg12[%parallel_loop3A_1068, %parallel_loop3A_1069] {strides = array<i32>} : memref<16x1024xf32, #tpu.memory_space<vmem>>, vector<1x16xf32>,
      %parallel_loop3A_1071 = vector.shape_cast %parallel_loop3A_1070 : vector<1x16xf32> to vector<16xf32>
      %parallel_loop3A_1072 = arith.addf %parallel_loop3A_1067, %parallel_loop3A_1071 : vector<16xf32>
      %parallel_loop3A_1073 = arith.index_cast %parallel_loop3A_1058 : i32 to index
      %parallel_loop3A_1074 = arith.index_cast %parallel_loop3A_1063 : i32 to index
      %parallel_loop3A_1075 = tpu.vector_load %arg9[%parallel_loop3A_1073, %parallel_loop3A_1074] {strides = array<i32>} : memref<16x1024xf32, #tpu.memory_space<vmem>>, vector<1x16xf32>,
      %parallel_loop3A_1076 = vector.shape_cast %parallel_loop3A_1075 : vector<1x16xf32> to vector<16xf32>
      %parallel_loop3A_1077 = vector.shape_cast %parallel_loop3A_1072 : vector<16xf32> to vector<1x16xf32>
      tpu.vector_store %arg9[%parallel_loop3A_1073, %parallel_loop3A_1074], %parallel_loop3A_1077 {strides = array<i32>} : memref<16x1024xf32, #tpu.memory_space<vmem>>, vector<1x16xf32>,
    } {sc.loop_unroll_factor = 8 : i64, sc.parallel_access}
    %add3A_507 = arith.constant 224 : i32
    %add3A_508 = arith.addi %mul3A_2, %add3A_507 : i32
    %dma_start3A_509 = arith.constant 0 : i32
    %dma_start3A_510 = tpu.memref_slice %arg5[%add3A_508, %dma_start3A_509] : memref<16384x1024xf32, #tpu.memory_space<hbm>> -> memref<16x1024xf32, #tpu.memory_space<hbm>>
    %dma_start3A_511 = arith.constant 0 : i32
    %dma_start3A_512 = tpu.memref_slice %arg5[%add3A_508, %dma_start3A_511] : memref<16384x1024xf32, #tpu.memory_space<hbm>> -> memref<16x1024xf32, #tpu.memory_space<hbm>>
    tpu.enqueue_dma source(%arg9 : memref<16x1024xf32, #tpu.memory_space<vmem>>) target(%dma_start3A_512 : memref<16x1024xf32, #tpu.memory_space<hbm>>) target_semaphore(%arg21 : memref<!tpu.dma_semaphore, #tpu.memory_space<semaphore_mem>>)
    %dma_wait3A_513 = arith.constant 0 : i32
    %dma_wait3A_514 = tpu.memref_slice %arg2[%add3A_461, %dma_wait3A_513] : memref<16384x1024xf32, #tpu.memory_space<hbm>> -> memref<16x1024xf32, #tpu.memory_space<hbm>>
    %dma_wait3A_515 = arith.constant 0 : i32
    %dma_wait3A_516 = tpu.memref_slice %arg2[%add3A_461, %dma_wait3A_515] : memref<16384x1024xf32, #tpu.memory_space<hbm>> -> memref<16x1024xf32, #tpu.memory_space<hbm>>
    tpu.wait_dma2 semaphore(%arg13 : memref<!tpu.dma_semaphore, #tpu.memory_space<semaphore_mem>>) src(%dma_wait3A_516 : memref<16x1024xf32, #tpu.memory_space<hbm>>) dst(%arg7 : memref<16x1024xf32, #tpu.memory_space<vmem>>)
    %dma_wait3A_517 = arith.constant 240 : i32
    %dma_wait3A_518 = tpu.memref_slice %arg6[%dma_wait3A_517] : memref<512xi32, #tpu.memory_space<vmem>> -> memref<16xi32, #tpu.memory_space<vmem>>
    %dma_wait3A_519 = arith.constant 0 : i32
    %dma_wait3A_520 = arith.constant 0 : i32
    %dma_wait3A_521 = tpu.memref_slice %arg4[%dma_wait3A_519, %dma_wait3A_520] : memref<4096x1024xf32, #tpu.memory_space<hbm>> -> memref<4096x1024xf32, #tpu.memory_space<hbm>>
    tpu.wait_indirect_dma semaphore(%arg16 : memref<!tpu.dma_semaphore, #tpu.memory_space<semaphore_mem>>) src(%dma_wait3A_521 : memref<4096x1024xf32, #tpu.memory_space<hbm>>) dst(%arg10 : memref<16x1024xf32, #tpu.memory_space<vmem>>)
    %dma_wait3A_522 = arith.constant 0 : i32
    %dma_wait3A_523 = tpu.memref_slice %arg5[%add3A_508, %dma_wait3A_522] : memref<16384x1024xf32, #tpu.memory_space<hbm>> -> memref<16x1024xf32, #tpu.memory_space<hbm>>
    %dma_wait3A_524 = arith.constant 0 : i32
    %dma_wait3A_525 = tpu.memref_slice %arg5[%add3A_508, %dma_wait3A_524] : memref<16384x1024xf32, #tpu.memory_space<hbm>> -> memref<16x1024xf32, #tpu.memory_space<hbm>>
    tpu.wait_dma2 semaphore(%arg21 : memref<!tpu.dma_semaphore, #tpu.memory_space<semaphore_mem>>) src(%arg9 : memref<16x1024xf32, #tpu.memory_space<vmem>>) dst(%dma_wait3A_525 : memref<16x1024xf32, #tpu.memory_space<hbm>>)
    %add3A_526 = arith.constant 272 : i32
    %add3A_527 = arith.addi %mul3A_2, %add3A_526 : i32
    %dma_start3A_528 = arith.constant 0 : i32
    %dma_start3A_529 = tpu.memref_slice %arg2[%add3A_527, %dma_start3A_528] : memref<16384x1024xf32, #tpu.memory_space<hbm>> -> memref<16x1024xf32, #tpu.memory_space<hbm>>
    %dma_start3A_530 = arith.constant 0 : i32
    %dma_start3A_531 = tpu.memref_slice %arg2[%add3A_527, %dma_start3A_530] : memref<16384x1024xf32, #tpu.memory_space<hbm>> -> memref<16x1024xf32, #tpu.memory_space<hbm>>
    tpu.enqueue_dma source(%dma_start3A_531 : memref<16x1024xf32, #tpu.memory_space<hbm>>) target(%arg9 : memref<16x1024xf32, #tpu.memory_space<vmem>>) target_semaphore(%arg15 : memref<!tpu.dma_semaphore, #tpu.memory_space<semaphore_mem>>)
    %dma_start3A_532 = arith.constant 272 : i32
    %dma_start3A_533 = tpu.memref_slice %arg6[%dma_start3A_532] : memref<512xi32, #tpu.memory_space<vmem>> -> memref<16xi32, #tpu.memory_space<vmem>>
    %dma_start3A_534 = arith.constant 0 : i32
    %dma_start3A_535 = arith.constant 0 : i32
    %dma_start3A_536 = tpu.memref_slice %arg4[%dma_start3A_534, %dma_start3A_535] : memref<4096x1024xf32, #tpu.memory_space<hbm>> -> memref<4096x1024xf32, #tpu.memory_space<hbm>>
    tpu.enqueue_indirect_dma source(%dma_start3A_536 : memref<4096x1024xf32, #tpu.memory_space<hbm>>) target(%arg12 : memref<16x1024xf32, #tpu.memory_space<vmem>>) offsets(%dma_start3A_533 : memref<16xi32, #tpu.memory_space<vmem>>) semaphore(%arg18 : memref<!tpu.dma_semaphore, #tpu.memory_space<semaphore_mem>>)
    %parallel_loop3A_537 = arith.constant 0 : i32
    %parallel_loop3A_538 = arith.constant 1024 : i32
    %parallel_loop3A_539 = arith.constant 1 : i32
    scf.for %parallel_loop3A_1056 = %parallel_loop3A_537 to %parallel_loop3A_538 step %parallel_loop3A_539  : i32 {
      %parallel_loop3A_1057 = arith.constant 6 : i32
      %parallel_loop3A_1058 = arith.shrui %parallel_loop3A_1056, %parallel_loop3A_1057 : i32
      %parallel_loop3A_1059 = arith.constant 63 : i32
      %parallel_loop3A_1060 = arith.andi %parallel_loop3A_1056, %parallel_loop3A_1059 : i32
      %parallel_loop3A_1061 = arith.constant 4 : i32
      %parallel_loop3A_1062 = arith.shli %parallel_loop3A_1060, %parallel_loop3A_1061 : i32
      %parallel_loop3A_1063 = tpu.assume_multiple %parallel_loop3A_1062, 16 : i32
      %parallel_loop3A_1064 = arith.index_cast %parallel_loop3A_1058 : i32 to index
      %parallel_loop3A_1065 = arith.index_cast %parallel_loop3A_1063 : i32 to index
      %parallel_loop3A_1066 = tpu.vector_load %arg7[%parallel_loop3A_1064, %parallel_loop3A_1065] {strides = array<i32>} : memref<16x1024xf32, #tpu.memory_space<vmem>>, vector<1x16xf32>,
      %parallel_loop3A_1067 = vector.shape_cast %parallel_loop3A_1066 : vector<1x16xf32> to vector<16xf32>
      %parallel_loop3A_1068 = arith.index_cast %parallel_loop3A_1058 : i32 to index
      %parallel_loop3A_1069 = arith.index_cast %parallel_loop3A_1063 : i32 to index
      %parallel_loop3A_1070 = tpu.vector_load %arg10[%parallel_loop3A_1068, %parallel_loop3A_1069] {strides = array<i32>} : memref<16x1024xf32, #tpu.memory_space<vmem>>, vector<1x16xf32>,
      %parallel_loop3A_1071 = vector.shape_cast %parallel_loop3A_1070 : vector<1x16xf32> to vector<16xf32>
      %parallel_loop3A_1072 = arith.addf %parallel_loop3A_1067, %parallel_loop3A_1071 : vector<16xf32>
      %parallel_loop3A_1073 = arith.index_cast %parallel_loop3A_1058 : i32 to index
      %parallel_loop3A_1074 = arith.index_cast %parallel_loop3A_1063 : i32 to index
      %parallel_loop3A_1075 = tpu.vector_load %arg7[%parallel_loop3A_1073, %parallel_loop3A_1074] {strides = array<i32>} : memref<16x1024xf32, #tpu.memory_space<vmem>>, vector<1x16xf32>,
      %parallel_loop3A_1076 = vector.shape_cast %parallel_loop3A_1075 : vector<1x16xf32> to vector<16xf32>
      %parallel_loop3A_1077 = vector.shape_cast %parallel_loop3A_1072 : vector<16xf32> to vector<1x16xf32>
      tpu.vector_store %arg7[%parallel_loop3A_1073, %parallel_loop3A_1074], %parallel_loop3A_1077 {strides = array<i32>} : memref<16x1024xf32, #tpu.memory_space<vmem>>, vector<1x16xf32>,
    } {sc.loop_unroll_factor = 8 : i64, sc.parallel_access}
    %add3A_540 = arith.constant 240 : i32
    %add3A_541 = arith.addi %mul3A_2, %add3A_540 : i32
    %dma_start3A_542 = arith.constant 0 : i32
    %dma_start3A_543 = tpu.memref_slice %arg5[%add3A_541, %dma_start3A_542] : memref<16384x1024xf32, #tpu.memory_space<hbm>> -> memref<16x1024xf32, #tpu.memory_space<hbm>>
    %dma_start3A_544 = arith.constant 0 : i32
    %dma_start3A_545 = tpu.memref_slice %arg5[%add3A_541, %dma_start3A_544] : memref<16384x1024xf32, #tpu.memory_space<hbm>> -> memref<16x1024xf32, #tpu.memory_space<hbm>>
    tpu.enqueue_dma source(%arg7 : memref<16x1024xf32, #tpu.memory_space<vmem>>) target(%dma_start3A_545 : memref<16x1024xf32, #tpu.memory_space<hbm>>) target_semaphore(%arg19 : memref<!tpu.dma_semaphore, #tpu.memory_space<semaphore_mem>>)
    %dma_wait3A_546 = arith.constant 0 : i32
    %dma_wait3A_547 = tpu.memref_slice %arg2[%add3A_494, %dma_wait3A_546] : memref<16384x1024xf32, #tpu.memory_space<hbm>> -> memref<16x1024xf32, #tpu.memory_space<hbm>>
    %dma_wait3A_548 = arith.constant 0 : i32
    %dma_wait3A_549 = tpu.memref_slice %arg2[%add3A_494, %dma_wait3A_548] : memref<16384x1024xf32, #tpu.memory_space<hbm>> -> memref<16x1024xf32, #tpu.memory_space<hbm>>
    tpu.wait_dma2 semaphore(%arg14 : memref<!tpu.dma_semaphore, #tpu.memory_space<semaphore_mem>>) src(%dma_wait3A_549 : memref<16x1024xf32, #tpu.memory_space<hbm>>) dst(%arg8 : memref<16x1024xf32, #tpu.memory_space<vmem>>)
    %dma_wait3A_550 = arith.constant 256 : i32
    %dma_wait3A_551 = tpu.memref_slice %arg6[%dma_wait3A_550] : memref<512xi32, #tpu.memory_space<vmem>> -> memref<16xi32, #tpu.memory_space<vmem>>
    %dma_wait3A_552 = arith.constant 0 : i32
    %dma_wait3A_553 = arith.constant 0 : i32
    %dma_wait3A_554 = tpu.memref_slice %arg4[%dma_wait3A_552, %dma_wait3A_553] : memref<4096x1024xf32, #tpu.memory_space<hbm>> -> memref<4096x1024xf32, #tpu.memory_space<hbm>>
    tpu.wait_indirect_dma semaphore(%arg17 : memref<!tpu.dma_semaphore, #tpu.memory_space<semaphore_mem>>) src(%dma_wait3A_554 : memref<4096x1024xf32, #tpu.memory_space<hbm>>) dst(%arg11 : memref<16x1024xf32, #tpu.memory_space<vmem>>)
    %dma_wait3A_555 = arith.constant 0 : i32
    %dma_wait3A_556 = tpu.memref_slice %arg5[%add3A_541, %dma_wait3A_555] : memref<16384x1024xf32, #tpu.memory_space<hbm>> -> memref<16x1024xf32, #tpu.memory_space<hbm>>
    %dma_wait3A_557 = arith.constant 0 : i32
    %dma_wait3A_558 = tpu.memref_slice %arg5[%add3A_541, %dma_wait3A_557] : memref<16384x1024xf32, #tpu.memory_space<hbm>> -> memref<16x1024xf32, #tpu.memory_space<hbm>>
    tpu.wait_dma2 semaphore(%arg19 : memref<!tpu.dma_semaphore, #tpu.memory_space<semaphore_mem>>) src(%arg7 : memref<16x1024xf32, #tpu.memory_space<vmem>>) dst(%dma_wait3A_558 : memref<16x1024xf32, #tpu.memory_space<hbm>>)
    %add3A_559 = arith.constant 288 : i32
    %add3A_560 = arith.addi %mul3A_2, %add3A_559 : i32
    %dma_start3A_561 = arith.constant 0 : i32
    %dma_start3A_562 = tpu.memref_slice %arg2[%add3A_560, %dma_start3A_561] : memref<16384x1024xf32, #tpu.memory_space<hbm>> -> memref<16x1024xf32, #tpu.memory_space<hbm>>
    %dma_start3A_563 = arith.constant 0 : i32
    %dma_start3A_564 = tpu.memref_slice %arg2[%add3A_560, %dma_start3A_563] : memref<16384x1024xf32, #tpu.memory_space<hbm>> -> memref<16x1024xf32, #tpu.memory_space<hbm>>
    tpu.enqueue_dma source(%dma_start3A_564 : memref<16x1024xf32, #tpu.memory_space<hbm>>) target(%arg7 : memref<16x1024xf32, #tpu.memory_space<vmem>>) target_semaphore(%arg13 : memref<!tpu.dma_semaphore, #tpu.memory_space<semaphore_mem>>)
    %dma_start3A_565 = arith.constant 288 : i32
    %dma_start3A_566 = tpu.memref_slice %arg6[%dma_start3A_565] : memref<512xi32, #tpu.memory_space<vmem>> -> memref<16xi32, #tpu.memory_space<vmem>>
    %dma_start3A_567 = arith.constant 0 : i32
    %dma_start3A_568 = arith.constant 0 : i32
    %dma_start3A_569 = tpu.memref_slice %arg4[%dma_start3A_567, %dma_start3A_568] : memref<4096x1024xf32, #tpu.memory_space<hbm>> -> memref<4096x1024xf32, #tpu.memory_space<hbm>>
    tpu.enqueue_indirect_dma source(%dma_start3A_569 : memref<4096x1024xf32, #tpu.memory_space<hbm>>) target(%arg10 : memref<16x1024xf32, #tpu.memory_space<vmem>>) offsets(%dma_start3A_566 : memref<16xi32, #tpu.memory_space<vmem>>) semaphore(%arg16 : memref<!tpu.dma_semaphore, #tpu.memory_space<semaphore_mem>>)
    %parallel_loop3A_570 = arith.constant 0 : i32
    %parallel_loop3A_571 = arith.constant 1024 : i32
    %parallel_loop3A_572 = arith.constant 1 : i32
    scf.for %parallel_loop3A_1056 = %parallel_loop3A_570 to %parallel_loop3A_571 step %parallel_loop3A_572  : i32 {
      %parallel_loop3A_1057 = arith.constant 6 : i32
      %parallel_loop3A_1058 = arith.shrui %parallel_loop3A_1056, %parallel_loop3A_1057 : i32
      %parallel_loop3A_1059 = arith.constant 63 : i32
      %parallel_loop3A_1060 = arith.andi %parallel_loop3A_1056, %parallel_loop3A_1059 : i32
      %parallel_loop3A_1061 = arith.constant 4 : i32
      %parallel_loop3A_1062 = arith.shli %parallel_loop3A_1060, %parallel_loop3A_1061 : i32
      %parallel_loop3A_1063 = tpu.assume_multiple %parallel_loop3A_1062, 16 : i32
      %parallel_loop3A_1064 = arith.index_cast %parallel_loop3A_1058 : i32 to index
      %parallel_loop3A_1065 = arith.index_cast %parallel_loop3A_1063 : i32 to index
      %parallel_loop3A_1066 = tpu.vector_load %arg8[%parallel_loop3A_1064, %parallel_loop3A_1065] {strides = array<i32>} : memref<16x1024xf32, #tpu.memory_space<vmem>>, vector<1x16xf32>,
      %parallel_loop3A_1067 = vector.shape_cast %parallel_loop3A_1066 : vector<1x16xf32> to vector<16xf32>
      %parallel_loop3A_1068 = arith.index_cast %parallel_loop3A_1058 : i32 to index
      %parallel_loop3A_1069 = arith.index_cast %parallel_loop3A_1063 : i32 to index
      %parallel_loop3A_1070 = tpu.vector_load %arg11[%parallel_loop3A_1068, %parallel_loop3A_1069] {strides = array<i32>} : memref<16x1024xf32, #tpu.memory_space<vmem>>, vector<1x16xf32>,
      %parallel_loop3A_1071 = vector.shape_cast %parallel_loop3A_1070 : vector<1x16xf32> to vector<16xf32>
      %parallel_loop3A_1072 = arith.addf %parallel_loop3A_1067, %parallel_loop3A_1071 : vector<16xf32>
      %parallel_loop3A_1073 = arith.index_cast %parallel_loop3A_1058 : i32 to index
      %parallel_loop3A_1074 = arith.index_cast %parallel_loop3A_1063 : i32 to index
      %parallel_loop3A_1075 = tpu.vector_load %arg8[%parallel_loop3A_1073, %parallel_loop3A_1074] {strides = array<i32>} : memref<16x1024xf32, #tpu.memory_space<vmem>>, vector<1x16xf32>,
      %parallel_loop3A_1076 = vector.shape_cast %parallel_loop3A_1075 : vector<1x16xf32> to vector<16xf32>
      %parallel_loop3A_1077 = vector.shape_cast %parallel_loop3A_1072 : vector<16xf32> to vector<1x16xf32>
      tpu.vector_store %arg8[%parallel_loop3A_1073, %parallel_loop3A_1074], %parallel_loop3A_1077 {strides = array<i32>} : memref<16x1024xf32, #tpu.memory_space<vmem>>, vector<1x16xf32>,
    } {sc.loop_unroll_factor = 8 : i64, sc.parallel_access}
    %add3A_573 = arith.constant 256 : i32
    %add3A_574 = arith.addi %mul3A_2, %add3A_573 : i32
    %dma_start3A_575 = arith.constant 0 : i32
    %dma_start3A_576 = tpu.memref_slice %arg5[%add3A_574, %dma_start3A_575] : memref<16384x1024xf32, #tpu.memory_space<hbm>> -> memref<16x1024xf32, #tpu.memory_space<hbm>>
    %dma_start3A_577 = arith.constant 0 : i32
    %dma_start3A_578 = tpu.memref_slice %arg5[%add3A_574, %dma_start3A_577] : memref<16384x1024xf32, #tpu.memory_space<hbm>> -> memref<16x1024xf32, #tpu.memory_space<hbm>>
    tpu.enqueue_dma source(%arg8 : memref<16x1024xf32, #tpu.memory_space<vmem>>) target(%dma_start3A_578 : memref<16x1024xf32, #tpu.memory_space<hbm>>) target_semaphore(%arg20 : memref<!tpu.dma_semaphore, #tpu.memory_space<semaphore_mem>>)
    %dma_wait3A_579 = arith.constant 0 : i32
    %dma_wait3A_580 = tpu.memref_slice %arg2[%add3A_527, %dma_wait3A_579] : memref<16384x1024xf32, #tpu.memory_space<hbm>> -> memref<16x1024xf32, #tpu.memory_space<hbm>>
    %dma_wait3A_581 = arith.constant 0 : i32
    %dma_wait3A_582 = tpu.memref_slice %arg2[%add3A_527, %dma_wait3A_581] : memref<16384x1024xf32, #tpu.memory_space<hbm>> -> memref<16x1024xf32, #tpu.memory_space<hbm>>
    tpu.wait_dma2 semaphore(%arg15 : memref<!tpu.dma_semaphore, #tpu.memory_space<semaphore_mem>>) src(%dma_wait3A_582 : memref<16x1024xf32, #tpu.memory_space<hbm>>) dst(%arg9 : memref<16x1024xf32, #tpu.memory_space<vmem>>)
    %dma_wait3A_583 = arith.constant 272 : i32
    %dma_wait3A_584 = tpu.memref_slice %arg6[%dma_wait3A_583] : memref<512xi32, #tpu.memory_space<vmem>> -> memref<16xi32, #tpu.memory_space<vmem>>
    %dma_wait3A_585 = arith.constant 0 : i32
    %dma_wait3A_586 = arith.constant 0 : i32
    %dma_wait3A_587 = tpu.memref_slice %arg4[%dma_wait3A_585, %dma_wait3A_586] : memref<4096x1024xf32, #tpu.memory_space<hbm>> -> memref<4096x1024xf32, #tpu.memory_space<hbm>>
    tpu.wait_indirect_dma semaphore(%arg18 : memref<!tpu.dma_semaphore, #tpu.memory_space<semaphore_mem>>) src(%dma_wait3A_587 : memref<4096x1024xf32, #tpu.memory_space<hbm>>) dst(%arg12 : memref<16x1024xf32, #tpu.memory_space<vmem>>)
    %dma_wait3A_588 = arith.constant 0 : i32
    %dma_wait3A_589 = tpu.memref_slice %arg5[%add3A_574, %dma_wait3A_588] : memref<16384x1024xf32, #tpu.memory_space<hbm>> -> memref<16x1024xf32, #tpu.memory_space<hbm>>
    %dma_wait3A_590 = arith.constant 0 : i32
    %dma_wait3A_591 = tpu.memref_slice %arg5[%add3A_574, %dma_wait3A_590] : memref<16384x1024xf32, #tpu.memory_space<hbm>> -> memref<16x1024xf32, #tpu.memory_space<hbm>>
    tpu.wait_dma2 semaphore(%arg20 : memref<!tpu.dma_semaphore, #tpu.memory_space<semaphore_mem>>) src(%arg8 : memref<16x1024xf32, #tpu.memory_space<vmem>>) dst(%dma_wait3A_591 : memref<16x1024xf32, #tpu.memory_space<hbm>>)
    %add3A_592 = arith.constant 304 : i32
    %add3A_593 = arith.addi %mul3A_2, %add3A_592 : i32
    %dma_start3A_594 = arith.constant 0 : i32
    %dma_start3A_595 = tpu.memref_slice %arg2[%add3A_593, %dma_start3A_594] : memref<16384x1024xf32, #tpu.memory_space<hbm>> -> memref<16x1024xf32, #tpu.memory_space<hbm>>
    %dma_start3A_596 = arith.constant 0 : i32
    %dma_start3A_597 = tpu.memref_slice %arg2[%add3A_593, %dma_start3A_596] : memref<16384x1024xf32, #tpu.memory_space<hbm>> -> memref<16x1024xf32, #tpu.memory_space<hbm>>
    tpu.enqueue_dma source(%dma_start3A_597 : memref<16x1024xf32, #tpu.memory_space<hbm>>) target(%arg8 : memref<16x1024xf32, #tpu.memory_space<vmem>>) target_semaphore(%arg14 : memref<!tpu.dma_semaphore, #tpu.memory_space<semaphore_mem>>)
    %dma_start3A_598 = arith.constant 304 : i32
    %dma_start3A_599 = tpu.memref_slice %arg6[%dma_start3A_598] : memref<512xi32, #tpu.memory_space<vmem>> -> memref<16xi32, #tpu.memory_space<vmem>>
    %dma_start3A_600 = arith.constant 0 : i32
    %dma_start3A_601 = arith.constant 0 : i32
    %dma_start3A_602 = tpu.memref_slice %arg4[%dma_start3A_600, %dma_start3A_601] : memref<4096x1024xf32, #tpu.memory_space<hbm>> -> memref<4096x1024xf32, #tpu.memory_space<hbm>>
    tpu.enqueue_indirect_dma source(%dma_start3A_602 : memref<4096x1024xf32, #tpu.memory_space<hbm>>) target(%arg11 : memref<16x1024xf32, #tpu.memory_space<vmem>>) offsets(%dma_start3A_599 : memref<16xi32, #tpu.memory_space<vmem>>) semaphore(%arg17 : memref<!tpu.dma_semaphore, #tpu.memory_space<semaphore_mem>>)
    %parallel_loop3A_603 = arith.constant 0 : i32
    %parallel_loop3A_604 = arith.constant 1024 : i32
    %parallel_loop3A_605 = arith.constant 1 : i32
    scf.for %parallel_loop3A_1056 = %parallel_loop3A_603 to %parallel_loop3A_604 step %parallel_loop3A_605  : i32 {
      %parallel_loop3A_1057 = arith.constant 6 : i32
      %parallel_loop3A_1058 = arith.shrui %parallel_loop3A_1056, %parallel_loop3A_1057 : i32
      %parallel_loop3A_1059 = arith.constant 63 : i32
      %parallel_loop3A_1060 = arith.andi %parallel_loop3A_1056, %parallel_loop3A_1059 : i32
      %parallel_loop3A_1061 = arith.constant 4 : i32
      %parallel_loop3A_1062 = arith.shli %parallel_loop3A_1060, %parallel_loop3A_1061 : i32
      %parallel_loop3A_1063 = tpu.assume_multiple %parallel_loop3A_1062, 16 : i32
      %parallel_loop3A_1064 = arith.index_cast %parallel_loop3A_1058 : i32 to index
      %parallel_loop3A_1065 = arith.index_cast %parallel_loop3A_1063 : i32 to index
      %parallel_loop3A_1066 = tpu.vector_load %arg9[%parallel_loop3A_1064, %parallel_loop3A_1065] {strides = array<i32>} : memref<16x1024xf32, #tpu.memory_space<vmem>>, vector<1x16xf32>,
      %parallel_loop3A_1067 = vector.shape_cast %parallel_loop3A_1066 : vector<1x16xf32> to vector<16xf32>
      %parallel_loop3A_1068 = arith.index_cast %parallel_loop3A_1058 : i32 to index
      %parallel_loop3A_1069 = arith.index_cast %parallel_loop3A_1063 : i32 to index
      %parallel_loop3A_1070 = tpu.vector_load %arg12[%parallel_loop3A_1068, %parallel_loop3A_1069] {strides = array<i32>} : memref<16x1024xf32, #tpu.memory_space<vmem>>, vector<1x16xf32>,
      %parallel_loop3A_1071 = vector.shape_cast %parallel_loop3A_1070 : vector<1x16xf32> to vector<16xf32>
      %parallel_loop3A_1072 = arith.addf %parallel_loop3A_1067, %parallel_loop3A_1071 : vector<16xf32>
      %parallel_loop3A_1073 = arith.index_cast %parallel_loop3A_1058 : i32 to index
      %parallel_loop3A_1074 = arith.index_cast %parallel_loop3A_1063 : i32 to index
      %parallel_loop3A_1075 = tpu.vector_load %arg9[%parallel_loop3A_1073, %parallel_loop3A_1074] {strides = array<i32>} : memref<16x1024xf32, #tpu.memory_space<vmem>>, vector<1x16xf32>,
      %parallel_loop3A_1076 = vector.shape_cast %parallel_loop3A_1075 : vector<1x16xf32> to vector<16xf32>
      %parallel_loop3A_1077 = vector.shape_cast %parallel_loop3A_1072 : vector<16xf32> to vector<1x16xf32>
      tpu.vector_store %arg9[%parallel_loop3A_1073, %parallel_loop3A_1074], %parallel_loop3A_1077 {strides = array<i32>} : memref<16x1024xf32, #tpu.memory_space<vmem>>, vector<1x16xf32>,
    } {sc.loop_unroll_factor = 8 : i64, sc.parallel_access}
    %add3A_606 = arith.constant 272 : i32
    %add3A_607 = arith.addi %mul3A_2, %add3A_606 : i32
    %dma_start3A_608 = arith.constant 0 : i32
    %dma_start3A_609 = tpu.memref_slice %arg5[%add3A_607, %dma_start3A_608] : memref<16384x1024xf32, #tpu.memory_space<hbm>> -> memref<16x1024xf32, #tpu.memory_space<hbm>>
    %dma_start3A_610 = arith.constant 0 : i32
    %dma_start3A_611 = tpu.memref_slice %arg5[%add3A_607, %dma_start3A_610] : memref<16384x1024xf32, #tpu.memory_space<hbm>> -> memref<16x1024xf32, #tpu.memory_space<hbm>>
    tpu.enqueue_dma source(%arg9 : memref<16x1024xf32, #tpu.memory_space<vmem>>) target(%dma_start3A_611 : memref<16x1024xf32, #tpu.memory_space<hbm>>) target_semaphore(%arg21 : memref<!tpu.dma_semaphore, #tpu.memory_space<semaphore_mem>>)
    %dma_wait3A_612 = arith.constant 0 : i32
    %dma_wait3A_613 = tpu.memref_slice %arg2[%add3A_560, %dma_wait3A_612] : memref<16384x1024xf32, #tpu.memory_space<hbm>> -> memref<16x1024xf32, #tpu.memory_space<hbm>>
    %dma_wait3A_614 = arith.constant 0 : i32
    %dma_wait3A_615 = tpu.memref_slice %arg2[%add3A_560, %dma_wait3A_614] : memref<16384x1024xf32, #tpu.memory_space<hbm>> -> memref<16x1024xf32, #tpu.memory_space<hbm>>
    tpu.wait_dma2 semaphore(%arg13 : memref<!tpu.dma_semaphore, #tpu.memory_space<semaphore_mem>>) src(%dma_wait3A_615 : memref<16x1024xf32, #tpu.memory_space<hbm>>) dst(%arg7 : memref<16x1024xf32, #tpu.memory_space<vmem>>)
    %dma_wait3A_616 = arith.constant 288 : i32
    %dma_wait3A_617 = tpu.memref_slice %arg6[%dma_wait3A_616] : memref<512xi32, #tpu.memory_space<vmem>> -> memref<16xi32, #tpu.memory_space<vmem>>
    %dma_wait3A_618 = arith.constant 0 : i32
    %dma_wait3A_619 = arith.constant 0 : i32
    %dma_wait3A_620 = tpu.memref_slice %arg4[%dma_wait3A_618, %dma_wait3A_619] : memref<4096x1024xf32, #tpu.memory_space<hbm>> -> memref<4096x1024xf32, #tpu.memory_space<hbm>>
    tpu.wait_indirect_dma semaphore(%arg16 : memref<!tpu.dma_semaphore, #tpu.memory_space<semaphore_mem>>) src(%dma_wait3A_620 : memref<4096x1024xf32, #tpu.memory_space<hbm>>) dst(%arg10 : memref<16x1024xf32, #tpu.memory_space<vmem>>)
    %dma_wait3A_621 = arith.constant 0 : i32
    %dma_wait3A_622 = tpu.memref_slice %arg5[%add3A_607, %dma_wait3A_621] : memref<16384x1024xf32, #tpu.memory_space<hbm>> -> memref<16x1024xf32, #tpu.memory_space<hbm>>
    %dma_wait3A_623 = arith.constant 0 : i32
    %dma_wait3A_624 = tpu.memref_slice %arg5[%add3A_607, %dma_wait3A_623] : memref<16384x1024xf32, #tpu.memory_space<hbm>> -> memref<16x1024xf32, #tpu.memory_space<hbm>>
    tpu.wait_dma2 semaphore(%arg21 : memref<!tpu.dma_semaphore, #tpu.memory_space<semaphore_mem>>) src(%arg9 : memref<16x1024xf32, #tpu.memory_space<vmem>>) dst(%dma_wait3A_624 : memref<16x1024xf32, #tpu.memory_space<hbm>>)
    %add3A_625 = arith.constant 320 : i32
    %add3A_626 = arith.addi %mul3A_2, %add3A_625 : i32
    %dma_start3A_627 = arith.constant 0 : i32
    %dma_start3A_628 = tpu.memref_slice %arg2[%add3A_626, %dma_start3A_627] : memref<16384x1024xf32, #tpu.memory_space<hbm>> -> memref<16x1024xf32, #tpu.memory_space<hbm>>
    %dma_start3A_629 = arith.constant 0 : i32
    %dma_start3A_630 = tpu.memref_slice %arg2[%add3A_626, %dma_start3A_629] : memref<16384x1024xf32, #tpu.memory_space<hbm>> -> memref<16x1024xf32, #tpu.memory_space<hbm>>
    tpu.enqueue_dma source(%dma_start3A_630 : memref<16x1024xf32, #tpu.memory_space<hbm>>) target(%arg9 : memref<16x1024xf32, #tpu.memory_space<vmem>>) target_semaphore(%arg15 : memref<!tpu.dma_semaphore, #tpu.memory_space<semaphore_mem>>)
    %dma_start3A_631 = arith.constant 320 : i32
    %dma_start3A_632 = tpu.memref_slice %arg6[%dma_start3A_631] : memref<512xi32, #tpu.memory_space<vmem>> -> memref<16xi32, #tpu.memory_space<vmem>>
    %dma_start3A_633 = arith.constant 0 : i32
    %dma_start3A_634 = arith.constant 0 : i32
    %dma_start3A_635 = tpu.memref_slice %arg4[%dma_start3A_633, %dma_start3A_634] : memref<4096x1024xf32, #tpu.memory_space<hbm>> -> memref<4096x1024xf32, #tpu.memory_space<hbm>>
    tpu.enqueue_indirect_dma source(%dma_start3A_635 : memref<4096x1024xf32, #tpu.memory_space<hbm>>) target(%arg12 : memref<16x1024xf32, #tpu.memory_space<vmem>>) offsets(%dma_start3A_632 : memref<16xi32, #tpu.memory_space<vmem>>) semaphore(%arg18 : memref<!tpu.dma_semaphore, #tpu.memory_space<semaphore_mem>>)
    %parallel_loop3A_636 = arith.constant 0 : i32
    %parallel_loop3A_637 = arith.constant 1024 : i32
    %parallel_loop3A_638 = arith.constant 1 : i32
    scf.for %parallel_loop3A_1056 = %parallel_loop3A_636 to %parallel_loop3A_637 step %parallel_loop3A_638  : i32 {
      %parallel_loop3A_1057 = arith.constant 6 : i32
      %parallel_loop3A_1058 = arith.shrui %parallel_loop3A_1056, %parallel_loop3A_1057 : i32
      %parallel_loop3A_1059 = arith.constant 63 : i32
      %parallel_loop3A_1060 = arith.andi %parallel_loop3A_1056, %parallel_loop3A_1059 : i32
      %parallel_loop3A_1061 = arith.constant 4 : i32
      %parallel_loop3A_1062 = arith.shli %parallel_loop3A_1060, %parallel_loop3A_1061 : i32
      %parallel_loop3A_1063 = tpu.assume_multiple %parallel_loop3A_1062, 16 : i32
      %parallel_loop3A_1064 = arith.index_cast %parallel_loop3A_1058 : i32 to index
      %parallel_loop3A_1065 = arith.index_cast %parallel_loop3A_1063 : i32 to index
      %parallel_loop3A_1066 = tpu.vector_load %arg7[%parallel_loop3A_1064, %parallel_loop3A_1065] {strides = array<i32>} : memref<16x1024xf32, #tpu.memory_space<vmem>>, vector<1x16xf32>,
      %parallel_loop3A_1067 = vector.shape_cast %parallel_loop3A_1066 : vector<1x16xf32> to vector<16xf32>
      %parallel_loop3A_1068 = arith.index_cast %parallel_loop3A_1058 : i32 to index
      %parallel_loop3A_1069 = arith.index_cast %parallel_loop3A_1063 : i32 to index
      %parallel_loop3A_1070 = tpu.vector_load %arg10[%parallel_loop3A_1068, %parallel_loop3A_1069] {strides = array<i32>} : memref<16x1024xf32, #tpu.memory_space<vmem>>, vector<1x16xf32>,
      %parallel_loop3A_1071 = vector.shape_cast %parallel_loop3A_1070 : vector<1x16xf32> to vector<16xf32>
      %parallel_loop3A_1072 = arith.addf %parallel_loop3A_1067, %parallel_loop3A_1071 : vector<16xf32>
      %parallel_loop3A_1073 = arith.index_cast %parallel_loop3A_1058 : i32 to index
      %parallel_loop3A_1074 = arith.index_cast %parallel_loop3A_1063 : i32 to index
      %parallel_loop3A_1075 = tpu.vector_load %arg7[%parallel_loop3A_1073, %parallel_loop3A_1074] {strides = array<i32>} : memref<16x1024xf32, #tpu.memory_space<vmem>>, vector<1x16xf32>,
      %parallel_loop3A_1076 = vector.shape_cast %parallel_loop3A_1075 : vector<1x16xf32> to vector<16xf32>
      %parallel_loop3A_1077 = vector.shape_cast %parallel_loop3A_1072 : vector<16xf32> to vector<1x16xf32>
      tpu.vector_store %arg7[%parallel_loop3A_1073, %parallel_loop3A_1074], %parallel_loop3A_1077 {strides = array<i32>} : memref<16x1024xf32, #tpu.memory_space<vmem>>, vector<1x16xf32>,
    } {sc.loop_unroll_factor = 8 : i64, sc.parallel_access}
    %add3A_639 = arith.constant 288 : i32
    %add3A_640 = arith.addi %mul3A_2, %add3A_639 : i32
    %dma_start3A_641 = arith.constant 0 : i32
    %dma_start3A_642 = tpu.memref_slice %arg5[%add3A_640, %dma_start3A_641] : memref<16384x1024xf32, #tpu.memory_space<hbm>> -> memref<16x1024xf32, #tpu.memory_space<hbm>>
    %dma_start3A_643 = arith.constant 0 : i32
    %dma_start3A_644 = tpu.memref_slice %arg5[%add3A_640, %dma_start3A_643] : memref<16384x1024xf32, #tpu.memory_space<hbm>> -> memref<16x1024xf32, #tpu.memory_space<hbm>>
    tpu.enqueue_dma source(%arg7 : memref<16x1024xf32, #tpu.memory_space<vmem>>) target(%dma_start3A_644 : memref<16x1024xf32, #tpu.memory_space<hbm>>) target_semaphore(%arg19 : memref<!tpu.dma_semaphore, #tpu.memory_space<semaphore_mem>>)
    %dma_wait3A_645 = arith.constant 0 : i32
    %dma_wait3A_646 = tpu.memref_slice %arg2[%add3A_593, %dma_wait3A_645] : memref<16384x1024xf32, #tpu.memory_space<hbm>> -> memref<16x1024xf32, #tpu.memory_space<hbm>>
    %dma_wait3A_647 = arith.constant 0 : i32
    %dma_wait3A_648 = tpu.memref_slice %arg2[%add3A_593, %dma_wait3A_647] : memref<16384x1024xf32, #tpu.memory_space<hbm>> -> memref<16x1024xf32, #tpu.memory_space<hbm>>
    tpu.wait_dma2 semaphore(%arg14 : memref<!tpu.dma_semaphore, #tpu.memory_space<semaphore_mem>>) src(%dma_wait3A_648 : memref<16x1024xf32, #tpu.memory_space<hbm>>) dst(%arg8 : memref<16x1024xf32, #tpu.memory_space<vmem>>)
    %dma_wait3A_649 = arith.constant 304 : i32
    %dma_wait3A_650 = tpu.memref_slice %arg6[%dma_wait3A_649] : memref<512xi32, #tpu.memory_space<vmem>> -> memref<16xi32, #tpu.memory_space<vmem>>
    %dma_wait3A_651 = arith.constant 0 : i32
    %dma_wait3A_652 = arith.constant 0 : i32
    %dma_wait3A_653 = tpu.memref_slice %arg4[%dma_wait3A_651, %dma_wait3A_652] : memref<4096x1024xf32, #tpu.memory_space<hbm>> -> memref<4096x1024xf32, #tpu.memory_space<hbm>>
    tpu.wait_indirect_dma semaphore(%arg17 : memref<!tpu.dma_semaphore, #tpu.memory_space<semaphore_mem>>) src(%dma_wait3A_653 : memref<4096x1024xf32, #tpu.memory_space<hbm>>) dst(%arg11 : memref<16x1024xf32, #tpu.memory_space<vmem>>)
    %dma_wait3A_654 = arith.constant 0 : i32
    %dma_wait3A_655 = tpu.memref_slice %arg5[%add3A_640, %dma_wait3A_654] : memref<16384x1024xf32, #tpu.memory_space<hbm>> -> memref<16x1024xf32, #tpu.memory_space<hbm>>
    %dma_wait3A_656 = arith.constant 0 : i32
    %dma_wait3A_657 = tpu.memref_slice %arg5[%add3A_640, %dma_wait3A_656] : memref<16384x1024xf32, #tpu.memory_space<hbm>> -> memref<16x1024xf32, #tpu.memory_space<hbm>>
    tpu.wait_dma2 semaphore(%arg19 : memref<!tpu.dma_semaphore, #tpu.memory_space<semaphore_mem>>) src(%arg7 : memref<16x1024xf32, #tpu.memory_space<vmem>>) dst(%dma_wait3A_657 : memref<16x1024xf32, #tpu.memory_space<hbm>>)
    %add3A_658 = arith.constant 336 : i32
    %add3A_659 = arith.addi %mul3A_2, %add3A_658 : i32
    %dma_start3A_660 = arith.constant 0 : i32
    %dma_start3A_661 = tpu.memref_slice %arg2[%add3A_659, %dma_start3A_660] : memref<16384x1024xf32, #tpu.memory_space<hbm>> -> memref<16x1024xf32, #tpu.memory_space<hbm>>
    %dma_start3A_662 = arith.constant 0 : i32
    %dma_start3A_663 = tpu.memref_slice %arg2[%add3A_659, %dma_start3A_662] : memref<16384x1024xf32, #tpu.memory_space<hbm>> -> memref<16x1024xf32, #tpu.memory_space<hbm>>
    tpu.enqueue_dma source(%dma_start3A_663 : memref<16x1024xf32, #tpu.memory_space<hbm>>) target(%arg7 : memref<16x1024xf32, #tpu.memory_space<vmem>>) target_semaphore(%arg13 : memref<!tpu.dma_semaphore, #tpu.memory_space<semaphore_mem>>)
    %dma_start3A_664 = arith.constant 336 : i32
    %dma_start3A_665 = tpu.memref_slice %arg6[%dma_start3A_664] : memref<512xi32, #tpu.memory_space<vmem>> -> memref<16xi32, #tpu.memory_space<vmem>>
    %dma_start3A_666 = arith.constant 0 : i32
    %dma_start3A_667 = arith.constant 0 : i32
    %dma_start3A_668 = tpu.memref_slice %arg4[%dma_start3A_666, %dma_start3A_667] : memref<4096x1024xf32, #tpu.memory_space<hbm>> -> memref<4096x1024xf32, #tpu.memory_space<hbm>>
    tpu.enqueue_indirect_dma source(%dma_start3A_668 : memref<4096x1024xf32, #tpu.memory_space<hbm>>) target(%arg10 : memref<16x1024xf32, #tpu.memory_space<vmem>>) offsets(%dma_start3A_665 : memref<16xi32, #tpu.memory_space<vmem>>) semaphore(%arg16 : memref<!tpu.dma_semaphore, #tpu.memory_space<semaphore_mem>>)
    %parallel_loop3A_669 = arith.constant 0 : i32
    %parallel_loop3A_670 = arith.constant 1024 : i32
    %parallel_loop3A_671 = arith.constant 1 : i32
    scf.for %parallel_loop3A_1056 = %parallel_loop3A_669 to %parallel_loop3A_670 step %parallel_loop3A_671  : i32 {
      %parallel_loop3A_1057 = arith.constant 6 : i32
      %parallel_loop3A_1058 = arith.shrui %parallel_loop3A_1056, %parallel_loop3A_1057 : i32
      %parallel_loop3A_1059 = arith.constant 63 : i32
      %parallel_loop3A_1060 = arith.andi %parallel_loop3A_1056, %parallel_loop3A_1059 : i32
      %parallel_loop3A_1061 = arith.constant 4 : i32
      %parallel_loop3A_1062 = arith.shli %parallel_loop3A_1060, %parallel_loop3A_1061 : i32
      %parallel_loop3A_1063 = tpu.assume_multiple %parallel_loop3A_1062, 16 : i32
      %parallel_loop3A_1064 = arith.index_cast %parallel_loop3A_1058 : i32 to index
      %parallel_loop3A_1065 = arith.index_cast %parallel_loop3A_1063 : i32 to index
      %parallel_loop3A_1066 = tpu.vector_load %arg8[%parallel_loop3A_1064, %parallel_loop3A_1065] {strides = array<i32>} : memref<16x1024xf32, #tpu.memory_space<vmem>>, vector<1x16xf32>,
      %parallel_loop3A_1067 = vector.shape_cast %parallel_loop3A_1066 : vector<1x16xf32> to vector<16xf32>
      %parallel_loop3A_1068 = arith.index_cast %parallel_loop3A_1058 : i32 to index
      %parallel_loop3A_1069 = arith.index_cast %parallel_loop3A_1063 : i32 to index
      %parallel_loop3A_1070 = tpu.vector_load %arg11[%parallel_loop3A_1068, %parallel_loop3A_1069] {strides = array<i32>} : memref<16x1024xf32, #tpu.memory_space<vmem>>, vector<1x16xf32>,
      %parallel_loop3A_1071 = vector.shape_cast %parallel_loop3A_1070 : vector<1x16xf32> to vector<16xf32>
      %parallel_loop3A_1072 = arith.addf %parallel_loop3A_1067, %parallel_loop3A_1071 : vector<16xf32>
      %parallel_loop3A_1073 = arith.index_cast %parallel_loop3A_1058 : i32 to index
      %parallel_loop3A_1074 = arith.index_cast %parallel_loop3A_1063 : i32 to index
      %parallel_loop3A_1075 = tpu.vector_load %arg8[%parallel_loop3A_1073, %parallel_loop3A_1074] {strides = array<i32>} : memref<16x1024xf32, #tpu.memory_space<vmem>>, vector<1x16xf32>,
      %parallel_loop3A_1076 = vector.shape_cast %parallel_loop3A_1075 : vector<1x16xf32> to vector<16xf32>
      %parallel_loop3A_1077 = vector.shape_cast %parallel_loop3A_1072 : vector<16xf32> to vector<1x16xf32>
      tpu.vector_store %arg8[%parallel_loop3A_1073, %parallel_loop3A_1074], %parallel_loop3A_1077 {strides = array<i32>} : memref<16x1024xf32, #tpu.memory_space<vmem>>, vector<1x16xf32>,
    } {sc.loop_unroll_factor = 8 : i64, sc.parallel_access}
    %add3A_672 = arith.constant 304 : i32
    %add3A_673 = arith.addi %mul3A_2, %add3A_672 : i32
    %dma_start3A_674 = arith.constant 0 : i32
    %dma_start3A_675 = tpu.memref_slice %arg5[%add3A_673, %dma_start3A_674] : memref<16384x1024xf32, #tpu.memory_space<hbm>> -> memref<16x1024xf32, #tpu.memory_space<hbm>>
    %dma_start3A_676 = arith.constant 0 : i32
    %dma_start3A_677 = tpu.memref_slice %arg5[%add3A_673, %dma_start3A_676] : memref<16384x1024xf32, #tpu.memory_space<hbm>> -> memref<16x1024xf32, #tpu.memory_space<hbm>>
    tpu.enqueue_dma source(%arg8 : memref<16x1024xf32, #tpu.memory_space<vmem>>) target(%dma_start3A_677 : memref<16x1024xf32, #tpu.memory_space<hbm>>) target_semaphore(%arg20 : memref<!tpu.dma_semaphore, #tpu.memory_space<semaphore_mem>>)
    %dma_wait3A_678 = arith.constant 0 : i32
    %dma_wait3A_679 = tpu.memref_slice %arg2[%add3A_626, %dma_wait3A_678] : memref<16384x1024xf32, #tpu.memory_space<hbm>> -> memref<16x1024xf32, #tpu.memory_space<hbm>>
    %dma_wait3A_680 = arith.constant 0 : i32
    %dma_wait3A_681 = tpu.memref_slice %arg2[%add3A_626, %dma_wait3A_680] : memref<16384x1024xf32, #tpu.memory_space<hbm>> -> memref<16x1024xf32, #tpu.memory_space<hbm>>
    tpu.wait_dma2 semaphore(%arg15 : memref<!tpu.dma_semaphore, #tpu.memory_space<semaphore_mem>>) src(%dma_wait3A_681 : memref<16x1024xf32, #tpu.memory_space<hbm>>) dst(%arg9 : memref<16x1024xf32, #tpu.memory_space<vmem>>)
    %dma_wait3A_682 = arith.constant 320 : i32
    %dma_wait3A_683 = tpu.memref_slice %arg6[%dma_wait3A_682] : memref<512xi32, #tpu.memory_space<vmem>> -> memref<16xi32, #tpu.memory_space<vmem>>
    %dma_wait3A_684 = arith.constant 0 : i32
    %dma_wait3A_685 = arith.constant 0 : i32
    %dma_wait3A_686 = tpu.memref_slice %arg4[%dma_wait3A_684, %dma_wait3A_685] : memref<4096x1024xf32, #tpu.memory_space<hbm>> -> memref<4096x1024xf32, #tpu.memory_space<hbm>>
    tpu.wait_indirect_dma semaphore(%arg18 : memref<!tpu.dma_semaphore, #tpu.memory_space<semaphore_mem>>) src(%dma_wait3A_686 : memref<4096x1024xf32, #tpu.memory_space<hbm>>) dst(%arg12 : memref<16x1024xf32, #tpu.memory_space<vmem>>)
    %dma_wait3A_687 = arith.constant 0 : i32
    %dma_wait3A_688 = tpu.memref_slice %arg5[%add3A_673, %dma_wait3A_687] : memref<16384x1024xf32, #tpu.memory_space<hbm>> -> memref<16x1024xf32, #tpu.memory_space<hbm>>
    %dma_wait3A_689 = arith.constant 0 : i32
    %dma_wait3A_690 = tpu.memref_slice %arg5[%add3A_673, %dma_wait3A_689] : memref<16384x1024xf32, #tpu.memory_space<hbm>> -> memref<16x1024xf32, #tpu.memory_space<hbm>>
    tpu.wait_dma2 semaphore(%arg20 : memref<!tpu.dma_semaphore, #tpu.memory_space<semaphore_mem>>) src(%arg8 : memref<16x1024xf32, #tpu.memory_space<vmem>>) dst(%dma_wait3A_690 : memref<16x1024xf32, #tpu.memory_space<hbm>>)
    %add3A_691 = arith.constant 352 : i32
    %add3A_692 = arith.addi %mul3A_2, %add3A_691 : i32
    %dma_start3A_693 = arith.constant 0 : i32
    %dma_start3A_694 = tpu.memref_slice %arg2[%add3A_692, %dma_start3A_693] : memref<16384x1024xf32, #tpu.memory_space<hbm>> -> memref<16x1024xf32, #tpu.memory_space<hbm>>
    %dma_start3A_695 = arith.constant 0 : i32
    %dma_start3A_696 = tpu.memref_slice %arg2[%add3A_692, %dma_start3A_695] : memref<16384x1024xf32, #tpu.memory_space<hbm>> -> memref<16x1024xf32, #tpu.memory_space<hbm>>
    tpu.enqueue_dma source(%dma_start3A_696 : memref<16x1024xf32, #tpu.memory_space<hbm>>) target(%arg8 : memref<16x1024xf32, #tpu.memory_space<vmem>>) target_semaphore(%arg14 : memref<!tpu.dma_semaphore, #tpu.memory_space<semaphore_mem>>)
    %dma_start3A_697 = arith.constant 352 : i32
    %dma_start3A_698 = tpu.memref_slice %arg6[%dma_start3A_697] : memref<512xi32, #tpu.memory_space<vmem>> -> memref<16xi32, #tpu.memory_space<vmem>>
    %dma_start3A_699 = arith.constant 0 : i32
    %dma_start3A_700 = arith.constant 0 : i32
    %dma_start3A_701 = tpu.memref_slice %arg4[%dma_start3A_699, %dma_start3A_700] : memref<4096x1024xf32, #tpu.memory_space<hbm>> -> memref<4096x1024xf32, #tpu.memory_space<hbm>>
    tpu.enqueue_indirect_dma source(%dma_start3A_701 : memref<4096x1024xf32, #tpu.memory_space<hbm>>) target(%arg11 : memref<16x1024xf32, #tpu.memory_space<vmem>>) offsets(%dma_start3A_698 : memref<16xi32, #tpu.memory_space<vmem>>) semaphore(%arg17 : memref<!tpu.dma_semaphore, #tpu.memory_space<semaphore_mem>>)
    %parallel_loop3A_702 = arith.constant 0 : i32
    %parallel_loop3A_703 = arith.constant 1024 : i32
    %parallel_loop3A_704 = arith.constant 1 : i32
    scf.for %parallel_loop3A_1056 = %parallel_loop3A_702 to %parallel_loop3A_703 step %parallel_loop3A_704  : i32 {
      %parallel_loop3A_1057 = arith.constant 6 : i32
      %parallel_loop3A_1058 = arith.shrui %parallel_loop3A_1056, %parallel_loop3A_1057 : i32
      %parallel_loop3A_1059 = arith.constant 63 : i32
      %parallel_loop3A_1060 = arith.andi %parallel_loop3A_1056, %parallel_loop3A_1059 : i32
      %parallel_loop3A_1061 = arith.constant 4 : i32
      %parallel_loop3A_1062 = arith.shli %parallel_loop3A_1060, %parallel_loop3A_1061 : i32
      %parallel_loop3A_1063 = tpu.assume_multiple %parallel_loop3A_1062, 16 : i32
      %parallel_loop3A_1064 = arith.index_cast %parallel_loop3A_1058 : i32 to index
      %parallel_loop3A_1065 = arith.index_cast %parallel_loop3A_1063 : i32 to index
      %parallel_loop3A_1066 = tpu.vector_load %arg9[%parallel_loop3A_1064, %parallel_loop3A_1065] {strides = array<i32>} : memref<16x1024xf32, #tpu.memory_space<vmem>>, vector<1x16xf32>,
      %parallel_loop3A_1067 = vector.shape_cast %parallel_loop3A_1066 : vector<1x16xf32> to vector<16xf32>
      %parallel_loop3A_1068 = arith.index_cast %parallel_loop3A_1058 : i32 to index
      %parallel_loop3A_1069 = arith.index_cast %parallel_loop3A_1063 : i32 to index
      %parallel_loop3A_1070 = tpu.vector_load %arg12[%parallel_loop3A_1068, %parallel_loop3A_1069] {strides = array<i32>} : memref<16x1024xf32, #tpu.memory_space<vmem>>, vector<1x16xf32>,
      %parallel_loop3A_1071 = vector.shape_cast %parallel_loop3A_1070 : vector<1x16xf32> to vector<16xf32>
      %parallel_loop3A_1072 = arith.addf %parallel_loop3A_1067, %parallel_loop3A_1071 : vector<16xf32>
      %parallel_loop3A_1073 = arith.index_cast %parallel_loop3A_1058 : i32 to index
      %parallel_loop3A_1074 = arith.index_cast %parallel_loop3A_1063 : i32 to index
      %parallel_loop3A_1075 = tpu.vector_load %arg9[%parallel_loop3A_1073, %parallel_loop3A_1074] {strides = array<i32>} : memref<16x1024xf32, #tpu.memory_space<vmem>>, vector<1x16xf32>,
      %parallel_loop3A_1076 = vector.shape_cast %parallel_loop3A_1075 : vector<1x16xf32> to vector<16xf32>
      %parallel_loop3A_1077 = vector.shape_cast %parallel_loop3A_1072 : vector<16xf32> to vector<1x16xf32>
      tpu.vector_store %arg9[%parallel_loop3A_1073, %parallel_loop3A_1074], %parallel_loop3A_1077 {strides = array<i32>} : memref<16x1024xf32, #tpu.memory_space<vmem>>, vector<1x16xf32>,
    } {sc.loop_unroll_factor = 8 : i64, sc.parallel_access}
    %add3A_705 = arith.constant 320 : i32
    %add3A_706 = arith.addi %mul3A_2, %add3A_705 : i32
    %dma_start3A_707 = arith.constant 0 : i32
    %dma_start3A_708 = tpu.memref_slice %arg5[%add3A_706, %dma_start3A_707] : memref<16384x1024xf32, #tpu.memory_space<hbm>> -> memref<16x1024xf32, #tpu.memory_space<hbm>>
    %dma_start3A_709 = arith.constant 0 : i32
    %dma_start3A_710 = tpu.memref_slice %arg5[%add3A_706, %dma_start3A_709] : memref<16384x1024xf32, #tpu.memory_space<hbm>> -> memref<16x1024xf32, #tpu.memory_space<hbm>>
    tpu.enqueue_dma source(%arg9 : memref<16x1024xf32, #tpu.memory_space<vmem>>) target(%dma_start3A_710 : memref<16x1024xf32, #tpu.memory_space<hbm>>) target_semaphore(%arg21 : memref<!tpu.dma_semaphore, #tpu.memory_space<semaphore_mem>>)
    %dma_wait3A_711 = arith.constant 0 : i32
    %dma_wait3A_712 = tpu.memref_slice %arg2[%add3A_659, %dma_wait3A_711] : memref<16384x1024xf32, #tpu.memory_space<hbm>> -> memref<16x1024xf32, #tpu.memory_space<hbm>>
    %dma_wait3A_713 = arith.constant 0 : i32
    %dma_wait3A_714 = tpu.memref_slice %arg2[%add3A_659, %dma_wait3A_713] : memref<16384x1024xf32, #tpu.memory_space<hbm>> -> memref<16x1024xf32, #tpu.memory_space<hbm>>
    tpu.wait_dma2 semaphore(%arg13 : memref<!tpu.dma_semaphore, #tpu.memory_space<semaphore_mem>>) src(%dma_wait3A_714 : memref<16x1024xf32, #tpu.memory_space<hbm>>) dst(%arg7 : memref<16x1024xf32, #tpu.memory_space<vmem>>)
    %dma_wait3A_715 = arith.constant 336 : i32
    %dma_wait3A_716 = tpu.memref_slice %arg6[%dma_wait3A_715] : memref<512xi32, #tpu.memory_space<vmem>> -> memref<16xi32, #tpu.memory_space<vmem>>
    %dma_wait3A_717 = arith.constant 0 : i32
    %dma_wait3A_718 = arith.constant 0 : i32
    %dma_wait3A_719 = tpu.memref_slice %arg4[%dma_wait3A_717, %dma_wait3A_718] : memref<4096x1024xf32, #tpu.memory_space<hbm>> -> memref<4096x1024xf32, #tpu.memory_space<hbm>>
    tpu.wait_indirect_dma semaphore(%arg16 : memref<!tpu.dma_semaphore, #tpu.memory_space<semaphore_mem>>) src(%dma_wait3A_719 : memref<4096x1024xf32, #tpu.memory_space<hbm>>) dst(%arg10 : memref<16x1024xf32, #tpu.memory_space<vmem>>)
    %dma_wait3A_720 = arith.constant 0 : i32
    %dma_wait3A_721 = tpu.memref_slice %arg5[%add3A_706, %dma_wait3A_720] : memref<16384x1024xf32, #tpu.memory_space<hbm>> -> memref<16x1024xf32, #tpu.memory_space<hbm>>
    %dma_wait3A_722 = arith.constant 0 : i32
    %dma_wait3A_723 = tpu.memref_slice %arg5[%add3A_706, %dma_wait3A_722] : memref<16384x1024xf32, #tpu.memory_space<hbm>> -> memref<16x1024xf32, #tpu.memory_space<hbm>>
    tpu.wait_dma2 semaphore(%arg21 : memref<!tpu.dma_semaphore, #tpu.memory_space<semaphore_mem>>) src(%arg9 : memref<16x1024xf32, #tpu.memory_space<vmem>>) dst(%dma_wait3A_723 : memref<16x1024xf32, #tpu.memory_space<hbm>>)
    %add3A_724 = arith.constant 368 : i32
    %add3A_725 = arith.addi %mul3A_2, %add3A_724 : i32
    %dma_start3A_726 = arith.constant 0 : i32
    %dma_start3A_727 = tpu.memref_slice %arg2[%add3A_725, %dma_start3A_726] : memref<16384x1024xf32, #tpu.memory_space<hbm>> -> memref<16x1024xf32, #tpu.memory_space<hbm>>
    %dma_start3A_728 = arith.constant 0 : i32
    %dma_start3A_729 = tpu.memref_slice %arg2[%add3A_725, %dma_start3A_728] : memref<16384x1024xf32, #tpu.memory_space<hbm>> -> memref<16x1024xf32, #tpu.memory_space<hbm>>
    tpu.enqueue_dma source(%dma_start3A_729 : memref<16x1024xf32, #tpu.memory_space<hbm>>) target(%arg9 : memref<16x1024xf32, #tpu.memory_space<vmem>>) target_semaphore(%arg15 : memref<!tpu.dma_semaphore, #tpu.memory_space<semaphore_mem>>)
    %dma_start3A_730 = arith.constant 368 : i32
    %dma_start3A_731 = tpu.memref_slice %arg6[%dma_start3A_730] : memref<512xi32, #tpu.memory_space<vmem>> -> memref<16xi32, #tpu.memory_space<vmem>>
    %dma_start3A_732 = arith.constant 0 : i32
    %dma_start3A_733 = arith.constant 0 : i32
    %dma_start3A_734 = tpu.memref_slice %arg4[%dma_start3A_732, %dma_start3A_733] : memref<4096x1024xf32, #tpu.memory_space<hbm>> -> memref<4096x1024xf32, #tpu.memory_space<hbm>>
    tpu.enqueue_indirect_dma source(%dma_start3A_734 : memref<4096x1024xf32, #tpu.memory_space<hbm>>) target(%arg12 : memref<16x1024xf32, #tpu.memory_space<vmem>>) offsets(%dma_start3A_731 : memref<16xi32, #tpu.memory_space<vmem>>) semaphore(%arg18 : memref<!tpu.dma_semaphore, #tpu.memory_space<semaphore_mem>>)
    %parallel_loop3A_735 = arith.constant 0 : i32
    %parallel_loop3A_736 = arith.constant 1024 : i32
    %parallel_loop3A_737 = arith.constant 1 : i32
    scf.for %parallel_loop3A_1056 = %parallel_loop3A_735 to %parallel_loop3A_736 step %parallel_loop3A_737  : i32 {
      %parallel_loop3A_1057 = arith.constant 6 : i32
      %parallel_loop3A_1058 = arith.shrui %parallel_loop3A_1056, %parallel_loop3A_1057 : i32
      %parallel_loop3A_1059 = arith.constant 63 : i32
      %parallel_loop3A_1060 = arith.andi %parallel_loop3A_1056, %parallel_loop3A_1059 : i32
      %parallel_loop3A_1061 = arith.constant 4 : i32
      %parallel_loop3A_1062 = arith.shli %parallel_loop3A_1060, %parallel_loop3A_1061 : i32
      %parallel_loop3A_1063 = tpu.assume_multiple %parallel_loop3A_1062, 16 : i32
      %parallel_loop3A_1064 = arith.index_cast %parallel_loop3A_1058 : i32 to index
      %parallel_loop3A_1065 = arith.index_cast %parallel_loop3A_1063 : i32 to index
      %parallel_loop3A_1066 = tpu.vector_load %arg7[%parallel_loop3A_1064, %parallel_loop3A_1065] {strides = array<i32>} : memref<16x1024xf32, #tpu.memory_space<vmem>>, vector<1x16xf32>,
      %parallel_loop3A_1067 = vector.shape_cast %parallel_loop3A_1066 : vector<1x16xf32> to vector<16xf32>
      %parallel_loop3A_1068 = arith.index_cast %parallel_loop3A_1058 : i32 to index
      %parallel_loop3A_1069 = arith.index_cast %parallel_loop3A_1063 : i32 to index
      %parallel_loop3A_1070 = tpu.vector_load %arg10[%parallel_loop3A_1068, %parallel_loop3A_1069] {strides = array<i32>} : memref<16x1024xf32, #tpu.memory_space<vmem>>, vector<1x16xf32>,
      %parallel_loop3A_1071 = vector.shape_cast %parallel_loop3A_1070 : vector<1x16xf32> to vector<16xf32>
      %parallel_loop3A_1072 = arith.addf %parallel_loop3A_1067, %parallel_loop3A_1071 : vector<16xf32>
      %parallel_loop3A_1073 = arith.index_cast %parallel_loop3A_1058 : i32 to index
      %parallel_loop3A_1074 = arith.index_cast %parallel_loop3A_1063 : i32 to index
      %parallel_loop3A_1075 = tpu.vector_load %arg7[%parallel_loop3A_1073, %parallel_loop3A_1074] {strides = array<i32>} : memref<16x1024xf32, #tpu.memory_space<vmem>>, vector<1x16xf32>,
      %parallel_loop3A_1076 = vector.shape_cast %parallel_loop3A_1075 : vector<1x16xf32> to vector<16xf32>
      %parallel_loop3A_1077 = vector.shape_cast %parallel_loop3A_1072 : vector<16xf32> to vector<1x16xf32>
      tpu.vector_store %arg7[%parallel_loop3A_1073, %parallel_loop3A_1074], %parallel_loop3A_1077 {strides = array<i32>} : memref<16x1024xf32, #tpu.memory_space<vmem>>, vector<1x16xf32>,
    } {sc.loop_unroll_factor = 8 : i64, sc.parallel_access}
    %add3A_738 = arith.constant 336 : i32
    %add3A_739 = arith.addi %mul3A_2, %add3A_738 : i32
    %dma_start3A_740 = arith.constant 0 : i32
    %dma_start3A_741 = tpu.memref_slice %arg5[%add3A_739, %dma_start3A_740] : memref<16384x1024xf32, #tpu.memory_space<hbm>> -> memref<16x1024xf32, #tpu.memory_space<hbm>>
    %dma_start3A_742 = arith.constant 0 : i32
    %dma_start3A_743 = tpu.memref_slice %arg5[%add3A_739, %dma_start3A_742] : memref<16384x1024xf32, #tpu.memory_space<hbm>> -> memref<16x1024xf32, #tpu.memory_space<hbm>>
    tpu.enqueue_dma source(%arg7 : memref<16x1024xf32, #tpu.memory_space<vmem>>) target(%dma_start3A_743 : memref<16x1024xf32, #tpu.memory_space<hbm>>) target_semaphore(%arg19 : memref<!tpu.dma_semaphore, #tpu.memory_space<semaphore_mem>>)
    %dma_wait3A_744 = arith.constant 0 : i32
    %dma_wait3A_745 = tpu.memref_slice %arg2[%add3A_692, %dma_wait3A_744] : memref<16384x1024xf32, #tpu.memory_space<hbm>> -> memref<16x1024xf32, #tpu.memory_space<hbm>>
    %dma_wait3A_746 = arith.constant 0 : i32
    %dma_wait3A_747 = tpu.memref_slice %arg2[%add3A_692, %dma_wait3A_746] : memref<16384x1024xf32, #tpu.memory_space<hbm>> -> memref<16x1024xf32, #tpu.memory_space<hbm>>
    tpu.wait_dma2 semaphore(%arg14 : memref<!tpu.dma_semaphore, #tpu.memory_space<semaphore_mem>>) src(%dma_wait3A_747 : memref<16x1024xf32, #tpu.memory_space<hbm>>) dst(%arg8 : memref<16x1024xf32, #tpu.memory_space<vmem>>)
    %dma_wait3A_748 = arith.constant 352 : i32
    %dma_wait3A_749 = tpu.memref_slice %arg6[%dma_wait3A_748] : memref<512xi32, #tpu.memory_space<vmem>> -> memref<16xi32, #tpu.memory_space<vmem>>
    %dma_wait3A_750 = arith.constant 0 : i32
    %dma_wait3A_751 = arith.constant 0 : i32
    %dma_wait3A_752 = tpu.memref_slice %arg4[%dma_wait3A_750, %dma_wait3A_751] : memref<4096x1024xf32, #tpu.memory_space<hbm>> -> memref<4096x1024xf32, #tpu.memory_space<hbm>>
    tpu.wait_indirect_dma semaphore(%arg17 : memref<!tpu.dma_semaphore, #tpu.memory_space<semaphore_mem>>) src(%dma_wait3A_752 : memref<4096x1024xf32, #tpu.memory_space<hbm>>) dst(%arg11 : memref<16x1024xf32, #tpu.memory_space<vmem>>)
    %dma_wait3A_753 = arith.constant 0 : i32
    %dma_wait3A_754 = tpu.memref_slice %arg5[%add3A_739, %dma_wait3A_753] : memref<16384x1024xf32, #tpu.memory_space<hbm>> -> memref<16x1024xf32, #tpu.memory_space<hbm>>
    %dma_wait3A_755 = arith.constant 0 : i32
    %dma_wait3A_756 = tpu.memref_slice %arg5[%add3A_739, %dma_wait3A_755] : memref<16384x1024xf32, #tpu.memory_space<hbm>> -> memref<16x1024xf32, #tpu.memory_space<hbm>>
    tpu.wait_dma2 semaphore(%arg19 : memref<!tpu.dma_semaphore, #tpu.memory_space<semaphore_mem>>) src(%arg7 : memref<16x1024xf32, #tpu.memory_space<vmem>>) dst(%dma_wait3A_756 : memref<16x1024xf32, #tpu.memory_space<hbm>>)
    %add3A_757 = arith.constant 384 : i32
    %add3A_758 = arith.addi %mul3A_2, %add3A_757 : i32
    %dma_start3A_759 = arith.constant 0 : i32
    %dma_start3A_760 = tpu.memref_slice %arg2[%add3A_758, %dma_start3A_759] : memref<16384x1024xf32, #tpu.memory_space<hbm>> -> memref<16x1024xf32, #tpu.memory_space<hbm>>
    %dma_start3A_761 = arith.constant 0 : i32
    %dma_start3A_762 = tpu.memref_slice %arg2[%add3A_758, %dma_start3A_761] : memref<16384x1024xf32, #tpu.memory_space<hbm>> -> memref<16x1024xf32, #tpu.memory_space<hbm>>
    tpu.enqueue_dma source(%dma_start3A_762 : memref<16x1024xf32, #tpu.memory_space<hbm>>) target(%arg7 : memref<16x1024xf32, #tpu.memory_space<vmem>>) target_semaphore(%arg13 : memref<!tpu.dma_semaphore, #tpu.memory_space<semaphore_mem>>)
    %dma_start3A_763 = arith.constant 384 : i32
    %dma_start3A_764 = tpu.memref_slice %arg6[%dma_start3A_763] : memref<512xi32, #tpu.memory_space<vmem>> -> memref<16xi32, #tpu.memory_space<vmem>>
    %dma_start3A_765 = arith.constant 0 : i32
    %dma_start3A_766 = arith.constant 0 : i32
    %dma_start3A_767 = tpu.memref_slice %arg4[%dma_start3A_765, %dma_start3A_766] : memref<4096x1024xf32, #tpu.memory_space<hbm>> -> memref<4096x1024xf32, #tpu.memory_space<hbm>>
    tpu.enqueue_indirect_dma source(%dma_start3A_767 : memref<4096x1024xf32, #tpu.memory_space<hbm>>) target(%arg10 : memref<16x1024xf32, #tpu.memory_space<vmem>>) offsets(%dma_start3A_764 : memref<16xi32, #tpu.memory_space<vmem>>) semaphore(%arg16 : memref<!tpu.dma_semaphore, #tpu.memory_space<semaphore_mem>>)
    %parallel_loop3A_768 = arith.constant 0 : i32
    %parallel_loop3A_769 = arith.constant 1024 : i32
    %parallel_loop3A_770 = arith.constant 1 : i32
    scf.for %parallel_loop3A_1056 = %parallel_loop3A_768 to %parallel_loop3A_769 step %parallel_loop3A_770  : i32 {
      %parallel_loop3A_1057 = arith.constant 6 : i32
      %parallel_loop3A_1058 = arith.shrui %parallel_loop3A_1056, %parallel_loop3A_1057 : i32
      %parallel_loop3A_1059 = arith.constant 63 : i32
      %parallel_loop3A_1060 = arith.andi %parallel_loop3A_1056, %parallel_loop3A_1059 : i32
      %parallel_loop3A_1061 = arith.constant 4 : i32
      %parallel_loop3A_1062 = arith.shli %parallel_loop3A_1060, %parallel_loop3A_1061 : i32
      %parallel_loop3A_1063 = tpu.assume_multiple %parallel_loop3A_1062, 16 : i32
      %parallel_loop3A_1064 = arith.index_cast %parallel_loop3A_1058 : i32 to index
      %parallel_loop3A_1065 = arith.index_cast %parallel_loop3A_1063 : i32 to index
      %parallel_loop3A_1066 = tpu.vector_load %arg8[%parallel_loop3A_1064, %parallel_loop3A_1065] {strides = array<i32>} : memref<16x1024xf32, #tpu.memory_space<vmem>>, vector<1x16xf32>,
      %parallel_loop3A_1067 = vector.shape_cast %parallel_loop3A_1066 : vector<1x16xf32> to vector<16xf32>
      %parallel_loop3A_1068 = arith.index_cast %parallel_loop3A_1058 : i32 to index
      %parallel_loop3A_1069 = arith.index_cast %parallel_loop3A_1063 : i32 to index
      %parallel_loop3A_1070 = tpu.vector_load %arg11[%parallel_loop3A_1068, %parallel_loop3A_1069] {strides = array<i32>} : memref<16x1024xf32, #tpu.memory_space<vmem>>, vector<1x16xf32>,
      %parallel_loop3A_1071 = vector.shape_cast %parallel_loop3A_1070 : vector<1x16xf32> to vector<16xf32>
      %parallel_loop3A_1072 = arith.addf %parallel_loop3A_1067, %parallel_loop3A_1071 : vector<16xf32>
      %parallel_loop3A_1073 = arith.index_cast %parallel_loop3A_1058 : i32 to index
      %parallel_loop3A_1074 = arith.index_cast %parallel_loop3A_1063 : i32 to index
      %parallel_loop3A_1075 = tpu.vector_load %arg8[%parallel_loop3A_1073, %parallel_loop3A_1074] {strides = array<i32>} : memref<16x1024xf32, #tpu.memory_space<vmem>>, vector<1x16xf32>,
      %parallel_loop3A_1076 = vector.shape_cast %parallel_loop3A_1075 : vector<1x16xf32> to vector<16xf32>
      %parallel_loop3A_1077 = vector.shape_cast %parallel_loop3A_1072 : vector<16xf32> to vector<1x16xf32>
      tpu.vector_store %arg8[%parallel_loop3A_1073, %parallel_loop3A_1074], %parallel_loop3A_1077 {strides = array<i32>} : memref<16x1024xf32, #tpu.memory_space<vmem>>, vector<1x16xf32>,
    } {sc.loop_unroll_factor = 8 : i64, sc.parallel_access}
    %add3A_771 = arith.constant 352 : i32
    %add3A_772 = arith.addi %mul3A_2, %add3A_771 : i32
    %dma_start3A_773 = arith.constant 0 : i32
    %dma_start3A_774 = tpu.memref_slice %arg5[%add3A_772, %dma_start3A_773] : memref<16384x1024xf32, #tpu.memory_space<hbm>> -> memref<16x1024xf32, #tpu.memory_space<hbm>>
    %dma_start3A_775 = arith.constant 0 : i32
    %dma_start3A_776 = tpu.memref_slice %arg5[%add3A_772, %dma_start3A_775] : memref<16384x1024xf32, #tpu.memory_space<hbm>> -> memref<16x1024xf32, #tpu.memory_space<hbm>>
    tpu.enqueue_dma source(%arg8 : memref<16x1024xf32, #tpu.memory_space<vmem>>) target(%dma_start3A_776 : memref<16x1024xf32, #tpu.memory_space<hbm>>) target_semaphore(%arg20 : memref<!tpu.dma_semaphore, #tpu.memory_space<semaphore_mem>>)
    %dma_wait3A_777 = arith.constant 0 : i32
    %dma_wait3A_778 = tpu.memref_slice %arg2[%add3A_725, %dma_wait3A_777] : memref<16384x1024xf32, #tpu.memory_space<hbm>> -> memref<16x1024xf32, #tpu.memory_space<hbm>>
    %dma_wait3A_779 = arith.constant 0 : i32
    %dma_wait3A_780 = tpu.memref_slice %arg2[%add3A_725, %dma_wait3A_779] : memref<16384x1024xf32, #tpu.memory_space<hbm>> -> memref<16x1024xf32, #tpu.memory_space<hbm>>
    tpu.wait_dma2 semaphore(%arg15 : memref<!tpu.dma_semaphore, #tpu.memory_space<semaphore_mem>>) src(%dma_wait3A_780 : memref<16x1024xf32, #tpu.memory_space<hbm>>) dst(%arg9 : memref<16x1024xf32, #tpu.memory_space<vmem>>)
    %dma_wait3A_781 = arith.constant 368 : i32
    %dma_wait3A_782 = tpu.memref_slice %arg6[%dma_wait3A_781] : memref<512xi32, #tpu.memory_space<vmem>> -> memref<16xi32, #tpu.memory_space<vmem>>
    %dma_wait3A_783 = arith.constant 0 : i32
    %dma_wait3A_784 = arith.constant 0 : i32
    %dma_wait3A_785 = tpu.memref_slice %arg4[%dma_wait3A_783, %dma_wait3A_784] : memref<4096x1024xf32, #tpu.memory_space<hbm>> -> memref<4096x1024xf32, #tpu.memory_space<hbm>>
    tpu.wait_indirect_dma semaphore(%arg18 : memref<!tpu.dma_semaphore, #tpu.memory_space<semaphore_mem>>) src(%dma_wait3A_785 : memref<4096x1024xf32, #tpu.memory_space<hbm>>) dst(%arg12 : memref<16x1024xf32, #tpu.memory_space<vmem>>)
    %dma_wait3A_786 = arith.constant 0 : i32
    %dma_wait3A_787 = tpu.memref_slice %arg5[%add3A_772, %dma_wait3A_786] : memref<16384x1024xf32, #tpu.memory_space<hbm>> -> memref<16x1024xf32, #tpu.memory_space<hbm>>
    %dma_wait3A_788 = arith.constant 0 : i32
    %dma_wait3A_789 = tpu.memref_slice %arg5[%add3A_772, %dma_wait3A_788] : memref<16384x1024xf32, #tpu.memory_space<hbm>> -> memref<16x1024xf32, #tpu.memory_space<hbm>>
    tpu.wait_dma2 semaphore(%arg20 : memref<!tpu.dma_semaphore, #tpu.memory_space<semaphore_mem>>) src(%arg8 : memref<16x1024xf32, #tpu.memory_space<vmem>>) dst(%dma_wait3A_789 : memref<16x1024xf32, #tpu.memory_space<hbm>>)
    %add3A_790 = arith.constant 400 : i32
    %add3A_791 = arith.addi %mul3A_2, %add3A_790 : i32
    %dma_start3A_792 = arith.constant 0 : i32
    %dma_start3A_793 = tpu.memref_slice %arg2[%add3A_791, %dma_start3A_792] : memref<16384x1024xf32, #tpu.memory_space<hbm>> -> memref<16x1024xf32, #tpu.memory_space<hbm>>
    %dma_start3A_794 = arith.constant 0 : i32
    %dma_start3A_795 = tpu.memref_slice %arg2[%add3A_791, %dma_start3A_794] : memref<16384x1024xf32, #tpu.memory_space<hbm>> -> memref<16x1024xf32, #tpu.memory_space<hbm>>
    tpu.enqueue_dma source(%dma_start3A_795 : memref<16x1024xf32, #tpu.memory_space<hbm>>) target(%arg8 : memref<16x1024xf32, #tpu.memory_space<vmem>>) target_semaphore(%arg14 : memref<!tpu.dma_semaphore, #tpu.memory_space<semaphore_mem>>)
    %dma_start3A_796 = arith.constant 400 : i32
    %dma_start3A_797 = tpu.memref_slice %arg6[%dma_start3A_796] : memref<512xi32, #tpu.memory_space<vmem>> -> memref<16xi32, #tpu.memory_space<vmem>>
    %dma_start3A_798 = arith.constant 0 : i32
    %dma_start3A_799 = arith.constant 0 : i32
    %dma_start3A_800 = tpu.memref_slice %arg4[%dma_start3A_798, %dma_start3A_799] : memref<4096x1024xf32, #tpu.memory_space<hbm>> -> memref<4096x1024xf32, #tpu.memory_space<hbm>>
    tpu.enqueue_indirect_dma source(%dma_start3A_800 : memref<4096x1024xf32, #tpu.memory_space<hbm>>) target(%arg11 : memref<16x1024xf32, #tpu.memory_space<vmem>>) offsets(%dma_start3A_797 : memref<16xi32, #tpu.memory_space<vmem>>) semaphore(%arg17 : memref<!tpu.dma_semaphore, #tpu.memory_space<semaphore_mem>>)
    %parallel_loop3A_801 = arith.constant 0 : i32
    %parallel_loop3A_802 = arith.constant 1024 : i32
    %parallel_loop3A_803 = arith.constant 1 : i32
    scf.for %parallel_loop3A_1056 = %parallel_loop3A_801 to %parallel_loop3A_802 step %parallel_loop3A_803  : i32 {
      %parallel_loop3A_1057 = arith.constant 6 : i32
      %parallel_loop3A_1058 = arith.shrui %parallel_loop3A_1056, %parallel_loop3A_1057 : i32
      %parallel_loop3A_1059 = arith.constant 63 : i32
      %parallel_loop3A_1060 = arith.andi %parallel_loop3A_1056, %parallel_loop3A_1059 : i32
      %parallel_loop3A_1061 = arith.constant 4 : i32
      %parallel_loop3A_1062 = arith.shli %parallel_loop3A_1060, %parallel_loop3A_1061 : i32
      %parallel_loop3A_1063 = tpu.assume_multiple %parallel_loop3A_1062, 16 : i32
      %parallel_loop3A_1064 = arith.index_cast %parallel_loop3A_1058 : i32 to index
      %parallel_loop3A_1065 = arith.index_cast %parallel_loop3A_1063 : i32 to index
      %parallel_loop3A_1066 = tpu.vector_load %arg9[%parallel_loop3A_1064, %parallel_loop3A_1065] {strides = array<i32>} : memref<16x1024xf32, #tpu.memory_space<vmem>>, vector<1x16xf32>,
      %parallel_loop3A_1067 = vector.shape_cast %parallel_loop3A_1066 : vector<1x16xf32> to vector<16xf32>
      %parallel_loop3A_1068 = arith.index_cast %parallel_loop3A_1058 : i32 to index
      %parallel_loop3A_1069 = arith.index_cast %parallel_loop3A_1063 : i32 to index
      %parallel_loop3A_1070 = tpu.vector_load %arg12[%parallel_loop3A_1068, %parallel_loop3A_1069] {strides = array<i32>} : memref<16x1024xf32, #tpu.memory_space<vmem>>, vector<1x16xf32>,
      %parallel_loop3A_1071 = vector.shape_cast %parallel_loop3A_1070 : vector<1x16xf32> to vector<16xf32>
      %parallel_loop3A_1072 = arith.addf %parallel_loop3A_1067, %parallel_loop3A_1071 : vector<16xf32>
      %parallel_loop3A_1073 = arith.index_cast %parallel_loop3A_1058 : i32 to index
      %parallel_loop3A_1074 = arith.index_cast %parallel_loop3A_1063 : i32 to index
      %parallel_loop3A_1075 = tpu.vector_load %arg9[%parallel_loop3A_1073, %parallel_loop3A_1074] {strides = array<i32>} : memref<16x1024xf32, #tpu.memory_space<vmem>>, vector<1x16xf32>,
      %parallel_loop3A_1076 = vector.shape_cast %parallel_loop3A_1075 : vector<1x16xf32> to vector<16xf32>
      %parallel_loop3A_1077 = vector.shape_cast %parallel_loop3A_1072 : vector<16xf32> to vector<1x16xf32>
      tpu.vector_store %arg9[%parallel_loop3A_1073, %parallel_loop3A_1074], %parallel_loop3A_1077 {strides = array<i32>} : memref<16x1024xf32, #tpu.memory_space<vmem>>, vector<1x16xf32>,
    } {sc.loop_unroll_factor = 8 : i64, sc.parallel_access}
    %add3A_804 = arith.constant 368 : i32
    %add3A_805 = arith.addi %mul3A_2, %add3A_804 : i32
    %dma_start3A_806 = arith.constant 0 : i32
    %dma_start3A_807 = tpu.memref_slice %arg5[%add3A_805, %dma_start3A_806] : memref<16384x1024xf32, #tpu.memory_space<hbm>> -> memref<16x1024xf32, #tpu.memory_space<hbm>>
    %dma_start3A_808 = arith.constant 0 : i32
    %dma_start3A_809 = tpu.memref_slice %arg5[%add3A_805, %dma_start3A_808] : memref<16384x1024xf32, #tpu.memory_space<hbm>> -> memref<16x1024xf32, #tpu.memory_space<hbm>>
    tpu.enqueue_dma source(%arg9 : memref<16x1024xf32, #tpu.memory_space<vmem>>) target(%dma_start3A_809 : memref<16x1024xf32, #tpu.memory_space<hbm>>) target_semaphore(%arg21 : memref<!tpu.dma_semaphore, #tpu.memory_space<semaphore_mem>>)
    %dma_wait3A_810 = arith.constant 0 : i32
    %dma_wait3A_811 = tpu.memref_slice %arg2[%add3A_758, %dma_wait3A_810] : memref<16384x1024xf32, #tpu.memory_space<hbm>> -> memref<16x1024xf32, #tpu.memory_space<hbm>>
    %dma_wait3A_812 = arith.constant 0 : i32
    %dma_wait3A_813 = tpu.memref_slice %arg2[%add3A_758, %dma_wait3A_812] : memref<16384x1024xf32, #tpu.memory_space<hbm>> -> memref<16x1024xf32, #tpu.memory_space<hbm>>
    tpu.wait_dma2 semaphore(%arg13 : memref<!tpu.dma_semaphore, #tpu.memory_space<semaphore_mem>>) src(%dma_wait3A_813 : memref<16x1024xf32, #tpu.memory_space<hbm>>) dst(%arg7 : memref<16x1024xf32, #tpu.memory_space<vmem>>)
    %dma_wait3A_814 = arith.constant 384 : i32
    %dma_wait3A_815 = tpu.memref_slice %arg6[%dma_wait3A_814] : memref<512xi32, #tpu.memory_space<vmem>> -> memref<16xi32, #tpu.memory_space<vmem>>
    %dma_wait3A_816 = arith.constant 0 : i32
    %dma_wait3A_817 = arith.constant 0 : i32
    %dma_wait3A_818 = tpu.memref_slice %arg4[%dma_wait3A_816, %dma_wait3A_817] : memref<4096x1024xf32, #tpu.memory_space<hbm>> -> memref<4096x1024xf32, #tpu.memory_space<hbm>>
    tpu.wait_indirect_dma semaphore(%arg16 : memref<!tpu.dma_semaphore, #tpu.memory_space<semaphore_mem>>) src(%dma_wait3A_818 : memref<4096x1024xf32, #tpu.memory_space<hbm>>) dst(%arg10 : memref<16x1024xf32, #tpu.memory_space<vmem>>)
    %dma_wait3A_819 = arith.constant 0 : i32
    %dma_wait3A_820 = tpu.memref_slice %arg5[%add3A_805, %dma_wait3A_819] : memref<16384x1024xf32, #tpu.memory_space<hbm>> -> memref<16x1024xf32, #tpu.memory_space<hbm>>
    %dma_wait3A_821 = arith.constant 0 : i32
    %dma_wait3A_822 = tpu.memref_slice %arg5[%add3A_805, %dma_wait3A_821] : memref<16384x1024xf32, #tpu.memory_space<hbm>> -> memref<16x1024xf32, #tpu.memory_space<hbm>>
    tpu.wait_dma2 semaphore(%arg21 : memref<!tpu.dma_semaphore, #tpu.memory_space<semaphore_mem>>) src(%arg9 : memref<16x1024xf32, #tpu.memory_space<vmem>>) dst(%dma_wait3A_822 : memref<16x1024xf32, #tpu.memory_space<hbm>>)
    %add3A_823 = arith.constant 416 : i32
    %add3A_824 = arith.addi %mul3A_2, %add3A_823 : i32
    %dma_start3A_825 = arith.constant 0 : i32
    %dma_start3A_826 = tpu.memref_slice %arg2[%add3A_824, %dma_start3A_825] : memref<16384x1024xf32, #tpu.memory_space<hbm>> -> memref<16x1024xf32, #tpu.memory_space<hbm>>
    %dma_start3A_827 = arith.constant 0 : i32
    %dma_start3A_828 = tpu.memref_slice %arg2[%add3A_824, %dma_start3A_827] : memref<16384x1024xf32, #tpu.memory_space<hbm>> -> memref<16x1024xf32, #tpu.memory_space<hbm>>
    tpu.enqueue_dma source(%dma_start3A_828 : memref<16x1024xf32, #tpu.memory_space<hbm>>) target(%arg9 : memref<16x1024xf32, #tpu.memory_space<vmem>>) target_semaphore(%arg15 : memref<!tpu.dma_semaphore, #tpu.memory_space<semaphore_mem>>)
    %dma_start3A_829 = arith.constant 416 : i32
    %dma_start3A_830 = tpu.memref_slice %arg6[%dma_start3A_829] : memref<512xi32, #tpu.memory_space<vmem>> -> memref<16xi32, #tpu.memory_space<vmem>>
    %dma_start3A_831 = arith.constant 0 : i32
    %dma_start3A_832 = arith.constant 0 : i32
    %dma_start3A_833 = tpu.memref_slice %arg4[%dma_start3A_831, %dma_start3A_832] : memref<4096x1024xf32, #tpu.memory_space<hbm>> -> memref<4096x1024xf32, #tpu.memory_space<hbm>>
    tpu.enqueue_indirect_dma source(%dma_start3A_833 : memref<4096x1024xf32, #tpu.memory_space<hbm>>) target(%arg12 : memref<16x1024xf32, #tpu.memory_space<vmem>>) offsets(%dma_start3A_830 : memref<16xi32, #tpu.memory_space<vmem>>) semaphore(%arg18 : memref<!tpu.dma_semaphore, #tpu.memory_space<semaphore_mem>>)
    %parallel_loop3A_834 = arith.constant 0 : i32
    %parallel_loop3A_835 = arith.constant 1024 : i32
    %parallel_loop3A_836 = arith.constant 1 : i32
    scf.for %parallel_loop3A_1056 = %parallel_loop3A_834 to %parallel_loop3A_835 step %parallel_loop3A_836  : i32 {
      %parallel_loop3A_1057 = arith.constant 6 : i32
      %parallel_loop3A_1058 = arith.shrui %parallel_loop3A_1056, %parallel_loop3A_1057 : i32
      %parallel_loop3A_1059 = arith.constant 63 : i32
      %parallel_loop3A_1060 = arith.andi %parallel_loop3A_1056, %parallel_loop3A_1059 : i32
      %parallel_loop3A_1061 = arith.constant 4 : i32
      %parallel_loop3A_1062 = arith.shli %parallel_loop3A_1060, %parallel_loop3A_1061 : i32
      %parallel_loop3A_1063 = tpu.assume_multiple %parallel_loop3A_1062, 16 : i32
      %parallel_loop3A_1064 = arith.index_cast %parallel_loop3A_1058 : i32 to index
      %parallel_loop3A_1065 = arith.index_cast %parallel_loop3A_1063 : i32 to index
      %parallel_loop3A_1066 = tpu.vector_load %arg7[%parallel_loop3A_1064, %parallel_loop3A_1065] {strides = array<i32>} : memref<16x1024xf32, #tpu.memory_space<vmem>>, vector<1x16xf32>,
      %parallel_loop3A_1067 = vector.shape_cast %parallel_loop3A_1066 : vector<1x16xf32> to vector<16xf32>
      %parallel_loop3A_1068 = arith.index_cast %parallel_loop3A_1058 : i32 to index
      %parallel_loop3A_1069 = arith.index_cast %parallel_loop3A_1063 : i32 to index
      %parallel_loop3A_1070 = tpu.vector_load %arg10[%parallel_loop3A_1068, %parallel_loop3A_1069] {strides = array<i32>} : memref<16x1024xf32, #tpu.memory_space<vmem>>, vector<1x16xf32>,
      %parallel_loop3A_1071 = vector.shape_cast %parallel_loop3A_1070 : vector<1x16xf32> to vector<16xf32>
      %parallel_loop3A_1072 = arith.addf %parallel_loop3A_1067, %parallel_loop3A_1071 : vector<16xf32>
      %parallel_loop3A_1073 = arith.index_cast %parallel_loop3A_1058 : i32 to index
      %parallel_loop3A_1074 = arith.index_cast %parallel_loop3A_1063 : i32 to index
      %parallel_loop3A_1075 = tpu.vector_load %arg7[%parallel_loop3A_1073, %parallel_loop3A_1074] {strides = array<i32>} : memref<16x1024xf32, #tpu.memory_space<vmem>>, vector<1x16xf32>,
      %parallel_loop3A_1076 = vector.shape_cast %parallel_loop3A_1075 : vector<1x16xf32> to vector<16xf32>
      %parallel_loop3A_1077 = vector.shape_cast %parallel_loop3A_1072 : vector<16xf32> to vector<1x16xf32>
      tpu.vector_store %arg7[%parallel_loop3A_1073, %parallel_loop3A_1074], %parallel_loop3A_1077 {strides = array<i32>} : memref<16x1024xf32, #tpu.memory_space<vmem>>, vector<1x16xf32>,
    } {sc.loop_unroll_factor = 8 : i64, sc.parallel_access}
    %add3A_837 = arith.constant 384 : i32
    %add3A_838 = arith.addi %mul3A_2, %add3A_837 : i32
    %dma_start3A_839 = arith.constant 0 : i32
    %dma_start3A_840 = tpu.memref_slice %arg5[%add3A_838, %dma_start3A_839] : memref<16384x1024xf32, #tpu.memory_space<hbm>> -> memref<16x1024xf32, #tpu.memory_space<hbm>>
    %dma_start3A_841 = arith.constant 0 : i32
    %dma_start3A_842 = tpu.memref_slice %arg5[%add3A_838, %dma_start3A_841] : memref<16384x1024xf32, #tpu.memory_space<hbm>> -> memref<16x1024xf32, #tpu.memory_space<hbm>>
    tpu.enqueue_dma source(%arg7 : memref<16x1024xf32, #tpu.memory_space<vmem>>) target(%dma_start3A_842 : memref<16x1024xf32, #tpu.memory_space<hbm>>) target_semaphore(%arg19 : memref<!tpu.dma_semaphore, #tpu.memory_space<semaphore_mem>>)
    %dma_wait3A_843 = arith.constant 0 : i32
    %dma_wait3A_844 = tpu.memref_slice %arg2[%add3A_791, %dma_wait3A_843] : memref<16384x1024xf32, #tpu.memory_space<hbm>> -> memref<16x1024xf32, #tpu.memory_space<hbm>>
    %dma_wait3A_845 = arith.constant 0 : i32
    %dma_wait3A_846 = tpu.memref_slice %arg2[%add3A_791, %dma_wait3A_845] : memref<16384x1024xf32, #tpu.memory_space<hbm>> -> memref<16x1024xf32, #tpu.memory_space<hbm>>
    tpu.wait_dma2 semaphore(%arg14 : memref<!tpu.dma_semaphore, #tpu.memory_space<semaphore_mem>>) src(%dma_wait3A_846 : memref<16x1024xf32, #tpu.memory_space<hbm>>) dst(%arg8 : memref<16x1024xf32, #tpu.memory_space<vmem>>)
    %dma_wait3A_847 = arith.constant 400 : i32
    %dma_wait3A_848 = tpu.memref_slice %arg6[%dma_wait3A_847] : memref<512xi32, #tpu.memory_space<vmem>> -> memref<16xi32, #tpu.memory_space<vmem>>
    %dma_wait3A_849 = arith.constant 0 : i32
    %dma_wait3A_850 = arith.constant 0 : i32
    %dma_wait3A_851 = tpu.memref_slice %arg4[%dma_wait3A_849, %dma_wait3A_850] : memref<4096x1024xf32, #tpu.memory_space<hbm>> -> memref<4096x1024xf32, #tpu.memory_space<hbm>>
    tpu.wait_indirect_dma semaphore(%arg17 : memref<!tpu.dma_semaphore, #tpu.memory_space<semaphore_mem>>) src(%dma_wait3A_851 : memref<4096x1024xf32, #tpu.memory_space<hbm>>) dst(%arg11 : memref<16x1024xf32, #tpu.memory_space<vmem>>)
    %dma_wait3A_852 = arith.constant 0 : i32
    %dma_wait3A_853 = tpu.memref_slice %arg5[%add3A_838, %dma_wait3A_852] : memref<16384x1024xf32, #tpu.memory_space<hbm>> -> memref<16x1024xf32, #tpu.memory_space<hbm>>
    %dma_wait3A_854 = arith.constant 0 : i32
    %dma_wait3A_855 = tpu.memref_slice %arg5[%add3A_838, %dma_wait3A_854] : memref<16384x1024xf32, #tpu.memory_space<hbm>> -> memref<16x1024xf32, #tpu.memory_space<hbm>>
    tpu.wait_dma2 semaphore(%arg19 : memref<!tpu.dma_semaphore, #tpu.memory_space<semaphore_mem>>) src(%arg7 : memref<16x1024xf32, #tpu.memory_space<vmem>>) dst(%dma_wait3A_855 : memref<16x1024xf32, #tpu.memory_space<hbm>>)
    %add3A_856 = arith.constant 432 : i32
    %add3A_857 = arith.addi %mul3A_2, %add3A_856 : i32
    %dma_start3A_858 = arith.constant 0 : i32
    %dma_start3A_859 = tpu.memref_slice %arg2[%add3A_857, %dma_start3A_858] : memref<16384x1024xf32, #tpu.memory_space<hbm>> -> memref<16x1024xf32, #tpu.memory_space<hbm>>
    %dma_start3A_860 = arith.constant 0 : i32
    %dma_start3A_861 = tpu.memref_slice %arg2[%add3A_857, %dma_start3A_860] : memref<16384x1024xf32, #tpu.memory_space<hbm>> -> memref<16x1024xf32, #tpu.memory_space<hbm>>
    tpu.enqueue_dma source(%dma_start3A_861 : memref<16x1024xf32, #tpu.memory_space<hbm>>) target(%arg7 : memref<16x1024xf32, #tpu.memory_space<vmem>>) target_semaphore(%arg13 : memref<!tpu.dma_semaphore, #tpu.memory_space<semaphore_mem>>)
    %dma_start3A_862 = arith.constant 432 : i32
    %dma_start3A_863 = tpu.memref_slice %arg6[%dma_start3A_862] : memref<512xi32, #tpu.memory_space<vmem>> -> memref<16xi32, #tpu.memory_space<vmem>>
    %dma_start3A_864 = arith.constant 0 : i32
    %dma_start3A_865 = arith.constant 0 : i32
    %dma_start3A_866 = tpu.memref_slice %arg4[%dma_start3A_864, %dma_start3A_865] : memref<4096x1024xf32, #tpu.memory_space<hbm>> -> memref<4096x1024xf32, #tpu.memory_space<hbm>>
    tpu.enqueue_indirect_dma source(%dma_start3A_866 : memref<4096x1024xf32, #tpu.memory_space<hbm>>) target(%arg10 : memref<16x1024xf32, #tpu.memory_space<vmem>>) offsets(%dma_start3A_863 : memref<16xi32, #tpu.memory_space<vmem>>) semaphore(%arg16 : memref<!tpu.dma_semaphore, #tpu.memory_space<semaphore_mem>>)
    %parallel_loop3A_867 = arith.constant 0 : i32
    %parallel_loop3A_868 = arith.constant 1024 : i32
    %parallel_loop3A_869 = arith.constant 1 : i32
    scf.for %parallel_loop3A_1056 = %parallel_loop3A_867 to %parallel_loop3A_868 step %parallel_loop3A_869  : i32 {
      %parallel_loop3A_1057 = arith.constant 6 : i32
      %parallel_loop3A_1058 = arith.shrui %parallel_loop3A_1056, %parallel_loop3A_1057 : i32
      %parallel_loop3A_1059 = arith.constant 63 : i32
      %parallel_loop3A_1060 = arith.andi %parallel_loop3A_1056, %parallel_loop3A_1059 : i32
      %parallel_loop3A_1061 = arith.constant 4 : i32
      %parallel_loop3A_1062 = arith.shli %parallel_loop3A_1060, %parallel_loop3A_1061 : i32
      %parallel_loop3A_1063 = tpu.assume_multiple %parallel_loop3A_1062, 16 : i32
      %parallel_loop3A_1064 = arith.index_cast %parallel_loop3A_1058 : i32 to index
      %parallel_loop3A_1065 = arith.index_cast %parallel_loop3A_1063 : i32 to index
      %parallel_loop3A_1066 = tpu.vector_load %arg8[%parallel_loop3A_1064, %parallel_loop3A_1065] {strides = array<i32>} : memref<16x1024xf32, #tpu.memory_space<vmem>>, vector<1x16xf32>,
      %parallel_loop3A_1067 = vector.shape_cast %parallel_loop3A_1066 : vector<1x16xf32> to vector<16xf32>
      %parallel_loop3A_1068 = arith.index_cast %parallel_loop3A_1058 : i32 to index
      %parallel_loop3A_1069 = arith.index_cast %parallel_loop3A_1063 : i32 to index
      %parallel_loop3A_1070 = tpu.vector_load %arg11[%parallel_loop3A_1068, %parallel_loop3A_1069] {strides = array<i32>} : memref<16x1024xf32, #tpu.memory_space<vmem>>, vector<1x16xf32>,
      %parallel_loop3A_1071 = vector.shape_cast %parallel_loop3A_1070 : vector<1x16xf32> to vector<16xf32>
      %parallel_loop3A_1072 = arith.addf %parallel_loop3A_1067, %parallel_loop3A_1071 : vector<16xf32>
      %parallel_loop3A_1073 = arith.index_cast %parallel_loop3A_1058 : i32 to index
      %parallel_loop3A_1074 = arith.index_cast %parallel_loop3A_1063 : i32 to index
      %parallel_loop3A_1075 = tpu.vector_load %arg8[%parallel_loop3A_1073, %parallel_loop3A_1074] {strides = array<i32>} : memref<16x1024xf32, #tpu.memory_space<vmem>>, vector<1x16xf32>,
      %parallel_loop3A_1076 = vector.shape_cast %parallel_loop3A_1075 : vector<1x16xf32> to vector<16xf32>
      %parallel_loop3A_1077 = vector.shape_cast %parallel_loop3A_1072 : vector<16xf32> to vector<1x16xf32>
      tpu.vector_store %arg8[%parallel_loop3A_1073, %parallel_loop3A_1074], %parallel_loop3A_1077 {strides = array<i32>} : memref<16x1024xf32, #tpu.memory_space<vmem>>, vector<1x16xf32>,
    } {sc.loop_unroll_factor = 8 : i64, sc.parallel_access}
    %add3A_870 = arith.constant 400 : i32
    %add3A_871 = arith.addi %mul3A_2, %add3A_870 : i32
    %dma_start3A_872 = arith.constant 0 : i32
    %dma_start3A_873 = tpu.memref_slice %arg5[%add3A_871, %dma_start3A_872] : memref<16384x1024xf32, #tpu.memory_space<hbm>> -> memref<16x1024xf32, #tpu.memory_space<hbm>>
    %dma_start3A_874 = arith.constant 0 : i32
    %dma_start3A_875 = tpu.memref_slice %arg5[%add3A_871, %dma_start3A_874] : memref<16384x1024xf32, #tpu.memory_space<hbm>> -> memref<16x1024xf32, #tpu.memory_space<hbm>>
    tpu.enqueue_dma source(%arg8 : memref<16x1024xf32, #tpu.memory_space<vmem>>) target(%dma_start3A_875 : memref<16x1024xf32, #tpu.memory_space<hbm>>) target_semaphore(%arg20 : memref<!tpu.dma_semaphore, #tpu.memory_space<semaphore_mem>>)
    %dma_wait3A_876 = arith.constant 0 : i32
    %dma_wait3A_877 = tpu.memref_slice %arg2[%add3A_824, %dma_wait3A_876] : memref<16384x1024xf32, #tpu.memory_space<hbm>> -> memref<16x1024xf32, #tpu.memory_space<hbm>>
    %dma_wait3A_878 = arith.constant 0 : i32
    %dma_wait3A_879 = tpu.memref_slice %arg2[%add3A_824, %dma_wait3A_878] : memref<16384x1024xf32, #tpu.memory_space<hbm>> -> memref<16x1024xf32, #tpu.memory_space<hbm>>
    tpu.wait_dma2 semaphore(%arg15 : memref<!tpu.dma_semaphore, #tpu.memory_space<semaphore_mem>>) src(%dma_wait3A_879 : memref<16x1024xf32, #tpu.memory_space<hbm>>) dst(%arg9 : memref<16x1024xf32, #tpu.memory_space<vmem>>)
    %dma_wait3A_880 = arith.constant 416 : i32
    %dma_wait3A_881 = tpu.memref_slice %arg6[%dma_wait3A_880] : memref<512xi32, #tpu.memory_space<vmem>> -> memref<16xi32, #tpu.memory_space<vmem>>
    %dma_wait3A_882 = arith.constant 0 : i32
    %dma_wait3A_883 = arith.constant 0 : i32
    %dma_wait3A_884 = tpu.memref_slice %arg4[%dma_wait3A_882, %dma_wait3A_883] : memref<4096x1024xf32, #tpu.memory_space<hbm>> -> memref<4096x1024xf32, #tpu.memory_space<hbm>>
    tpu.wait_indirect_dma semaphore(%arg18 : memref<!tpu.dma_semaphore, #tpu.memory_space<semaphore_mem>>) src(%dma_wait3A_884 : memref<4096x1024xf32, #tpu.memory_space<hbm>>) dst(%arg12 : memref<16x1024xf32, #tpu.memory_space<vmem>>)
    %dma_wait3A_885 = arith.constant 0 : i32
    %dma_wait3A_886 = tpu.memref_slice %arg5[%add3A_871, %dma_wait3A_885] : memref<16384x1024xf32, #tpu.memory_space<hbm>> -> memref<16x1024xf32, #tpu.memory_space<hbm>>
    %dma_wait3A_887 = arith.constant 0 : i32
    %dma_wait3A_888 = tpu.memref_slice %arg5[%add3A_871, %dma_wait3A_887] : memref<16384x1024xf32, #tpu.memory_space<hbm>> -> memref<16x1024xf32, #tpu.memory_space<hbm>>
    tpu.wait_dma2 semaphore(%arg20 : memref<!tpu.dma_semaphore, #tpu.memory_space<semaphore_mem>>) src(%arg8 : memref<16x1024xf32, #tpu.memory_space<vmem>>) dst(%dma_wait3A_888 : memref<16x1024xf32, #tpu.memory_space<hbm>>)
    %add3A_889 = arith.constant 448 : i32
    %add3A_890 = arith.addi %mul3A_2, %add3A_889 : i32
    %dma_start3A_891 = arith.constant 0 : i32
    %dma_start3A_892 = tpu.memref_slice %arg2[%add3A_890, %dma_start3A_891] : memref<16384x1024xf32, #tpu.memory_space<hbm>> -> memref<16x1024xf32, #tpu.memory_space<hbm>>
    %dma_start3A_893 = arith.constant 0 : i32
    %dma_start3A_894 = tpu.memref_slice %arg2[%add3A_890, %dma_start3A_893] : memref<16384x1024xf32, #tpu.memory_space<hbm>> -> memref<16x1024xf32, #tpu.memory_space<hbm>>
    tpu.enqueue_dma source(%dma_start3A_894 : memref<16x1024xf32, #tpu.memory_space<hbm>>) target(%arg8 : memref<16x1024xf32, #tpu.memory_space<vmem>>) target_semaphore(%arg14 : memref<!tpu.dma_semaphore, #tpu.memory_space<semaphore_mem>>)
    %dma_start3A_895 = arith.constant 448 : i32
    %dma_start3A_896 = tpu.memref_slice %arg6[%dma_start3A_895] : memref<512xi32, #tpu.memory_space<vmem>> -> memref<16xi32, #tpu.memory_space<vmem>>
    %dma_start3A_897 = arith.constant 0 : i32
    %dma_start3A_898 = arith.constant 0 : i32
    %dma_start3A_899 = tpu.memref_slice %arg4[%dma_start3A_897, %dma_start3A_898] : memref<4096x1024xf32, #tpu.memory_space<hbm>> -> memref<4096x1024xf32, #tpu.memory_space<hbm>>
    tpu.enqueue_indirect_dma source(%dma_start3A_899 : memref<4096x1024xf32, #tpu.memory_space<hbm>>) target(%arg11 : memref<16x1024xf32, #tpu.memory_space<vmem>>) offsets(%dma_start3A_896 : memref<16xi32, #tpu.memory_space<vmem>>) semaphore(%arg17 : memref<!tpu.dma_semaphore, #tpu.memory_space<semaphore_mem>>)
    %parallel_loop3A_900 = arith.constant 0 : i32
    %parallel_loop3A_901 = arith.constant 1024 : i32
    %parallel_loop3A_902 = arith.constant 1 : i32
    scf.for %parallel_loop3A_1056 = %parallel_loop3A_900 to %parallel_loop3A_901 step %parallel_loop3A_902  : i32 {
      %parallel_loop3A_1057 = arith.constant 6 : i32
      %parallel_loop3A_1058 = arith.shrui %parallel_loop3A_1056, %parallel_loop3A_1057 : i32
      %parallel_loop3A_1059 = arith.constant 63 : i32
      %parallel_loop3A_1060 = arith.andi %parallel_loop3A_1056, %parallel_loop3A_1059 : i32
      %parallel_loop3A_1061 = arith.constant 4 : i32
      %parallel_loop3A_1062 = arith.shli %parallel_loop3A_1060, %parallel_loop3A_1061 : i32
      %parallel_loop3A_1063 = tpu.assume_multiple %parallel_loop3A_1062, 16 : i32
      %parallel_loop3A_1064 = arith.index_cast %parallel_loop3A_1058 : i32 to index
      %parallel_loop3A_1065 = arith.index_cast %parallel_loop3A_1063 : i32 to index
      %parallel_loop3A_1066 = tpu.vector_load %arg9[%parallel_loop3A_1064, %parallel_loop3A_1065] {strides = array<i32>} : memref<16x1024xf32, #tpu.memory_space<vmem>>, vector<1x16xf32>,
      %parallel_loop3A_1067 = vector.shape_cast %parallel_loop3A_1066 : vector<1x16xf32> to vector<16xf32>
      %parallel_loop3A_1068 = arith.index_cast %parallel_loop3A_1058 : i32 to index
      %parallel_loop3A_1069 = arith.index_cast %parallel_loop3A_1063 : i32 to index
      %parallel_loop3A_1070 = tpu.vector_load %arg12[%parallel_loop3A_1068, %parallel_loop3A_1069] {strides = array<i32>} : memref<16x1024xf32, #tpu.memory_space<vmem>>, vector<1x16xf32>,
      %parallel_loop3A_1071 = vector.shape_cast %parallel_loop3A_1070 : vector<1x16xf32> to vector<16xf32>
      %parallel_loop3A_1072 = arith.addf %parallel_loop3A_1067, %parallel_loop3A_1071 : vector<16xf32>
      %parallel_loop3A_1073 = arith.index_cast %parallel_loop3A_1058 : i32 to index
      %parallel_loop3A_1074 = arith.index_cast %parallel_loop3A_1063 : i32 to index
      %parallel_loop3A_1075 = tpu.vector_load %arg9[%parallel_loop3A_1073, %parallel_loop3A_1074] {strides = array<i32>} : memref<16x1024xf32, #tpu.memory_space<vmem>>, vector<1x16xf32>,
      %parallel_loop3A_1076 = vector.shape_cast %parallel_loop3A_1075 : vector<1x16xf32> to vector<16xf32>
      %parallel_loop3A_1077 = vector.shape_cast %parallel_loop3A_1072 : vector<16xf32> to vector<1x16xf32>
      tpu.vector_store %arg9[%parallel_loop3A_1073, %parallel_loop3A_1074], %parallel_loop3A_1077 {strides = array<i32>} : memref<16x1024xf32, #tpu.memory_space<vmem>>, vector<1x16xf32>,
    } {sc.loop_unroll_factor = 8 : i64, sc.parallel_access}
    %add3A_903 = arith.constant 416 : i32
    %add3A_904 = arith.addi %mul3A_2, %add3A_903 : i32
    %dma_start3A_905 = arith.constant 0 : i32
    %dma_start3A_906 = tpu.memref_slice %arg5[%add3A_904, %dma_start3A_905] : memref<16384x1024xf32, #tpu.memory_space<hbm>> -> memref<16x1024xf32, #tpu.memory_space<hbm>>
    %dma_start3A_907 = arith.constant 0 : i32
    %dma_start3A_908 = tpu.memref_slice %arg5[%add3A_904, %dma_start3A_907] : memref<16384x1024xf32, #tpu.memory_space<hbm>> -> memref<16x1024xf32, #tpu.memory_space<hbm>>
    tpu.enqueue_dma source(%arg9 : memref<16x1024xf32, #tpu.memory_space<vmem>>) target(%dma_start3A_908 : memref<16x1024xf32, #tpu.memory_space<hbm>>) target_semaphore(%arg21 : memref<!tpu.dma_semaphore, #tpu.memory_space<semaphore_mem>>)
    %dma_wait3A_909 = arith.constant 0 : i32
    %dma_wait3A_910 = tpu.memref_slice %arg2[%add3A_857, %dma_wait3A_909] : memref<16384x1024xf32, #tpu.memory_space<hbm>> -> memref<16x1024xf32, #tpu.memory_space<hbm>>
    %dma_wait3A_911 = arith.constant 0 : i32
    %dma_wait3A_912 = tpu.memref_slice %arg2[%add3A_857, %dma_wait3A_911] : memref<16384x1024xf32, #tpu.memory_space<hbm>> -> memref<16x1024xf32, #tpu.memory_space<hbm>>
    tpu.wait_dma2 semaphore(%arg13 : memref<!tpu.dma_semaphore, #tpu.memory_space<semaphore_mem>>) src(%dma_wait3A_912 : memref<16x1024xf32, #tpu.memory_space<hbm>>) dst(%arg7 : memref<16x1024xf32, #tpu.memory_space<vmem>>)
    %dma_wait3A_913 = arith.constant 432 : i32
    %dma_wait3A_914 = tpu.memref_slice %arg6[%dma_wait3A_913] : memref<512xi32, #tpu.memory_space<vmem>> -> memref<16xi32, #tpu.memory_space<vmem>>
    %dma_wait3A_915 = arith.constant 0 : i32
    %dma_wait3A_916 = arith.constant 0 : i32
    %dma_wait3A_917 = tpu.memref_slice %arg4[%dma_wait3A_915, %dma_wait3A_916] : memref<4096x1024xf32, #tpu.memory_space<hbm>> -> memref<4096x1024xf32, #tpu.memory_space<hbm>>
    tpu.wait_indirect_dma semaphore(%arg16 : memref<!tpu.dma_semaphore, #tpu.memory_space<semaphore_mem>>) src(%dma_wait3A_917 : memref<4096x1024xf32, #tpu.memory_space<hbm>>) dst(%arg10 : memref<16x1024xf32, #tpu.memory_space<vmem>>)
    %dma_wait3A_918 = arith.constant 0 : i32
    %dma_wait3A_919 = tpu.memref_slice %arg5[%add3A_904, %dma_wait3A_918] : memref<16384x1024xf32, #tpu.memory_space<hbm>> -> memref<16x1024xf32, #tpu.memory_space<hbm>>
    %dma_wait3A_920 = arith.constant 0 : i32
    %dma_wait3A_921 = tpu.memref_slice %arg5[%add3A_904, %dma_wait3A_920] : memref<16384x1024xf32, #tpu.memory_space<hbm>> -> memref<16x1024xf32, #tpu.memory_space<hbm>>
    tpu.wait_dma2 semaphore(%arg21 : memref<!tpu.dma_semaphore, #tpu.memory_space<semaphore_mem>>) src(%arg9 : memref<16x1024xf32, #tpu.memory_space<vmem>>) dst(%dma_wait3A_921 : memref<16x1024xf32, #tpu.memory_space<hbm>>)
    %add3A_922 = arith.constant 464 : i32
    %add3A_923 = arith.addi %mul3A_2, %add3A_922 : i32
    %dma_start3A_924 = arith.constant 0 : i32
    %dma_start3A_925 = tpu.memref_slice %arg2[%add3A_923, %dma_start3A_924] : memref<16384x1024xf32, #tpu.memory_space<hbm>> -> memref<16x1024xf32, #tpu.memory_space<hbm>>
    %dma_start3A_926 = arith.constant 0 : i32
    %dma_start3A_927 = tpu.memref_slice %arg2[%add3A_923, %dma_start3A_926] : memref<16384x1024xf32, #tpu.memory_space<hbm>> -> memref<16x1024xf32, #tpu.memory_space<hbm>>
    tpu.enqueue_dma source(%dma_start3A_927 : memref<16x1024xf32, #tpu.memory_space<hbm>>) target(%arg9 : memref<16x1024xf32, #tpu.memory_space<vmem>>) target_semaphore(%arg15 : memref<!tpu.dma_semaphore, #tpu.memory_space<semaphore_mem>>)
    %dma_start3A_928 = arith.constant 464 : i32
    %dma_start3A_929 = tpu.memref_slice %arg6[%dma_start3A_928] : memref<512xi32, #tpu.memory_space<vmem>> -> memref<16xi32, #tpu.memory_space<vmem>>
    %dma_start3A_930 = arith.constant 0 : i32
    %dma_start3A_931 = arith.constant 0 : i32
    %dma_start3A_932 = tpu.memref_slice %arg4[%dma_start3A_930, %dma_start3A_931] : memref<4096x1024xf32, #tpu.memory_space<hbm>> -> memref<4096x1024xf32, #tpu.memory_space<hbm>>
    tpu.enqueue_indirect_dma source(%dma_start3A_932 : memref<4096x1024xf32, #tpu.memory_space<hbm>>) target(%arg12 : memref<16x1024xf32, #tpu.memory_space<vmem>>) offsets(%dma_start3A_929 : memref<16xi32, #tpu.memory_space<vmem>>) semaphore(%arg18 : memref<!tpu.dma_semaphore, #tpu.memory_space<semaphore_mem>>)
    %parallel_loop3A_933 = arith.constant 0 : i32
    %parallel_loop3A_934 = arith.constant 1024 : i32
    %parallel_loop3A_935 = arith.constant 1 : i32
    scf.for %parallel_loop3A_1056 = %parallel_loop3A_933 to %parallel_loop3A_934 step %parallel_loop3A_935  : i32 {
      %parallel_loop3A_1057 = arith.constant 6 : i32
      %parallel_loop3A_1058 = arith.shrui %parallel_loop3A_1056, %parallel_loop3A_1057 : i32
      %parallel_loop3A_1059 = arith.constant 63 : i32
      %parallel_loop3A_1060 = arith.andi %parallel_loop3A_1056, %parallel_loop3A_1059 : i32
      %parallel_loop3A_1061 = arith.constant 4 : i32
      %parallel_loop3A_1062 = arith.shli %parallel_loop3A_1060, %parallel_loop3A_1061 : i32
      %parallel_loop3A_1063 = tpu.assume_multiple %parallel_loop3A_1062, 16 : i32
      %parallel_loop3A_1064 = arith.index_cast %parallel_loop3A_1058 : i32 to index
      %parallel_loop3A_1065 = arith.index_cast %parallel_loop3A_1063 : i32 to index
      %parallel_loop3A_1066 = tpu.vector_load %arg7[%parallel_loop3A_1064, %parallel_loop3A_1065] {strides = array<i32>} : memref<16x1024xf32, #tpu.memory_space<vmem>>, vector<1x16xf32>,
      %parallel_loop3A_1067 = vector.shape_cast %parallel_loop3A_1066 : vector<1x16xf32> to vector<16xf32>
      %parallel_loop3A_1068 = arith.index_cast %parallel_loop3A_1058 : i32 to index
      %parallel_loop3A_1069 = arith.index_cast %parallel_loop3A_1063 : i32 to index
      %parallel_loop3A_1070 = tpu.vector_load %arg10[%parallel_loop3A_1068, %parallel_loop3A_1069] {strides = array<i32>} : memref<16x1024xf32, #tpu.memory_space<vmem>>, vector<1x16xf32>,
      %parallel_loop3A_1071 = vector.shape_cast %parallel_loop3A_1070 : vector<1x16xf32> to vector<16xf32>
      %parallel_loop3A_1072 = arith.addf %parallel_loop3A_1067, %parallel_loop3A_1071 : vector<16xf32>
      %parallel_loop3A_1073 = arith.index_cast %parallel_loop3A_1058 : i32 to index
      %parallel_loop3A_1074 = arith.index_cast %parallel_loop3A_1063 : i32 to index
      %parallel_loop3A_1075 = tpu.vector_load %arg7[%parallel_loop3A_1073, %parallel_loop3A_1074] {strides = array<i32>} : memref<16x1024xf32, #tpu.memory_space<vmem>>, vector<1x16xf32>,
      %parallel_loop3A_1076 = vector.shape_cast %parallel_loop3A_1075 : vector<1x16xf32> to vector<16xf32>
      %parallel_loop3A_1077 = vector.shape_cast %parallel_loop3A_1072 : vector<16xf32> to vector<1x16xf32>
      tpu.vector_store %arg7[%parallel_loop3A_1073, %parallel_loop3A_1074], %parallel_loop3A_1077 {strides = array<i32>} : memref<16x1024xf32, #tpu.memory_space<vmem>>, vector<1x16xf32>,
    } {sc.loop_unroll_factor = 8 : i64, sc.parallel_access}
    %add3A_936 = arith.constant 432 : i32
    %add3A_937 = arith.addi %mul3A_2, %add3A_936 : i32
    %dma_start3A_938 = arith.constant 0 : i32
    %dma_start3A_939 = tpu.memref_slice %arg5[%add3A_937, %dma_start3A_938] : memref<16384x1024xf32, #tpu.memory_space<hbm>> -> memref<16x1024xf32, #tpu.memory_space<hbm>>
    %dma_start3A_940 = arith.constant 0 : i32
    %dma_start3A_941 = tpu.memref_slice %arg5[%add3A_937, %dma_start3A_940] : memref<16384x1024xf32, #tpu.memory_space<hbm>> -> memref<16x1024xf32, #tpu.memory_space<hbm>>
    tpu.enqueue_dma source(%arg7 : memref<16x1024xf32, #tpu.memory_space<vmem>>) target(%dma_start3A_941 : memref<16x1024xf32, #tpu.memory_space<hbm>>) target_semaphore(%arg19 : memref<!tpu.dma_semaphore, #tpu.memory_space<semaphore_mem>>)
    %dma_wait3A_942 = arith.constant 0 : i32
    %dma_wait3A_943 = tpu.memref_slice %arg2[%add3A_890, %dma_wait3A_942] : memref<16384x1024xf32, #tpu.memory_space<hbm>> -> memref<16x1024xf32, #tpu.memory_space<hbm>>
    %dma_wait3A_944 = arith.constant 0 : i32
    %dma_wait3A_945 = tpu.memref_slice %arg2[%add3A_890, %dma_wait3A_944] : memref<16384x1024xf32, #tpu.memory_space<hbm>> -> memref<16x1024xf32, #tpu.memory_space<hbm>>
    tpu.wait_dma2 semaphore(%arg14 : memref<!tpu.dma_semaphore, #tpu.memory_space<semaphore_mem>>) src(%dma_wait3A_945 : memref<16x1024xf32, #tpu.memory_space<hbm>>) dst(%arg8 : memref<16x1024xf32, #tpu.memory_space<vmem>>)
    %dma_wait3A_946 = arith.constant 448 : i32
    %dma_wait3A_947 = tpu.memref_slice %arg6[%dma_wait3A_946] : memref<512xi32, #tpu.memory_space<vmem>> -> memref<16xi32, #tpu.memory_space<vmem>>
    %dma_wait3A_948 = arith.constant 0 : i32
    %dma_wait3A_949 = arith.constant 0 : i32
    %dma_wait3A_950 = tpu.memref_slice %arg4[%dma_wait3A_948, %dma_wait3A_949] : memref<4096x1024xf32, #tpu.memory_space<hbm>> -> memref<4096x1024xf32, #tpu.memory_space<hbm>>
    tpu.wait_indirect_dma semaphore(%arg17 : memref<!tpu.dma_semaphore, #tpu.memory_space<semaphore_mem>>) src(%dma_wait3A_950 : memref<4096x1024xf32, #tpu.memory_space<hbm>>) dst(%arg11 : memref<16x1024xf32, #tpu.memory_space<vmem>>)
    %dma_wait3A_951 = arith.constant 0 : i32
    %dma_wait3A_952 = tpu.memref_slice %arg5[%add3A_937, %dma_wait3A_951] : memref<16384x1024xf32, #tpu.memory_space<hbm>> -> memref<16x1024xf32, #tpu.memory_space<hbm>>
    %dma_wait3A_953 = arith.constant 0 : i32
    %dma_wait3A_954 = tpu.memref_slice %arg5[%add3A_937, %dma_wait3A_953] : memref<16384x1024xf32, #tpu.memory_space<hbm>> -> memref<16x1024xf32, #tpu.memory_space<hbm>>
    tpu.wait_dma2 semaphore(%arg19 : memref<!tpu.dma_semaphore, #tpu.memory_space<semaphore_mem>>) src(%arg7 : memref<16x1024xf32, #tpu.memory_space<vmem>>) dst(%dma_wait3A_954 : memref<16x1024xf32, #tpu.memory_space<hbm>>)
    %add3A_955 = arith.constant 480 : i32
    %add3A_956 = arith.addi %mul3A_2, %add3A_955 : i32
    %dma_start3A_957 = arith.constant 0 : i32
    %dma_start3A_958 = tpu.memref_slice %arg2[%add3A_956, %dma_start3A_957] : memref<16384x1024xf32, #tpu.memory_space<hbm>> -> memref<16x1024xf32, #tpu.memory_space<hbm>>
    %dma_start3A_959 = arith.constant 0 : i32
    %dma_start3A_960 = tpu.memref_slice %arg2[%add3A_956, %dma_start3A_959] : memref<16384x1024xf32, #tpu.memory_space<hbm>> -> memref<16x1024xf32, #tpu.memory_space<hbm>>
    tpu.enqueue_dma source(%dma_start3A_960 : memref<16x1024xf32, #tpu.memory_space<hbm>>) target(%arg7 : memref<16x1024xf32, #tpu.memory_space<vmem>>) target_semaphore(%arg13 : memref<!tpu.dma_semaphore, #tpu.memory_space<semaphore_mem>>)
    %dma_start3A_961 = arith.constant 480 : i32
    %dma_start3A_962 = tpu.memref_slice %arg6[%dma_start3A_961] : memref<512xi32, #tpu.memory_space<vmem>> -> memref<16xi32, #tpu.memory_space<vmem>>
    %dma_start3A_963 = arith.constant 0 : i32
    %dma_start3A_964 = arith.constant 0 : i32
    %dma_start3A_965 = tpu.memref_slice %arg4[%dma_start3A_963, %dma_start3A_964] : memref<4096x1024xf32, #tpu.memory_space<hbm>> -> memref<4096x1024xf32, #tpu.memory_space<hbm>>
    tpu.enqueue_indirect_dma source(%dma_start3A_965 : memref<4096x1024xf32, #tpu.memory_space<hbm>>) target(%arg10 : memref<16x1024xf32, #tpu.memory_space<vmem>>) offsets(%dma_start3A_962 : memref<16xi32, #tpu.memory_space<vmem>>) semaphore(%arg16 : memref<!tpu.dma_semaphore, #tpu.memory_space<semaphore_mem>>)
    %parallel_loop3A_966 = arith.constant 0 : i32
    %parallel_loop3A_967 = arith.constant 1024 : i32
    %parallel_loop3A_968 = arith.constant 1 : i32
    scf.for %parallel_loop3A_1056 = %parallel_loop3A_966 to %parallel_loop3A_967 step %parallel_loop3A_968  : i32 {
      %parallel_loop3A_1057 = arith.constant 6 : i32
      %parallel_loop3A_1058 = arith.shrui %parallel_loop3A_1056, %parallel_loop3A_1057 : i32
      %parallel_loop3A_1059 = arith.constant 63 : i32
      %parallel_loop3A_1060 = arith.andi %parallel_loop3A_1056, %parallel_loop3A_1059 : i32
      %parallel_loop3A_1061 = arith.constant 4 : i32
      %parallel_loop3A_1062 = arith.shli %parallel_loop3A_1060, %parallel_loop3A_1061 : i32
      %parallel_loop3A_1063 = tpu.assume_multiple %parallel_loop3A_1062, 16 : i32
      %parallel_loop3A_1064 = arith.index_cast %parallel_loop3A_1058 : i32 to index
      %parallel_loop3A_1065 = arith.index_cast %parallel_loop3A_1063 : i32 to index
      %parallel_loop3A_1066 = tpu.vector_load %arg8[%parallel_loop3A_1064, %parallel_loop3A_1065] {strides = array<i32>} : memref<16x1024xf32, #tpu.memory_space<vmem>>, vector<1x16xf32>,
      %parallel_loop3A_1067 = vector.shape_cast %parallel_loop3A_1066 : vector<1x16xf32> to vector<16xf32>
      %parallel_loop3A_1068 = arith.index_cast %parallel_loop3A_1058 : i32 to index
      %parallel_loop3A_1069 = arith.index_cast %parallel_loop3A_1063 : i32 to index
      %parallel_loop3A_1070 = tpu.vector_load %arg11[%parallel_loop3A_1068, %parallel_loop3A_1069] {strides = array<i32>} : memref<16x1024xf32, #tpu.memory_space<vmem>>, vector<1x16xf32>,
      %parallel_loop3A_1071 = vector.shape_cast %parallel_loop3A_1070 : vector<1x16xf32> to vector<16xf32>
      %parallel_loop3A_1072 = arith.addf %parallel_loop3A_1067, %parallel_loop3A_1071 : vector<16xf32>
      %parallel_loop3A_1073 = arith.index_cast %parallel_loop3A_1058 : i32 to index
      %parallel_loop3A_1074 = arith.index_cast %parallel_loop3A_1063 : i32 to index
      %parallel_loop3A_1075 = tpu.vector_load %arg8[%parallel_loop3A_1073, %parallel_loop3A_1074] {strides = array<i32>} : memref<16x1024xf32, #tpu.memory_space<vmem>>, vector<1x16xf32>,
      %parallel_loop3A_1076 = vector.shape_cast %parallel_loop3A_1075 : vector<1x16xf32> to vector<16xf32>
      %parallel_loop3A_1077 = vector.shape_cast %parallel_loop3A_1072 : vector<16xf32> to vector<1x16xf32>
      tpu.vector_store %arg8[%parallel_loop3A_1073, %parallel_loop3A_1074], %parallel_loop3A_1077 {strides = array<i32>} : memref<16x1024xf32, #tpu.memory_space<vmem>>, vector<1x16xf32>,
    } {sc.loop_unroll_factor = 8 : i64, sc.parallel_access}
    %add3A_969 = arith.constant 448 : i32
    %add3A_970 = arith.addi %mul3A_2, %add3A_969 : i32
    %dma_start3A_971 = arith.constant 0 : i32
    %dma_start3A_972 = tpu.memref_slice %arg5[%add3A_970, %dma_start3A_971] : memref<16384x1024xf32, #tpu.memory_space<hbm>> -> memref<16x1024xf32, #tpu.memory_space<hbm>>
    %dma_start3A_973 = arith.constant 0 : i32
    %dma_start3A_974 = tpu.memref_slice %arg5[%add3A_970, %dma_start3A_973] : memref<16384x1024xf32, #tpu.memory_space<hbm>> -> memref<16x1024xf32, #tpu.memory_space<hbm>>
    tpu.enqueue_dma source(%arg8 : memref<16x1024xf32, #tpu.memory_space<vmem>>) target(%dma_start3A_974 : memref<16x1024xf32, #tpu.memory_space<hbm>>) target_semaphore(%arg20 : memref<!tpu.dma_semaphore, #tpu.memory_space<semaphore_mem>>)
    %dma_wait3A_975 = arith.constant 0 : i32
    %dma_wait3A_976 = tpu.memref_slice %arg2[%add3A_923, %dma_wait3A_975] : memref<16384x1024xf32, #tpu.memory_space<hbm>> -> memref<16x1024xf32, #tpu.memory_space<hbm>>
    %dma_wait3A_977 = arith.constant 0 : i32
    %dma_wait3A_978 = tpu.memref_slice %arg2[%add3A_923, %dma_wait3A_977] : memref<16384x1024xf32, #tpu.memory_space<hbm>> -> memref<16x1024xf32, #tpu.memory_space<hbm>>
    tpu.wait_dma2 semaphore(%arg15 : memref<!tpu.dma_semaphore, #tpu.memory_space<semaphore_mem>>) src(%dma_wait3A_978 : memref<16x1024xf32, #tpu.memory_space<hbm>>) dst(%arg9 : memref<16x1024xf32, #tpu.memory_space<vmem>>)
    %dma_wait3A_979 = arith.constant 464 : i32
    %dma_wait3A_980 = tpu.memref_slice %arg6[%dma_wait3A_979] : memref<512xi32, #tpu.memory_space<vmem>> -> memref<16xi32, #tpu.memory_space<vmem>>
    %dma_wait3A_981 = arith.constant 0 : i32
    %dma_wait3A_982 = arith.constant 0 : i32
    %dma_wait3A_983 = tpu.memref_slice %arg4[%dma_wait3A_981, %dma_wait3A_982] : memref<4096x1024xf32, #tpu.memory_space<hbm>> -> memref<4096x1024xf32, #tpu.memory_space<hbm>>
    tpu.wait_indirect_dma semaphore(%arg18 : memref<!tpu.dma_semaphore, #tpu.memory_space<semaphore_mem>>) src(%dma_wait3A_983 : memref<4096x1024xf32, #tpu.memory_space<hbm>>) dst(%arg12 : memref<16x1024xf32, #tpu.memory_space<vmem>>)
    %dma_wait3A_984 = arith.constant 0 : i32
    %dma_wait3A_985 = tpu.memref_slice %arg5[%add3A_970, %dma_wait3A_984] : memref<16384x1024xf32, #tpu.memory_space<hbm>> -> memref<16x1024xf32, #tpu.memory_space<hbm>>
    %dma_wait3A_986 = arith.constant 0 : i32
    %dma_wait3A_987 = tpu.memref_slice %arg5[%add3A_970, %dma_wait3A_986] : memref<16384x1024xf32, #tpu.memory_space<hbm>> -> memref<16x1024xf32, #tpu.memory_space<hbm>>
    tpu.wait_dma2 semaphore(%arg20 : memref<!tpu.dma_semaphore, #tpu.memory_space<semaphore_mem>>) src(%arg8 : memref<16x1024xf32, #tpu.memory_space<vmem>>) dst(%dma_wait3A_987 : memref<16x1024xf32, #tpu.memory_space<hbm>>)
    %add3A_988 = arith.constant 496 : i32
    %add3A_989 = arith.addi %mul3A_2, %add3A_988 : i32
    %dma_start3A_990 = arith.constant 0 : i32
    %dma_start3A_991 = tpu.memref_slice %arg2[%add3A_989, %dma_start3A_990] : memref<16384x1024xf32, #tpu.memory_space<hbm>> -> memref<16x1024xf32, #tpu.memory_space<hbm>>
    %dma_start3A_992 = arith.constant 0 : i32
    %dma_start3A_993 = tpu.memref_slice %arg2[%add3A_989, %dma_start3A_992] : memref<16384x1024xf32, #tpu.memory_space<hbm>> -> memref<16x1024xf32, #tpu.memory_space<hbm>>
    tpu.enqueue_dma source(%dma_start3A_993 : memref<16x1024xf32, #tpu.memory_space<hbm>>) target(%arg8 : memref<16x1024xf32, #tpu.memory_space<vmem>>) target_semaphore(%arg14 : memref<!tpu.dma_semaphore, #tpu.memory_space<semaphore_mem>>)
    %dma_start3A_994 = arith.constant 496 : i32
    %dma_start3A_995 = tpu.memref_slice %arg6[%dma_start3A_994] : memref<512xi32, #tpu.memory_space<vmem>> -> memref<16xi32, #tpu.memory_space<vmem>>
    %dma_start3A_996 = arith.constant 0 : i32
    %dma_start3A_997 = arith.constant 0 : i32
    %dma_start3A_998 = tpu.memref_slice %arg4[%dma_start3A_996, %dma_start3A_997] : memref<4096x1024xf32, #tpu.memory_space<hbm>> -> memref<4096x1024xf32, #tpu.memory_space<hbm>>
    tpu.enqueue_indirect_dma source(%dma_start3A_998 : memref<4096x1024xf32, #tpu.memory_space<hbm>>) target(%arg11 : memref<16x1024xf32, #tpu.memory_space<vmem>>) offsets(%dma_start3A_995 : memref<16xi32, #tpu.memory_space<vmem>>) semaphore(%arg17 : memref<!tpu.dma_semaphore, #tpu.memory_space<semaphore_mem>>)
    %parallel_loop3A_999 = arith.constant 0 : i32
    %parallel_loop3A_1000 = arith.constant 1024 : i32
    %parallel_loop3A_1001 = arith.constant 1 : i32
    scf.for %parallel_loop3A_1056 = %parallel_loop3A_999 to %parallel_loop3A_1000 step %parallel_loop3A_1001  : i32 {
      %parallel_loop3A_1057 = arith.constant 6 : i32
      %parallel_loop3A_1058 = arith.shrui %parallel_loop3A_1056, %parallel_loop3A_1057 : i32
      %parallel_loop3A_1059 = arith.constant 63 : i32
      %parallel_loop3A_1060 = arith.andi %parallel_loop3A_1056, %parallel_loop3A_1059 : i32
      %parallel_loop3A_1061 = arith.constant 4 : i32
      %parallel_loop3A_1062 = arith.shli %parallel_loop3A_1060, %parallel_loop3A_1061 : i32
      %parallel_loop3A_1063 = tpu.assume_multiple %parallel_loop3A_1062, 16 : i32
      %parallel_loop3A_1064 = arith.index_cast %parallel_loop3A_1058 : i32 to index
      %parallel_loop3A_1065 = arith.index_cast %parallel_loop3A_1063 : i32 to index
      %parallel_loop3A_1066 = tpu.vector_load %arg9[%parallel_loop3A_1064, %parallel_loop3A_1065] {strides = array<i32>} : memref<16x1024xf32, #tpu.memory_space<vmem>>, vector<1x16xf32>,
      %parallel_loop3A_1067 = vector.shape_cast %parallel_loop3A_1066 : vector<1x16xf32> to vector<16xf32>
      %parallel_loop3A_1068 = arith.index_cast %parallel_loop3A_1058 : i32 to index
      %parallel_loop3A_1069 = arith.index_cast %parallel_loop3A_1063 : i32 to index
      %parallel_loop3A_1070 = tpu.vector_load %arg12[%parallel_loop3A_1068, %parallel_loop3A_1069] {strides = array<i32>} : memref<16x1024xf32, #tpu.memory_space<vmem>>, vector<1x16xf32>,
      %parallel_loop3A_1071 = vector.shape_cast %parallel_loop3A_1070 : vector<1x16xf32> to vector<16xf32>
      %parallel_loop3A_1072 = arith.addf %parallel_loop3A_1067, %parallel_loop3A_1071 : vector<16xf32>
      %parallel_loop3A_1073 = arith.index_cast %parallel_loop3A_1058 : i32 to index
      %parallel_loop3A_1074 = arith.index_cast %parallel_loop3A_1063 : i32 to index
      %parallel_loop3A_1075 = tpu.vector_load %arg9[%parallel_loop3A_1073, %parallel_loop3A_1074] {strides = array<i32>} : memref<16x1024xf32, #tpu.memory_space<vmem>>, vector<1x16xf32>,
      %parallel_loop3A_1076 = vector.shape_cast %parallel_loop3A_1075 : vector<1x16xf32> to vector<16xf32>
      %parallel_loop3A_1077 = vector.shape_cast %parallel_loop3A_1072 : vector<16xf32> to vector<1x16xf32>
      tpu.vector_store %arg9[%parallel_loop3A_1073, %parallel_loop3A_1074], %parallel_loop3A_1077 {strides = array<i32>} : memref<16x1024xf32, #tpu.memory_space<vmem>>, vector<1x16xf32>,
    } {sc.loop_unroll_factor = 8 : i64, sc.parallel_access}
    %add3A_1002 = arith.constant 464 : i32
    %add3A_1003 = arith.addi %mul3A_2, %add3A_1002 : i32
    %dma_start3A_1004 = arith.constant 0 : i32
    %dma_start3A_1005 = tpu.memref_slice %arg5[%add3A_1003, %dma_start3A_1004] : memref<16384x1024xf32, #tpu.memory_space<hbm>> -> memref<16x1024xf32, #tpu.memory_space<hbm>>
    %dma_start3A_1006 = arith.constant 0 : i32
    %dma_start3A_1007 = tpu.memref_slice %arg5[%add3A_1003, %dma_start3A_1006] : memref<16384x1024xf32, #tpu.memory_space<hbm>> -> memref<16x1024xf32, #tpu.memory_space<hbm>>
    tpu.enqueue_dma source(%arg9 : memref<16x1024xf32, #tpu.memory_space<vmem>>) target(%dma_start3A_1007 : memref<16x1024xf32, #tpu.memory_space<hbm>>) target_semaphore(%arg21 : memref<!tpu.dma_semaphore, #tpu.memory_space<semaphore_mem>>)
    %dma_wait3A_1008 = arith.constant 0 : i32
    %dma_wait3A_1009 = tpu.memref_slice %arg2[%add3A_956, %dma_wait3A_1008] : memref<16384x1024xf32, #tpu.memory_space<hbm>> -> memref<16x1024xf32, #tpu.memory_space<hbm>>
    %dma_wait3A_1010 = arith.constant 0 : i32
    %dma_wait3A_1011 = tpu.memref_slice %arg2[%add3A_956, %dma_wait3A_1010] : memref<16384x1024xf32, #tpu.memory_space<hbm>> -> memref<16x1024xf32, #tpu.memory_space<hbm>>
    tpu.wait_dma2 semaphore(%arg13 : memref<!tpu.dma_semaphore, #tpu.memory_space<semaphore_mem>>) src(%dma_wait3A_1011 : memref<16x1024xf32, #tpu.memory_space<hbm>>) dst(%arg7 : memref<16x1024xf32, #tpu.memory_space<vmem>>)
    %dma_wait3A_1012 = arith.constant 480 : i32
    %dma_wait3A_1013 = tpu.memref_slice %arg6[%dma_wait3A_1012] : memref<512xi32, #tpu.memory_space<vmem>> -> memref<16xi32, #tpu.memory_space<vmem>>
    %dma_wait3A_1014 = arith.constant 0 : i32
    %dma_wait3A_1015 = arith.constant 0 : i32
    %dma_wait3A_1016 = tpu.memref_slice %arg4[%dma_wait3A_1014, %dma_wait3A_1015] : memref<4096x1024xf32, #tpu.memory_space<hbm>> -> memref<4096x1024xf32, #tpu.memory_space<hbm>>
    tpu.wait_indirect_dma semaphore(%arg16 : memref<!tpu.dma_semaphore, #tpu.memory_space<semaphore_mem>>) src(%dma_wait3A_1016 : memref<4096x1024xf32, #tpu.memory_space<hbm>>) dst(%arg10 : memref<16x1024xf32, #tpu.memory_space<vmem>>)
    %parallel_loop3A_1017 = arith.constant 0 : i32
    %parallel_loop3A_1018 = arith.constant 1024 : i32
    %parallel_loop3A_1019 = arith.constant 1 : i32
    scf.for %parallel_loop3A_1056 = %parallel_loop3A_1017 to %parallel_loop3A_1018 step %parallel_loop3A_1019  : i32 {
      %parallel_loop3A_1057 = arith.constant 6 : i32
      %parallel_loop3A_1058 = arith.shrui %parallel_loop3A_1056, %parallel_loop3A_1057 : i32
      %parallel_loop3A_1059 = arith.constant 63 : i32
      %parallel_loop3A_1060 = arith.andi %parallel_loop3A_1056, %parallel_loop3A_1059 : i32
      %parallel_loop3A_1061 = arith.constant 4 : i32
      %parallel_loop3A_1062 = arith.shli %parallel_loop3A_1060, %parallel_loop3A_1061 : i32
      %parallel_loop3A_1063 = tpu.assume_multiple %parallel_loop3A_1062, 16 : i32
      %parallel_loop3A_1064 = arith.index_cast %parallel_loop3A_1058 : i32 to index
      %parallel_loop3A_1065 = arith.index_cast %parallel_loop3A_1063 : i32 to index
      %parallel_loop3A_1066 = tpu.vector_load %arg7[%parallel_loop3A_1064, %parallel_loop3A_1065] {strides = array<i32>} : memref<16x1024xf32, #tpu.memory_space<vmem>>, vector<1x16xf32>,
      %parallel_loop3A_1067 = vector.shape_cast %parallel_loop3A_1066 : vector<1x16xf32> to vector<16xf32>
      %parallel_loop3A_1068 = arith.index_cast %parallel_loop3A_1058 : i32 to index
      %parallel_loop3A_1069 = arith.index_cast %parallel_loop3A_1063 : i32 to index
      %parallel_loop3A_1070 = tpu.vector_load %arg10[%parallel_loop3A_1068, %parallel_loop3A_1069] {strides = array<i32>} : memref<16x1024xf32, #tpu.memory_space<vmem>>, vector<1x16xf32>,
      %parallel_loop3A_1071 = vector.shape_cast %parallel_loop3A_1070 : vector<1x16xf32> to vector<16xf32>
      %parallel_loop3A_1072 = arith.addf %parallel_loop3A_1067, %parallel_loop3A_1071 : vector<16xf32>
      %parallel_loop3A_1073 = arith.index_cast %parallel_loop3A_1058 : i32 to index
      %parallel_loop3A_1074 = arith.index_cast %parallel_loop3A_1063 : i32 to index
      %parallel_loop3A_1075 = tpu.vector_load %arg7[%parallel_loop3A_1073, %parallel_loop3A_1074] {strides = array<i32>} : memref<16x1024xf32, #tpu.memory_space<vmem>>, vector<1x16xf32>,
      %parallel_loop3A_1076 = vector.shape_cast %parallel_loop3A_1075 : vector<1x16xf32> to vector<16xf32>
      %parallel_loop3A_1077 = vector.shape_cast %parallel_loop3A_1072 : vector<16xf32> to vector<1x16xf32>
      tpu.vector_store %arg7[%parallel_loop3A_1073, %parallel_loop3A_1074], %parallel_loop3A_1077 {strides = array<i32>} : memref<16x1024xf32, #tpu.memory_space<vmem>>, vector<1x16xf32>,
    } {sc.loop_unroll_factor = 8 : i64, sc.parallel_access}
    %add3A_1020 = arith.constant 480 : i32
    %add3A_1021 = arith.addi %mul3A_2, %add3A_1020 : i32
    %dma_start3A_1022 = arith.constant 0 : i32
    %dma_start3A_1023 = tpu.memref_slice %arg5[%add3A_1021, %dma_start3A_1022] : memref<16384x1024xf32, #tpu.memory_space<hbm>> -> memref<16x1024xf32, #tpu.memory_space<hbm>>
    %dma_start3A_1024 = arith.constant 0 : i32
    %dma_start3A_1025 = tpu.memref_slice %arg5[%add3A_1021, %dma_start3A_1024] : memref<16384x1024xf32, #tpu.memory_space<hbm>> -> memref<16x1024xf32, #tpu.memory_space<hbm>>
    tpu.enqueue_dma source(%arg7 : memref<16x1024xf32, #tpu.memory_space<vmem>>) target(%dma_start3A_1025 : memref<16x1024xf32, #tpu.memory_space<hbm>>) target_semaphore(%arg19 : memref<!tpu.dma_semaphore, #tpu.memory_space<semaphore_mem>>)
    %dma_wait3A_1026 = arith.constant 0 : i32
    %dma_wait3A_1027 = tpu.memref_slice %arg2[%add3A_989, %dma_wait3A_1026] : memref<16384x1024xf32, #tpu.memory_space<hbm>> -> memref<16x1024xf32, #tpu.memory_space<hbm>>
    %dma_wait3A_1028 = arith.constant 0 : i32
    %dma_wait3A_1029 = tpu.memref_slice %arg2[%add3A_989, %dma_wait3A_1028] : memref<16384x1024xf32, #tpu.memory_space<hbm>> -> memref<16x1024xf32, #tpu.memory_space<hbm>>
    tpu.wait_dma2 semaphore(%arg14 : memref<!tpu.dma_semaphore, #tpu.memory_space<semaphore_mem>>) src(%dma_wait3A_1029 : memref<16x1024xf32, #tpu.memory_space<hbm>>) dst(%arg8 : memref<16x1024xf32, #tpu.memory_space<vmem>>)
    %dma_wait3A_1030 = arith.constant 496 : i32
    %dma_wait3A_1031 = tpu.memref_slice %arg6[%dma_wait3A_1030] : memref<512xi32, #tpu.memory_space<vmem>> -> memref<16xi32, #tpu.memory_space<vmem>>
    %dma_wait3A_1032 = arith.constant 0 : i32
    %dma_wait3A_1033 = arith.constant 0 : i32
    %dma_wait3A_1034 = tpu.memref_slice %arg4[%dma_wait3A_1032, %dma_wait3A_1033] : memref<4096x1024xf32, #tpu.memory_space<hbm>> -> memref<4096x1024xf32, #tpu.memory_space<hbm>>
    tpu.wait_indirect_dma semaphore(%arg17 : memref<!tpu.dma_semaphore, #tpu.memory_space<semaphore_mem>>) src(%dma_wait3A_1034 : memref<4096x1024xf32, #tpu.memory_space<hbm>>) dst(%arg11 : memref<16x1024xf32, #tpu.memory_space<vmem>>)
    %parallel_loop3A_1035 = arith.constant 0 : i32
    %parallel_loop3A_1036 = arith.constant 1024 : i32
    %parallel_loop3A_1037 = arith.constant 1 : i32
    scf.for %parallel_loop3A_1056 = %parallel_loop3A_1035 to %parallel_loop3A_1036 step %parallel_loop3A_1037  : i32 {
      %parallel_loop3A_1057 = arith.constant 6 : i32
      %parallel_loop3A_1058 = arith.shrui %parallel_loop3A_1056, %parallel_loop3A_1057 : i32
      %parallel_loop3A_1059 = arith.constant 63 : i32
      %parallel_loop3A_1060 = arith.andi %parallel_loop3A_1056, %parallel_loop3A_1059 : i32
      %parallel_loop3A_1061 = arith.constant 4 : i32
      %parallel_loop3A_1062 = arith.shli %parallel_loop3A_1060, %parallel_loop3A_1061 : i32
      %parallel_loop3A_1063 = tpu.assume_multiple %parallel_loop3A_1062, 16 : i32
      %parallel_loop3A_1064 = arith.index_cast %parallel_loop3A_1058 : i32 to index
      %parallel_loop3A_1065 = arith.index_cast %parallel_loop3A_1063 : i32 to index
      %parallel_loop3A_1066 = tpu.vector_load %arg8[%parallel_loop3A_1064, %parallel_loop3A_1065] {strides = array<i32>} : memref<16x1024xf32, #tpu.memory_space<vmem>>, vector<1x16xf32>,
      %parallel_loop3A_1067 = vector.shape_cast %parallel_loop3A_1066 : vector<1x16xf32> to vector<16xf32>
      %parallel_loop3A_1068 = arith.index_cast %parallel_loop3A_1058 : i32 to index
      %parallel_loop3A_1069 = arith.index_cast %parallel_loop3A_1063 : i32 to index
      %parallel_loop3A_1070 = tpu.vector_load %arg11[%parallel_loop3A_1068, %parallel_loop3A_1069] {strides = array<i32>} : memref<16x1024xf32, #tpu.memory_space<vmem>>, vector<1x16xf32>,
      %parallel_loop3A_1071 = vector.shape_cast %parallel_loop3A_1070 : vector<1x16xf32> to vector<16xf32>
      %parallel_loop3A_1072 = arith.addf %parallel_loop3A_1067, %parallel_loop3A_1071 : vector<16xf32>
      %parallel_loop3A_1073 = arith.index_cast %parallel_loop3A_1058 : i32 to index
      %parallel_loop3A_1074 = arith.index_cast %parallel_loop3A_1063 : i32 to index
      %parallel_loop3A_1075 = tpu.vector_load %arg8[%parallel_loop3A_1073, %parallel_loop3A_1074] {strides = array<i32>} : memref<16x1024xf32, #tpu.memory_space<vmem>>, vector<1x16xf32>,
      %parallel_loop3A_1076 = vector.shape_cast %parallel_loop3A_1075 : vector<1x16xf32> to vector<16xf32>
      %parallel_loop3A_1077 = vector.shape_cast %parallel_loop3A_1072 : vector<16xf32> to vector<1x16xf32>
      tpu.vector_store %arg8[%parallel_loop3A_1073, %parallel_loop3A_1074], %parallel_loop3A_1077 {strides = array<i32>} : memref<16x1024xf32, #tpu.memory_space<vmem>>, vector<1x16xf32>,
    } {sc.loop_unroll_factor = 8 : i64, sc.parallel_access}
    %add3A_1038 = arith.constant 496 : i32
    %add3A_1039 = arith.addi %mul3A_2, %add3A_1038 : i32
    %dma_start3A_1040 = arith.constant 0 : i32
    %dma_start3A_1041 = tpu.memref_slice %arg5[%add3A_1039, %dma_start3A_1040] : memref<16384x1024xf32, #tpu.memory_space<hbm>> -> memref<16x1024xf32, #tpu.memory_space<hbm>>
    %dma_start3A_1042 = arith.constant 0 : i32
    %dma_start3A_1043 = tpu.memref_slice %arg5[%add3A_1039, %dma_start3A_1042] : memref<16384x1024xf32, #tpu.memory_space<hbm>> -> memref<16x1024xf32, #tpu.memory_space<hbm>>
    tpu.enqueue_dma source(%arg8 : memref<16x1024xf32, #tpu.memory_space<vmem>>) target(%dma_start3A_1043 : memref<16x1024xf32, #tpu.memory_space<hbm>>) target_semaphore(%arg20 : memref<!tpu.dma_semaphore, #tpu.memory_space<semaphore_mem>>)
    %dma_wait3A_1044 = arith.constant 0 : i32
    %dma_wait3A_1045 = tpu.memref_slice %arg5[%add3A_1021, %dma_wait3A_1044] : memref<16384x1024xf32, #tpu.memory_space<hbm>> -> memref<16x1024xf32, #tpu.memory_space<hbm>>
    %dma_wait3A_1046 = arith.constant 0 : i32
    %dma_wait3A_1047 = tpu.memref_slice %arg5[%add3A_1021, %dma_wait3A_1046] : memref<16384x1024xf32, #tpu.memory_space<hbm>> -> memref<16x1024xf32, #tpu.memory_space<hbm>>
    tpu.wait_dma2 semaphore(%arg19 : memref<!tpu.dma_semaphore, #tpu.memory_space<semaphore_mem>>) src(%arg7 : memref<16x1024xf32, #tpu.memory_space<vmem>>) dst(%dma_wait3A_1047 : memref<16x1024xf32, #tpu.memory_space<hbm>>)
    %dma_wait3A_1048 = arith.constant 0 : i32
    %dma_wait3A_1049 = tpu.memref_slice %arg5[%add3A_1039, %dma_wait3A_1048] : memref<16384x1024xf32, #tpu.memory_space<hbm>> -> memref<16x1024xf32, #tpu.memory_space<hbm>>
    %dma_wait3A_1050 = arith.constant 0 : i32
    %dma_wait3A_1051 = tpu.memref_slice %arg5[%add3A_1039, %dma_wait3A_1050] : memref<16384x1024xf32, #tpu.memory_space<hbm>> -> memref<16x1024xf32, #tpu.memory_space<hbm>>
    tpu.wait_dma2 semaphore(%arg20 : memref<!tpu.dma_semaphore, #tpu.memory_space<semaphore_mem>>) src(%arg8 : memref<16x1024xf32, #tpu.memory_space<vmem>>) dst(%dma_wait3A_1051 : memref<16x1024xf32, #tpu.memory_space<hbm>>)
    %dma_wait3A_1052 = arith.constant 0 : i32
    %dma_wait3A_1053 = tpu.memref_slice %arg5[%add3A_1003, %dma_wait3A_1052] : memref<16384x1024xf32, #tpu.memory_space<hbm>> -> memref<16x1024xf32, #tpu.memory_space<hbm>>
    %dma_wait3A_1054 = arith.constant 0 : i32
    %dma_wait3A_1055 = tpu.memref_slice %arg5[%add3A_1003, %dma_wait3A_1054] : memref<16384x1024xf32, #tpu.memory_space<hbm>> -> memref<16x1024xf32, #tpu.memory_space<hbm>>
    tpu.wait_dma2 semaphore(%arg21 : memref<!tpu.dma_semaphore, #tpu.memory_space<semaphore_mem>>) src(%arg9 : memref<16x1024xf32, #tpu.memory_space<vmem>>) dst(%dma_wait3A_1055 : memref<16x1024xf32, #tpu.memory_space<hbm>>)
    return
  }
}

</mosaic_0001>

<sc_bundles>
// kernel: kernel.3.cloned.1.call-start
scs
__scs_entry_jumppad:
0x0: {  	(pc) =	sbr.rel $0x88, $3  }
0x1: {  	(tag) =	ssettag $0x0;
	lr =	simm.s32 $0x1  }
0x2: {  	[smem:$0x3F9F] =	sst lr;
	_ =	strace $0xD0000000  }
0x3: {  	_ = 	snop  }
0x4: {  	_ = 	snop  }
0x5: {  	_ = 	snop  }
0x6: {  	_ = 	snop  }
0x7: {  	_ = 	snop  }
__scs_overlays_trampoline_lowered:
0x8: {  	[smem:$0x3FAE] =	sst s0  }
0x9: {  	[smem:$0x3FAF] =	sst s1  }
0xa: {  	[smem:$0x3FB0] =	sst s2  }
0xb: {  	[smem:$0x3FB1] =	sst s3  }
0xc: {  	[smem:$0x3FB2] =	sst s4  }
0xd: {  	[smem:$0x3FB3] =	sst s5  }
0xe: {  	[smem:$0x3FB4] =	sst s6  }
0xf: {  	[smem:$0x3FB5] =	sst s7  }
0x10: {  	[smem:$0x3FB6] =	sst s8  }
0x11: {  	[smem:$0x3FB7] =	sst s9;
	s0 =	simm.s32 @!p0 $0x0  }
0x12: {  	s1 =	sld [smem:$0x3F9D];
	s0 =	simm.s32 @p0 $0x1  }
0x13: {  	[smem:$0x3FB8] =	sst s0;
	s0 =	simm.s32 @!p1 $0x0  }
0x14: {  	s2 =	sld [smem:$0x3F9C];
	s0 =	simm.s32 @p1 $0x1  }
0x15: {  	[smem:$0x3FB9] =	sst s0;
	s0 =	simm.s32 @!p2 $0x0  }
0x16: {  	s3 =	sld [smem:$0x3FDB];
	s0 =	simm.s32 @p2 $0x1  }
0x17: {  	s4 =	simm.s32 $0x1BF5;
	[smem:$0x3FBB] =	sst s0  }
0x18: {  	s0 =	sld [smem:$0x3F9E];
	_ =	swait.ge [sflag:s4], $0x0  }
0x19: {  	s7 =	sld [smem:$0x3F9F]  }
0x1a: {  	s8 =	sadd.s32 $0xFFFFE003, lr  }
0x1b: {  	s9 =	sadd.s32 $0xFFFFFEF7, lr;
	s5 =	simm.s32 $0xFFFFFFFF;
	p2 =	slt.u32 s8, $0xFFFFF086  }
0x1c: {  	p1 =	slt.u32 s9, $0xF7A;
	s5 =	simm.s32 @!p2 $0x0  }
0x1d: {  	s5 =	simm.s32 @p1 $0x1;
	p0 =	seq.s32 s7, s2  }
0x1e: {  	s7 =	smul.u32 @!p0 $0xF7A, s2;
	p2 =	seq.s32 @!p0 s5, $0x0  }
0x1f: {  	s9 =	smul.u32 $0xF7A, s1;
	s8 =	simm.s32 @!p0 $0x1BF5;
	p2 =	por !p2, p0  }
0x20: {  	[sflag:s8] =	ssyncset.s32 @!p0 $0xFFFFF086;
	s6 =	sadd.s32 @!p0 s3, s7;
	s7 =	simm.s32 @!p0 $0x108  }
0x21: {  	s3 =	sadd.s32 s3, s9;
	s6 =	sadd.s32 @!p0 $0x88, s6;
	s7 =	simm.s32 @p2 $0x1082  }
0x22: {  	[simem:s7], [sflag:s8] =	dma.local @!p0 [hbm:s6], $0xF7A  }
0x23: {  	s9 =	sor.u32 $0xD0000000, s2;
	s6 =	simm.s32 $0x108;
	_ =	swait.ge @!p0 [sflag:s8], $0x0  }
0x24: {  	s3 =	sadd.s32 $0x88, s3;
	s6 =	simm.s32 @!p1 $0x1082;
	[sflag:s4] =	ssyncset.s32 $0xFFFFF086  }
0x25: {  	[simem:s6], [sflag:s4] =	dma.local [hbm:s3], $0xF7A  }
0x26: {  	[smem:$0x3F9F] =	sst s1;
	(tag) =	ssettag s2;
	_ =	strace s9  }
0x27: {  	s1 =	sld [smem:$0x3FAF]  }
0x28: {  	s2 =	sld [smem:$0x3FB0]  }
0x29: {  	s4 =	sld [smem:$0x3FB2]  }
0x2a: {  	p0 =	seq.s32 s5, $0x0;
	s5 =	sld [smem:$0x3FB3]  }
0x2b: {  	s6 =	sld [smem:$0x3FB4]  }
0x2c: {  	s7 =	sld [smem:$0x3FB5]  }
0x2d: {  	s3 =	simm.s32 $0x108;
	s8 =	sld [smem:$0x3FB6]  }
0x2e: {  	s3 =	simm.s32 @!p0 $0x1082;
	s9 =	sld [smem:$0x3FB7]  }
0x2f: {  	lr =	sadd.s32 s0, s3;
	s0 =	sld [smem:$0x3FAE]  }
0x30: {  	s3 =	sld [smem:$0x3FB1]  }
0x31: {  	[smem:$0x3FBA] =	sst s10  }
0x32: {  	s10 =	sld [smem:$0x3FB8];
	_ =	sdelay $0x3  }
0x33: {  	p0 =	seq.s32 s10, $0x1;
	s10 =	sld [smem:$0x3FBA];
	_ =	sdelay $0x3  }
0x34: {  	[smem:$0x3FBA] =	sst s10  }
0x35: {  	s10 =	sld [smem:$0x3FB9];
	_ =	sdelay $0x3  }
0x36: {  	p1 =	seq.s32 s10, $0x1;
	s10 =	sld [smem:$0x3FBA];
	_ =	sdelay $0x3  }
0x37: {  	[smem:$0x3FBA] =	sst s10  }
0x38: {  	s10 =	sld [smem:$0x3FBB]  }
0x39: {  	_ = 	snop;
	(pc) =	sbr.ind lr, $3  }
0x3a: {  	_ = 	snop  }
0x3b: {  	_ = 	snop  }
0x3c: {  	p2 =	seq.s32 s10, $0x1;
	s10 =	sld [smem:$0x3FBA]  }
0x3d: {  	_ =	shalt  }
0x3e: {  	_ =	shalt  }
0x3f: {  	_ =	shalt  }
0x40: {  	_ =	shalt  }
0x41: {  	_ =	shalt  }
0x42: {  	_ =	shalt  }
0x43: {  	_ =	shalt  }
0x44: {  	_ =	shalt  }
0x45: {  	_ =	shalt  }
0x46: {  	_ =	shalt  }
0x47: {  	_ =	shalt  }
0x48: {  	_ =	shalt  }
0x49: {  	_ =	shalt  }
0x4a: {  	_ =	shalt  }
0x4b: {  	_ =	shalt  }
0x4c: {  	_ =	shalt  }
0x4d: {  	_ =	shalt  }
0x4e: {  	_ =	shalt  }
0x4f: {  	_ =	shalt  }
0x50: {  	_ =	shalt  }
0x51: {  	_ =	shalt  }
0x52: {  	_ =	shalt  }
0x53: {  	_ =	shalt  }
0x54: {  	_ =	shalt  }
0x55: {  	_ =	shalt  }
0x56: {  	_ =	shalt  }
0x57: {  	_ =	shalt  }
0x58: {  	_ =	shalt  }
0x59: {  	_ =	shalt  }
0x5a: {  	_ =	shalt  }
0x5b: {  	_ =	shalt  }
0x5c: {  	_ =	shalt  }
0x5d: {  	_ =	shalt  }
0x5e: {  	_ =	shalt  }
0x5f: {  	_ =	shalt  }
0x60: {  	_ =	shalt  }
0x61: {  	_ =	shalt  }
0x62: {  	_ =	shalt  }
0x63: {  	_ =	shalt  }
0x64: {  	_ =	shalt  }
0x65: {  	_ =	shalt  }
0x66: {  	_ =	shalt  }
0x67: {  	_ =	shalt  }
0x68: {  	_ =	shalt  }
0x69: {  	_ =	shalt  }
0x6a: {  	_ =	shalt  }
0x6b: {  	_ =	shalt  }
0x6c: {  	_ =	shalt  }
0x6d: {  	_ =	shalt  }
0x6e: {  	_ =	shalt  }
0x6f: {  	_ =	shalt  }
0x70: {  	_ =	shalt  }
0x71: {  	_ =	shalt  }
0x72: {  	_ =	shalt  }
0x73: {  	_ =	shalt  }
0x74: {  	_ =	shalt  }
0x75: {  	_ =	shalt  }
0x76: {  	_ =	shalt  }
0x77: {  	_ =	shalt  }
0x78: {  	_ =	shalt  }
0x79: {  	_ =	shalt  }
0x7a: {  	_ =	shalt  }
0x7b: {  	_ =	shalt  }
0x7c: {  	_ =	shalt  }
0x7d: {  	_ =	shalt  }
0x7e: {  	_ =	shalt  }
0x7f: {  	_ =	shalt  }
0x80: {  	_ =	shalt  }
0x81: {  	_ =	shalt  }
0x82: {  	_ =	shalt  }
0x83: {  	_ =	shalt  }
0x84: {  	_ =	shalt  }
0x85: {  	_ =	shalt  }
0x86: {  	_ =	shalt  }
0x87: {  	_ =	shalt  }
.Lfunc_end0:
.L_simem_size_0:
called_computation_lowered:
.L_overlay_start_0:
0x88: {  	s2 =	sld [smem:$0x3FD9]  }
0x89: {  	s3 =	sld [smem:$0x3FFE];
	_ =	sdelay $0x1  }
0x8a: {  	s1 =	srdreg.scid  }
0x8b: {  	s0 =	sand.u32 $0x1, s1  }
0x8c: {  	s17 =	sshll.u32 s0, $0xA;
	s2 =	sadd.s32 s3, s2  }
0x8d: {  	s2 =	sadd.s32 s2, s17  }
0x8e: {  	[smem:$0x3FC6] =	sst s2  }
0x8f: {  	_ = 	snop  }
0x90: {  	s2 =	sld [smem:$0x3FC9]  }
0x91: {  	s18 =	sld [smem:$0x3FD0];
	(tm) =	ssettm $0x1  }
0x92: {  	s4 =	sld [smem:$0x3FFB];
	_ =	sdelay $0x3  }
0x93: {  	_ =	strace s4  }
0x94: {  	s4 =	sld [smem:$0x3FFC];
	_ =	sdelay $0x3  }
0x95: {  	_ =	strace s4  }
0x96: {  	s4 =	sld [smem:$0x3FFD];
	_ =	sdelay $0x3  }
0x97: {  	_ =	strace s4  }
0x98: {  	_ =	strace $0x8FFFFFFF  }
0x99: {  	s19 =	sld [smem:$0x3FDB];
	_ =	sdelay $0x1  }
0x9a: {  	s5 =	simm.s32 $_scs_section_size  }
0x9b: {  	s6 =	simm.s32 $_size__tile_overlayer_lowered;
	s7 =	simm.s32 $_tile_overlayer_lowered  }
0x9c: {  	s22 =	simm.s32 $0x1BFF;
	s21 =	sshll.u32 s7, $0x1;
	s4 =	sadd.s32 s5, s19  }
0x9d: {  	s8 =	simm.s32 $0x0;
	s20 =	sshll.u32 s6, $0x1;
	s6 =	sadd.s32 s21, s4  }
0x9e: {  	[timem:s8], [sflag:s22] =	dma.local [hbm:s6], s20  }
0x9f: {  	_ =	swait.ge [sflag:s22], s20  }
0xa0: {  	s5 =	ssub.s32 $0x0, s20;
	[sflag:s22] =	ssyncset.done $0x0  }
0xa1: {  	[sflag:s22] =	ssyncadd.s32 s5;
	_ =	sdelay $0x1  }
0xa2: {  	s23 =	simm.s32 $0x1B8B  }
0xa3: {  	_ =	swait.ge [sflag:s23], $0x1  }
0xa4: {  	[sflag:s23] =	ssyncset.done $0x0  }
0xa5: {  	s25 =	simm.s32 $0x1B8E;
	s24 =	sld [smem:$0x3FFE];
	[sflag:s23] =	ssyncadd.s32 $0xFFFFFFFF  }
0xa6: {  	s26 =	simm.s32 $execute0_lowered;
	[smem:$0x3FD2] =	sst s25  }
0xa7: {  	s6 =	sshll.u32 s26, $0x1;
	_ =	strace $0x80000046;
	[dreg:$0x1] =	wrdreg $0xFFFFFFFF  }
0xa8: {  	s28 =	simm.s32 $_size_execute0_lowered;
	s4 =	sadd.s32 s4, s6;
	[dreg:$0x0] =	wrdreg $0x0  }
0xa9: {  	s6 =	sshll.u32 s28, $0x1;
	[dreg:$0x2] =	wrdreg s4  }
0xaa: {  	[dreg:$0x3] =	wrdreg s6  }
0xab: {  	[dreg:$0x4] =	wrdreg $0xC0  }
0xac: {  	_ =	task [dreg:s8], $0x5FFFF  }
0xad: {  	[dreg:$0x1] =	wrdreg $0xFFFFFFFF  }
0xae: {  	[dreg:$0x0] =	wrdreg $0x60  }
0xaf: {  	[dreg:$0x2] =	wrdreg s2  }
0xb0: {  	[dreg:$0x3] =	wrdreg s24  }
0xb1: {  	[dreg:$0x4] =	wrdreg s18  }
0xb2: {  	[dreg:$0x5] =	wrdreg $0x9  }
0xb3: {  	_ =	task.clear_ibuf [dreg:s8], $0x6FFFF;
	_ =	strace $0x90000046  }
0xb4: {  	s29 =	simm.s32 $0x9;
	_ =	strace $0x80000048  }
0xb5: {  	_ =	swait.ge [sflag:s29], $0x1  }
0xb6: {  	[sflag:s29] =	ssyncadd.s32 $0xFFFFFFFF  }
0xb7: {  	_ =	strace $0x90000048  }
0xb8: {  	_ =	sfence  }
0xb9: {  	s30 =	sld [smem:$0x0];
	_ =	sdelay $0x2  }
0xba: {  	s31 =	sshll.u32 s1, $0xD;
	s1 =	sshrl.u32 s1, $0x2  }
0xbb: {  	s3 =	sand.u32 $0x4000, s31;
	s1 =	sadd.s32 s1, s30  }
0xbc: {  	s0 =	sor.u32 s3, s0;
	s1 =	sshll.u32 s1, $0x11  }
0xbd: {  	s0 =	sor.u32 s1, s0  }
0xbe: {  	s0 =	sadd.s32 $0x8F2B, s0  }
0xbf: {  	[sflag:s0] =	ssyncadd.remote.s32 $0x1  }
0xc0: {  	_ =	sfence.sel $0xFFFF  }
0xc1: {  	[dreg:$0x0] =	wrdreg $0xFFFFFFFF;
	(pc) =	sbr.abs _section_cstart, $3  }
0xc2: {  	[dreg:$0x1] =	wrdreg $0xFFFFFFFF  }
0xc3: {  	_ =	task.clear_ibuf [dreg:s8], $0x2FFFF;
	_ =	strace $0x9FFFFFFF  }
0xc4: {  	(tm) =	ssettm $0x7FFFFFFF  }
0xc5: {  	_ =	shalt  }
tec
execute0_lowered:
.L_overlay_start_1:
0x0: {  	(tag) =	ssettag $0x1  }
0x1: {  	s1 =	srdreg.scid  }
0x2: {  	s4 =	stileid.u32;
	s3 =	sand.u32 $0x1, s1  }
0x3: {  	s2 =	rddreg [dreg:$0x0];
	s4 =	sshll.u32 s4, $0xA;
	s5 =	sshll.u32 s3, $0x9  }
0x4: {  	s0 =	rddreg [dreg:$0x2];
	s5 =	sor.u32 s5, s4  }
0x5: {  	s1 =	simm.s32 $0x0;
	s4 =	sshrl.u32 s5, $0x3;
	s5 =	sshll.u32 s5, $0x7  }
0x6: {  	[smem:$0x7FF] =	sst s1;
	s3 =	ssub.s32 $0x2, s3;
	s26 =	sor.u32 $0x800, s5  }
0x7: {  	s6 =	sshrl.u32 s3, $0x1;
	s7 =	sor.u32 $0x1000, s5;
	s8 =	sadd.s32 s2, s26  }
0x8: {  	s11 =	sor.u32 $0x1800, s5;
	s10 =	sadd.s32 s2, s7;
	[dreg:$0x4] =	wrdreg s8  }
0x9: {  	s3 =	ssub.s32 s3, s6;
	s9 =	sadd.s32 s2, s11;
	[dreg:$0x5] =	wrdreg s10  }
0xa: {  	s12 =	sor.u32 $0x2000, s5;
	s6 =	sadd.s32 s0, s26;
	[dreg:$0x6] =	wrdreg s9  }
0xb: {  	s13 =	sadd.s32 s2, s12;
	[dreg:$0x7] =	wrdreg s6  }
0xc: {  	s14 =	sor.u32 $0x2800, s5;
	s7 =	sadd.s32 s0, s7;
	[dreg:$0x8] =	wrdreg s13  }
0xd: {  	s16 =	sor.u32 $0x3000, s5;
	s15 =	sadd.s32 s2, s14;
	[dreg:$0x9] =	wrdreg s7  }
0xe: {  	s18 =	sor.u32 $0x3800, s5;
	s17 =	sadd.s32 s2, s16;
	[dreg:$0xa] =	wrdreg s15  }
0xf: {  	s20 =	sor.u32 $0x4000, s5;
	s19 =	sadd.s32 s2, s18;
	[dreg:$0xc] =	wrdreg s17  }
0x10: {  	s22 =	sor.u32 $0x4800, s5;
	s21 =	sadd.s32 s2, s20;
	[dreg:$0xe] =	wrdreg s19  }
0x11: {  	s23 =	sadd.s32 s2, s22;
	[dreg:$0x10] =	wrdreg s21  }
0x12: {  	s24 =	sor.u32 $0x5000, s5;
	s25 =	sadd.s32 s0, s22;
	[dreg:$0x12] =	wrdreg s23  }
0x13: {  	s26 =	sadd.s32 s2, s24;
	[dreg:$0x15] =	wrdreg s25  }
0x14: {  	s8 =	sadd.s32 s0, s11;
	[dreg:$0x16] =	wrdreg s26  }
0x15: {  	s6 =	sadd.s32 s0, s12;
	[dreg:$0xb] =	wrdreg s8  }
0x16: {  	s7 =	sadd.s32 s0, s14;
	[dreg:$0xd] =	wrdreg s6  }
0x17: {  	[dreg:$0xf] =	wrdreg s7;
	s8 =	sadd.s32 s0, s16  }
0x18: {  	s6 =	sadd.s32 s0, s18;
	[dreg:$0x11] =	wrdreg s8  }
0x19: {  	s9 =	sor.u32 $0x6000, s5;
	s7 =	sadd.s32 s0, s20;
	[dreg:$0x13] =	wrdreg s6  }
0x1a: {  	s11 =	sadd.s32 s2, s9;
	[dreg:$0x14] =	wrdreg s7  }
0x1b: {  	s13 =	sor.u32 $0x6800, s5;
	s12 =	sadd.s32 s0, s9;
	[dreg:$0x1a] =	wrdreg s11  }
0x1c: {  	s14 =	sor.u32 $0x7000, s5;
	s15 =	sadd.s32 s2, s13;
	[dreg:$0x1b] =	wrdreg s12  }
0x1d: {  	s16 =	sadd.s32 s2, s14;
	[dreg:$0x1c] =	wrdreg s15  }
0x1e: {  	s19 =	sor.u32 $0x8000, s5;
	s17 =	sadd.s32 s0, s14;
	[dreg:$0x1e] =	wrdreg s16  }
0x1f: {  	s21 =	sadd.s32 s2, s19;
	[dreg:$0x1f] =	wrdreg s17  }
0x20: {  	s23 =	sor.u32 $0x8800, s5;
	s22 =	sadd.s32 s0, s19;
	[smem:$0x7DA] =	sst s21  }
0x21: {  	s25 =	sadd.s32 s2, s23;
	[smem:$0x7DB] =	sst s22  }
0x22: {  	s18 =	sor.u32 $0x7800, s5;
	s6 =	sadd.s32 s0, s24;
	[smem:$0x7DC] =	sst s25  }
0x23: {  	s9 =	sor.u32 $0x9800, s5;
	s20 =	sadd.s32 s2, s18;
	[dreg:$0x17] =	wrdreg s6  }
0x24: {  	s14 =	sor.u32 $0xA800, s5;
	s11 =	sadd.s32 s2, s9;
	[smem:$0x7D8] =	sst s20  }
0x25: {  	s19 =	sor.u32 $0xB800, s5;
	s16 =	sadd.s32 s2, s14;
	[smem:$0x7E0] =	sst s11  }
0x26: {  	s7 =	sor.u32 $0x5800, s5;
	s21 =	sadd.s32 s2, s19;
	[smem:$0x7E4] =	sst s16  }
0x27: {  	s10 =	sadd.s32 s2, s7;
	[smem:$0x7E8] =	sst s21  }
0x28: {  	s24 =	sor.u32 $0x9000, s5;
	s6 =	sadd.s32 s0, s7;
	[dreg:$0x18] =	wrdreg s10  }
0x29: {  	s26 =	sadd.s32 s2, s24;
	[dreg:$0x19] =	wrdreg s6  }
0x2a: {  	s15 =	sor.u32 $0xB000, s5;
	s8 =	sadd.s32 s0, s24;
	[smem:$0x7DE] =	sst s26  }
0x2b: {  	s17 =	sadd.s32 s2, s15;
	[smem:$0x7DF] =	sst s8  }
0x2c: {  	s16 =	sadd.s32 s2, s5;
	[smem:$0x7E6] =	sst s17  }
0x2d: {  	s20 =	sor.u32 $0xC000, s5;
	s6 =	sadd.s32 s0, s13;
	[smem:$0x7F4] =	sst s16  }
0x2e: {  	s24 =	sor.u32 $0xC800, s5;
	s22 =	sadd.s32 s2, s20;
	[dreg:$0x1d] =	wrdreg s6  }
0x2f: {  	s26 =	sadd.s32 s2, s24;
	[smem:$0x7EA] =	sst s22  }
0x30: {  	s17 =	sadd.s32 s0, s5;
	[smem:$0x7EC] =	sst s26  }
0x31: {  	s10 =	sor.u32 $0xA000, s5;
	s6 =	sadd.s32 s0, s18;
	[smem:$0x7F5] =	sst s17  }
0x32: {  	s12 =	sadd.s32 s2, s10;
	[smem:$0x7D9] =	sst s6  }
0x33: {  	s13 =	sadd.s32 s0, s10;
	[smem:$0x7E2] =	sst s12  }
0x34: {  	s25 =	sor.u32 $0xD000, s5;
	s18 =	sadd.s32 s0, s15;
	[smem:$0x7E3] =	sst s13  }
0x35: {  	s28 =	simm.s32 $0x12200;
	s10 =	sadd.s32 s0, s25;
	[smem:$0x7E7] =	sst s18  }
0x36: {  	s29 =	simm.s32 $0x12A00;
	s6 =	sadd.s32 s0, s23;
	[smem:$0x7EF] =	sst s10  }
0x37: {  	s11 =	sor.u32 $0xD800, s5;
	s23 =	sadd.s32 s0, s20;
	[smem:$0x7DD] =	sst s6  }
0x38: {  	s30 =	simm.s32 $0x13200;
	s13 =	sadd.s32 s2, s11;
	[smem:$0x7EB] =	sst s23  }
0x39: {  	s31 =	simm.s32 $0x13A00;
	s6 =	sadd.s32 s0, s9;
	[smem:$0x7F0] =	sst s13  }
0x3a: {  	s12 =	sor.u32 $0xE000, s5;
	s9 =	sadd.s32 s2, s25;
	[smem:$0x7E1] =	sst s6  }
0x3b: {  	s18 =	sor.u32 $0xE800, s5;
	s15 =	sadd.s32 s0, s12;
	[smem:$0x7EE] =	sst s9  }
0x3c: {  	s16 =	simm.s32 $0x0;
	s20 =	sadd.s32 s2, s18;
	[smem:$0x7F3] =	sst s15  }
0x3d: {  	s26 =	smax.u32 s3, $0x1;
	s22 =	sadd.s32 s0, s18;
	[smem:$0x7F6] =	sst s20  }
0x3e: {  	s3 =	simm.s32 $0x8200;
	s6 =	sadd.s32 s0, s14;
	[smem:$0x7F9] =	sst s22  }
0x3f: {  	s13 =	simm.s32 $0x200;
	s14 =	sadd.s32 s2, s12;
	[smem:$0x7E5] =	sst s6  }
0x40: {  	s22 =	simm.s32 $0x4200;
	s6 =	sadd.s32 s0, s19;
	[smem:$0x7F2] =	sst s14  }
0x41: {  	s12 =	simm.s32 $0x5;
	s15 =	simm.s32 $0x9;
	[smem:$0x7E9] =	sst s6  }
0x42: {  	s19 =	sor.u32 $0xF000, s5;
	s6 =	sadd.s32 s0, s24;
	s24 =	rddreg [dreg:$0x1]  }
0x43: {  	s5 =	sor.u32 $0xF800, s5;
	s21 =	sadd.s32 s2, s19;
	[smem:$0x7ED] =	sst s6  }
0x44: {  	s14 =	simm.s32 $0x8;
	s2 =	sadd.s32 s2, s5;
	[smem:$0x7F7] =	sst s21  }
0x45: {  	s23 =	sadd.s32 s0, s19;
	s6 =	sadd.s32 s0, s11;
	[smem:$0x7F8] =	sst s2  }
0x46: {  	[smem:$0x7FA] =	sst s23;
	s0 =	sadd.s32 s0, s5;
	s25 =	sadd.s32 s4, s24  }
0x47: {  	s7 =	sadd.s32 $0xC00, s24;
	s8 =	sadd.s32 $0xD00, s24;
	s9 =	sadd.s32 $0xE00, s24  }
0x48: {  	s10 =	sadd.s32 $0xF00, s24;
	s2 =	simm.s32 $0x4;
	s11 =	simm.s32 $0x2  }
0x49: {  	s4 =	simm.s32 $0x7;
	s5 =	simm.s32 $0x3;
	[smem:$0x7F1] =	sst s6  }
0x4a: {  	v2 =	vlaneseq.u32;
	[smem:$0x7FB] =	sst s0;
	s0 =	sadd.s32 $0x400, s25;
	s25 =	simm.s32 $0x11200  }
0x4b: {  	vm0 =	vmmov $0xffff;
	v1 =	vshrl.u32 v2, $0x3;
	s6 =	simm.s32 $0x6;
	_ =	strace $0x80000047;
	[smem:$0x7FC] =	sst s0  }
0x4c: {  	v0 =	vand.u32 $0x7, v2;
	v2 =	vor.u32 $0x8, v2;
	v1 =	vmul.u32 $0x8, v1;
	[smem:$0x7FD] =	sst s26;
	s26 =	simm.s32 $0x11A00;
	s0 =	simm.s32 $0x1  }
.LBB2_1:
0x4d: {  	s17 =	sld [smem:$0x7FC];
	_ =	sdelay $0x1  }
0x4e: {  	s18 =	simm.s32 $0xA  }
0x4f: {  	[tilespmem:s1], [sflag:$0xA] =	stream.linear.gather [hbm4b:s17+s1], $0x200, $0x38;
	[tilespmem:$0x18200] =	vst v63  }
0x50: {  	_ =	swait.ge [sflag:s18], $0x200  }
0x51: {  	s19 =	sld [smem:$0x7F4]  }
0x52: {  	[sflag:s18] =	ssyncset.done $0x0  }
0x53: {  	[sflag:s18] =	ssyncadd.s32 $0xFFFFFE00  }
0x54: {  	[tilespmem:s13], [sflag:$0x1] =	stream.linear.gather [hbm4b:s19+s1], $0x4000, $0x38;
	[tilespmem:$0x18200] =	vst v63  }
0x55: {  	v3 =	vld [tilespmem:$0x0];
	_ =	sdelay $0x4  }
0x56: {  	v4 =	vshll.u32 v3, $0x3  }
0x57: {  	v3 =	vand.u32 $0x7, v3;
	v4 =	vand.u32 $0xFFFFFFC0, v4  }
0x58: {  	v3 =	vor.u32 v3, v4  }
0x59: {  	v4 =	vperm.xlane v3, v0;
	_ =	sdelay $0x1  }
0x5a: {  	v4 =	vadd.s32 v1, v4;
	_ =	sdelay $0x3  }
0x5b: {  	s20 =	simm.s32 $0xC200  }
0x5c: {  	[tilespmem:s20], [sflag:$0x4] =	stream.indirect_vreg.gather [hbm4b:s7+s1], $0x80, v4, vm0, $0xb8;
	[tilespmem:$0x18200] =	vst v63  }
0x5d: {  	s21 =	simm.s32 $0xCA00;
	v3 =	vperm.xlane v3, v2  }
0x5e: {  	[tilespmem:s21], [sflag:$0x4] =	stream.indirect_vreg.gather [hbm4b:s8+s1], $0x80, v4, vm0, $0xb8;
	[tilespmem:$0x18200] =	vst v63  }
0x5f: {  	s23 =	simm.s32 $0xD200;
	v3 =	vadd.s32 v1, v3  }
0x60: {  	[tilespmem:s23], [sflag:$0x4] =	stream.indirect_vreg.gather [hbm4b:s9+s1], $0x80, v4, vm0, $0xb8;
	[tilespmem:$0x18200] =	vst v63  }
0x61: {  	s24 =	simm.s32 $0xDA00  }
0x62: {  	[tilespmem:s24], [sflag:$0x4] =	stream.indirect_vreg.gather [hbm4b:s10+s1], $0x80, v4, vm0, $0xb8;
	[tilespmem:$0x18200] =	vst v63  }
0x63: {  	s18 =	simm.s32 $0xE200  }
0x64: {  	[tilespmem:s18], [sflag:$0x4] =	stream.indirect_vreg.gather [hbm4b:s7+s1], $0x80, v3, vm0, $0xb8;
	[tilespmem:$0x18200] =	vst v63  }
0x65: {  	s19 =	simm.s32 $0xEA00  }
0x66: {  	[tilespmem:s19], [sflag:$0x4] =	stream.indirect_vreg.gather [hbm4b:s8+s1], $0x80, v3, vm0, $0xb8;
	[tilespmem:$0x18200] =	vst v63  }
0x67: {  	s20 =	simm.s32 $0xF200  }
0x68: {  	[tilespmem:s20], [sflag:$0x4] =	stream.indirect_vreg.gather [hbm4b:s9+s1], $0x80, v3, vm0, $0xb8;
	[tilespmem:$0x18200] =	vst v63  }
0x69: {  	s21 =	simm.s32 $0xFA00  }
0x6a: {  	[tilespmem:s21], [sflag:$0x4] =	stream.indirect_vreg.gather [hbm4b:s10+s1], $0x80, v3, vm0, $0xb8;
	[tilespmem:$0x18200] =	vst v63  }
0x6b: {  	s23 =	rddreg [dreg:$0x4]  }
0x6c: {  	[tilespmem:s22], [sflag:$0x2] =	stream.linear.gather [hbm4b:s23+s1], $0x4000, $0x38;
	[tilespmem:$0x18200] =	vst v63  }
0x6d: {  	v3 =	vld [tilespmem:$0x10];
	_ =	sdelay $0x4  }
0x6e: {  	v4 =	vshll.u32 v3, $0x3  }
0x6f: {  	v3 =	vand.u32 $0x7, v3;
	v4 =	vand.u32 $0xFFFFFFC0, v4  }
0x70: {  	v3 =	vor.u32 v3, v4  }
0x71: {  	v4 =	vperm.xlane v3, v0;
	_ =	sdelay $0x1  }
0x72: {  	v4 =	vadd.s32 v1, v4;
	_ =	sdelay $0x3  }
0x73: {  	s24 =	simm.s32 $0x10200  }
0x74: {  	[tilespmem:s24], [sflag:$0x5] =	stream.indirect_vreg.gather [hbm4b:s7+s1], $0x80, v4, vm0, $0xb8;
	[tilespmem:$0x18200] =	vst v63  }
0x75: {  	s18 =	simm.s32 $0x10A00;
	v3 =	vperm.xlane v3, v2  }
0x76: {  	[tilespmem:s18], [sflag:$0x5] =	stream.indirect_vreg.gather [hbm4b:s8+s1], $0x80, v4, vm0, $0xb8;
	[tilespmem:$0x18200] =	vst v63  }
0x77: {  	v3 =	vadd.s32 v1, v3  }
0x78: {  	[tilespmem:s25], [sflag:$0x5] =	stream.indirect_vreg.gather [hbm4b:s9+s1], $0x80, v4, vm0, $0xb8;
	[tilespmem:$0x18200] =	vst v63  }
0x79: {  	_ = 	snop  }
0x7a: {  	[tilespmem:s26], [sflag:$0x5] =	stream.indirect_vreg.gather [hbm4b:s10+s1], $0x80, v4, vm0, $0xb8;
	[tilespmem:$0x18200] =	vst v63  }
0x7b: {  	_ = 	snop  }
0x7c: {  	[tilespmem:s28], [sflag:$0x5] =	stream.indirect_vreg.gather [hbm4b:s7+s1], $0x80, v3, vm0, $0xb8;
	[tilespmem:$0x18200] =	vst v63  }
0x7d: {  	_ = 	snop  }
0x7e: {  	[tilespmem:s29], [sflag:$0x5] =	stream.indirect_vreg.gather [hbm4b:s8+s1], $0x80, v3, vm0, $0xb8;
	[tilespmem:$0x18200] =	vst v63  }
0x7f: {  	_ = 	snop  }
0x80: {  	[tilespmem:s30], [sflag:$0x5] =	stream.indirect_vreg.gather [hbm4b:s9+s1], $0x80, v3, vm0, $0xb8;
	[tilespmem:$0x18200] =	vst v63  }
0x81: {  	_ = 	snop  }
0x82: {  	[tilespmem:s31], [sflag:$0x5] =	stream.indirect_vreg.gather [hbm4b:s10+s1], $0x80, v3, vm0, $0xb8;
	[tilespmem:$0x18200] =	vst v63  }
0x83: {  	_ =	swait.ge [sflag:s0], $0x4000  }
0x84: {  	[sflag:s0] =	ssyncset.done $0x0  }
0x85: {  	[sflag:s0] =	ssyncadd.s32 $0xFFFFC000  }
0x86: {  	_ =	swait.ge [sflag:s2], $0x4000  }
0x87: {  	[sflag:s2] =	ssyncset.done $0x0  }
0x88: {  	s19 =	rddreg [dreg:$0x5];
	[sflag:s2] =	ssyncadd.s32 $0xFFFFC000  }
0x89: {  	[tilespmem:s3], [sflag:$0x3] =	stream.linear.gather [hbm4b:s19+s1], $0x4000, $0x38;
	[tilespmem:$0x18200] =	vst v63  }
0x8a: {  	v3 =	vld [tilespmem:$0x20];
	_ =	sdelay $0x4  }
0x8b: {  	v4 =	vshll.u32 v3, $0x3  }
0x8c: {  	v3 =	vand.u32 $0x7, v3;
	v4 =	vand.u32 $0xFFFFFFC0, v4  }
0x8d: {  	v3 =	vor.u32 v3, v4  }
0x8e: {  	v4 =	vperm.xlane v3, v0;
	_ =	sdelay $0x1  }
0x8f: {  	v4 =	vadd.s32 v1, v4;
	_ =	sdelay $0x3  }
0x90: {  	s20 =	simm.s32 $0x14200  }
0x91: {  	[tilespmem:s20], [sflag:$0x6] =	stream.indirect_vreg.gather [hbm4b:s7+s1], $0x80, v4, vm0, $0xb8;
	[tilespmem:$0x18200] =	vst v63  }
0x92: {  	s21 =	simm.s32 $0x14A00;
	v3 =	vperm.xlane v3, v2  }
0x93: {  	[tilespmem:s21], [sflag:$0x6] =	stream.indirect_vreg.gather [hbm4b:s8+s1], $0x80, v4, vm0, $0xb8;
	[tilespmem:$0x18200] =	vst v63  }
0x94: {  	s23 =	simm.s32 $0x15200;
	v3 =	vadd.s32 v1, v3  }
0x95: {  	[tilespmem:s23], [sflag:$0x6] =	stream.indirect_vreg.gather [hbm4b:s9+s1], $0x80, v4, vm0, $0xb8;
	[tilespmem:$0x18200] =	vst v63  }
0x96: {  	s24 =	simm.s32 $0x15A00  }
0x97: {  	[tilespmem:s24], [sflag:$0x6] =	stream.indirect_vreg.gather [hbm4b:s10+s1], $0x80, v4, vm0, $0xb8;
	[tilespmem:$0x18200] =	vst v63  }
0x98: {  	s18 =	simm.s32 $0x16200  }
0x99: {  	[tilespmem:s18], [sflag:$0x6] =	stream.indirect_vreg.gather [hbm4b:s7+s1], $0x80, v3, vm0, $0xb8;
	[tilespmem:$0x18200] =	vst v63  }
0x9a: {  	s19 =	simm.s32 $0x16A00;
	s23 =	sand.u32 $0x2000, s1;
	s18 =	sand.u32 $0x1C00, s1  }
0x9b: {  	[tilespmem:s19], [sflag:$0x6] =	stream.indirect_vreg.gather [hbm4b:s8+s1], $0x80, v3, vm0, $0xb8;
	[tilespmem:$0x18200] =	vst v63  }
0x9c: {  	s20 =	simm.s32 $0x17200;
	s24 =	sand.u32 $0x380, s1;
	s17 =	sor.u32 s18, s23  }
0x9d: {  	[tilespmem:s20], [sflag:$0x6] =	stream.indirect_vreg.gather [hbm4b:s9+s1], $0x80, v3, vm0, $0xb8;
	[tilespmem:$0x18200] =	vst v63  }
0x9e: {  	s21 =	simm.s32 $0x17A00;
	s17 =	sor.u32 s24, s17  }
0x9f: {  	[tilespmem:s21], [sflag:$0x6] =	stream.indirect_vreg.gather [hbm4b:s10+s1], $0x80, v3, vm0, $0xb8;
	[tilespmem:$0x18200] =	vst v63  }
0xa0: {  	v3 =	vld [tilespmem:s17+$0x270]  }
0xa1: {  	v4 =	vld [tilespmem:s17+$0xC270]  }
0xa2: {  	v5 =	vld [tilespmem:s17+$0x200]  }
0xa3: {  	v6 =	vld [tilespmem:s17+$0xC200]  }
0xa4: {  	v7 =	vld [tilespmem:s17+$0x210]  }
0xa5: {  	v8 =	vld [tilespmem:s17+$0xC210]  }
0xa6: {  	v9 =	vld [tilespmem:s17+$0x220]  }
0xa7: {  	v10 =	vld [tilespmem:s17+$0xC220]  }
0xa8: {  	v4 =	vadd.f32 v4, v3;
	v3 =	vld [tilespmem:s17+$0x230]  }
0xa9: {  	v6 =	vadd.f32 v6, v5;
	v5 =	vld [tilespmem:s17+$0xC230]  }
0xaa: {  	v8 =	vadd.f32 v8, v7;
	v7 =	vld [tilespmem:s17+$0xC240];
	[tilespmem:s17+$0x270] =	vst v4  }
0xab: {  	s18 =	simm.s32 $0x0;
	v4 =	vld [tilespmem:s17+$0x240];
	[tilespmem:s17+$0x200] =	vst v6  }
0xac: {  	s19 =	simm.s32 $0x400;
	s20 =	simm.s32 $0x80;
	s21 =	simm.s32 $0x0;
	[tilespmem:s17+$0x210] =	vst v8;
	v8 =	vadd.f32 v10, v9;
	v6 =	vld [tilespmem:s17+$0x250]  }
.LBB2_2:
0xad: {  	s23 =	sand.u32 $0x2000, s20;
	s24 =	sand.u32 $0x1C00, s19;
	v9 =	vld [tilespmem:s17+$0xC250];
	s21 =	sadd.s32 $0x10, s21  }
0xae: {  	s18 =	sadd.s32 $0x8, s18;
	s23 =	sor.u32 s24, s23;
	s24 =	sand.u32 $0x380, s21;
	[tilespmem:s17+$0x220] =	vst v8;
	v3 =	vadd.f32 v5, v3;
	v5 =	vld [tilespmem:s17+$0x260]  }
0xaf: {  	p0 =	slt.u32 s18, $0x3F8;
	s23 =	sor.u32 s24, s23;
	v8 =	vld [tilespmem:s17+$0xC260]  }
0xb0: {  	v10 =	vld [tilespmem:s23+$0x270];
	[tilespmem:s17+$0x230] =	vst v3;
	v3 =	vadd.f32 v7, v4  }
0xb1: {  	v4 =	vld [tilespmem:s23+$0xC270]  }
0xb2: {  	v7 =	vld [tilespmem:s23+$0x200];
	[tilespmem:s17+$0x240] =	vst v3;
	v3 =	vadd.f32 v9, v6  }
0xb3: {  	v6 =	vld [tilespmem:s23+$0xC200]  }
0xb4: {  	v9 =	vld [tilespmem:s23+$0x210];
	[tilespmem:s17+$0x250] =	vst v3;
	v3 =	vadd.f32 v8, v5  }
0xb5: {  	v8 =	vld [tilespmem:s23+$0xC210]  }
0xb6: {  	v11 =	vld [tilespmem:s23+$0x220];
	v4 =	vadd.f32 v4, v10;
	[tilespmem:s17+$0x260] =	vst v3;
	s17 =	smov.u32 s23  }
0xb7: {  	v10 =	vld [tilespmem:s17+$0xC220]  }
.Ltmp0:
0xb8: {  	v6 =	vadd.f32 v6, v7;
	v3 =	vld [tilespmem:s17+$0x230];
	[tilespmem:s17+$0x270] =	vst v4;
	(pc) =	sbr.rel @p0 .LBB2_2-.Ltmp0, $4  }
0xb9: {  	v5 =	vld [tilespmem:s17+$0xC230]  }
0xba: {  	[tilespmem:s17+$0x200] =	vst v6;
	v6 =	vadd.f32 v8, v9;
	v4 =	vld [tilespmem:s17+$0x240]  }
0xbb: {  	v7 =	vld [tilespmem:s17+$0xC240]  }
0xbc: {  	s19 =	sadd.s32 $0x400, s19;
	s20 =	sadd.s32 $0x80, s20;
	[tilespmem:s17+$0x210] =	vst v6;
	v8 =	vadd.f32 v10, v11;
	v6 =	vld [tilespmem:s17+$0x250]  }
0xbd: {  	v9 =	vld [tilespmem:s17+$0xC250]  }
0xbe: {  	v10 =	vld [tilespmem:s17+$0x260]  }
0xbf: {  	v11 =	vld [tilespmem:s17+$0xC260];
	_ =	sdelay $0x1  }
0xc0: {  	v3 =	vadd.f32 v5, v3  }
0xc1: {  	[tilespmem:s17+$0x220] =	vst v8;
	v4 =	vadd.f32 v7, v4  }
0xc2: {  	[tilespmem:s17+$0x230] =	vst v3;
	v3 =	vadd.f32 v9, v6  }
0xc3: {  	[tilespmem:s17+$0x240] =	vst v4;
	v4 =	vadd.f32 v11, v10  }
0xc4: {  	[tilespmem:s17+$0x250] =	vst v3  }
0xc5: {  	[tilespmem:s17+$0x260] =	vst v4  }
0xc6: {  	s18 =	sld [smem:$0x7F5];
	_ =	sdelay $0x1  }
0xc7: {  	s17 =	simm.s32 $0x0  }
0xc8: {  	[hbm4b:s18+s17] =	stream.linear.scatter [tilespmem:s13], [sflag:$0x7], $0x4000, $0x38;
	[tilespmem:$0x18200] =	vst v63  }
0xc9: {  	_ =	swait.ge [sflag:s11], $0x4000  }
0xca: {  	[sflag:s11] =	ssyncset.done $0x0  }
0xcb: {  	[sflag:s11] =	ssyncadd.s32 $0xFFFFC000  }
0xcc: {  	_ =	swait.ge [sflag:s12], $0x4000  }
0xcd: {  	[sflag:s12] =	ssyncset.done $0x0  }
0xce: {  	[sflag:s12] =	ssyncadd.s32 $0xFFFFC000  }
0xcf: {  	_ =	swait.ge [sflag:s4], $0x4000  }
0xd0: {  	[sflag:s4] =	ssyncset.done $0x0  }
0xd1: {  	s24 =	rddreg [dreg:$0x6];
	[sflag:s4] =	ssyncadd.s32 $0xFFFFC000  }
0xd2: {  	[tilespmem:s13], [sflag:$0x1] =	stream.linear.gather [hbm4b:s24+s17], $0x4000, $0x38;
	[tilespmem:$0x18200] =	vst v63  }
0xd3: {  	v3 =	vld [tilespmem:$0x30];
	_ =	sdelay $0x4  }
0xd4: {  	v4 =	vshll.u32 v3, $0x3  }
0xd5: {  	v3 =	vand.u32 $0x7, v3;
	v4 =	vand.u32 $0xFFFFFFC0, v4  }
0xd6: {  	v3 =	vor.u32 v3, v4  }
0xd7: {  	v4 =	vperm.xlane v3, v0;
	_ =	sdelay $0x1  }
0xd8: {  	v4 =	vadd.s32 v1, v4;
	_ =	sdelay $0x3  }
0xd9: {  	s19 =	simm.s32 $0xC200  }
0xda: {  	[tilespmem:s19], [sflag:$0x4] =	stream.indirect_vreg.gather [hbm4b:s7+s17], $0x80, v4, vm0, $0xb8;
	[tilespmem:$0x18200] =	vst v63  }
0xdb: {  	s20 =	simm.s32 $0xCA00;
	v3 =	vperm.xlane v3, v2  }
0xdc: {  	[tilespmem:s20], [sflag:$0x4] =	stream.indirect_vreg.gather [hbm4b:s8+s17], $0x80, v4, vm0, $0xb8;
	[tilespmem:$0x18200] =	vst v63  }
0xdd: {  	s21 =	simm.s32 $0xD200;
	v3 =	vadd.s32 v1, v3  }
0xde: {  	[tilespmem:s21], [sflag:$0x4] =	stream.indirect_vreg.gather [hbm4b:s9+s17], $0x80, v4, vm0, $0xb8;
	[tilespmem:$0x18200] =	vst v63  }
0xdf: {  	s23 =	simm.s32 $0xDA00  }
0xe0: {  	[tilespmem:s23], [sflag:$0x4] =	stream.indirect_vreg.gather [hbm4b:s10+s17], $0x80, v4, vm0, $0xb8;
	[tilespmem:$0x18200] =	vst v63  }
0xe1: {  	s24 =	simm.s32 $0xE200  }
0xe2: {  	[tilespmem:s24], [sflag:$0x4] =	stream.indirect_vreg.gather [hbm4b:s7+s17], $0x80, v3, vm0, $0xb8;
	[tilespmem:$0x18200] =	vst v63  }
0xe3: {  	s19 =	simm.s32 $0xEA00  }
0xe4: {  	[tilespmem:s19], [sflag:$0x4] =	stream.indirect_vreg.gather [hbm4b:s8+s17], $0x80, v3, vm0, $0xb8;
	[tilespmem:$0x18200] =	vst v63  }
0xe5: {  	s23 =	sand.u32 $0x2000, s17;
	s19 =	sand.u32 $0x1C00, s17  }
0xe6: {  	s20 =	simm.s32 $0xF200;
	s24 =	sand.u32 $0x380, s17;
	s18 =	sor.u32 s19, s23  }
0xe7: {  	[tilespmem:s20], [sflag:$0x4] =	stream.indirect_vreg.gather [hbm4b:s9+s17], $0x80, v3, vm0, $0xb8;
	[tilespmem:$0x18200] =	vst v63  }
0xe8: {  	s21 =	simm.s32 $0xFA00;
	s18 =	sor.u32 s24, s18  }
0xe9: {  	[tilespmem:s21], [sflag:$0x4] =	stream.indirect_vreg.gather [hbm4b:s10+s17], $0x80, v3, vm0, $0xb8;
	[tilespmem:$0x18200] =	vst v63  }
0xea: {  	v3 =	vld [tilespmem:s18+$0x4270]  }
0xeb: {  	v4 =	vld [tilespmem:s18+$0x10270]  }
0xec: {  	v5 =	vld [tilespmem:s18+$0x4200]  }
0xed: {  	v6 =	vld [tilespmem:s18+$0x10200]  }
0xee: {  	v7 =	vld [tilespmem:s18+$0x4210]  }
0xef: {  	v8 =	vld [tilespmem:s18+$0x10210]  }
0xf0: {  	v9 =	vld [tilespmem:s18+$0x4220]  }
0xf1: {  	v10 =	vld [tilespmem:s18+$0x10220]  }
0xf2: {  	v4 =	vadd.f32 v4, v3;
	v3 =	vld [tilespmem:s18+$0x4230]  }
0xf3: {  	v6 =	vadd.f32 v6, v5;
	v5 =	vld [tilespmem:s18+$0x10230]  }
0xf4: {  	v7 =	vadd.f32 v8, v7;
	[tilespmem:s18+$0x4270] =	vst v4;
	v4 =	vld [tilespmem:s18+$0x4240]  }
0xf5: {  	[tilespmem:s18+$0x4200] =	vst v6;
	v6 =	vld [tilespmem:s18+$0x10240]  }
0xf6: {  	s19 =	simm.s32 $0x0;
	s20 =	simm.s32 $0x400;
	s21 =	simm.s32 $0x80;
	v8 =	vadd.f32 v10, v9;
	[tilespmem:s18+$0x4210] =	vst v7;
	v7 =	vld [tilespmem:s18+$0x4250]  }
.LBB2_4:
0xf7: {  	s23 =	sand.u32 $0x2000, s21;
	s24 =	sand.u32 $0x1C00, s20;
	v9 =	vld [tilespmem:s18+$0x10250];
	s17 =	sadd.s32 $0x10, s17  }
0xf8: {  	s19 =	sadd.s32 $0x8, s19;
	s23 =	sor.u32 s24, s23;
	s24 =	sand.u32 $0x380, s17;
	[tilespmem:s18+$0x4220] =	vst v8;
	v3 =	vadd.f32 v5, v3;
	v5 =	vld [tilespmem:s18+$0x4260]  }
0xf9: {  	p0 =	slt.u32 s19, $0x3F8;
	s23 =	sor.u32 s24, s23;
	v8 =	vld [tilespmem:s18+$0x10260]  }
0xfa: {  	v10 =	vld [tilespmem:s23+$0x4270];
	[tilespmem:s18+$0x4230] =	vst v3;
	v3 =	vadd.f32 v6, v4  }
0xfb: {  	v4 =	vld [tilespmem:s23+$0x10270]  }
0xfc: {  	v6 =	vld [tilespmem:s23+$0x4200];
	[tilespmem:s18+$0x4240] =	vst v3;
	v3 =	vadd.f32 v9, v7  }
0xfd: {  	v7 =	vld [tilespmem:s23+$0x10200]  }
0xfe: {  	v9 =	vld [tilespmem:s23+$0x4210];
	[tilespmem:s18+$0x4250] =	vst v3;
	v3 =	vadd.f32 v8, v5  }
0xff: {  	v8 =	vld [tilespmem:s23+$0x10210]  }
0x100: {  	v11 =	vld [tilespmem:s23+$0x4220];
	v4 =	vadd.f32 v4, v10;
	[tilespmem:s18+$0x4260] =	vst v3;
	s18 =	smov.u32 s23  }
0x101: {  	v10 =	vld [tilespmem:s18+$0x10220]  }
.Ltmp1:
0x102: {  	v6 =	vadd.f32 v7, v6;
	v3 =	vld [tilespmem:s18+$0x4230];
	[tilespmem:s18+$0x4270] =	vst v4;
	(pc) =	sbr.rel @p0 .LBB2_4-.Ltmp1, $4  }
0x103: {  	v5 =	vld [tilespmem:s18+$0x10230]  }
0x104: {  	[tilespmem:s18+$0x4200] =	vst v6;
	v7 =	vadd.f32 v8, v9;
	v4 =	vld [tilespmem:s18+$0x4240]  }
0x105: {  	v6 =	vld [tilespmem:s18+$0x10240]  }
0x106: {  	s20 =	sadd.s32 $0x400, s20;
	s21 =	sadd.s32 $0x80, s21;
	[tilespmem:s18+$0x4210] =	vst v7;
	v8 =	vadd.f32 v10, v11;
	v7 =	vld [tilespmem:s18+$0x4250]  }
0x107: {  	v9 =	vld [tilespmem:s18+$0x10250]  }
0x108: {  	v10 =	vld [tilespmem:s18+$0x4260]  }
0x109: {  	v11 =	vld [tilespmem:s18+$0x10260];
	_ =	sdelay $0x1  }
0x10a: {  	v3 =	vadd.f32 v5, v3  }
0x10b: {  	[tilespmem:s18+$0x4220] =	vst v8;
	v4 =	vadd.f32 v6, v4  }
0x10c: {  	[tilespmem:s18+$0x4230] =	vst v3;
	v3 =	vadd.f32 v9, v7  }
0x10d: {  	[tilespmem:s18+$0x4240] =	vst v4;
	v4 =	vadd.f32 v11, v10  }
0x10e: {  	[tilespmem:s18+$0x4250] =	vst v3  }
0x10f: {  	[tilespmem:s18+$0x4260] =	vst v4  }
0x110: {  	s17 =	simm.s32 $0x0;
	s18 =	rddreg [dreg:$0x7]  }
0x111: {  	[hbm4b:s18+s17] =	stream.linear.scatter [tilespmem:s22], [sflag:$0x8], $0x4000, $0x38;
	[tilespmem:$0x18200] =	vst v63  }
0x112: {  	_ =	swait.ge [sflag:s5], $0x4000  }
0x113: {  	[sflag:s5] =	ssyncset.done $0x0  }
0x114: {  	[sflag:s5] =	ssyncadd.s32 $0xFFFFC000  }
0x115: {  	_ =	swait.ge [sflag:s6], $0x4000  }
0x116: {  	[sflag:s6] =	ssyncset.done $0x0  }
0x117: {  	[sflag:s6] =	ssyncadd.s32 $0xFFFFC000  }
0x118: {  	_ =	swait.ge [sflag:s14], $0x4000  }
0x119: {  	[sflag:s14] =	ssyncset.done $0x0  }
0x11a: {  	s19 =	rddreg [dreg:$0x8];
	[sflag:s14] =	ssyncadd.s32 $0xFFFFC000  }
0x11b: {  	[tilespmem:s22], [sflag:$0x2] =	stream.linear.gather [hbm4b:s19+s17], $0x4000, $0x38;
	[tilespmem:$0x18200] =	vst v63  }
0x11c: {  	v3 =	vld [tilespmem:$0x40];
	_ =	sdelay $0x4  }
0x11d: {  	v4 =	vshll.u32 v3, $0x3  }
0x11e: {  	v3 =	vand.u32 $0x7, v3;
	v4 =	vand.u32 $0xFFFFFFC0, v4  }
0x11f: {  	v3 =	vor.u32 v3, v4  }
0x120: {  	v4 =	vperm.xlane v3, v0;
	_ =	sdelay $0x1  }
0x121: {  	v4 =	vadd.s32 v1, v4;
	_ =	sdelay $0x3  }
0x122: {  	s20 =	simm.s32 $0x10200  }
0x123: {  	[tilespmem:s20], [sflag:$0x5] =	stream.indirect_vreg.gather [hbm4b:s7+s17], $0x80, v4, vm0, $0xb8;
	[tilespmem:$0x18200] =	vst v63  }
0x124: {  	s21 =	simm.s32 $0x10A00;
	v3 =	vperm.xlane v3, v2  }
0x125: {  	[tilespmem:s21], [sflag:$0x5] =	stream.indirect_vreg.gather [hbm4b:s8+s17], $0x80, v4, vm0, $0xb8;
	[tilespmem:$0x18200] =	vst v63  }
0x126: {  	v3 =	vadd.s32 v1, v3  }
0x127: {  	[tilespmem:s25], [sflag:$0x5] =	stream.indirect_vreg.gather [hbm4b:s9+s17], $0x80, v4, vm0, $0xb8;
	[tilespmem:$0x18200] =	vst v63  }
0x128: {  	_ = 	snop  }
0x129: {  	[tilespmem:s26], [sflag:$0x5] =	stream.indirect_vreg.gather [hbm4b:s10+s17], $0x80, v4, vm0, $0xb8;
	[tilespmem:$0x18200] =	vst v63  }
0x12a: {  	_ = 	snop  }
0x12b: {  	[tilespmem:s28], [sflag:$0x5] =	stream.indirect_vreg.gather [hbm4b:s7+s17], $0x80, v3, vm0, $0xb8;
	[tilespmem:$0x18200] =	vst v63  }
0x12c: {  	s23 =	sand.u32 $0x2000, s17;
	s19 =	sand.u32 $0x1C00, s17  }
0x12d: {  	[tilespmem:s29], [sflag:$0x5] =	stream.indirect_vreg.gather [hbm4b:s8+s17], $0x80, v3, vm0, $0xb8;
	[tilespmem:$0x18200] =	vst v63  }
0x12e: {  	s24 =	sand.u32 $0x380, s17;
	s18 =	sor.u32 s19, s23  }
0x12f: {  	[tilespmem:s30], [sflag:$0x5] =	stream.indirect_vreg.gather [hbm4b:s9+s17], $0x80, v3, vm0, $0xb8;
	[tilespmem:$0x18200] =	vst v63  }
0x130: {  	s18 =	sor.u32 s24, s18  }
0x131: {  	[tilespmem:s31], [sflag:$0x5] =	stream.indirect_vreg.gather [hbm4b:s10+s17], $0x80, v3, vm0, $0xb8;
	[tilespmem:$0x18200] =	vst v63  }
0x132: {  	v3 =	vld [tilespmem:s18+$0x8270]  }
0x133: {  	v4 =	vld [tilespmem:s18+$0x14270]  }
0x134: {  	v5 =	vld [tilespmem:s18+$0x8200]  }
0x135: {  	v6 =	vld [tilespmem:s18+$0x14200]  }
0x136: {  	v7 =	vld [tilespmem:s18+$0x8210]  }
0x137: {  	v8 =	vld [tilespmem:s18+$0x14210]  }
0x138: {  	v9 =	vld [tilespmem:s18+$0x8220]  }
0x139: {  	v10 =	vld [tilespmem:s18+$0x14220]  }
0x13a: {  	v4 =	vadd.f32 v4, v3;
	v3 =	vld [tilespmem:s18+$0x8230]  }
0x13b: {  	v6 =	vadd.f32 v6, v5;
	v5 =	vld [tilespmem:s18+$0x14230]  }
0x13c: {  	v7 =	vadd.f32 v8, v7;
	[tilespmem:s18+$0x8270] =	vst v4;
	v4 =	vld [tilespmem:s18+$0x8240]  }
0x13d: {  	[tilespmem:s18+$0x8200] =	vst v6;
	v6 =	vld [tilespmem:s18+$0x14240]  }
0x13e: {  	s19 =	simm.s32 $0x0;
	s20 =	simm.s32 $0x400;
	s21 =	simm.s32 $0x80;
	v8 =	vadd.f32 v10, v9;
	[tilespmem:s18+$0x8210] =	vst v7;
	v7 =	vld [tilespmem:s18+$0x8250]  }
.LBB2_6:
0x13f: {  	s23 =	sand.u32 $0x2000, s21;
	s24 =	sand.u32 $0x1C00, s20;
	v9 =	vld [tilespmem:s18+$0x14250];
	s17 =	sadd.s32 $0x10, s17  }
0x140: {  	s19 =	sadd.s32 $0x8, s19;
	s23 =	sor.u32 s24, s23;
	s24 =	sand.u32 $0x380, s17;
	[tilespmem:s18+$0x8220] =	vst v8;
	v3 =	vadd.f32 v5, v3;
	v5 =	vld [tilespmem:s18+$0x8260]  }
0x141: {  	p0 =	slt.u32 s19, $0x3F8;
	s23 =	sor.u32 s24, s23;
	v8 =	vld [tilespmem:s18+$0x14260]  }
0x142: {  	v10 =	vld [tilespmem:s23+$0x8270];
	[tilespmem:s18+$0x8230] =	vst v3;
	v3 =	vadd.f32 v6, v4  }
0x143: {  	v4 =	vld [tilespmem:s23+$0x14270]  }
0x144: {  	v6 =	vld [tilespmem:s23+$0x8200];
	[tilespmem:s18+$0x8240] =	vst v3;
	v3 =	vadd.f32 v9, v7  }
0x145: {  	v7 =	vld [tilespmem:s23+$0x14200]  }
0x146: {  	v9 =	vld [tilespmem:s23+$0x8210];
	[tilespmem:s18+$0x8250] =	vst v3;
	v3 =	vadd.f32 v8, v5  }
0x147: {  	v8 =	vld [tilespmem:s23+$0x14210]  }
0x148: {  	v11 =	vld [tilespmem:s23+$0x8220];
	v4 =	vadd.f32 v4, v10;
	[tilespmem:s18+$0x8260] =	vst v3;
	s18 =	smov.u32 s23  }
0x149: {  	v10 =	vld [tilespmem:s18+$0x14220]  }
.Ltmp2:
0x14a: {  	v6 =	vadd.f32 v7, v6;
	v3 =	vld [tilespmem:s18+$0x8230];
	[tilespmem:s18+$0x8270] =	vst v4;
	(pc) =	sbr.rel @p0 .LBB2_6-.Ltmp2, $4  }
0x14b: {  	v5 =	vld [tilespmem:s18+$0x14230]  }
0x14c: {  	[tilespmem:s18+$0x8200] =	vst v6;
	v7 =	vadd.f32 v8, v9;
	v4 =	vld [tilespmem:s18+$0x8240]  }
0x14d: {  	v6 =	vld [tilespmem:s18+$0x14240]  }
0x14e: {  	s20 =	sadd.s32 $0x400, s20;
	s21 =	sadd.s32 $0x80, s21;
	[tilespmem:s18+$0x8210] =	vst v7;
	v8 =	vadd.f32 v10, v11;
	v7 =	vld [tilespmem:s18+$0x8250]  }
0x14f: {  	v9 =	vld [tilespmem:s18+$0x14250]  }
0x150: {  	v10 =	vld [tilespmem:s18+$0x8260]  }
0x151: {  	v11 =	vld [tilespmem:s18+$0x14260];
	_ =	sdelay $0x1  }
0x152: {  	v3 =	vadd.f32 v5, v3  }
0x153: {  	[tilespmem:s18+$0x8220] =	vst v8;
	v4 =	vadd.f32 v6, v4  }
0x154: {  	[tilespmem:s18+$0x8230] =	vst v3;
	v3 =	vadd.f32 v9, v7  }
0x155: {  	[tilespmem:s18+$0x8240] =	vst v4;
	v4 =	vadd.f32 v11, v10  }
0x156: {  	[tilespmem:s18+$0x8250] =	vst v3  }
0x157: {  	[tilespmem:s18+$0x8260] =	vst v4  }
0x158: {  	s17 =	simm.s32 $0x0;
	s18 =	rddreg [dreg:$0x9]  }
0x159: {  	[hbm4b:s18+s17] =	stream.linear.scatter [tilespmem:s3], [sflag:$0x9], $0x4000, $0x38;
	[tilespmem:$0x18200] =	vst v63  }
0x15a: {  	_ =	swait.ge [sflag:s0], $0x4000  }
0x15b: {  	[sflag:s0] =	ssyncset.done $0x0  }
0x15c: {  	[sflag:s0] =	ssyncadd.s32 $0xFFFFC000  }
0x15d: {  	_ =	swait.ge [sflag:s2], $0x4000  }
0x15e: {  	[sflag:s2] =	ssyncset.done $0x0  }
0x15f: {  	[sflag:s2] =	ssyncadd.s32 $0xFFFFC000  }
0x160: {  	_ =	swait.ge [sflag:s15], $0x4000  }
0x161: {  	[sflag:s15] =	ssyncset.done $0x0  }
0x162: {  	s24 =	rddreg [dreg:$0xa];
	[sflag:s15] =	ssyncadd.s32 $0xFFFFC000  }
0x163: {  	[tilespmem:s3], [sflag:$0x3] =	stream.linear.gather [hbm4b:s24+s17], $0x4000, $0x38;
	[tilespmem:$0x18200] =	vst v63  }
0x164: {  	v3 =	vld [tilespmem:$0x50];
	_ =	sdelay $0x4  }
0x165: {  	v4 =	vshll.u32 v3, $0x3  }
0x166: {  	v3 =	vand.u32 $0x7, v3;
	v4 =	vand.u32 $0xFFFFFFC0, v4  }
0x167: {  	v3 =	vor.u32 v3, v4  }
0x168: {  	v4 =	vperm.xlane v3, v0;
	_ =	sdelay $0x1  }
0x169: {  	v4 =	vadd.s32 v1, v4;
	_ =	sdelay $0x3  }
0x16a: {  	s19 =	simm.s32 $0x14200  }
0x16b: {  	[tilespmem:s19], [sflag:$0x6] =	stream.indirect_vreg.gather [hbm4b:s7+s17], $0x80, v4, vm0, $0xb8;
	[tilespmem:$0x18200] =	vst v63  }
0x16c: {  	s20 =	simm.s32 $0x14A00;
	v3 =	vperm.xlane v3, v2  }
0x16d: {  	[tilespmem:s20], [sflag:$0x6] =	stream.indirect_vreg.gather [hbm4b:s8+s17], $0x80, v4, vm0, $0xb8;
	[tilespmem:$0x18200] =	vst v63  }
0x16e: {  	s21 =	simm.s32 $0x15200;
	v3 =	vadd.s32 v1, v3  }
0x16f: {  	[tilespmem:s21], [sflag:$0x6] =	stream.indirect_vreg.gather [hbm4b:s9+s17], $0x80, v4, vm0, $0xb8;
	[tilespmem:$0x18200] =	vst v63  }
0x170: {  	s23 =	simm.s32 $0x15A00  }
0x171: {  	[tilespmem:s23], [sflag:$0x6] =	stream.indirect_vreg.gather [hbm4b:s10+s17], $0x80, v4, vm0, $0xb8;
	[tilespmem:$0x18200] =	vst v63  }
0x172: {  	s24 =	simm.s32 $0x16200  }
0x173: {  	[tilespmem:s24], [sflag:$0x6] =	stream.indirect_vreg.gather [hbm4b:s7+s17], $0x80, v3, vm0, $0xb8;
	[tilespmem:$0x18200] =	vst v63  }
0x174: {  	s19 =	simm.s32 $0x16A00  }
0x175: {  	[tilespmem:s19], [sflag:$0x6] =	stream.indirect_vreg.gather [hbm4b:s8+s17], $0x80, v3, vm0, $0xb8;
	[tilespmem:$0x18200] =	vst v63  }
0x176: {  	s23 =	sand.u32 $0x2000, s17;
	s19 =	sand.u32 $0x1C00, s17  }
0x177: {  	s20 =	simm.s32 $0x17200;
	s24 =	sand.u32 $0x380, s17;
	s18 =	sor.u32 s19, s23  }
0x178: {  	[tilespmem:s20], [sflag:$0x6] =	stream.indirect_vreg.gather [hbm4b:s9+s17], $0x80, v3, vm0, $0xb8;
	[tilespmem:$0x18200] =	vst v63  }
0x179: {  	s21 =	simm.s32 $0x17A00;
	s18 =	sor.u32 s24, s18  }
0x17a: {  	[tilespmem:s21], [sflag:$0x6] =	stream.indirect_vreg.gather [hbm4b:s10+s17], $0x80, v3, vm0, $0xb8;
	[tilespmem:$0x18200] =	vst v63  }
0x17b: {  	v3 =	vld [tilespmem:s18+$0x270]  }
0x17c: {  	v4 =	vld [tilespmem:s18+$0xC270]  }
0x17d: {  	v5 =	vld [tilespmem:s18+$0x200]  }
0x17e: {  	v6 =	vld [tilespmem:s18+$0xC200]  }
0x17f: {  	v7 =	vld [tilespmem:s18+$0x210]  }
0x180: {  	v8 =	vld [tilespmem:s18+$0xC210]  }
0x181: {  	v9 =	vld [tilespmem:s18+$0x220]  }
0x182: {  	v10 =	vld [tilespmem:s18+$0xC220]  }
0x183: {  	v4 =	vadd.f32 v4, v3;
	v3 =	vld [tilespmem:s18+$0x230]  }
0x184: {  	v6 =	vadd.f32 v6, v5;
	v5 =	vld [tilespmem:s18+$0xC230]  }
0x185: {  	v7 =	vadd.f32 v8, v7;
	[tilespmem:s18+$0x270] =	vst v4;
	v4 =	vld [tilespmem:s18+$0x240]  }
0x186: {  	[tilespmem:s18+$0x200] =	vst v6;
	v6 =	vld [tilespmem:s18+$0xC240]  }
0x187: {  	s19 =	simm.s32 $0x0;
	s20 =	simm.s32 $0x400;
	s21 =	simm.s32 $0x80;
	v8 =	vadd.f32 v10, v9;
	[tilespmem:s18+$0x210] =	vst v7;
	v7 =	vld [tilespmem:s18+$0x250]  }
.LBB2_8:
0x188: {  	s23 =	sand.u32 $0x2000, s21;
	s24 =	sand.u32 $0x1C00, s20;
	v9 =	vld [tilespmem:s18+$0xC250];
	s17 =	sadd.s32 $0x10, s17  }
0x189: {  	s19 =	sadd.s32 $0x8, s19;
	s23 =	sor.u32 s24, s23;
	s24 =	sand.u32 $0x380, s17;
	[tilespmem:s18+$0x220] =	vst v8;
	v3 =	vadd.f32 v5, v3;
	v5 =	vld [tilespmem:s18+$0x260]  }
0x18a: {  	p0 =	slt.u32 s19, $0x3F8;
	s23 =	sor.u32 s24, s23;
	v8 =	vld [tilespmem:s18+$0xC260]  }
0x18b: {  	v10 =	vld [tilespmem:s23+$0x270];
	[tilespmem:s18+$0x230] =	vst v3;
	v3 =	vadd.f32 v6, v4  }
0x18c: {  	v4 =	vld [tilespmem:s23+$0xC270]  }
0x18d: {  	v6 =	vld [tilespmem:s23+$0x200];
	[tilespmem:s18+$0x240] =	vst v3;
	v3 =	vadd.f32 v9, v7  }
0x18e: {  	v7 =	vld [tilespmem:s23+$0xC200]  }
0x18f: {  	v9 =	vld [tilespmem:s23+$0x210];
	[tilespmem:s18+$0x250] =	vst v3;
	v3 =	vadd.f32 v8, v5  }
0x190: {  	v8 =	vld [tilespmem:s23+$0xC210]  }
0x191: {  	v11 =	vld [tilespmem:s23+$0x220];
	v4 =	vadd.f32 v4, v10;
	[tilespmem:s18+$0x260] =	vst v3;
	s18 =	smov.u32 s23  }
0x192: {  	v10 =	vld [tilespmem:s18+$0xC220]  }
.Ltmp3:
0x193: {  	v6 =	vadd.f32 v7, v6;
	v3 =	vld [tilespmem:s18+$0x230];
	[tilespmem:s18+$0x270] =	vst v4;
	(pc) =	sbr.rel @p0 .LBB2_8-.Ltmp3, $4  }
0x194: {  	v5 =	vld [tilespmem:s18+$0xC230]  }
0x195: {  	[tilespmem:s18+$0x200] =	vst v6;
	v7 =	vadd.f32 v8, v9;
	v4 =	vld [tilespmem:s18+$0x240]  }
0x196: {  	v6 =	vld [tilespmem:s18+$0xC240]  }
0x197: {  	s20 =	sadd.s32 $0x400, s20;
	s21 =	sadd.s32 $0x80, s21;
	[tilespmem:s18+$0x210] =	vst v7;
	v8 =	vadd.f32 v10, v11;
	v7 =	vld [tilespmem:s18+$0x250]  }
0x198: {  	v9 =	vld [tilespmem:s18+$0xC250]  }
0x199: {  	v10 =	vld [tilespmem:s18+$0x260]  }
0x19a: {  	v11 =	vld [tilespmem:s18+$0xC260];
	_ =	sdelay $0x1  }
0x19b: {  	v3 =	vadd.f32 v5, v3  }
0x19c: {  	[tilespmem:s18+$0x220] =	vst v8;
	v4 =	vadd.f32 v6, v4  }
0x19d: {  	[tilespmem:s18+$0x230] =	vst v3;
	v3 =	vadd.f32 v9, v7  }
0x19e: {  	[tilespmem:s18+$0x240] =	vst v4;
	v4 =	vadd.f32 v11, v10  }
0x19f: {  	[tilespmem:s18+$0x250] =	vst v3  }
0x1a0: {  	[tilespmem:s18+$0x260] =	vst v4  }
0x1a1: {  	s17 =	simm.s32 $0x0;
	s18 =	rddreg [dreg:$0xb]  }
0x1a2: {  	[hbm4b:s18+s17] =	stream.linear.scatter [tilespmem:s13], [sflag:$0x7], $0x4000, $0x38;
	[tilespmem:$0x18200] =	vst v63  }
0x1a3: {  	_ =	swait.ge [sflag:s11], $0x4000  }
0x1a4: {  	[sflag:s11] =	ssyncset.done $0x0  }
0x1a5: {  	[sflag:s11] =	ssyncadd.s32 $0xFFFFC000  }
0x1a6: {  	_ =	swait.ge [sflag:s12], $0x4000  }
0x1a7: {  	[sflag:s12] =	ssyncset.done $0x0  }
0x1a8: {  	[sflag:s12] =	ssyncadd.s32 $0xFFFFC000  }
0x1a9: {  	_ =	swait.ge [sflag:s4], $0x4000  }
0x1aa: {  	[sflag:s4] =	ssyncset.done $0x0  }
0x1ab: {  	s24 =	rddreg [dreg:$0xc];
	[sflag:s4] =	ssyncadd.s32 $0xFFFFC000  }
0x1ac: {  	[tilespmem:s13], [sflag:$0x1] =	stream.linear.gather [hbm4b:s24+s17], $0x4000, $0x38;
	[tilespmem:$0x18200] =	vst v63  }
0x1ad: {  	v3 =	vld [tilespmem:$0x60];
	_ =	sdelay $0x4  }
0x1ae: {  	v4 =	vshll.u32 v3, $0x3  }
0x1af: {  	v3 =	vand.u32 $0x7, v3;
	v4 =	vand.u32 $0xFFFFFFC0, v4  }
0x1b0: {  	v3 =	vor.u32 v3, v4  }
0x1b1: {  	v4 =	vperm.xlane v3, v0;
	_ =	sdelay $0x1  }
0x1b2: {  	v4 =	vadd.s32 v1, v4;
	_ =	sdelay $0x3  }
0x1b3: {  	s19 =	simm.s32 $0xC200  }
0x1b4: {  	[tilespmem:s19], [sflag:$0x4] =	stream.indirect_vreg.gather [hbm4b:s7+s17], $0x80, v4, vm0, $0xb8;
	[tilespmem:$0x18200] =	vst v63  }
0x1b5: {  	s20 =	simm.s32 $0xCA00;
	v3 =	vperm.xlane v3, v2  }
0x1b6: {  	[tilespmem:s20], [sflag:$0x4] =	stream.indirect_vreg.gather [hbm4b:s8+s17], $0x80, v4, vm0, $0xb8;
	[tilespmem:$0x18200] =	vst v63  }
0x1b7: {  	s21 =	simm.s32 $0xD200;
	v3 =	vadd.s32 v1, v3  }
0x1b8: {  	[tilespmem:s21], [sflag:$0x4] =	stream.indirect_vreg.gather [hbm4b:s9+s17], $0x80, v4, vm0, $0xb8;
	[tilespmem:$0x18200] =	vst v63  }
0x1b9: {  	s23 =	simm.s32 $0xDA00  }
0x1ba: {  	[tilespmem:s23], [sflag:$0x4] =	stream.indirect_vreg.gather [hbm4b:s10+s17], $0x80, v4, vm0, $0xb8;
	[tilespmem:$0x18200] =	vst v63  }
0x1bb: {  	s24 =	simm.s32 $0xE200  }
0x1bc: {  	[tilespmem:s24], [sflag:$0x4] =	stream.indirect_vreg.gather [hbm4b:s7+s17], $0x80, v3, vm0, $0xb8;
	[tilespmem:$0x18200] =	vst v63  }
0x1bd: {  	s19 =	simm.s32 $0xEA00  }
0x1be: {  	[tilespmem:s19], [sflag:$0x4] =	stream.indirect_vreg.gather [hbm4b:s8+s17], $0x80, v3, vm0, $0xb8;
	[tilespmem:$0x18200] =	vst v63  }
0x1bf: {  	s23 =	sand.u32 $0x2000, s17;
	s19 =	sand.u32 $0x1C00, s17  }
0x1c0: {  	s20 =	simm.s32 $0xF200;
	s24 =	sand.u32 $0x380, s17;
	s18 =	sor.u32 s19, s23  }
0x1c1: {  	[tilespmem:s20], [sflag:$0x4] =	stream.indirect_vreg.gather [hbm4b:s9+s17], $0x80, v3, vm0, $0xb8;
	[tilespmem:$0x18200] =	vst v63  }
0x1c2: {  	s21 =	simm.s32 $0xFA00;
	s18 =	sor.u32 s24, s18  }
0x1c3: {  	[tilespmem:s21], [sflag:$0x4] =	stream.indirect_vreg.gather [hbm4b:s10+s17], $0x80, v3, vm0, $0xb8;
	[tilespmem:$0x18200] =	vst v63  }
0x1c4: {  	v3 =	vld [tilespmem:s18+$0x4270]  }
0x1c5: {  	v4 =	vld [tilespmem:s18+$0x10270]  }
0x1c6: {  	v5 =	vld [tilespmem:s18+$0x4200]  }
0x1c7: {  	v6 =	vld [tilespmem:s18+$0x10200]  }
0x1c8: {  	v7 =	vld [tilespmem:s18+$0x4210]  }
0x1c9: {  	v8 =	vld [tilespmem:s18+$0x10210]  }
0x1ca: {  	v9 =	vld [tilespmem:s18+$0x4220]  }
0x1cb: {  	v10 =	vld [tilespmem:s18+$0x10220]  }
0x1cc: {  	v4 =	vadd.f32 v4, v3;
	v3 =	vld [tilespmem:s18+$0x4230]  }
0x1cd: {  	v6 =	vadd.f32 v6, v5;
	v5 =	vld [tilespmem:s18+$0x10230]  }
0x1ce: {  	v7 =	vadd.f32 v8, v7;
	[tilespmem:s18+$0x4270] =	vst v4;
	v4 =	vld [tilespmem:s18+$0x4240]  }
0x1cf: {  	[tilespmem:s18+$0x4200] =	vst v6;
	v6 =	vld [tilespmem:s18+$0x10240]  }
0x1d0: {  	s19 =	simm.s32 $0x0;
	s20 =	simm.s32 $0x400;
	s21 =	simm.s32 $0x80;
	v8 =	vadd.f32 v10, v9;
	[tilespmem:s18+$0x4210] =	vst v7;
	v7 =	vld [tilespmem:s18+$0x4250]  }
.LBB2_10:
0x1d1: {  	s23 =	sand.u32 $0x2000, s21;
	s24 =	sand.u32 $0x1C00, s20;
	v9 =	vld [tilespmem:s18+$0x10250];
	s17 =	sadd.s32 $0x10, s17  }
0x1d2: {  	s19 =	sadd.s32 $0x8, s19;
	s23 =	sor.u32 s24, s23;
	s24 =	sand.u32 $0x380, s17;
	[tilespmem:s18+$0x4220] =	vst v8;
	v3 =	vadd.f32 v5, v3;
	v5 =	vld [tilespmem:s18+$0x4260]  }
0x1d3: {  	p0 =	slt.u32 s19, $0x3F8;
	s23 =	sor.u32 s24, s23;
	v8 =	vld [tilespmem:s18+$0x10260]  }
0x1d4: {  	v10 =	vld [tilespmem:s23+$0x4270];
	[tilespmem:s18+$0x4230] =	vst v3;
	v3 =	vadd.f32 v6, v4  }
0x1d5: {  	v4 =	vld [tilespmem:s23+$0x10270]  }
0x1d6: {  	v6 =	vld [tilespmem:s23+$0x4200];
	[tilespmem:s18+$0x4240] =	vst v3;
	v3 =	vadd.f32 v9, v7  }
0x1d7: {  	v7 =	vld [tilespmem:s23+$0x10200]  }
0x1d8: {  	v9 =	vld [tilespmem:s23+$0x4210];
	[tilespmem:s18+$0x4250] =	vst v3;
	v3 =	vadd.f32 v8, v5  }
0x1d9: {  	v8 =	vld [tilespmem:s23+$0x10210]  }
0x1da: {  	v11 =	vld [tilespmem:s23+$0x4220];
	v4 =	vadd.f32 v4, v10;
	[tilespmem:s18+$0x4260] =	vst v3;
	s18 =	smov.u32 s23  }
0x1db: {  	v10 =	vld [tilespmem:s18+$0x10220]  }
.Ltmp4:
0x1dc: {  	v6 =	vadd.f32 v7, v6;
	v3 =	vld [tilespmem:s18+$0x4230];
	[tilespmem:s18+$0x4270] =	vst v4;
	(pc) =	sbr.rel @p0 .LBB2_10-.Ltmp4, $4  }
0x1dd: {  	v5 =	vld [tilespmem:s18+$0x10230]  }
0x1de: {  	[tilespmem:s18+$0x4200] =	vst v6;
	v7 =	vadd.f32 v8, v9;
	v4 =	vld [tilespmem:s18+$0x4240]  }
0x1df: {  	v6 =	vld [tilespmem:s18+$0x10240]  }
0x1e0: {  	s20 =	sadd.s32 $0x400, s20;
	s21 =	sadd.s32 $0x80, s21;
	[tilespmem:s18+$0x4210] =	vst v7;
	v8 =	vadd.f32 v10, v11;
	v7 =	vld [tilespmem:s18+$0x4250]  }
0x1e1: {  	v9 =	vld [tilespmem:s18+$0x10250]  }
0x1e2: {  	v10 =	vld [tilespmem:s18+$0x4260]  }
0x1e3: {  	v11 =	vld [tilespmem:s18+$0x10260];
	_ =	sdelay $0x1  }
0x1e4: {  	v3 =	vadd.f32 v5, v3  }
0x1e5: {  	[tilespmem:s18+$0x4220] =	vst v8;
	v4 =	vadd.f32 v6, v4  }
0x1e6: {  	[tilespmem:s18+$0x4230] =	vst v3;
	v3 =	vadd.f32 v9, v7  }
0x1e7: {  	[tilespmem:s18+$0x4240] =	vst v4;
	v4 =	vadd.f32 v11, v10  }
0x1e8: {  	[tilespmem:s18+$0x4250] =	vst v3  }
0x1e9: {  	[tilespmem:s18+$0x4260] =	vst v4  }
0x1ea: {  	s17 =	simm.s32 $0x0;
	s18 =	rddreg [dreg:$0xd]  }
0x1eb: {  	[hbm4b:s18+s17] =	stream.linear.scatter [tilespmem:s22], [sflag:$0x8], $0x4000, $0x38;
	[tilespmem:$0x18200] =	vst v63  }
0x1ec: {  	_ =	swait.ge [sflag:s5], $0x4000  }
0x1ed: {  	[sflag:s5] =	ssyncset.done $0x0  }
0x1ee: {  	[sflag:s5] =	ssyncadd.s32 $0xFFFFC000  }
0x1ef: {  	_ =	swait.ge [sflag:s6], $0x4000  }
0x1f0: {  	[sflag:s6] =	ssyncset.done $0x0  }
0x1f1: {  	[sflag:s6] =	ssyncadd.s32 $0xFFFFC000  }
0x1f2: {  	_ =	swait.ge [sflag:s14], $0x4000  }
0x1f3: {  	[sflag:s14] =	ssyncset.done $0x0  }
0x1f4: {  	s19 =	rddreg [dreg:$0xe];
	[sflag:s14] =	ssyncadd.s32 $0xFFFFC000  }
0x1f5: {  	[tilespmem:s22], [sflag:$0x2] =	stream.linear.gather [hbm4b:s19+s17], $0x4000, $0x38;
	[tilespmem:$0x18200] =	vst v63  }
0x1f6: {  	v3 =	vld [tilespmem:$0x70];
	_ =	sdelay $0x4  }
0x1f7: {  	v4 =	vshll.u32 v3, $0x3  }
0x1f8: {  	v3 =	vand.u32 $0x7, v3;
	v4 =	vand.u32 $0xFFFFFFC0, v4  }
0x1f9: {  	v3 =	vor.u32 v3, v4  }
0x1fa: {  	v4 =	vperm.xlane v3, v0;
	_ =	sdelay $0x1  }
0x1fb: {  	v4 =	vadd.s32 v1, v4;
	_ =	sdelay $0x3  }
0x1fc: {  	s20 =	simm.s32 $0x10200  }
0x1fd: {  	[tilespmem:s20], [sflag:$0x5] =	stream.indirect_vreg.gather [hbm4b:s7+s17], $0x80, v4, vm0, $0xb8;
	[tilespmem:$0x18200] =	vst v63  }
0x1fe: {  	s21 =	simm.s32 $0x10A00;
	v3 =	vperm.xlane v3, v2  }
0x1ff: {  	[tilespmem:s21], [sflag:$0x5] =	stream.indirect_vreg.gather [hbm4b:s8+s17], $0x80, v4, vm0, $0xb8;
	[tilespmem:$0x18200] =	vst v63  }
0x200: {  	v3 =	vadd.s32 v1, v3  }
0x201: {  	[tilespmem:s25], [sflag:$0x5] =	stream.indirect_vreg.gather [hbm4b:s9+s17], $0x80, v4, vm0, $0xb8;
	[tilespmem:$0x18200] =	vst v63  }
0x202: {  	_ = 	snop  }
0x203: {  	[tilespmem:s26], [sflag:$0x5] =	stream.indirect_vreg.gather [hbm4b:s10+s17], $0x80, v4, vm0, $0xb8;
	[tilespmem:$0x18200] =	vst v63  }
0x204: {  	_ = 	snop  }
0x205: {  	[tilespmem:s28], [sflag:$0x5] =	stream.indirect_vreg.gather [hbm4b:s7+s17], $0x80, v3, vm0, $0xb8;
	[tilespmem:$0x18200] =	vst v63  }
0x206: {  	s23 =	sand.u32 $0x2000, s17;
	s19 =	sand.u32 $0x1C00, s17  }
0x207: {  	[tilespmem:s29], [sflag:$0x5] =	stream.indirect_vreg.gather [hbm4b:s8+s17], $0x80, v3, vm0, $0xb8;
	[tilespmem:$0x18200] =	vst v63  }
0x208: {  	s24 =	sand.u32 $0x380, s17;
	s18 =	sor.u32 s19, s23  }
0x209: {  	[tilespmem:s30], [sflag:$0x5] =	stream.indirect_vreg.gather [hbm4b:s9+s17], $0x80, v3, vm0, $0xb8;
	[tilespmem:$0x18200] =	vst v63  }
0x20a: {  	s18 =	sor.u32 s24, s18  }
0x20b: {  	[tilespmem:s31], [sflag:$0x5] =	stream.indirect_vreg.gather [hbm4b:s10+s17], $0x80, v3, vm0, $0xb8;
	[tilespmem:$0x18200] =	vst v63  }
0x20c: {  	v3 =	vld [tilespmem:s18+$0x8270]  }
0x20d: {  	v4 =	vld [tilespmem:s18+$0x14270]  }
0x20e: {  	v5 =	vld [tilespmem:s18+$0x8200]  }
0x20f: {  	v6 =	vld [tilespmem:s18+$0x14200]  }
0x210: {  	v7 =	vld [tilespmem:s18+$0x8210]  }
0x211: {  	v8 =	vld [tilespmem:s18+$0x14210]  }
0x212: {  	v9 =	vld [tilespmem:s18+$0x8220]  }
0x213: {  	v10 =	vld [tilespmem:s18+$0x14220]  }
0x214: {  	v4 =	vadd.f32 v4, v3;
	v3 =	vld [tilespmem:s18+$0x8230]  }
0x215: {  	v6 =	vadd.f32 v6, v5;
	v5 =	vld [tilespmem:s18+$0x14230]  }
0x216: {  	v7 =	vadd.f32 v8, v7;
	[tilespmem:s18+$0x8270] =	vst v4;
	v4 =	vld [tilespmem:s18+$0x8240]  }
0x217: {  	[tilespmem:s18+$0x8200] =	vst v6;
	v6 =	vld [tilespmem:s18+$0x14240]  }
0x218: {  	s19 =	simm.s32 $0x0;
	s20 =	simm.s32 $0x400;
	s21 =	simm.s32 $0x80;
	v8 =	vadd.f32 v10, v9;
	[tilespmem:s18+$0x8210] =	vst v7;
	v7 =	vld [tilespmem:s18+$0x8250]  }
.LBB2_12:
0x219: {  	s23 =	sand.u32 $0x2000, s21;
	s24 =	sand.u32 $0x1C00, s20;
	v9 =	vld [tilespmem:s18+$0x14250];
	s17 =	sadd.s32 $0x10, s17  }
0x21a: {  	s19 =	sadd.s32 $0x8, s19;
	s23 =	sor.u32 s24, s23;
	s24 =	sand.u32 $0x380, s17;
	[tilespmem:s18+$0x8220] =	vst v8;
	v3 =	vadd.f32 v5, v3;
	v5 =	vld [tilespmem:s18+$0x8260]  }
0x21b: {  	p0 =	slt.u32 s19, $0x3F8;
	s23 =	sor.u32 s24, s23;
	v8 =	vld [tilespmem:s18+$0x14260]  }
0x21c: {  	v10 =	vld [tilespmem:s23+$0x8270];
	[tilespmem:s18+$0x8230] =	vst v3;
	v3 =	vadd.f32 v6, v4  }
0x21d: {  	v4 =	vld [tilespmem:s23+$0x14270]  }
0x21e: {  	v6 =	vld [tilespmem:s23+$0x8200];
	[tilespmem:s18+$0x8240] =	vst v3;
	v3 =	vadd.f32 v9, v7  }
0x21f: {  	v7 =	vld [tilespmem:s23+$0x14200]  }
0x220: {  	v9 =	vld [tilespmem:s23+$0x8210];
	[tilespmem:s18+$0x8250] =	vst v3;
	v3 =	vadd.f32 v8, v5  }
0x221: {  	v8 =	vld [tilespmem:s23+$0x14210]  }
0x222: {  	v11 =	vld [tilespmem:s23+$0x8220];
	v4 =	vadd.f32 v4, v10;
	[tilespmem:s18+$0x8260] =	vst v3;
	s18 =	smov.u32 s23  }
0x223: {  	v10 =	vld [tilespmem:s18+$0x14220]  }
.Ltmp5:
0x224: {  	v6 =	vadd.f32 v7, v6;
	v3 =	vld [tilespmem:s18+$0x8230];
	[tilespmem:s18+$0x8270] =	vst v4;
	(pc) =	sbr.rel @p0 .LBB2_12-.Ltmp5, $4  }
0x225: {  	v5 =	vld [tilespmem:s18+$0x14230]  }
0x226: {  	[tilespmem:s18+$0x8200] =	vst v6;
	v7 =	vadd.f32 v8, v9;
	v4 =	vld [tilespmem:s18+$0x8240]  }
0x227: {  	v6 =	vld [tilespmem:s18+$0x14240]  }
0x228: {  	s20 =	sadd.s32 $0x400, s20;
	s21 =	sadd.s32 $0x80, s21;
	[tilespmem:s18+$0x8210] =	vst v7;
	v8 =	vadd.f32 v10, v11;
	v7 =	vld [tilespmem:s18+$0x8250]  }
0x229: {  	v9 =	vld [tilespmem:s18+$0x14250]  }
0x22a: {  	v10 =	vld [tilespmem:s18+$0x8260]  }
0x22b: {  	v11 =	vld [tilespmem:s18+$0x14260];
	_ =	sdelay $0x1  }
0x22c: {  	v3 =	vadd.f32 v5, v3  }
0x22d: {  	[tilespmem:s18+$0x8220] =	vst v8;
	v4 =	vadd.f32 v6, v4  }
0x22e: {  	[tilespmem:s18+$0x8230] =	vst v3;
	v3 =	vadd.f32 v9, v7  }
0x22f: {  	[tilespmem:s18+$0x8240] =	vst v4;
	v4 =	vadd.f32 v11, v10  }
0x230: {  	[tilespmem:s18+$0x8250] =	vst v3  }
0x231: {  	[tilespmem:s18+$0x8260] =	vst v4  }
0x232: {  	s17 =	simm.s32 $0x0;
	s18 =	rddreg [dreg:$0xf]  }
0x233: {  	[hbm4b:s18+s17] =	stream.linear.scatter [tilespmem:s3], [sflag:$0x9], $0x4000, $0x38;
	[tilespmem:$0x18200] =	vst v63  }
0x234: {  	_ =	swait.ge [sflag:s0], $0x4000  }
0x235: {  	[sflag:s0] =	ssyncset.done $0x0  }
0x236: {  	[sflag:s0] =	ssyncadd.s32 $0xFFFFC000  }
0x237: {  	_ =	swait.ge [sflag:s2], $0x4000  }
0x238: {  	[sflag:s2] =	ssyncset.done $0x0  }
0x239: {  	[sflag:s2] =	ssyncadd.s32 $0xFFFFC000  }
0x23a: {  	_ =	swait.ge [sflag:s15], $0x4000  }
0x23b: {  	[sflag:s15] =	ssyncset.done $0x0  }
0x23c: {  	s24 =	rddreg [dreg:$0x10];
	[sflag:s15] =	ssyncadd.s32 $0xFFFFC000  }
0x23d: {  	[tilespmem:s3], [sflag:$0x3] =	stream.linear.gather [hbm4b:s24+s17], $0x4000, $0x38;
	[tilespmem:$0x18200] =	vst v63  }
0x23e: {  	v3 =	vld [tilespmem:$0x80];
	_ =	sdelay $0x4  }
0x23f: {  	v4 =	vshll.u32 v3, $0x3  }
0x240: {  	v3 =	vand.u32 $0x7, v3;
	v4 =	vand.u32 $0xFFFFFFC0, v4  }
0x241: {  	v3 =	vor.u32 v3, v4  }
0x242: {  	v4 =	vperm.xlane v3, v0;
	_ =	sdelay $0x1  }
0x243: {  	v4 =	vadd.s32 v1, v4;
	_ =	sdelay $0x3  }
0x244: {  	s19 =	simm.s32 $0x14200  }
0x245: {  	[tilespmem:s19], [sflag:$0x6] =	stream.indirect_vreg.gather [hbm4b:s7+s17], $0x80, v4, vm0, $0xb8;
	[tilespmem:$0x18200] =	vst v63  }
0x246: {  	s20 =	simm.s32 $0x14A00;
	v3 =	vperm.xlane v3, v2  }
0x247: {  	[tilespmem:s20], [sflag:$0x6] =	stream.indirect_vreg.gather [hbm4b:s8+s17], $0x80, v4, vm0, $0xb8;
	[tilespmem:$0x18200] =	vst v63  }
0x248: {  	s21 =	simm.s32 $0x15200;
	v3 =	vadd.s32 v1, v3  }
0x249: {  	[tilespmem:s21], [sflag:$0x6] =	stream.indirect_vreg.gather [hbm4b:s9+s17], $0x80, v4, vm0, $0xb8;
	[tilespmem:$0x18200] =	vst v63  }
0x24a: {  	s23 =	simm.s32 $0x15A00  }
0x24b: {  	[tilespmem:s23], [sflag:$0x6] =	stream.indirect_vreg.gather [hbm4b:s10+s17], $0x80, v4, vm0, $0xb8;
	[tilespmem:$0x18200] =	vst v63  }
0x24c: {  	s24 =	simm.s32 $0x16200  }
0x24d: {  	[tilespmem:s24], [sflag:$0x6] =	stream.indirect_vreg.gather [hbm4b:s7+s17], $0x80, v3, vm0, $0xb8;
	[tilespmem:$0x18200] =	vst v63  }
0x24e: {  	s19 =	simm.s32 $0x16A00  }
0x24f: {  	[tilespmem:s19], [sflag:$0x6] =	stream.indirect_vreg.gather [hbm4b:s8+s17], $0x80, v3, vm0, $0xb8;
	[tilespmem:$0x18200] =	vst v63  }
0x250: {  	s23 =	sand.u32 $0x2000, s17;
	s19 =	sand.u32 $0x1C00, s17  }
0x251: {  	s20 =	simm.s32 $0x17200;
	s24 =	sand.u32 $0x380, s17;
	s18 =	sor.u32 s19, s23  }
0x252: {  	[tilespmem:s20], [sflag:$0x6] =	stream.indirect_vreg.gather [hbm4b:s9+s17], $0x80, v3, vm0, $0xb8;
	[tilespmem:$0x18200] =	vst v63  }
0x253: {  	s21 =	simm.s32 $0x17A00;
	s18 =	sor.u32 s24, s18  }
0x254: {  	[tilespmem:s21], [sflag:$0x6] =	stream.indirect_vreg.gather [hbm4b:s10+s17], $0x80, v3, vm0, $0xb8;
	[tilespmem:$0x18200] =	vst v63  }
0x255: {  	v3 =	vld [tilespmem:s18+$0x270]  }
0x256: {  	v4 =	vld [tilespmem:s18+$0xC270]  }
0x257: {  	v5 =	vld [tilespmem:s18+$0x200]  }
0x258: {  	v6 =	vld [tilespmem:s18+$0xC200]  }
0x259: {  	v7 =	vld [tilespmem:s18+$0x210]  }
0x25a: {  	v8 =	vld [tilespmem:s18+$0xC210]  }
0x25b: {  	v9 =	vld [tilespmem:s18+$0x220]  }
0x25c: {  	v10 =	vld [tilespmem:s18+$0xC220]  }
0x25d: {  	v4 =	vadd.f32 v4, v3;
	v3 =	vld [tilespmem:s18+$0x230]  }
0x25e: {  	v6 =	vadd.f32 v6, v5;
	v5 =	vld [tilespmem:s18+$0xC230]  }
0x25f: {  	v7 =	vadd.f32 v8, v7;
	[tilespmem:s18+$0x270] =	vst v4;
	v4 =	vld [tilespmem:s18+$0x240]  }
0x260: {  	[tilespmem:s18+$0x200] =	vst v6;
	v6 =	vld [tilespmem:s18+$0xC240]  }
0x261: {  	s19 =	simm.s32 $0x0;
	s20 =	simm.s32 $0x400;
	s21 =	simm.s32 $0x80;
	v8 =	vadd.f32 v10, v9;
	[tilespmem:s18+$0x210] =	vst v7;
	v7 =	vld [tilespmem:s18+$0x250]  }
.LBB2_14:
0x262: {  	s23 =	sand.u32 $0x2000, s21;
	s24 =	sand.u32 $0x1C00, s20;
	v9 =	vld [tilespmem:s18+$0xC250];
	s17 =	sadd.s32 $0x10, s17  }
0x263: {  	s19 =	sadd.s32 $0x8, s19;
	s23 =	sor.u32 s24, s23;
	s24 =	sand.u32 $0x380, s17;
	[tilespmem:s18+$0x220] =	vst v8;
	v3 =	vadd.f32 v5, v3;
	v5 =	vld [tilespmem:s18+$0x260]  }
0x264: {  	p0 =	slt.u32 s19, $0x3F8;
	s23 =	sor.u32 s24, s23;
	v8 =	vld [tilespmem:s18+$0xC260]  }
0x265: {  	v10 =	vld [tilespmem:s23+$0x270];
	[tilespmem:s18+$0x230] =	vst v3;
	v3 =	vadd.f32 v6, v4  }
0x266: {  	v4 =	vld [tilespmem:s23+$0xC270]  }
0x267: {  	v6 =	vld [tilespmem:s23+$0x200];
	[tilespmem:s18+$0x240] =	vst v3;
	v3 =	vadd.f32 v9, v7  }
0x268: {  	v7 =	vld [tilespmem:s23+$0xC200]  }
0x269: {  	v9 =	vld [tilespmem:s23+$0x210];
	[tilespmem:s18+$0x250] =	vst v3;
	v3 =	vadd.f32 v8, v5  }
0x26a: {  	v8 =	vld [tilespmem:s23+$0xC210]  }
0x26b: {  	v11 =	vld [tilespmem:s23+$0x220];
	v4 =	vadd.f32 v4, v10;
	[tilespmem:s18+$0x260] =	vst v3;
	s18 =	smov.u32 s23  }
0x26c: {  	v10 =	vld [tilespmem:s18+$0xC220]  }
.Ltmp6:
0x26d: {  	v6 =	vadd.f32 v7, v6;
	v3 =	vld [tilespmem:s18+$0x230];
	[tilespmem:s18+$0x270] =	vst v4;
	(pc) =	sbr.rel @p0 .LBB2_14-.Ltmp6, $4  }
0x26e: {  	v5 =	vld [tilespmem:s18+$0xC230]  }
0x26f: {  	[tilespmem:s18+$0x200] =	vst v6;
	v7 =	vadd.f32 v8, v9;
	v4 =	vld [tilespmem:s18+$0x240]  }
0x270: {  	v6 =	vld [tilespmem:s18+$0xC240]  }
0x271: {  	s20 =	sadd.s32 $0x400, s20;
	s21 =	sadd.s32 $0x80, s21;
	[tilespmem:s18+$0x210] =	vst v7;
	v8 =	vadd.f32 v10, v11;
	v7 =	vld [tilespmem:s18+$0x250]  }
0x272: {  	v9 =	vld [tilespmem:s18+$0xC250]  }
0x273: {  	v10 =	vld [tilespmem:s18+$0x260]  }
0x274: {  	v11 =	vld [tilespmem:s18+$0xC260];
	_ =	sdelay $0x1  }
0x275: {  	v3 =	vadd.f32 v5, v3  }
0x276: {  	[tilespmem:s18+$0x220] =	vst v8;
	v4 =	vadd.f32 v6, v4  }
0x277: {  	[tilespmem:s18+$0x230] =	vst v3;
	v3 =	vadd.f32 v9, v7  }
0x278: {  	[tilespmem:s18+$0x240] =	vst v4;
	v4 =	vadd.f32 v11, v10  }
0x279: {  	[tilespmem:s18+$0x250] =	vst v3  }
0x27a: {  	[tilespmem:s18+$0x260] =	vst v4  }
0x27b: {  	s17 =	simm.s32 $0x0;
	s18 =	rddreg [dreg:$0x11]  }
0x27c: {  	[hbm4b:s18+s17] =	stream.linear.scatter [tilespmem:s13], [sflag:$0x7], $0x4000, $0x38;
	[tilespmem:$0x18200] =	vst v63  }
0x27d: {  	_ =	swait.ge [sflag:s11], $0x4000  }
0x27e: {  	[sflag:s11] =	ssyncset.done $0x0  }
0x27f: {  	[sflag:s11] =	ssyncadd.s32 $0xFFFFC000  }
0x280: {  	_ =	swait.ge [sflag:s12], $0x4000  }
0x281: {  	[sflag:s12] =	ssyncset.done $0x0  }
0x282: {  	[sflag:s12] =	ssyncadd.s32 $0xFFFFC000  }
0x283: {  	_ =	swait.ge [sflag:s4], $0x4000  }
0x284: {  	[sflag:s4] =	ssyncset.done $0x0  }
0x285: {  	s24 =	rddreg [dreg:$0x12];
	[sflag:s4] =	ssyncadd.s32 $0xFFFFC000  }
0x286: {  	[tilespmem:s13], [sflag:$0x1] =	stream.linear.gather [hbm4b:s24+s17], $0x4000, $0x38;
	[tilespmem:$0x18200] =	vst v63  }
0x287: {  	v3 =	vld [tilespmem:$0x90];
	_ =	sdelay $0x4  }
0x288: {  	v4 =	vshll.u32 v3, $0x3  }
0x289: {  	v3 =	vand.u32 $0x7, v3;
	v4 =	vand.u32 $0xFFFFFFC0, v4  }
0x28a: {  	v3 =	vor.u32 v3, v4  }
0x28b: {  	v4 =	vperm.xlane v3, v0;
	_ =	sdelay $0x1  }
0x28c: {  	v4 =	vadd.s32 v1, v4;
	_ =	sdelay $0x3  }
0x28d: {  	s19 =	simm.s32 $0xC200  }
0x28e: {  	[tilespmem:s19], [sflag:$0x4] =	stream.indirect_vreg.gather [hbm4b:s7+s17], $0x80, v4, vm0, $0xb8;
	[tilespmem:$0x18200] =	vst v63  }
0x28f: {  	s20 =	simm.s32 $0xCA00;
	v3 =	vperm.xlane v3, v2  }
0x290: {  	[tilespmem:s20], [sflag:$0x4] =	stream.indirect_vreg.gather [hbm4b:s8+s17], $0x80, v4, vm0, $0xb8;
	[tilespmem:$0x18200] =	vst v63  }
0x291: {  	s21 =	simm.s32 $0xD200;
	v3 =	vadd.s32 v1, v3  }
0x292: {  	[tilespmem:s21], [sflag:$0x4] =	stream.indirect_vreg.gather [hbm4b:s9+s17], $0x80, v4, vm0, $0xb8;
	[tilespmem:$0x18200] =	vst v63  }
0x293: {  	s23 =	simm.s32 $0xDA00  }
0x294: {  	[tilespmem:s23], [sflag:$0x4] =	stream.indirect_vreg.gather [hbm4b:s10+s17], $0x80, v4, vm0, $0xb8;
	[tilespmem:$0x18200] =	vst v63  }
0x295: {  	s24 =	simm.s32 $0xE200  }
0x296: {  	[tilespmem:s24], [sflag:$0x4] =	stream.indirect_vreg.gather [hbm4b:s7+s17], $0x80, v3, vm0, $0xb8;
	[tilespmem:$0x18200] =	vst v63  }
0x297: {  	s19 =	simm.s32 $0xEA00  }
0x298: {  	[tilespmem:s19], [sflag:$0x4] =	stream.indirect_vreg.gather [hbm4b:s8+s17], $0x80, v3, vm0, $0xb8;
	[tilespmem:$0x18200] =	vst v63  }
0x299: {  	s23 =	sand.u32 $0x2000, s17;
	s19 =	sand.u32 $0x1C00, s17  }
0x29a: {  	s20 =	simm.s32 $0xF200;
	s24 =	sand.u32 $0x380, s17;
	s18 =	sor.u32 s19, s23  }
0x29b: {  	[tilespmem:s20], [sflag:$0x4] =	stream.indirect_vreg.gather [hbm4b:s9+s17], $0x80, v3, vm0, $0xb8;
	[tilespmem:$0x18200] =	vst v63  }
0x29c: {  	s21 =	simm.s32 $0xFA00;
	s18 =	sor.u32 s24, s18  }
0x29d: {  	[tilespmem:s21], [sflag:$0x4] =	stream.indirect_vreg.gather [hbm4b:s10+s17], $0x80, v3, vm0, $0xb8;
	[tilespmem:$0x18200] =	vst v63  }
0x29e: {  	v3 =	vld [tilespmem:s18+$0x4270]  }
0x29f: {  	v4 =	vld [tilespmem:s18+$0x10270]  }
0x2a0: {  	v5 =	vld [tilespmem:s18+$0x4200]  }
0x2a1: {  	v6 =	vld [tilespmem:s18+$0x10200]  }
0x2a2: {  	v7 =	vld [tilespmem:s18+$0x4210]  }
0x2a3: {  	v8 =	vld [tilespmem:s18+$0x10210]  }
0x2a4: {  	v9 =	vld [tilespmem:s18+$0x4220]  }
0x2a5: {  	v10 =	vld [tilespmem:s18+$0x10220]  }
0x2a6: {  	v4 =	vadd.f32 v4, v3;
	v3 =	vld [tilespmem:s18+$0x4230]  }
0x2a7: {  	v6 =	vadd.f32 v6, v5;
	v5 =	vld [tilespmem:s18+$0x10230]  }
0x2a8: {  	v7 =	vadd.f32 v8, v7;
	[tilespmem:s18+$0x4270] =	vst v4;
	v4 =	vld [tilespmem:s18+$0x4240]  }
0x2a9: {  	[tilespmem:s18+$0x4200] =	vst v6;
	v6 =	vld [tilespmem:s18+$0x10240]  }
0x2aa: {  	s19 =	simm.s32 $0x0;
	s20 =	simm.s32 $0x400;
	s21 =	simm.s32 $0x80;
	v8 =	vadd.f32 v10, v9;
	[tilespmem:s18+$0x4210] =	vst v7;
	v7 =	vld [tilespmem:s18+$0x4250]  }
.LBB2_16:
0x2ab: {  	s23 =	sand.u32 $0x2000, s21;
	s24 =	sand.u32 $0x1C00, s20;
	v9 =	vld [tilespmem:s18+$0x10250];
	s17 =	sadd.s32 $0x10, s17  }
0x2ac: {  	s19 =	sadd.s32 $0x8, s19;
	s23 =	sor.u32 s24, s23;
	s24 =	sand.u32 $0x380, s17;
	[tilespmem:s18+$0x4220] =	vst v8;
	v3 =	vadd.f32 v5, v3;
	v5 =	vld [tilespmem:s18+$0x4260]  }
0x2ad: {  	p0 =	slt.u32 s19, $0x3F8;
	s23 =	sor.u32 s24, s23;
	v8 =	vld [tilespmem:s18+$0x10260]  }
0x2ae: {  	v10 =	vld [tilespmem:s23+$0x4270];
	[tilespmem:s18+$0x4230] =	vst v3;
	v3 =	vadd.f32 v6, v4  }
0x2af: {  	v4 =	vld [tilespmem:s23+$0x10270]  }
0x2b0: {  	v6 =	vld [tilespmem:s23+$0x4200];
	[tilespmem:s18+$0x4240] =	vst v3;
	v3 =	vadd.f32 v9, v7  }
0x2b1: {  	v7 =	vld [tilespmem:s23+$0x10200]  }
0x2b2: {  	v9 =	vld [tilespmem:s23+$0x4210];
	[tilespmem:s18+$0x4250] =	vst v3;
	v3 =	vadd.f32 v8, v5  }
0x2b3: {  	v8 =	vld [tilespmem:s23+$0x10210]  }
0x2b4: {  	v11 =	vld [tilespmem:s23+$0x4220];
	v4 =	vadd.f32 v4, v10;
	[tilespmem:s18+$0x4260] =	vst v3;
	s18 =	smov.u32 s23  }
0x2b5: {  	v10 =	vld [tilespmem:s18+$0x10220]  }
.Ltmp7:
0x2b6: {  	v6 =	vadd.f32 v7, v6;
	v3 =	vld [tilespmem:s18+$0x4230];
	[tilespmem:s18+$0x4270] =	vst v4;
	(pc) =	sbr.rel @p0 .LBB2_16-.Ltmp7, $4  }
0x2b7: {  	v5 =	vld [tilespmem:s18+$0x10230]  }
0x2b8: {  	[tilespmem:s18+$0x4200] =	vst v6;
	v7 =	vadd.f32 v8, v9;
	v4 =	vld [tilespmem:s18+$0x4240]  }
0x2b9: {  	v6 =	vld [tilespmem:s18+$0x10240]  }
0x2ba: {  	s20 =	sadd.s32 $0x400, s20;
	s21 =	sadd.s32 $0x80, s21;
	[tilespmem:s18+$0x4210] =	vst v7;
	v8 =	vadd.f32 v10, v11;
	v7 =	vld [tilespmem:s18+$0x4250]  }
0x2bb: {  	v9 =	vld [tilespmem:s18+$0x10250]  }
0x2bc: {  	v10 =	vld [tilespmem:s18+$0x4260]  }
0x2bd: {  	v11 =	vld [tilespmem:s18+$0x10260];
	_ =	sdelay $0x1  }
0x2be: {  	v3 =	vadd.f32 v5, v3  }
0x2bf: {  	[tilespmem:s18+$0x4220] =	vst v8;
	v4 =	vadd.f32 v6, v4  }
0x2c0: {  	[tilespmem:s18+$0x4230] =	vst v3;
	v3 =	vadd.f32 v9, v7  }
0x2c1: {  	[tilespmem:s18+$0x4240] =	vst v4;
	v4 =	vadd.f32 v11, v10  }
0x2c2: {  	[tilespmem:s18+$0x4250] =	vst v3  }
0x2c3: {  	[tilespmem:s18+$0x4260] =	vst v4  }
0x2c4: {  	s17 =	simm.s32 $0x0;
	s18 =	rddreg [dreg:$0x13]  }
0x2c5: {  	[hbm4b:s18+s17] =	stream.linear.scatter [tilespmem:s22], [sflag:$0x8], $0x4000, $0x38;
	[tilespmem:$0x18200] =	vst v63  }
0x2c6: {  	_ =	swait.ge [sflag:s5], $0x4000  }
0x2c7: {  	[sflag:s5] =	ssyncset.done $0x0  }
0x2c8: {  	[sflag:s5] =	ssyncadd.s32 $0xFFFFC000  }
0x2c9: {  	_ =	swait.ge [sflag:s6], $0x4000  }
0x2ca: {  	[sflag:s6] =	ssyncset.done $0x0  }
0x2cb: {  	[sflag:s6] =	ssyncadd.s32 $0xFFFFC000  }
0x2cc: {  	_ =	swait.ge [sflag:s14], $0x4000  }
0x2cd: {  	[sflag:s14] =	ssyncset.done $0x0  }
0x2ce: {  	s19 =	rddreg [dreg:$0x16];
	[sflag:s14] =	ssyncadd.s32 $0xFFFFC000  }
0x2cf: {  	[tilespmem:s22], [sflag:$0x2] =	stream.linear.gather [hbm4b:s19+s17], $0x4000, $0x38;
	[tilespmem:$0x18200] =	vst v63  }
0x2d0: {  	v3 =	vld [tilespmem:$0xA0];
	_ =	sdelay $0x4  }
0x2d1: {  	v4 =	vshll.u32 v3, $0x3  }
0x2d2: {  	v3 =	vand.u32 $0x7, v3;
	v4 =	vand.u32 $0xFFFFFFC0, v4  }
0x2d3: {  	v3 =	vor.u32 v3, v4  }
0x2d4: {  	v4 =	vperm.xlane v3, v0;
	_ =	sdelay $0x1  }
0x2d5: {  	v4 =	vadd.s32 v1, v4;
	_ =	sdelay $0x3  }
0x2d6: {  	s20 =	simm.s32 $0x10200  }
0x2d7: {  	[tilespmem:s20], [sflag:$0x5] =	stream.indirect_vreg.gather [hbm4b:s7+s17], $0x80, v4, vm0, $0xb8;
	[tilespmem:$0x18200] =	vst v63  }
0x2d8: {  	s21 =	simm.s32 $0x10A00;
	v3 =	vperm.xlane v3, v2  }
0x2d9: {  	[tilespmem:s21], [sflag:$0x5] =	stream.indirect_vreg.gather [hbm4b:s8+s17], $0x80, v4, vm0, $0xb8;
	[tilespmem:$0x18200] =	vst v63  }
0x2da: {  	v3 =	vadd.s32 v1, v3  }
0x2db: {  	[tilespmem:s25], [sflag:$0x5] =	stream.indirect_vreg.gather [hbm4b:s9+s17], $0x80, v4, vm0, $0xb8;
	[tilespmem:$0x18200] =	vst v63  }
0x2dc: {  	_ = 	snop  }
0x2dd: {  	[tilespmem:s26], [sflag:$0x5] =	stream.indirect_vreg.gather [hbm4b:s10+s17], $0x80, v4, vm0, $0xb8;
	[tilespmem:$0x18200] =	vst v63  }
0x2de: {  	_ = 	snop  }
0x2df: {  	[tilespmem:s28], [sflag:$0x5] =	stream.indirect_vreg.gather [hbm4b:s7+s17], $0x80, v3, vm0, $0xb8;
	[tilespmem:$0x18200] =	vst v63  }
0x2e0: {  	s23 =	sand.u32 $0x2000, s17;
	s19 =	sand.u32 $0x1C00, s17  }
0x2e1: {  	[tilespmem:s29], [sflag:$0x5] =	stream.indirect_vreg.gather [hbm4b:s8+s17], $0x80, v3, vm0, $0xb8;
	[tilespmem:$0x18200] =	vst v63  }
0x2e2: {  	s24 =	sand.u32 $0x380, s17;
	s18 =	sor.u32 s19, s23  }
0x2e3: {  	[tilespmem:s30], [sflag:$0x5] =	stream.indirect_vreg.gather [hbm4b:s9+s17], $0x80, v3, vm0, $0xb8;
	[tilespmem:$0x18200] =	vst v63  }
0x2e4: {  	s18 =	sor.u32 s24, s18  }
0x2e5: {  	[tilespmem:s31], [sflag:$0x5] =	stream.indirect_vreg.gather [hbm4b:s10+s17], $0x80, v3, vm0, $0xb8;
	[tilespmem:$0x18200] =	vst v63  }
0x2e6: {  	v3 =	vld [tilespmem:s18+$0x8270]  }
0x2e7: {  	v4 =	vld [tilespmem:s18+$0x14270]  }
0x2e8: {  	v5 =	vld [tilespmem:s18+$0x8200]  }
0x2e9: {  	v6 =	vld [tilespmem:s18+$0x14200]  }
0x2ea: {  	v7 =	vld [tilespmem:s18+$0x8210]  }
0x2eb: {  	v8 =	vld [tilespmem:s18+$0x14210]  }
0x2ec: {  	v9 =	vld [tilespmem:s18+$0x8220]  }
0x2ed: {  	v10 =	vld [tilespmem:s18+$0x14220]  }
0x2ee: {  	v4 =	vadd.f32 v4, v3;
	v3 =	vld [tilespmem:s18+$0x8230]  }
0x2ef: {  	v6 =	vadd.f32 v6, v5;
	v5 =	vld [tilespmem:s18+$0x14230]  }
0x2f0: {  	v7 =	vadd.f32 v8, v7;
	[tilespmem:s18+$0x8270] =	vst v4;
	v4 =	vld [tilespmem:s18+$0x8240]  }
0x2f1: {  	[tilespmem:s18+$0x8200] =	vst v6;
	v6 =	vld [tilespmem:s18+$0x14240]  }
0x2f2: {  	s19 =	simm.s32 $0x0;
	s20 =	simm.s32 $0x400;
	s21 =	simm.s32 $0x80;
	v8 =	vadd.f32 v10, v9;
	[tilespmem:s18+$0x8210] =	vst v7;
	v7 =	vld [tilespmem:s18+$0x8250]  }
.LBB2_18:
0x2f3: {  	s23 =	sand.u32 $0x2000, s21;
	s24 =	sand.u32 $0x1C00, s20;
	v9 =	vld [tilespmem:s18+$0x14250];
	s17 =	sadd.s32 $0x10, s17  }
0x2f4: {  	s19 =	sadd.s32 $0x8, s19;
	s23 =	sor.u32 s24, s23;
	s24 =	sand.u32 $0x380, s17;
	[tilespmem:s18+$0x8220] =	vst v8;
	v3 =	vadd.f32 v5, v3;
	v5 =	vld [tilespmem:s18+$0x8260]  }
0x2f5: {  	p0 =	slt.u32 s19, $0x3F8;
	s23 =	sor.u32 s24, s23;
	v8 =	vld [tilespmem:s18+$0x14260]  }
0x2f6: {  	v10 =	vld [tilespmem:s23+$0x8270];
	[tilespmem:s18+$0x8230] =	vst v3;
	v3 =	vadd.f32 v6, v4  }
0x2f7: {  	v4 =	vld [tilespmem:s23+$0x14270]  }
0x2f8: {  	v6 =	vld [tilespmem:s23+$0x8200];
	[tilespmem:s18+$0x8240] =	vst v3;
	v3 =	vadd.f32 v9, v7  }
0x2f9: {  	v7 =	vld [tilespmem:s23+$0x14200]  }
0x2fa: {  	v9 =	vld [tilespmem:s23+$0x8210];
	[tilespmem:s18+$0x8250] =	vst v3;
	v3 =	vadd.f32 v8, v5  }
0x2fb: {  	v8 =	vld [tilespmem:s23+$0x14210]  }
0x2fc: {  	v11 =	vld [tilespmem:s23+$0x8220];
	v4 =	vadd.f32 v4, v10;
	[tilespmem:s18+$0x8260] =	vst v3;
	s18 =	smov.u32 s23  }
0x2fd: {  	v10 =	vld [tilespmem:s18+$0x14220]  }
.Ltmp8:
0x2fe: {  	v6 =	vadd.f32 v7, v6;
	v3 =	vld [tilespmem:s18+$0x8230];
	[tilespmem:s18+$0x8270] =	vst v4;
	(pc) =	sbr.rel @p0 .LBB2_18-.Ltmp8, $4  }
0x2ff: {  	v5 =	vld [tilespmem:s18+$0x14230]  }
0x300: {  	[tilespmem:s18+$0x8200] =	vst v6;
	v7 =	vadd.f32 v8, v9;
	v4 =	vld [tilespmem:s18+$0x8240]  }
0x301: {  	v6 =	vld [tilespmem:s18+$0x14240]  }
0x302: {  	s20 =	sadd.s32 $0x400, s20;
	s21 =	sadd.s32 $0x80, s21;
	[tilespmem:s18+$0x8210] =	vst v7;
	v8 =	vadd.f32 v10, v11;
	v7 =	vld [tilespmem:s18+$0x8250]  }
0x303: {  	v9 =	vld [tilespmem:s18+$0x14250]  }
0x304: {  	v10 =	vld [tilespmem:s18+$0x8260]  }
0x305: {  	v11 =	vld [tilespmem:s18+$0x14260];
	_ =	sdelay $0x1  }
0x306: {  	v3 =	vadd.f32 v5, v3  }
0x307: {  	[tilespmem:s18+$0x8220] =	vst v8;
	v4 =	vadd.f32 v6, v4  }
0x308: {  	[tilespmem:s18+$0x8230] =	vst v3;
	v3 =	vadd.f32 v9, v7  }
0x309: {  	[tilespmem:s18+$0x8240] =	vst v4;
	v4 =	vadd.f32 v11, v10  }
0x30a: {  	[tilespmem:s18+$0x8250] =	vst v3  }
0x30b: {  	[tilespmem:s18+$0x8260] =	vst v4  }
0x30c: {  	s17 =	simm.s32 $0x0;
	s18 =	rddreg [dreg:$0x14]  }
0x30d: {  	[hbm4b:s18+s17] =	stream.linear.scatter [tilespmem:s3], [sflag:$0x9], $0x4000, $0x38;
	[tilespmem:$0x18200] =	vst v63  }
0x30e: {  	_ =	swait.ge [sflag:s0], $0x4000  }
0x30f: {  	[sflag:s0] =	ssyncset.done $0x0  }
0x310: {  	[sflag:s0] =	ssyncadd.s32 $0xFFFFC000  }
0x311: {  	_ =	swait.ge [sflag:s2], $0x4000  }
0x312: {  	[sflag:s2] =	ssyncset.done $0x0  }
0x313: {  	[sflag:s2] =	ssyncadd.s32 $0xFFFFC000  }
0x314: {  	_ =	swait.ge [sflag:s15], $0x4000  }
0x315: {  	[sflag:s15] =	ssyncset.done $0x0  }
0x316: {  	s24 =	rddreg [dreg:$0x18];
	[sflag:s15] =	ssyncadd.s32 $0xFFFFC000  }
0x317: {  	[tilespmem:s3], [sflag:$0x3] =	stream.linear.gather [hbm4b:s24+s17], $0x4000, $0x38;
	[tilespmem:$0x18200] =	vst v63  }
0x318: {  	v3 =	vld [tilespmem:$0xB0];
	_ =	sdelay $0x4  }
0x319: {  	v4 =	vshll.u32 v3, $0x3  }
0x31a: {  	v3 =	vand.u32 $0x7, v3;
	v4 =	vand.u32 $0xFFFFFFC0, v4  }
0x31b: {  	v3 =	vor.u32 v3, v4  }
0x31c: {  	v4 =	vperm.xlane v3, v0;
	_ =	sdelay $0x1  }
0x31d: {  	v4 =	vadd.s32 v1, v4;
	_ =	sdelay $0x3  }
0x31e: {  	s19 =	simm.s32 $0x14200  }
0x31f: {  	[tilespmem:s19], [sflag:$0x6] =	stream.indirect_vreg.gather [hbm4b:s7+s17], $0x80, v4, vm0, $0xb8;
	[tilespmem:$0x18200] =	vst v63  }
0x320: {  	s20 =	simm.s32 $0x14A00;
	v3 =	vperm.xlane v3, v2  }
0x321: {  	[tilespmem:s20], [sflag:$0x6] =	stream.indirect_vreg.gather [hbm4b:s8+s17], $0x80, v4, vm0, $0xb8;
	[tilespmem:$0x18200] =	vst v63  }
0x322: {  	s21 =	simm.s32 $0x15200;
	v3 =	vadd.s32 v1, v3  }
0x323: {  	[tilespmem:s21], [sflag:$0x6] =	stream.indirect_vreg.gather [hbm4b:s9+s17], $0x80, v4, vm0, $0xb8;
	[tilespmem:$0x18200] =	vst v63  }
0x324: {  	s23 =	simm.s32 $0x15A00  }
0x325: {  	[tilespmem:s23], [sflag:$0x6] =	stream.indirect_vreg.gather [hbm4b:s10+s17], $0x80, v4, vm0, $0xb8;
	[tilespmem:$0x18200] =	vst v63  }
0x326: {  	s24 =	simm.s32 $0x16200  }
0x327: {  	[tilespmem:s24], [sflag:$0x6] =	stream.indirect_vreg.gather [hbm4b:s7+s17], $0x80, v3, vm0, $0xb8;
	[tilespmem:$0x18200] =	vst v63  }
0x328: {  	s19 =	simm.s32 $0x16A00  }
0x329: {  	[tilespmem:s19], [sflag:$0x6] =	stream.indirect_vreg.gather [hbm4b:s8+s17], $0x80, v3, vm0, $0xb8;
	[tilespmem:$0x18200] =	vst v63  }
0x32a: {  	s23 =	sand.u32 $0x2000, s17;
	s19 =	sand.u32 $0x1C00, s17  }
0x32b: {  	s20 =	simm.s32 $0x17200;
	s24 =	sand.u32 $0x380, s17;
	s18 =	sor.u32 s19, s23  }
0x32c: {  	[tilespmem:s20], [sflag:$0x6] =	stream.indirect_vreg.gather [hbm4b:s9+s17], $0x80, v3, vm0, $0xb8;
	[tilespmem:$0x18200] =	vst v63  }
0x32d: {  	s21 =	simm.s32 $0x17A00;
	s18 =	sor.u32 s24, s18  }
0x32e: {  	[tilespmem:s21], [sflag:$0x6] =	stream.indirect_vreg.gather [hbm4b:s10+s17], $0x80, v3, vm0, $0xb8;
	[tilespmem:$0x18200] =	vst v63  }
0x32f: {  	v3 =	vld [tilespmem:s18+$0x270]  }
0x330: {  	v4 =	vld [tilespmem:s18+$0xC270]  }
0x331: {  	v5 =	vld [tilespmem:s18+$0x200]  }
0x332: {  	v6 =	vld [tilespmem:s18+$0xC200]  }
0x333: {  	v7 =	vld [tilespmem:s18+$0x210]  }
0x334: {  	v8 =	vld [tilespmem:s18+$0xC210]  }
0x335: {  	v9 =	vld [tilespmem:s18+$0x220]  }
0x336: {  	v10 =	vld [tilespmem:s18+$0xC220]  }
0x337: {  	v4 =	vadd.f32 v4, v3;
	v3 =	vld [tilespmem:s18+$0x230]  }
0x338: {  	v6 =	vadd.f32 v6, v5;
	v5 =	vld [tilespmem:s18+$0xC230]  }
0x339: {  	v7 =	vadd.f32 v8, v7;
	[tilespmem:s18+$0x270] =	vst v4;
	v4 =	vld [tilespmem:s18+$0x240]  }
0x33a: {  	[tilespmem:s18+$0x200] =	vst v6;
	v6 =	vld [tilespmem:s18+$0xC240]  }
0x33b: {  	s19 =	simm.s32 $0x0;
	s20 =	simm.s32 $0x400;
	s21 =	simm.s32 $0x80;
	v8 =	vadd.f32 v10, v9;
	[tilespmem:s18+$0x210] =	vst v7;
	v7 =	vld [tilespmem:s18+$0x250]  }
.LBB2_20:
0x33c: {  	s23 =	sand.u32 $0x2000, s21;
	s24 =	sand.u32 $0x1C00, s20;
	v9 =	vld [tilespmem:s18+$0xC250];
	s17 =	sadd.s32 $0x10, s17  }
0x33d: {  	s19 =	sadd.s32 $0x8, s19;
	s23 =	sor.u32 s24, s23;
	s24 =	sand.u32 $0x380, s17;
	[tilespmem:s18+$0x220] =	vst v8;
	v3 =	vadd.f32 v5, v3;
	v5 =	vld [tilespmem:s18+$0x260]  }
0x33e: {  	p0 =	slt.u32 s19, $0x3F8;
	s23 =	sor.u32 s24, s23;
	v8 =	vld [tilespmem:s18+$0xC260]  }
0x33f: {  	v10 =	vld [tilespmem:s23+$0x270];
	[tilespmem:s18+$0x230] =	vst v3;
	v3 =	vadd.f32 v6, v4  }
0x340: {  	v4 =	vld [tilespmem:s23+$0xC270]  }
0x341: {  	v6 =	vld [tilespmem:s23+$0x200];
	[tilespmem:s18+$0x240] =	vst v3;
	v3 =	vadd.f32 v9, v7  }
0x342: {  	v7 =	vld [tilespmem:s23+$0xC200]  }
0x343: {  	v9 =	vld [tilespmem:s23+$0x210];
	[tilespmem:s18+$0x250] =	vst v3;
	v3 =	vadd.f32 v8, v5  }
0x344: {  	v8 =	vld [tilespmem:s23+$0xC210]  }
0x345: {  	v11 =	vld [tilespmem:s23+$0x220];
	v4 =	vadd.f32 v4, v10;
	[tilespmem:s18+$0x260] =	vst v3;
	s18 =	smov.u32 s23  }
0x346: {  	v10 =	vld [tilespmem:s18+$0xC220]  }
.Ltmp9:
0x347: {  	v6 =	vadd.f32 v7, v6;
	v3 =	vld [tilespmem:s18+$0x230];
	[tilespmem:s18+$0x270] =	vst v4;
	(pc) =	sbr.rel @p0 .LBB2_20-.Ltmp9, $4  }
0x348: {  	v5 =	vld [tilespmem:s18+$0xC230]  }
0x349: {  	[tilespmem:s18+$0x200] =	vst v6;
	v7 =	vadd.f32 v8, v9;
	v4 =	vld [tilespmem:s18+$0x240]  }
0x34a: {  	v6 =	vld [tilespmem:s18+$0xC240]  }
0x34b: {  	s20 =	sadd.s32 $0x400, s20;
	s21 =	sadd.s32 $0x80, s21;
	[tilespmem:s18+$0x210] =	vst v7;
	v8 =	vadd.f32 v10, v11;
	v7 =	vld [tilespmem:s18+$0x250]  }
0x34c: {  	v9 =	vld [tilespmem:s18+$0xC250]  }
0x34d: {  	v10 =	vld [tilespmem:s18+$0x260]  }
0x34e: {  	v11 =	vld [tilespmem:s18+$0xC260];
	_ =	sdelay $0x1  }
0x34f: {  	v3 =	vadd.f32 v5, v3  }
0x350: {  	[tilespmem:s18+$0x220] =	vst v8;
	v4 =	vadd.f32 v6, v4  }
0x351: {  	[tilespmem:s18+$0x230] =	vst v3;
	v3 =	vadd.f32 v9, v7  }
0x352: {  	[tilespmem:s18+$0x240] =	vst v4;
	v4 =	vadd.f32 v11, v10  }
0x353: {  	[tilespmem:s18+$0x250] =	vst v3  }
0x354: {  	[tilespmem:s18+$0x260] =	vst v4  }
0x355: {  	s17 =	simm.s32 $0x0;
	s18 =	rddreg [dreg:$0x15]  }
0x356: {  	[hbm4b:s18+s17] =	stream.linear.scatter [tilespmem:s13], [sflag:$0x7], $0x4000, $0x38;
	[tilespmem:$0x18200] =	vst v63  }
0x357: {  	_ =	swait.ge [sflag:s11], $0x4000  }
0x358: {  	[sflag:s11] =	ssyncset.done $0x0  }
0x359: {  	[sflag:s11] =	ssyncadd.s32 $0xFFFFC000  }
0x35a: {  	_ =	swait.ge [sflag:s12], $0x4000  }
0x35b: {  	[sflag:s12] =	ssyncset.done $0x0  }
0x35c: {  	[sflag:s12] =	ssyncadd.s32 $0xFFFFC000  }
0x35d: {  	_ =	swait.ge [sflag:s4], $0x4000  }
0x35e: {  	[sflag:s4] =	ssyncset.done $0x0  }
0x35f: {  	s24 =	rddreg [dreg:$0x1a];
	[sflag:s4] =	ssyncadd.s32 $0xFFFFC000  }
0x360: {  	[tilespmem:s13], [sflag:$0x1] =	stream.linear.gather [hbm4b:s24+s17], $0x4000, $0x38;
	[tilespmem:$0x18200] =	vst v63  }
0x361: {  	v3 =	vld [tilespmem:$0xC0];
	_ =	sdelay $0x4  }
0x362: {  	v4 =	vshll.u32 v3, $0x3  }
0x363: {  	v3 =	vand.u32 $0x7, v3;
	v4 =	vand.u32 $0xFFFFFFC0, v4  }
0x364: {  	v3 =	vor.u32 v3, v4  }
0x365: {  	v4 =	vperm.xlane v3, v0;
	_ =	sdelay $0x1  }
0x366: {  	v4 =	vadd.s32 v1, v4;
	_ =	sdelay $0x3  }
0x367: {  	s19 =	simm.s32 $0xC200  }
0x368: {  	[tilespmem:s19], [sflag:$0x4] =	stream.indirect_vreg.gather [hbm4b:s7+s17], $0x80, v4, vm0, $0xb8;
	[tilespmem:$0x18200] =	vst v63  }
0x369: {  	s20 =	simm.s32 $0xCA00;
	v3 =	vperm.xlane v3, v2  }
0x36a: {  	[tilespmem:s20], [sflag:$0x4] =	stream.indirect_vreg.gather [hbm4b:s8+s17], $0x80, v4, vm0, $0xb8;
	[tilespmem:$0x18200] =	vst v63  }
0x36b: {  	s21 =	simm.s32 $0xD200;
	v3 =	vadd.s32 v1, v3  }
0x36c: {  	[tilespmem:s21], [sflag:$0x4] =	stream.indirect_vreg.gather [hbm4b:s9+s17], $0x80, v4, vm0, $0xb8;
	[tilespmem:$0x18200] =	vst v63  }
0x36d: {  	s23 =	simm.s32 $0xDA00  }
0x36e: {  	[tilespmem:s23], [sflag:$0x4] =	stream.indirect_vreg.gather [hbm4b:s10+s17], $0x80, v4, vm0, $0xb8;
	[tilespmem:$0x18200] =	vst v63  }
0x36f: {  	s24 =	simm.s32 $0xE200  }
0x370: {  	[tilespmem:s24], [sflag:$0x4] =	stream.indirect_vreg.gather [hbm4b:s7+s17], $0x80, v3, vm0, $0xb8;
	[tilespmem:$0x18200] =	vst v63  }
0x371: {  	s19 =	simm.s32 $0xEA00  }
0x372: {  	[tilespmem:s19], [sflag:$0x4] =	stream.indirect_vreg.gather [hbm4b:s8+s17], $0x80, v3, vm0, $0xb8;
	[tilespmem:$0x18200] =	vst v63  }
0x373: {  	s23 =	sand.u32 $0x2000, s17;
	s19 =	sand.u32 $0x1C00, s17  }
0x374: {  	s20 =	simm.s32 $0xF200;
	s24 =	sand.u32 $0x380, s17;
	s18 =	sor.u32 s19, s23  }
0x375: {  	[tilespmem:s20], [sflag:$0x4] =	stream.indirect_vreg.gather [hbm4b:s9+s17], $0x80, v3, vm0, $0xb8;
	[tilespmem:$0x18200] =	vst v63  }
0x376: {  	s21 =	simm.s32 $0xFA00;
	s18 =	sor.u32 s24, s18  }
0x377: {  	[tilespmem:s21], [sflag:$0x4] =	stream.indirect_vreg.gather [hbm4b:s10+s17], $0x80, v3, vm0, $0xb8;
	[tilespmem:$0x18200] =	vst v63  }
0x378: {  	v3 =	vld [tilespmem:s18+$0x4270]  }
0x379: {  	v4 =	vld [tilespmem:s18+$0x10270]  }
0x37a: {  	v5 =	vld [tilespmem:s18+$0x4200]  }
0x37b: {  	v6 =	vld [tilespmem:s18+$0x10200]  }
0x37c: {  	v7 =	vld [tilespmem:s18+$0x4210]  }
0x37d: {  	v8 =	vld [tilespmem:s18+$0x10210]  }
0x37e: {  	v9 =	vld [tilespmem:s18+$0x4220]  }
0x37f: {  	v10 =	vld [tilespmem:s18+$0x10220]  }
0x380: {  	v4 =	vadd.f32 v4, v3;
	v3 =	vld [tilespmem:s18+$0x4230]  }
0x381: {  	v6 =	vadd.f32 v6, v5;
	v5 =	vld [tilespmem:s18+$0x10230]  }
0x382: {  	v7 =	vadd.f32 v8, v7;
	[tilespmem:s18+$0x4270] =	vst v4;
	v4 =	vld [tilespmem:s18+$0x4240]  }
0x383: {  	[tilespmem:s18+$0x4200] =	vst v6;
	v6 =	vld [tilespmem:s18+$0x10240]  }
0x384: {  	s19 =	simm.s32 $0x0;
	s20 =	simm.s32 $0x400;
	s21 =	simm.s32 $0x80;
	v8 =	vadd.f32 v10, v9;
	[tilespmem:s18+$0x4210] =	vst v7;
	v7 =	vld [tilespmem:s18+$0x4250]  }
.LBB2_22:
0x385: {  	s23 =	sand.u32 $0x2000, s21;
	s24 =	sand.u32 $0x1C00, s20;
	v9 =	vld [tilespmem:s18+$0x10250];
	s17 =	sadd.s32 $0x10, s17  }
0x386: {  	s19 =	sadd.s32 $0x8, s19;
	s23 =	sor.u32 s24, s23;
	s24 =	sand.u32 $0x380, s17;
	[tilespmem:s18+$0x4220] =	vst v8;
	v3 =	vadd.f32 v5, v3;
	v5 =	vld [tilespmem:s18+$0x4260]  }
0x387: {  	p0 =	slt.u32 s19, $0x3F8;
	s23 =	sor.u32 s24, s23;
	v8 =	vld [tilespmem:s18+$0x10260]  }
0x388: {  	v10 =	vld [tilespmem:s23+$0x4270];
	[tilespmem:s18+$0x4230] =	vst v3;
	v3 =	vadd.f32 v6, v4  }
0x389: {  	v4 =	vld [tilespmem:s23+$0x10270]  }
0x38a: {  	v6 =	vld [tilespmem:s23+$0x4200];
	[tilespmem:s18+$0x4240] =	vst v3;
	v3 =	vadd.f32 v9, v7  }
0x38b: {  	v7 =	vld [tilespmem:s23+$0x10200]  }
0x38c: {  	v9 =	vld [tilespmem:s23+$0x4210];
	[tilespmem:s18+$0x4250] =	vst v3;
	v3 =	vadd.f32 v8, v5  }
0x38d: {  	v8 =	vld [tilespmem:s23+$0x10210]  }
0x38e: {  	v11 =	vld [tilespmem:s23+$0x4220];
	v4 =	vadd.f32 v4, v10;
	[tilespmem:s18+$0x4260] =	vst v3;
	s18 =	smov.u32 s23  }
0x38f: {  	v10 =	vld [tilespmem:s18+$0x10220]  }
.Ltmp10:
0x390: {  	v6 =	vadd.f32 v7, v6;
	v3 =	vld [tilespmem:s18+$0x4230];
	[tilespmem:s18+$0x4270] =	vst v4;
	(pc) =	sbr.rel @p0 .LBB2_22-.Ltmp10, $4  }
0x391: {  	v5 =	vld [tilespmem:s18+$0x10230]  }
0x392: {  	[tilespmem:s18+$0x4200] =	vst v6;
	v7 =	vadd.f32 v8, v9;
	v4 =	vld [tilespmem:s18+$0x4240]  }
0x393: {  	v6 =	vld [tilespmem:s18+$0x10240]  }
0x394: {  	s20 =	sadd.s32 $0x400, s20;
	s21 =	sadd.s32 $0x80, s21;
	[tilespmem:s18+$0x4210] =	vst v7;
	v8 =	vadd.f32 v10, v11;
	v7 =	vld [tilespmem:s18+$0x4250]  }
0x395: {  	v9 =	vld [tilespmem:s18+$0x10250]  }
0x396: {  	v10 =	vld [tilespmem:s18+$0x4260]  }
0x397: {  	v11 =	vld [tilespmem:s18+$0x10260];
	_ =	sdelay $0x1  }
0x398: {  	v3 =	vadd.f32 v5, v3  }
0x399: {  	[tilespmem:s18+$0x4220] =	vst v8;
	v4 =	vadd.f32 v6, v4  }
0x39a: {  	[tilespmem:s18+$0x4230] =	vst v3;
	v3 =	vadd.f32 v9, v7  }
0x39b: {  	[tilespmem:s18+$0x4240] =	vst v4;
	v4 =	vadd.f32 v11, v10  }
0x39c: {  	[tilespmem:s18+$0x4250] =	vst v3  }
0x39d: {  	[tilespmem:s18+$0x4260] =	vst v4  }
0x39e: {  	s17 =	simm.s32 $0x0;
	s18 =	rddreg [dreg:$0x17]  }
0x39f: {  	[hbm4b:s18+s17] =	stream.linear.scatter [tilespmem:s22], [sflag:$0x8], $0x4000, $0x38;
	[tilespmem:$0x18200] =	vst v63  }
0x3a0: {  	_ =	swait.ge [sflag:s5], $0x4000  }
0x3a1: {  	[sflag:s5] =	ssyncset.done $0x0  }
0x3a2: {  	[sflag:s5] =	ssyncadd.s32 $0xFFFFC000  }
0x3a3: {  	_ =	swait.ge [sflag:s6], $0x4000  }
0x3a4: {  	[sflag:s6] =	ssyncset.done $0x0  }
0x3a5: {  	[sflag:s6] =	ssyncadd.s32 $0xFFFFC000  }
0x3a6: {  	_ =	swait.ge [sflag:s14], $0x4000  }
0x3a7: {  	[sflag:s14] =	ssyncset.done $0x0  }
0x3a8: {  	s19 =	rddreg [dreg:$0x1c];
	[sflag:s14] =	ssyncadd.s32 $0xFFFFC000  }
0x3a9: {  	[tilespmem:s22], [sflag:$0x2] =	stream.linear.gather [hbm4b:s19+s17], $0x4000, $0x38;
	[tilespmem:$0x18200] =	vst v63  }
0x3aa: {  	v3 =	vld [tilespmem:$0xD0];
	_ =	sdelay $0x4  }
0x3ab: {  	v4 =	vshll.u32 v3, $0x3  }
0x3ac: {  	v3 =	vand.u32 $0x7, v3;
	v4 =	vand.u32 $0xFFFFFFC0, v4  }
0x3ad: {  	v3 =	vor.u32 v3, v4  }
0x3ae: {  	v4 =	vperm.xlane v3, v0;
	_ =	sdelay $0x1  }
0x3af: {  	v4 =	vadd.s32 v1, v4;
	_ =	sdelay $0x3  }
0x3b0: {  	s20 =	simm.s32 $0x10200  }
0x3b1: {  	[tilespmem:s20], [sflag:$0x5] =	stream.indirect_vreg.gather [hbm4b:s7+s17], $0x80, v4, vm0, $0xb8;
	[tilespmem:$0x18200] =	vst v63  }
0x3b2: {  	s21 =	simm.s32 $0x10A00;
	v3 =	vperm.xlane v3, v2  }
0x3b3: {  	[tilespmem:s21], [sflag:$0x5] =	stream.indirect_vreg.gather [hbm4b:s8+s17], $0x80, v4, vm0, $0xb8;
	[tilespmem:$0x18200] =	vst v63  }
0x3b4: {  	v3 =	vadd.s32 v1, v3  }
0x3b5: {  	[tilespmem:s25], [sflag:$0x5] =	stream.indirect_vreg.gather [hbm4b:s9+s17], $0x80, v4, vm0, $0xb8;
	[tilespmem:$0x18200] =	vst v63  }
0x3b6: {  	_ = 	snop  }
0x3b7: {  	[tilespmem:s26], [sflag:$0x5] =	stream.indirect_vreg.gather [hbm4b:s10+s17], $0x80, v4, vm0, $0xb8;
	[tilespmem:$0x18200] =	vst v63  }
0x3b8: {  	_ = 	snop  }
0x3b9: {  	[tilespmem:s28], [sflag:$0x5] =	stream.indirect_vreg.gather [hbm4b:s7+s17], $0x80, v3, vm0, $0xb8;
	[tilespmem:$0x18200] =	vst v63  }
0x3ba: {  	s23 =	sand.u32 $0x2000, s17;
	s19 =	sand.u32 $0x1C00, s17  }
0x3bb: {  	[tilespmem:s29], [sflag:$0x5] =	stream.indirect_vreg.gather [hbm4b:s8+s17], $0x80, v3, vm0, $0xb8;
	[tilespmem:$0x18200] =	vst v63  }
0x3bc: {  	s24 =	sand.u32 $0x380, s17;
	s18 =	sor.u32 s19, s23  }
0x3bd: {  	[tilespmem:s30], [sflag:$0x5] =	stream.indirect_vreg.gather [hbm4b:s9+s17], $0x80, v3, vm0, $0xb8;
	[tilespmem:$0x18200] =	vst v63  }
0x3be: {  	s18 =	sor.u32 s24, s18  }
0x3bf: {  	[tilespmem:s31], [sflag:$0x5] =	stream.indirect_vreg.gather [hbm4b:s10+s17], $0x80, v3, vm0, $0xb8;
	[tilespmem:$0x18200] =	vst v63  }
0x3c0: {  	v3 =	vld [tilespmem:s18+$0x8270]  }
0x3c1: {  	v4 =	vld [tilespmem:s18+$0x14270]  }
0x3c2: {  	v5 =	vld [tilespmem:s18+$0x8200]  }
0x3c3: {  	v6 =	vld [tilespmem:s18+$0x14200]  }
0x3c4: {  	v7 =	vld [tilespmem:s18+$0x8210]  }
0x3c5: {  	v8 =	vld [tilespmem:s18+$0x14210]  }
0x3c6: {  	v9 =	vld [tilespmem:s18+$0x8220]  }
0x3c7: {  	v10 =	vld [tilespmem:s18+$0x14220]  }
0x3c8: {  	v4 =	vadd.f32 v4, v3;
	v3 =	vld [tilespmem:s18+$0x8230]  }
0x3c9: {  	v6 =	vadd.f32 v6, v5;
	v5 =	vld [tilespmem:s18+$0x14230]  }
0x3ca: {  	v7 =	vadd.f32 v8, v7;
	[tilespmem:s18+$0x8270] =	vst v4;
	v4 =	vld [tilespmem:s18+$0x8240]  }
0x3cb: {  	[tilespmem:s18+$0x8200] =	vst v6;
	v6 =	vld [tilespmem:s18+$0x14240]  }
0x3cc: {  	s19 =	simm.s32 $0x0;
	s20 =	simm.s32 $0x400;
	s21 =	simm.s32 $0x80;
	v8 =	vadd.f32 v10, v9;
	[tilespmem:s18+$0x8210] =	vst v7;
	v7 =	vld [tilespmem:s18+$0x8250]  }
.LBB2_24:
0x3cd: {  	s23 =	sand.u32 $0x2000, s21;
	s24 =	sand.u32 $0x1C00, s20;
	v9 =	vld [tilespmem:s18+$0x14250];
	s17 =	sadd.s32 $0x10, s17  }
0x3ce: {  	s19 =	sadd.s32 $0x8, s19;
	s23 =	sor.u32 s24, s23;
	s24 =	sand.u32 $0x380, s17;
	[tilespmem:s18+$0x8220] =	vst v8;
	v3 =	vadd.f32 v5, v3;
	v5 =	vld [tilespmem:s18+$0x8260]  }
0x3cf: {  	p0 =	slt.u32 s19, $0x3F8;
	s23 =	sor.u32 s24, s23;
	v8 =	vld [tilespmem:s18+$0x14260]  }
0x3d0: {  	v10 =	vld [tilespmem:s23+$0x8270];
	[tilespmem:s18+$0x8230] =	vst v3;
	v3 =	vadd.f32 v6, v4  }
0x3d1: {  	v4 =	vld [tilespmem:s23+$0x14270]  }
0x3d2: {  	v6 =	vld [tilespmem:s23+$0x8200];
	[tilespmem:s18+$0x8240] =	vst v3;
	v3 =	vadd.f32 v9, v7  }
0x3d3: {  	v7 =	vld [tilespmem:s23+$0x14200]  }
0x3d4: {  	v9 =	vld [tilespmem:s23+$0x8210];
	[tilespmem:s18+$0x8250] =	vst v3;
	v3 =	vadd.f32 v8, v5  }
0x3d5: {  	v8 =	vld [tilespmem:s23+$0x14210]  }
0x3d6: {  	v11 =	vld [tilespmem:s23+$0x8220];
	v4 =	vadd.f32 v4, v10;
	[tilespmem:s18+$0x8260] =	vst v3;
	s18 =	smov.u32 s23  }
0x3d7: {  	v10 =	vld [tilespmem:s18+$0x14220]  }
.Ltmp11:
0x3d8: {  	v6 =	vadd.f32 v7, v6;
	v3 =	vld [tilespmem:s18+$0x8230];
	[tilespmem:s18+$0x8270] =	vst v4;
	(pc) =	sbr.rel @p0 .LBB2_24-.Ltmp11, $4  }
0x3d9: {  	v5 =	vld [tilespmem:s18+$0x14230]  }
0x3da: {  	[tilespmem:s18+$0x8200] =	vst v6;
	v7 =	vadd.f32 v8, v9;
	v4 =	vld [tilespmem:s18+$0x8240]  }
0x3db: {  	v6 =	vld [tilespmem:s18+$0x14240]  }
0x3dc: {  	s20 =	sadd.s32 $0x400, s20;
	s21 =	sadd.s32 $0x80, s21;
	[tilespmem:s18+$0x8210] =	vst v7;
	v8 =	vadd.f32 v10, v11;
	v7 =	vld [tilespmem:s18+$0x8250]  }
0x3dd: {  	v9 =	vld [tilespmem:s18+$0x14250]  }
0x3de: {  	v10 =	vld [tilespmem:s18+$0x8260]  }
0x3df: {  	v11 =	vld [tilespmem:s18+$0x14260];
	_ =	sdelay $0x1  }
0x3e0: {  	v3 =	vadd.f32 v5, v3  }
0x3e1: {  	[tilespmem:s18+$0x8220] =	vst v8;
	v4 =	vadd.f32 v6, v4  }
0x3e2: {  	[tilespmem:s18+$0x8230] =	vst v3;
	v3 =	vadd.f32 v9, v7  }
0x3e3: {  	[tilespmem:s18+$0x8240] =	vst v4;
	v4 =	vadd.f32 v11, v10  }
0x3e4: {  	[tilespmem:s18+$0x8250] =	vst v3  }
0x3e5: {  	[tilespmem:s18+$0x8260] =	vst v4  }
0x3e6: {  	s17 =	simm.s32 $0x0;
	s18 =	rddreg [dreg:$0x19]  }
0x3e7: {  	[hbm4b:s18+s17] =	stream.linear.scatter [tilespmem:s3], [sflag:$0x9], $0x4000, $0x38;
	[tilespmem:$0x18200] =	vst v63  }
0x3e8: {  	_ =	swait.ge [sflag:s0], $0x4000  }
0x3e9: {  	[sflag:s0] =	ssyncset.done $0x0  }
0x3ea: {  	[sflag:s0] =	ssyncadd.s32 $0xFFFFC000  }
0x3eb: {  	_ =	swait.ge [sflag:s2], $0x4000  }
0x3ec: {  	[sflag:s2] =	ssyncset.done $0x0  }
0x3ed: {  	[sflag:s2] =	ssyncadd.s32 $0xFFFFC000  }
0x3ee: {  	_ =	swait.ge [sflag:s15], $0x4000  }
0x3ef: {  	[sflag:s15] =	ssyncset.done $0x0  }
0x3f0: {  	s24 =	rddreg [dreg:$0x1e];
	[sflag:s15] =	ssyncadd.s32 $0xFFFFC000  }
0x3f1: {  	[tilespmem:s3], [sflag:$0x3] =	stream.linear.gather [hbm4b:s24+s17], $0x4000, $0x38;
	[tilespmem:$0x18200] =	vst v63  }
0x3f2: {  	v3 =	vld [tilespmem:$0xE0];
	_ =	sdelay $0x4  }
0x3f3: {  	v4 =	vshll.u32 v3, $0x3  }
0x3f4: {  	v3 =	vand.u32 $0x7, v3;
	v4 =	vand.u32 $0xFFFFFFC0, v4  }
0x3f5: {  	v3 =	vor.u32 v3, v4  }
0x3f6: {  	v4 =	vperm.xlane v3, v0;
	_ =	sdelay $0x1  }
0x3f7: {  	v4 =	vadd.s32 v1, v4;
	_ =	sdelay $0x3  }
0x3f8: {  	s19 =	simm.s32 $0x14200  }
0x3f9: {  	[tilespmem:s19], [sflag:$0x6] =	stream.indirect_vreg.gather [hbm4b:s7+s17], $0x80, v4, vm0, $0xb8;
	[tilespmem:$0x18200] =	vst v63  }
0x3fa: {  	s20 =	simm.s32 $0x14A00;
	v3 =	vperm.xlane v3, v2  }
0x3fb: {  	[tilespmem:s20], [sflag:$0x6] =	stream.indirect_vreg.gather [hbm4b:s8+s17], $0x80, v4, vm0, $0xb8;
	[tilespmem:$0x18200] =	vst v63  }
0x3fc: {  	s21 =	simm.s32 $0x15200;
	v3 =	vadd.s32 v1, v3  }
0x3fd: {  	[tilespmem:s21], [sflag:$0x6] =	stream.indirect_vreg.gather [hbm4b:s9+s17], $0x80, v4, vm0, $0xb8;
	[tilespmem:$0x18200] =	vst v63  }
0x3fe: {  	s23 =	simm.s32 $0x15A00  }
0x3ff: {  	[tilespmem:s23], [sflag:$0x6] =	stream.indirect_vreg.gather [hbm4b:s10+s17], $0x80, v4, vm0, $0xb8;
	[tilespmem:$0x18200] =	vst v63  }
0x400: {  	s24 =	simm.s32 $0x16200  }
0x401: {  	[tilespmem:s24], [sflag:$0x6] =	stream.indirect_vreg.gather [hbm4b:s7+s17], $0x80, v3, vm0, $0xb8;
	[tilespmem:$0x18200] =	vst v63  }
0x402: {  	s19 =	simm.s32 $0x16A00  }
0x403: {  	[tilespmem:s19], [sflag:$0x6] =	stream.indirect_vreg.gather [hbm4b:s8+s17], $0x80, v3, vm0, $0xb8;
	[tilespmem:$0x18200] =	vst v63  }
0x404: {  	s23 =	sand.u32 $0x2000, s17;
	s19 =	sand.u32 $0x1C00, s17  }
0x405: {  	s20 =	simm.s32 $0x17200;
	s24 =	sand.u32 $0x380, s17;
	s18 =	sor.u32 s19, s23  }
0x406: {  	[tilespmem:s20], [sflag:$0x6] =	stream.indirect_vreg.gather [hbm4b:s9+s17], $0x80, v3, vm0, $0xb8;
	[tilespmem:$0x18200] =	vst v63  }
0x407: {  	s21 =	simm.s32 $0x17A00;
	s18 =	sor.u32 s24, s18  }
0x408: {  	[tilespmem:s21], [sflag:$0x6] =	stream.indirect_vreg.gather [hbm4b:s10+s17], $0x80, v3, vm0, $0xb8;
	[tilespmem:$0x18200] =	vst v63  }
0x409: {  	v3 =	vld [tilespmem:s18+$0x270]  }
0x40a: {  	v4 =	vld [tilespmem:s18+$0xC270]  }
0x40b: {  	v5 =	vld [tilespmem:s18+$0x200]  }
0x40c: {  	v6 =	vld [tilespmem:s18+$0xC200]  }
0x40d: {  	v7 =	vld [tilespmem:s18+$0x210]  }
0x40e: {  	v8 =	vld [tilespmem:s18+$0xC210]  }
0x40f: {  	v9 =	vld [tilespmem:s18+$0x220]  }
0x410: {  	v10 =	vld [tilespmem:s18+$0xC220]  }
0x411: {  	v4 =	vadd.f32 v4, v3;
	v3 =	vld [tilespmem:s18+$0x230]  }
0x412: {  	v6 =	vadd.f32 v6, v5;
	v5 =	vld [tilespmem:s18+$0xC230]  }
0x413: {  	v7 =	vadd.f32 v8, v7;
	[tilespmem:s18+$0x270] =	vst v4;
	v4 =	vld [tilespmem:s18+$0x240]  }
0x414: {  	[tilespmem:s18+$0x200] =	vst v6;
	v6 =	vld [tilespmem:s18+$0xC240]  }
0x415: {  	s19 =	simm.s32 $0x0;
	s20 =	simm.s32 $0x400;
	s21 =	simm.s32 $0x80;
	v8 =	vadd.f32 v10, v9;
	[tilespmem:s18+$0x210] =	vst v7;
	v7 =	vld [tilespmem:s18+$0x250]  }
.LBB2_26:
0x416: {  	s23 =	sand.u32 $0x2000, s21;
	s24 =	sand.u32 $0x1C00, s20;
	v9 =	vld [tilespmem:s18+$0xC250];
	s17 =	sadd.s32 $0x10, s17  }
0x417: {  	s19 =	sadd.s32 $0x8, s19;
	s23 =	sor.u32 s24, s23;
	s24 =	sand.u32 $0x380, s17;
	[tilespmem:s18+$0x220] =	vst v8;
	v3 =	vadd.f32 v5, v3;
	v5 =	vld [tilespmem:s18+$0x260]  }
0x418: {  	p0 =	slt.u32 s19, $0x3F8;
	s23 =	sor.u32 s24, s23;
	v8 =	vld [tilespmem:s18+$0xC260]  }
0x419: {  	v10 =	vld [tilespmem:s23+$0x270];
	[tilespmem:s18+$0x230] =	vst v3;
	v3 =	vadd.f32 v6, v4  }
0x41a: {  	v4 =	vld [tilespmem:s23+$0xC270]  }
0x41b: {  	v6 =	vld [tilespmem:s23+$0x200];
	[tilespmem:s18+$0x240] =	vst v3;
	v3 =	vadd.f32 v9, v7  }
0x41c: {  	v7 =	vld [tilespmem:s23+$0xC200]  }
0x41d: {  	v9 =	vld [tilespmem:s23+$0x210];
	[tilespmem:s18+$0x250] =	vst v3;
	v3 =	vadd.f32 v8, v5  }
0x41e: {  	v8 =	vld [tilespmem:s23+$0xC210]  }
0x41f: {  	v11 =	vld [tilespmem:s23+$0x220];
	v4 =	vadd.f32 v4, v10;
	[tilespmem:s18+$0x260] =	vst v3;
	s18 =	smov.u32 s23  }
0x420: {  	v10 =	vld [tilespmem:s18+$0xC220]  }
.Ltmp12:
0x421: {  	v6 =	vadd.f32 v7, v6;
	v3 =	vld [tilespmem:s18+$0x230];
	[tilespmem:s18+$0x270] =	vst v4;
	(pc) =	sbr.rel @p0 .LBB2_26-.Ltmp12, $4  }
0x422: {  	v5 =	vld [tilespmem:s18+$0xC230]  }
0x423: {  	[tilespmem:s18+$0x200] =	vst v6;
	v7 =	vadd.f32 v8, v9;
	v4 =	vld [tilespmem:s18+$0x240]  }
0x424: {  	v6 =	vld [tilespmem:s18+$0xC240]  }
0x425: {  	s20 =	sadd.s32 $0x400, s20;
	s21 =	sadd.s32 $0x80, s21;
	[tilespmem:s18+$0x210] =	vst v7;
	v8 =	vadd.f32 v10, v11;
	v7 =	vld [tilespmem:s18+$0x250]  }
0x426: {  	v9 =	vld [tilespmem:s18+$0xC250]  }
0x427: {  	v10 =	vld [tilespmem:s18+$0x260]  }
0x428: {  	v11 =	vld [tilespmem:s18+$0xC260];
	_ =	sdelay $0x1  }
0x429: {  	v3 =	vadd.f32 v5, v3  }
0x42a: {  	[tilespmem:s18+$0x220] =	vst v8;
	v4 =	vadd.f32 v6, v4  }
0x42b: {  	[tilespmem:s18+$0x230] =	vst v3;
	v3 =	vadd.f32 v9, v7  }
0x42c: {  	[tilespmem:s18+$0x240] =	vst v4;
	v4 =	vadd.f32 v11, v10  }
0x42d: {  	[tilespmem:s18+$0x250] =	vst v3  }
0x42e: {  	[tilespmem:s18+$0x260] =	vst v4  }
0x42f: {  	s17 =	simm.s32 $0x0;
	s18 =	rddreg [dreg:$0x1b]  }
0x430: {  	[hbm4b:s18+s17] =	stream.linear.scatter [tilespmem:s13], [sflag:$0x7], $0x4000, $0x38;
	[tilespmem:$0x18200] =	vst v63  }
0x431: {  	_ =	swait.ge [sflag:s11], $0x4000  }
0x432: {  	[sflag:s11] =	ssyncset.done $0x0  }
0x433: {  	[sflag:s11] =	ssyncadd.s32 $0xFFFFC000  }
0x434: {  	_ =	swait.ge [sflag:s12], $0x4000  }
0x435: {  	[sflag:s12] =	ssyncset.done $0x0  }
0x436: {  	[sflag:s12] =	ssyncadd.s32 $0xFFFFC000  }
0x437: {  	_ =	swait.ge [sflag:s4], $0x4000  }
0x438: {  	s24 =	sld [smem:$0x7D8]  }
0x439: {  	[sflag:s4] =	ssyncset.done $0x0  }
0x43a: {  	[sflag:s4] =	ssyncadd.s32 $0xFFFFC000  }
0x43b: {  	[tilespmem:s13], [sflag:$0x1] =	stream.linear.gather [hbm4b:s24+s17], $0x4000, $0x38;
	[tilespmem:$0x18200] =	vst v63  }
0x43c: {  	v3 =	vld [tilespmem:$0xF0];
	_ =	sdelay $0x4  }
0x43d: {  	v4 =	vshll.u32 v3, $0x3  }
0x43e: {  	v3 =	vand.u32 $0x7, v3;
	v4 =	vand.u32 $0xFFFFFFC0, v4  }
0x43f: {  	v3 =	vor.u32 v3, v4  }
0x440: {  	v4 =	vperm.xlane v3, v0;
	_ =	sdelay $0x1  }
0x441: {  	v4 =	vadd.s32 v1, v4;
	_ =	sdelay $0x3  }
0x442: {  	s19 =	simm.s32 $0xC200  }
0x443: {  	[tilespmem:s19], [sflag:$0x4] =	stream.indirect_vreg.gather [hbm4b:s7+s17], $0x80, v4, vm0, $0xb8;
	[tilespmem:$0x18200] =	vst v63  }
0x444: {  	s20 =	simm.s32 $0xCA00;
	v3 =	vperm.xlane v3, v2  }
0x445: {  	[tilespmem:s20], [sflag:$0x4] =	stream.indirect_vreg.gather [hbm4b:s8+s17], $0x80, v4, vm0, $0xb8;
	[tilespmem:$0x18200] =	vst v63  }
0x446: {  	s21 =	simm.s32 $0xD200;
	v3 =	vadd.s32 v1, v3  }
0x447: {  	[tilespmem:s21], [sflag:$0x4] =	stream.indirect_vreg.gather [hbm4b:s9+s17], $0x80, v4, vm0, $0xb8;
	[tilespmem:$0x18200] =	vst v63  }
0x448: {  	s23 =	simm.s32 $0xDA00  }
0x449: {  	[tilespmem:s23], [sflag:$0x4] =	stream.indirect_vreg.gather [hbm4b:s10+s17], $0x80, v4, vm0, $0xb8;
	[tilespmem:$0x18200] =	vst v63  }
0x44a: {  	s24 =	simm.s32 $0xE200  }
0x44b: {  	[tilespmem:s24], [sflag:$0x4] =	stream.indirect_vreg.gather [hbm4b:s7+s17], $0x80, v3, vm0, $0xb8;
	[tilespmem:$0x18200] =	vst v63  }
0x44c: {  	s19 =	simm.s32 $0xEA00  }
0x44d: {  	[tilespmem:s19], [sflag:$0x4] =	stream.indirect_vreg.gather [hbm4b:s8+s17], $0x80, v3, vm0, $0xb8;
	[tilespmem:$0x18200] =	vst v63  }
0x44e: {  	s23 =	sand.u32 $0x2000, s17;
	s19 =	sand.u32 $0x1C00, s17  }
0x44f: {  	s20 =	simm.s32 $0xF200;
	s24 =	sand.u32 $0x380, s17;
	s18 =	sor.u32 s19, s23  }
0x450: {  	[tilespmem:s20], [sflag:$0x4] =	stream.indirect_vreg.gather [hbm4b:s9+s17], $0x80, v3, vm0, $0xb8;
	[tilespmem:$0x18200] =	vst v63  }
0x451: {  	s21 =	simm.s32 $0xFA00;
	s18 =	sor.u32 s24, s18  }
0x452: {  	[tilespmem:s21], [sflag:$0x4] =	stream.indirect_vreg.gather [hbm4b:s10+s17], $0x80, v3, vm0, $0xb8;
	[tilespmem:$0x18200] =	vst v63  }
0x453: {  	v3 =	vld [tilespmem:s18+$0x4270]  }
0x454: {  	v4 =	vld [tilespmem:s18+$0x10270]  }
0x455: {  	v5 =	vld [tilespmem:s18+$0x4200]  }
0x456: {  	v6 =	vld [tilespmem:s18+$0x10200]  }
0x457: {  	v7 =	vld [tilespmem:s18+$0x4210]  }
0x458: {  	v8 =	vld [tilespmem:s18+$0x10210]  }
0x459: {  	v9 =	vld [tilespmem:s18+$0x4220]  }
0x45a: {  	v10 =	vld [tilespmem:s18+$0x10220]  }
0x45b: {  	v4 =	vadd.f32 v4, v3;
	v3 =	vld [tilespmem:s18+$0x4230]  }
0x45c: {  	v6 =	vadd.f32 v6, v5;
	v5 =	vld [tilespmem:s18+$0x10230]  }
0x45d: {  	v7 =	vadd.f32 v8, v7;
	[tilespmem:s18+$0x4270] =	vst v4;
	v4 =	vld [tilespmem:s18+$0x4240]  }
0x45e: {  	[tilespmem:s18+$0x4200] =	vst v6;
	v6 =	vld [tilespmem:s18+$0x10240]  }
0x45f: {  	s19 =	simm.s32 $0x0;
	s20 =	simm.s32 $0x400;
	s21 =	simm.s32 $0x80;
	v8 =	vadd.f32 v10, v9;
	[tilespmem:s18+$0x4210] =	vst v7;
	v7 =	vld [tilespmem:s18+$0x4250]  }
.LBB2_28:
0x460: {  	s23 =	sand.u32 $0x2000, s21;
	s24 =	sand.u32 $0x1C00, s20;
	v9 =	vld [tilespmem:s18+$0x10250];
	s17 =	sadd.s32 $0x10, s17  }
0x461: {  	s19 =	sadd.s32 $0x8, s19;
	s23 =	sor.u32 s24, s23;
	s24 =	sand.u32 $0x380, s17;
	[tilespmem:s18+$0x4220] =	vst v8;
	v3 =	vadd.f32 v5, v3;
	v5 =	vld [tilespmem:s18+$0x4260]  }
0x462: {  	p0 =	slt.u32 s19, $0x3F8;
	s23 =	sor.u32 s24, s23;
	v8 =	vld [tilespmem:s18+$0x10260]  }
0x463: {  	v10 =	vld [tilespmem:s23+$0x4270];
	[tilespmem:s18+$0x4230] =	vst v3;
	v3 =	vadd.f32 v6, v4  }
0x464: {  	v4 =	vld [tilespmem:s23+$0x10270]  }
0x465: {  	v6 =	vld [tilespmem:s23+$0x4200];
	[tilespmem:s18+$0x4240] =	vst v3;
	v3 =	vadd.f32 v9, v7  }
0x466: {  	v7 =	vld [tilespmem:s23+$0x10200]  }
0x467: {  	v9 =	vld [tilespmem:s23+$0x4210];
	[tilespmem:s18+$0x4250] =	vst v3;
	v3 =	vadd.f32 v8, v5  }
0x468: {  	v8 =	vld [tilespmem:s23+$0x10210]  }
0x469: {  	v11 =	vld [tilespmem:s23+$0x4220];
	v4 =	vadd.f32 v4, v10;
	[tilespmem:s18+$0x4260] =	vst v3;
	s18 =	smov.u32 s23  }
0x46a: {  	v10 =	vld [tilespmem:s18+$0x10220]  }
.Ltmp13:
0x46b: {  	v6 =	vadd.f32 v7, v6;
	v3 =	vld [tilespmem:s18+$0x4230];
	[tilespmem:s18+$0x4270] =	vst v4;
	(pc) =	sbr.rel @p0 .LBB2_28-.Ltmp13, $4  }
0x46c: {  	v5 =	vld [tilespmem:s18+$0x10230]  }
0x46d: {  	[tilespmem:s18+$0x4200] =	vst v6;
	v7 =	vadd.f32 v8, v9;
	v4 =	vld [tilespmem:s18+$0x4240]  }
0x46e: {  	v6 =	vld [tilespmem:s18+$0x10240]  }
0x46f: {  	s20 =	sadd.s32 $0x400, s20;
	s21 =	sadd.s32 $0x80, s21;
	[tilespmem:s18+$0x4210] =	vst v7;
	v8 =	vadd.f32 v10, v11;
	v7 =	vld [tilespmem:s18+$0x4250]  }
0x470: {  	v9 =	vld [tilespmem:s18+$0x10250]  }
0x471: {  	v10 =	vld [tilespmem:s18+$0x4260]  }
0x472: {  	v11 =	vld [tilespmem:s18+$0x10260];
	_ =	sdelay $0x1  }
0x473: {  	v3 =	vadd.f32 v5, v3  }
0x474: {  	[tilespmem:s18+$0x4220] =	vst v8;
	v4 =	vadd.f32 v6, v4  }
0x475: {  	[tilespmem:s18+$0x4230] =	vst v3;
	v3 =	vadd.f32 v9, v7  }
0x476: {  	[tilespmem:s18+$0x4240] =	vst v4;
	v4 =	vadd.f32 v11, v10  }
0x477: {  	[tilespmem:s18+$0x4250] =	vst v3  }
0x478: {  	[tilespmem:s18+$0x4260] =	vst v4  }
0x479: {  	s17 =	simm.s32 $0x0;
	s18 =	rddreg [dreg:$0x1d]  }
0x47a: {  	[hbm4b:s18+s17] =	stream.linear.scatter [tilespmem:s22], [sflag:$0x8], $0x4000, $0x38;
	[tilespmem:$0x18200] =	vst v63  }
0x47b: {  	_ =	swait.ge [sflag:s5], $0x4000  }
0x47c: {  	[sflag:s5] =	ssyncset.done $0x0  }
0x47d: {  	[sflag:s5] =	ssyncadd.s32 $0xFFFFC000  }
0x47e: {  	_ =	swait.ge [sflag:s6], $0x4000  }
0x47f: {  	[sflag:s6] =	ssyncset.done $0x0  }
0x480: {  	[sflag:s6] =	ssyncadd.s32 $0xFFFFC000  }
0x481: {  	_ =	swait.ge [sflag:s14], $0x4000  }
0x482: {  	s19 =	sld [smem:$0x7DA]  }
0x483: {  	[sflag:s14] =	ssyncset.done $0x0  }
0x484: {  	[sflag:s14] =	ssyncadd.s32 $0xFFFFC000  }
0x485: {  	[tilespmem:s22], [sflag:$0x2] =	stream.linear.gather [hbm4b:s19+s17], $0x4000, $0x38;
	[tilespmem:$0x18200] =	vst v63  }
0x486: {  	v3 =	vld [tilespmem:$0x100];
	_ =	sdelay $0x4  }
0x487: {  	v4 =	vshll.u32 v3, $0x3  }
0x488: {  	v3 =	vand.u32 $0x7, v3;
	v4 =	vand.u32 $0xFFFFFFC0, v4  }
0x489: {  	v3 =	vor.u32 v3, v4  }
0x48a: {  	v4 =	vperm.xlane v3, v0;
	_ =	sdelay $0x1  }
0x48b: {  	v4 =	vadd.s32 v1, v4;
	_ =	sdelay $0x3  }
0x48c: {  	s20 =	simm.s32 $0x10200  }
0x48d: {  	[tilespmem:s20], [sflag:$0x5] =	stream.indirect_vreg.gather [hbm4b:s7+s17], $0x80, v4, vm0, $0xb8;
	[tilespmem:$0x18200] =	vst v63  }
0x48e: {  	s21 =	simm.s32 $0x10A00;
	v3 =	vperm.xlane v3, v2  }
0x48f: {  	[tilespmem:s21], [sflag:$0x5] =	stream.indirect_vreg.gather [hbm4b:s8+s17], $0x80, v4, vm0, $0xb8;
	[tilespmem:$0x18200] =	vst v63  }
0x490: {  	v3 =	vadd.s32 v1, v3  }
0x491: {  	[tilespmem:s25], [sflag:$0x5] =	stream.indirect_vreg.gather [hbm4b:s9+s17], $0x80, v4, vm0, $0xb8;
	[tilespmem:$0x18200] =	vst v63  }
0x492: {  	_ = 	snop  }
0x493: {  	[tilespmem:s26], [sflag:$0x5] =	stream.indirect_vreg.gather [hbm4b:s10+s17], $0x80, v4, vm0, $0xb8;
	[tilespmem:$0x18200] =	vst v63  }
0x494: {  	_ = 	snop  }
0x495: {  	[tilespmem:s28], [sflag:$0x5] =	stream.indirect_vreg.gather [hbm4b:s7+s17], $0x80, v3, vm0, $0xb8;
	[tilespmem:$0x18200] =	vst v63  }
0x496: {  	s23 =	sand.u32 $0x2000, s17;
	s19 =	sand.u32 $0x1C00, s17  }
0x497: {  	[tilespmem:s29], [sflag:$0x5] =	stream.indirect_vreg.gather [hbm4b:s8+s17], $0x80, v3, vm0, $0xb8;
	[tilespmem:$0x18200] =	vst v63  }
0x498: {  	s24 =	sand.u32 $0x380, s17;
	s18 =	sor.u32 s19, s23  }
0x499: {  	[tilespmem:s30], [sflag:$0x5] =	stream.indirect_vreg.gather [hbm4b:s9+s17], $0x80, v3, vm0, $0xb8;
	[tilespmem:$0x18200] =	vst v63  }
0x49a: {  	s18 =	sor.u32 s24, s18  }
0x49b: {  	[tilespmem:s31], [sflag:$0x5] =	stream.indirect_vreg.gather [hbm4b:s10+s17], $0x80, v3, vm0, $0xb8;
	[tilespmem:$0x18200] =	vst v63  }
0x49c: {  	v3 =	vld [tilespmem:s18+$0x8270]  }
0x49d: {  	v4 =	vld [tilespmem:s18+$0x14270]  }
0x49e: {  	v5 =	vld [tilespmem:s18+$0x8200]  }
0x49f: {  	v6 =	vld [tilespmem:s18+$0x14200]  }
0x4a0: {  	v7 =	vld [tilespmem:s18+$0x8210]  }
0x4a1: {  	v8 =	vld [tilespmem:s18+$0x14210]  }
0x4a2: {  	v9 =	vld [tilespmem:s18+$0x8220]  }
0x4a3: {  	v10 =	vld [tilespmem:s18+$0x14220]  }
0x4a4: {  	v4 =	vadd.f32 v4, v3;
	v3 =	vld [tilespmem:s18+$0x8230]  }
0x4a5: {  	v6 =	vadd.f32 v6, v5;
	v5 =	vld [tilespmem:s18+$0x14230]  }
0x4a6: {  	v7 =	vadd.f32 v8, v7;
	[tilespmem:s18+$0x8270] =	vst v4;
	v4 =	vld [tilespmem:s18+$0x8240]  }
0x4a7: {  	[tilespmem:s18+$0x8200] =	vst v6;
	v6 =	vld [tilespmem:s18+$0x14240]  }
0x4a8: {  	s19 =	simm.s32 $0x0;
	s20 =	simm.s32 $0x400;
	s21 =	simm.s32 $0x80;
	v8 =	vadd.f32 v10, v9;
	[tilespmem:s18+$0x8210] =	vst v7;
	v7 =	vld [tilespmem:s18+$0x8250]  }
.LBB2_30:
0x4a9: {  	s23 =	sand.u32 $0x2000, s21;
	s24 =	sand.u32 $0x1C00, s20;
	v9 =	vld [tilespmem:s18+$0x14250];
	s17 =	sadd.s32 $0x10, s17  }
0x4aa: {  	s19 =	sadd.s32 $0x8, s19;
	s23 =	sor.u32 s24, s23;
	s24 =	sand.u32 $0x380, s17;
	[tilespmem:s18+$0x8220] =	vst v8;
	v3 =	vadd.f32 v5, v3;
	v5 =	vld [tilespmem:s18+$0x8260]  }
0x4ab: {  	p0 =	slt.u32 s19, $0x3F8;
	s23 =	sor.u32 s24, s23;
	v8 =	vld [tilespmem:s18+$0x14260]  }
0x4ac: {  	v10 =	vld [tilespmem:s23+$0x8270];
	[tilespmem:s18+$0x8230] =	vst v3;
	v3 =	vadd.f32 v6, v4  }
0x4ad: {  	v4 =	vld [tilespmem:s23+$0x14270]  }
0x4ae: {  	v6 =	vld [tilespmem:s23+$0x8200];
	[tilespmem:s18+$0x8240] =	vst v3;
	v3 =	vadd.f32 v9, v7  }
0x4af: {  	v7 =	vld [tilespmem:s23+$0x14200]  }
0x4b0: {  	v9 =	vld [tilespmem:s23+$0x8210];
	[tilespmem:s18+$0x8250] =	vst v3;
	v3 =	vadd.f32 v8, v5  }
0x4b1: {  	v8 =	vld [tilespmem:s23+$0x14210]  }
0x4b2: {  	v11 =	vld [tilespmem:s23+$0x8220];
	v4 =	vadd.f32 v4, v10;
	[tilespmem:s18+$0x8260] =	vst v3;
	s18 =	smov.u32 s23  }
0x4b3: {  	v10 =	vld [tilespmem:s18+$0x14220]  }
.Ltmp14:
0x4b4: {  	v6 =	vadd.f32 v7, v6;
	v3 =	vld [tilespmem:s18+$0x8230];
	[tilespmem:s18+$0x8270] =	vst v4;
	(pc) =	sbr.rel @p0 .LBB2_30-.Ltmp14, $4  }
0x4b5: {  	v5 =	vld [tilespmem:s18+$0x14230]  }
0x4b6: {  	[tilespmem:s18+$0x8200] =	vst v6;
	v7 =	vadd.f32 v8, v9;
	v4 =	vld [tilespmem:s18+$0x8240]  }
0x4b7: {  	v6 =	vld [tilespmem:s18+$0x14240]  }
0x4b8: {  	s20 =	sadd.s32 $0x400, s20;
	s21 =	sadd.s32 $0x80, s21;
	[tilespmem:s18+$0x8210] =	vst v7;
	v8 =	vadd.f32 v10, v11;
	v7 =	vld [tilespmem:s18+$0x8250]  }
0x4b9: {  	v9 =	vld [tilespmem:s18+$0x14250]  }
0x4ba: {  	v10 =	vld [tilespmem:s18+$0x8260]  }
0x4bb: {  	v11 =	vld [tilespmem:s18+$0x14260];
	_ =	sdelay $0x1  }
0x4bc: {  	v3 =	vadd.f32 v5, v3  }
0x4bd: {  	[tilespmem:s18+$0x8220] =	vst v8;
	v4 =	vadd.f32 v6, v4  }
0x4be: {  	[tilespmem:s18+$0x8230] =	vst v3;
	v3 =	vadd.f32 v9, v7  }
0x4bf: {  	[tilespmem:s18+$0x8240] =	vst v4;
	v4 =	vadd.f32 v11, v10  }
0x4c0: {  	[tilespmem:s18+$0x8250] =	vst v3  }
0x4c1: {  	[tilespmem:s18+$0x8260] =	vst v4  }
0x4c2: {  	s17 =	simm.s32 $0x0;
	s18 =	rddreg [dreg:$0x1f]  }
0x4c3: {  	[hbm4b:s18+s17] =	stream.linear.scatter [tilespmem:s3], [sflag:$0x9], $0x4000, $0x38;
	[tilespmem:$0x18200] =	vst v63  }
0x4c4: {  	_ =	swait.ge [sflag:s0], $0x4000  }
0x4c5: {  	[sflag:s0] =	ssyncset.done $0x0  }
0x4c6: {  	[sflag:s0] =	ssyncadd.s32 $0xFFFFC000  }
0x4c7: {  	_ =	swait.ge [sflag:s2], $0x4000  }
0x4c8: {  	[sflag:s2] =	ssyncset.done $0x0  }
0x4c9: {  	[sflag:s2] =	ssyncadd.s32 $0xFFFFC000  }
0x4ca: {  	_ =	swait.ge [sflag:s15], $0x4000  }
0x4cb: {  	s24 =	sld [smem:$0x7DC]  }
0x4cc: {  	[sflag:s15] =	ssyncset.done $0x0  }
0x4cd: {  	[sflag:s15] =	ssyncadd.s32 $0xFFFFC000  }
0x4ce: {  	[tilespmem:s3], [sflag:$0x3] =	stream.linear.gather [hbm4b:s24+s17], $0x4000, $0x38;
	[tilespmem:$0x18200] =	vst v63  }
0x4cf: {  	v3 =	vld [tilespmem:$0x110];
	_ =	sdelay $0x4  }
0x4d0: {  	v4 =	vshll.u32 v3, $0x3  }
0x4d1: {  	v3 =	vand.u32 $0x7, v3;
	v4 =	vand.u32 $0xFFFFFFC0, v4  }
0x4d2: {  	v3 =	vor.u32 v3, v4  }
0x4d3: {  	v4 =	vperm.xlane v3, v0;
	_ =	sdelay $0x1  }
0x4d4: {  	v4 =	vadd.s32 v1, v4;
	_ =	sdelay $0x3  }
0x4d5: {  	s19 =	simm.s32 $0x14200  }
0x4d6: {  	[tilespmem:s19], [sflag:$0x6] =	stream.indirect_vreg.gather [hbm4b:s7+s17], $0x80, v4, vm0, $0xb8;
	[tilespmem:$0x18200] =	vst v63  }
0x4d7: {  	s20 =	simm.s32 $0x14A00;
	v3 =	vperm.xlane v3, v2  }
0x4d8: {  	[tilespmem:s20], [sflag:$0x6] =	stream.indirect_vreg.gather [hbm4b:s8+s17], $0x80, v4, vm0, $0xb8;
	[tilespmem:$0x18200] =	vst v63  }
0x4d9: {  	s21 =	simm.s32 $0x15200;
	v3 =	vadd.s32 v1, v3  }
0x4da: {  	[tilespmem:s21], [sflag:$0x6] =	stream.indirect_vreg.gather [hbm4b:s9+s17], $0x80, v4, vm0, $0xb8;
	[tilespmem:$0x18200] =	vst v63  }
0x4db: {  	s23 =	simm.s32 $0x15A00  }
0x4dc: {  	[tilespmem:s23], [sflag:$0x6] =	stream.indirect_vreg.gather [hbm4b:s10+s17], $0x80, v4, vm0, $0xb8;
	[tilespmem:$0x18200] =	vst v63  }
0x4dd: {  	s24 =	simm.s32 $0x16200  }
0x4de: {  	[tilespmem:s24], [sflag:$0x6] =	stream.indirect_vreg.gather [hbm4b:s7+s17], $0x80, v3, vm0, $0xb8;
	[tilespmem:$0x18200] =	vst v63  }
0x4df: {  	s19 =	simm.s32 $0x16A00  }
0x4e0: {  	[tilespmem:s19], [sflag:$0x6] =	stream.indirect_vreg.gather [hbm4b:s8+s17], $0x80, v3, vm0, $0xb8;
	[tilespmem:$0x18200] =	vst v63  }
0x4e1: {  	s23 =	sand.u32 $0x2000, s17;
	s19 =	sand.u32 $0x1C00, s17  }
0x4e2: {  	s20 =	simm.s32 $0x17200;
	s24 =	sand.u32 $0x380, s17;
	s18 =	sor.u32 s19, s23  }
0x4e3: {  	[tilespmem:s20], [sflag:$0x6] =	stream.indirect_vreg.gather [hbm4b:s9+s17], $0x80, v3, vm0, $0xb8;
	[tilespmem:$0x18200] =	vst v63  }
0x4e4: {  	s21 =	simm.s32 $0x17A00;
	s18 =	sor.u32 s24, s18  }
0x4e5: {  	[tilespmem:s21], [sflag:$0x6] =	stream.indirect_vreg.gather [hbm4b:s10+s17], $0x80, v3, vm0, $0xb8;
	[tilespmem:$0x18200] =	vst v63  }
0x4e6: {  	v3 =	vld [tilespmem:s18+$0x270]  }
0x4e7: {  	v4 =	vld [tilespmem:s18+$0xC270]  }
0x4e8: {  	v5 =	vld [tilespmem:s18+$0x200]  }
0x4e9: {  	v6 =	vld [tilespmem:s18+$0xC200]  }
0x4ea: {  	v7 =	vld [tilespmem:s18+$0x210]  }
0x4eb: {  	v8 =	vld [tilespmem:s18+$0xC210]  }
0x4ec: {  	v9 =	vld [tilespmem:s18+$0x220]  }
0x4ed: {  	v10 =	vld [tilespmem:s18+$0xC220]  }
0x4ee: {  	v4 =	vadd.f32 v4, v3;
	v3 =	vld [tilespmem:s18+$0x230]  }
0x4ef: {  	v6 =	vadd.f32 v6, v5;
	v5 =	vld [tilespmem:s18+$0xC230]  }
0x4f0: {  	v7 =	vadd.f32 v8, v7;
	[tilespmem:s18+$0x270] =	vst v4;
	v4 =	vld [tilespmem:s18+$0x240]  }
0x4f1: {  	[tilespmem:s18+$0x200] =	vst v6;
	v6 =	vld [tilespmem:s18+$0xC240]  }
0x4f2: {  	s19 =	simm.s32 $0x0;
	s20 =	simm.s32 $0x400;
	s21 =	simm.s32 $0x80;
	v8 =	vadd.f32 v10, v9;
	[tilespmem:s18+$0x210] =	vst v7;
	v7 =	vld [tilespmem:s18+$0x250]  }
.LBB2_32:
0x4f3: {  	s23 =	sand.u32 $0x2000, s21;
	s24 =	sand.u32 $0x1C00, s20;
	v9 =	vld [tilespmem:s18+$0xC250];
	s17 =	sadd.s32 $0x10, s17  }
0x4f4: {  	s19 =	sadd.s32 $0x8, s19;
	s23 =	sor.u32 s24, s23;
	s24 =	sand.u32 $0x380, s17;
	[tilespmem:s18+$0x220] =	vst v8;
	v3 =	vadd.f32 v5, v3;
	v5 =	vld [tilespmem:s18+$0x260]  }
0x4f5: {  	p0 =	slt.u32 s19, $0x3F8;
	s23 =	sor.u32 s24, s23;
	v8 =	vld [tilespmem:s18+$0xC260]  }
0x4f6: {  	v10 =	vld [tilespmem:s23+$0x270];
	[tilespmem:s18+$0x230] =	vst v3;
	v3 =	vadd.f32 v6, v4  }
0x4f7: {  	v4 =	vld [tilespmem:s23+$0xC270]  }
0x4f8: {  	v6 =	vld [tilespmem:s23+$0x200];
	[tilespmem:s18+$0x240] =	vst v3;
	v3 =	vadd.f32 v9, v7  }
0x4f9: {  	v7 =	vld [tilespmem:s23+$0xC200]  }
0x4fa: {  	v9 =	vld [tilespmem:s23+$0x210];
	[tilespmem:s18+$0x250] =	vst v3;
	v3 =	vadd.f32 v8, v5  }
0x4fb: {  	v8 =	vld [tilespmem:s23+$0xC210]  }
0x4fc: {  	v11 =	vld [tilespmem:s23+$0x220];
	v4 =	vadd.f32 v4, v10;
	[tilespmem:s18+$0x260] =	vst v3;
	s18 =	smov.u32 s23  }
0x4fd: {  	v10 =	vld [tilespmem:s18+$0xC220]  }
.Ltmp15:
0x4fe: {  	v6 =	vadd.f32 v7, v6;
	v3 =	vld [tilespmem:s18+$0x230];
	[tilespmem:s18+$0x270] =	vst v4;
	(pc) =	sbr.rel @p0 .LBB2_32-.Ltmp15, $4  }
0x4ff: {  	v5 =	vld [tilespmem:s18+$0xC230]  }
0x500: {  	[tilespmem:s18+$0x200] =	vst v6;
	v7 =	vadd.f32 v8, v9;
	v4 =	vld [tilespmem:s18+$0x240]  }
0x501: {  	v6 =	vld [tilespmem:s18+$0xC240]  }
0x502: {  	s20 =	sadd.s32 $0x400, s20;
	s21 =	sadd.s32 $0x80, s21;
	[tilespmem:s18+$0x210] =	vst v7;
	v8 =	vadd.f32 v10, v11;
	v7 =	vld [tilespmem:s18+$0x250]  }
0x503: {  	v9 =	vld [tilespmem:s18+$0xC250]  }
0x504: {  	v10 =	vld [tilespmem:s18+$0x260]  }
0x505: {  	v11 =	vld [tilespmem:s18+$0xC260];
	_ =	sdelay $0x1  }
0x506: {  	v3 =	vadd.f32 v5, v3  }
0x507: {  	[tilespmem:s18+$0x220] =	vst v8;
	v4 =	vadd.f32 v6, v4  }
0x508: {  	[tilespmem:s18+$0x230] =	vst v3;
	v3 =	vadd.f32 v9, v7  }
0x509: {  	[tilespmem:s18+$0x240] =	vst v4;
	v4 =	vadd.f32 v11, v10  }
0x50a: {  	[tilespmem:s18+$0x250] =	vst v3  }
0x50b: {  	[tilespmem:s18+$0x260] =	vst v4  }
0x50c: {  	s18 =	sld [smem:$0x7D9];
	_ =	sdelay $0x1  }
0x50d: {  	s17 =	simm.s32 $0x0  }
0x50e: {  	[hbm4b:s18+s17] =	stream.linear.scatter [tilespmem:s13], [sflag:$0x7], $0x4000, $0x38;
	[tilespmem:$0x18200] =	vst v63  }
0x50f: {  	_ =	swait.ge [sflag:s11], $0x4000  }
0x510: {  	[sflag:s11] =	ssyncset.done $0x0  }
0x511: {  	[sflag:s11] =	ssyncadd.s32 $0xFFFFC000  }
0x512: {  	_ =	swait.ge [sflag:s12], $0x4000  }
0x513: {  	[sflag:s12] =	ssyncset.done $0x0  }
0x514: {  	[sflag:s12] =	ssyncadd.s32 $0xFFFFC000  }
0x515: {  	_ =	swait.ge [sflag:s4], $0x4000  }
0x516: {  	s24 =	sld [smem:$0x7DE]  }
0x517: {  	[sflag:s4] =	ssyncset.done $0x0  }
0x518: {  	[sflag:s4] =	ssyncadd.s32 $0xFFFFC000  }
0x519: {  	[tilespmem:s13], [sflag:$0x1] =	stream.linear.gather [hbm4b:s24+s17], $0x4000, $0x38;
	[tilespmem:$0x18200] =	vst v63  }
0x51a: {  	v3 =	vld [tilespmem:$0x120];
	_ =	sdelay $0x4  }
0x51b: {  	v4 =	vshll.u32 v3, $0x3  }
0x51c: {  	v3 =	vand.u32 $0x7, v3;
	v4 =	vand.u32 $0xFFFFFFC0, v4  }
0x51d: {  	v3 =	vor.u32 v3, v4  }
0x51e: {  	v4 =	vperm.xlane v3, v0;
	_ =	sdelay $0x1  }
0x51f: {  	v4 =	vadd.s32 v1, v4;
	_ =	sdelay $0x3  }
0x520: {  	s19 =	simm.s32 $0xC200  }
0x521: {  	[tilespmem:s19], [sflag:$0x4] =	stream.indirect_vreg.gather [hbm4b:s7+s17], $0x80, v4, vm0, $0xb8;
	[tilespmem:$0x18200] =	vst v63  }
0x522: {  	s20 =	simm.s32 $0xCA00;
	v3 =	vperm.xlane v3, v2  }
0x523: {  	[tilespmem:s20], [sflag:$0x4] =	stream.indirect_vreg.gather [hbm4b:s8+s17], $0x80, v4, vm0, $0xb8;
	[tilespmem:$0x18200] =	vst v63  }
0x524: {  	s21 =	simm.s32 $0xD200;
	v3 =	vadd.s32 v1, v3  }
0x525: {  	[tilespmem:s21], [sflag:$0x4] =	stream.indirect_vreg.gather [hbm4b:s9+s17], $0x80, v4, vm0, $0xb8;
	[tilespmem:$0x18200] =	vst v63  }
0x526: {  	s23 =	simm.s32 $0xDA00  }
0x527: {  	[tilespmem:s23], [sflag:$0x4] =	stream.indirect_vreg.gather [hbm4b:s10+s17], $0x80, v4, vm0, $0xb8;
	[tilespmem:$0x18200] =	vst v63  }
0x528: {  	s24 =	simm.s32 $0xE200  }
0x529: {  	[tilespmem:s24], [sflag:$0x4] =	stream.indirect_vreg.gather [hbm4b:s7+s17], $0x80, v3, vm0, $0xb8;
	[tilespmem:$0x18200] =	vst v63  }
0x52a: {  	s19 =	simm.s32 $0xEA00  }
0x52b: {  	[tilespmem:s19], [sflag:$0x4] =	stream.indirect_vreg.gather [hbm4b:s8+s17], $0x80, v3, vm0, $0xb8;
	[tilespmem:$0x18200] =	vst v63  }
0x52c: {  	s23 =	sand.u32 $0x2000, s17;
	s19 =	sand.u32 $0x1C00, s17  }
0x52d: {  	s20 =	simm.s32 $0xF200;
	s24 =	sand.u32 $0x380, s17;
	s18 =	sor.u32 s19, s23  }
0x52e: {  	[tilespmem:s20], [sflag:$0x4] =	stream.indirect_vreg.gather [hbm4b:s9+s17], $0x80, v3, vm0, $0xb8;
	[tilespmem:$0x18200] =	vst v63  }
0x52f: {  	s21 =	simm.s32 $0xFA00;
	s18 =	sor.u32 s24, s18  }
0x530: {  	[tilespmem:s21], [sflag:$0x4] =	stream.indirect_vreg.gather [hbm4b:s10+s17], $0x80, v3, vm0, $0xb8;
	[tilespmem:$0x18200] =	vst v63  }
0x531: {  	v3 =	vld [tilespmem:s18+$0x4270]  }
0x532: {  	v4 =	vld [tilespmem:s18+$0x10270]  }
0x533: {  	v5 =	vld [tilespmem:s18+$0x4200]  }
0x534: {  	v6 =	vld [tilespmem:s18+$0x10200]  }
0x535: {  	v7 =	vld [tilespmem:s18+$0x4210]  }
0x536: {  	v8 =	vld [tilespmem:s18+$0x10210]  }
0x537: {  	v9 =	vld [tilespmem:s18+$0x4220]  }
0x538: {  	v10 =	vld [tilespmem:s18+$0x10220]  }
0x539: {  	v4 =	vadd.f32 v4, v3;
	v3 =	vld [tilespmem:s18+$0x4230]  }
0x53a: {  	v6 =	vadd.f32 v6, v5;
	v5 =	vld [tilespmem:s18+$0x10230]  }
0x53b: {  	v7 =	vadd.f32 v8, v7;
	[tilespmem:s18+$0x4270] =	vst v4;
	v4 =	vld [tilespmem:s18+$0x4240]  }
0x53c: {  	[tilespmem:s18+$0x4200] =	vst v6;
	v6 =	vld [tilespmem:s18+$0x10240]  }
0x53d: {  	s19 =	simm.s32 $0x0;
	s20 =	simm.s32 $0x400;
	s21 =	simm.s32 $0x80;
	v8 =	vadd.f32 v10, v9;
	[tilespmem:s18+$0x4210] =	vst v7;
	v7 =	vld [tilespmem:s18+$0x4250]  }
.LBB2_34:
0x53e: {  	s23 =	sand.u32 $0x2000, s21;
	s24 =	sand.u32 $0x1C00, s20;
	v9 =	vld [tilespmem:s18+$0x10250];
	s17 =	sadd.s32 $0x10, s17  }
0x53f: {  	s19 =	sadd.s32 $0x8, s19;
	s23 =	sor.u32 s24, s23;
	s24 =	sand.u32 $0x380, s17;
	[tilespmem:s18+$0x4220] =	vst v8;
	v3 =	vadd.f32 v5, v3;
	v5 =	vld [tilespmem:s18+$0x4260]  }
0x540: {  	p0 =	slt.u32 s19, $0x3F8;
	s23 =	sor.u32 s24, s23;
	v8 =	vld [tilespmem:s18+$0x10260]  }
0x541: {  	v10 =	vld [tilespmem:s23+$0x4270];
	[tilespmem:s18+$0x4230] =	vst v3;
	v3 =	vadd.f32 v6, v4  }
0x542: {  	v4 =	vld [tilespmem:s23+$0x10270]  }
0x543: {  	v6 =	vld [tilespmem:s23+$0x4200];
	[tilespmem:s18+$0x4240] =	vst v3;
	v3 =	vadd.f32 v9, v7  }
0x544: {  	v7 =	vld [tilespmem:s23+$0x10200]  }
0x545: {  	v9 =	vld [tilespmem:s23+$0x4210];
	[tilespmem:s18+$0x4250] =	vst v3;
	v3 =	vadd.f32 v8, v5  }
0x546: {  	v8 =	vld [tilespmem:s23+$0x10210]  }
0x547: {  	v11 =	vld [tilespmem:s23+$0x4220];
	v4 =	vadd.f32 v4, v10;
	[tilespmem:s18+$0x4260] =	vst v3;
	s18 =	smov.u32 s23  }
0x548: {  	v10 =	vld [tilespmem:s18+$0x10220]  }
.Ltmp16:
0x549: {  	v6 =	vadd.f32 v7, v6;
	v3 =	vld [tilespmem:s18+$0x4230];
	[tilespmem:s18+$0x4270] =	vst v4;
	(pc) =	sbr.rel @p0 .LBB2_34-.Ltmp16, $4  }
0x54a: {  	v5 =	vld [tilespmem:s18+$0x10230]  }
0x54b: {  	[tilespmem:s18+$0x4200] =	vst v6;
	v7 =	vadd.f32 v8, v9;
	v4 =	vld [tilespmem:s18+$0x4240]  }
0x54c: {  	v6 =	vld [tilespmem:s18+$0x10240]  }
0x54d: {  	s20 =	sadd.s32 $0x400, s20;
	s21 =	sadd.s32 $0x80, s21;
	[tilespmem:s18+$0x4210] =	vst v7;
	v8 =	vadd.f32 v10, v11;
	v7 =	vld [tilespmem:s18+$0x4250]  }
0x54e: {  	v9 =	vld [tilespmem:s18+$0x10250]  }
0x54f: {  	v10 =	vld [tilespmem:s18+$0x4260]  }
0x550: {  	v11 =	vld [tilespmem:s18+$0x10260];
	_ =	sdelay $0x1  }
0x551: {  	v3 =	vadd.f32 v5, v3  }
0x552: {  	[tilespmem:s18+$0x4220] =	vst v8;
	v4 =	vadd.f32 v6, v4  }
0x553: {  	[tilespmem:s18+$0x4230] =	vst v3;
	v3 =	vadd.f32 v9, v7  }
0x554: {  	[tilespmem:s18+$0x4240] =	vst v4;
	v4 =	vadd.f32 v11, v10  }
0x555: {  	[tilespmem:s18+$0x4250] =	vst v3  }
0x556: {  	[tilespmem:s18+$0x4260] =	vst v4  }
0x557: {  	s18 =	sld [smem:$0x7DB];
	_ =	sdelay $0x1  }
0x558: {  	s17 =	simm.s32 $0x0  }
0x559: {  	[hbm4b:s18+s17] =	stream.linear.scatter [tilespmem:s22], [sflag:$0x8], $0x4000, $0x38;
	[tilespmem:$0x18200] =	vst v63  }
0x55a: {  	_ =	swait.ge [sflag:s5], $0x4000  }
0x55b: {  	[sflag:s5] =	ssyncset.done $0x0  }
0x55c: {  	[sflag:s5] =	ssyncadd.s32 $0xFFFFC000  }
0x55d: {  	_ =	swait.ge [sflag:s6], $0x4000  }
0x55e: {  	[sflag:s6] =	ssyncset.done $0x0  }
0x55f: {  	[sflag:s6] =	ssyncadd.s32 $0xFFFFC000  }
0x560: {  	_ =	swait.ge [sflag:s14], $0x4000  }
0x561: {  	s19 =	sld [smem:$0x7E0]  }
0x562: {  	[sflag:s14] =	ssyncset.done $0x0  }
0x563: {  	[sflag:s14] =	ssyncadd.s32 $0xFFFFC000  }
0x564: {  	[tilespmem:s22], [sflag:$0x2] =	stream.linear.gather [hbm4b:s19+s17], $0x4000, $0x38;
	[tilespmem:$0x18200] =	vst v63  }
0x565: {  	v3 =	vld [tilespmem:$0x130];
	_ =	sdelay $0x4  }
0x566: {  	v4 =	vshll.u32 v3, $0x3  }
0x567: {  	v3 =	vand.u32 $0x7, v3;
	v4 =	vand.u32 $0xFFFFFFC0, v4  }
0x568: {  	v3 =	vor.u32 v3, v4  }
0x569: {  	v4 =	vperm.xlane v3, v0;
	_ =	sdelay $0x1  }
0x56a: {  	v4 =	vadd.s32 v1, v4;
	_ =	sdelay $0x3  }
0x56b: {  	s20 =	simm.s32 $0x10200  }
0x56c: {  	[tilespmem:s20], [sflag:$0x5] =	stream.indirect_vreg.gather [hbm4b:s7+s17], $0x80, v4, vm0, $0xb8;
	[tilespmem:$0x18200] =	vst v63  }
0x56d: {  	s21 =	simm.s32 $0x10A00;
	v3 =	vperm.xlane v3, v2  }
0x56e: {  	[tilespmem:s21], [sflag:$0x5] =	stream.indirect_vreg.gather [hbm4b:s8+s17], $0x80, v4, vm0, $0xb8;
	[tilespmem:$0x18200] =	vst v63  }
0x56f: {  	v3 =	vadd.s32 v1, v3  }
0x570: {  	[tilespmem:s25], [sflag:$0x5] =	stream.indirect_vreg.gather [hbm4b:s9+s17], $0x80, v4, vm0, $0xb8;
	[tilespmem:$0x18200] =	vst v63  }
0x571: {  	_ = 	snop  }
0x572: {  	[tilespmem:s26], [sflag:$0x5] =	stream.indirect_vreg.gather [hbm4b:s10+s17], $0x80, v4, vm0, $0xb8;
	[tilespmem:$0x18200] =	vst v63  }
0x573: {  	_ = 	snop  }
0x574: {  	[tilespmem:s28], [sflag:$0x5] =	stream.indirect_vreg.gather [hbm4b:s7+s17], $0x80, v3, vm0, $0xb8;
	[tilespmem:$0x18200] =	vst v63  }
0x575: {  	s23 =	sand.u32 $0x2000, s17;
	s19 =	sand.u32 $0x1C00, s17  }
0x576: {  	[tilespmem:s29], [sflag:$0x5] =	stream.indirect_vreg.gather [hbm4b:s8+s17], $0x80, v3, vm0, $0xb8;
	[tilespmem:$0x18200] =	vst v63  }
0x577: {  	s24 =	sand.u32 $0x380, s17;
	s18 =	sor.u32 s19, s23  }
0x578: {  	[tilespmem:s30], [sflag:$0x5] =	stream.indirect_vreg.gather [hbm4b:s9+s17], $0x80, v3, vm0, $0xb8;
	[tilespmem:$0x18200] =	vst v63  }
0x579: {  	s18 =	sor.u32 s24, s18  }
0x57a: {  	[tilespmem:s31], [sflag:$0x5] =	stream.indirect_vreg.gather [hbm4b:s10+s17], $0x80, v3, vm0, $0xb8;
	[tilespmem:$0x18200] =	vst v63  }
0x57b: {  	v3 =	vld [tilespmem:s18+$0x8270]  }
0x57c: {  	v4 =	vld [tilespmem:s18+$0x14270]  }
0x57d: {  	v5 =	vld [tilespmem:s18+$0x8200]  }
0x57e: {  	v6 =	vld [tilespmem:s18+$0x14200]  }
0x57f: {  	v7 =	vld [tilespmem:s18+$0x8210]  }
0x580: {  	v8 =	vld [tilespmem:s18+$0x14210]  }
0x581: {  	v9 =	vld [tilespmem:s18+$0x8220]  }
0x582: {  	v10 =	vld [tilespmem:s18+$0x14220]  }
0x583: {  	v4 =	vadd.f32 v4, v3;
	v3 =	vld [tilespmem:s18+$0x8230]  }
0x584: {  	v6 =	vadd.f32 v6, v5;
	v5 =	vld [tilespmem:s18+$0x14230]  }
0x585: {  	v7 =	vadd.f32 v8, v7;
	[tilespmem:s18+$0x8270] =	vst v4;
	v4 =	vld [tilespmem:s18+$0x8240]  }
0x586: {  	[tilespmem:s18+$0x8200] =	vst v6;
	v6 =	vld [tilespmem:s18+$0x14240]  }
0x587: {  	s19 =	simm.s32 $0x0;
	s20 =	simm.s32 $0x400;
	s21 =	simm.s32 $0x80;
	v8 =	vadd.f32 v10, v9;
	[tilespmem:s18+$0x8210] =	vst v7;
	v7 =	vld [tilespmem:s18+$0x8250]  }
.LBB2_36:
0x588: {  	s23 =	sand.u32 $0x2000, s21;
	s24 =	sand.u32 $0x1C00, s20;
	v9 =	vld [tilespmem:s18+$0x14250];
	s17 =	sadd.s32 $0x10, s17  }
0x589: {  	s19 =	sadd.s32 $0x8, s19;
	s23 =	sor.u32 s24, s23;
	s24 =	sand.u32 $0x380, s17;
	[tilespmem:s18+$0x8220] =	vst v8;
	v3 =	vadd.f32 v5, v3;
	v5 =	vld [tilespmem:s18+$0x8260]  }
0x58a: {  	p0 =	slt.u32 s19, $0x3F8;
	s23 =	sor.u32 s24, s23;
	v8 =	vld [tilespmem:s18+$0x14260]  }
0x58b: {  	v10 =	vld [tilespmem:s23+$0x8270];
	[tilespmem:s18+$0x8230] =	vst v3;
	v3 =	vadd.f32 v6, v4  }
0x58c: {  	v4 =	vld [tilespmem:s23+$0x14270]  }
0x58d: {  	v6 =	vld [tilespmem:s23+$0x8200];
	[tilespmem:s18+$0x8240] =	vst v3;
	v3 =	vadd.f32 v9, v7  }
0x58e: {  	v7 =	vld [tilespmem:s23+$0x14200]  }
0x58f: {  	v9 =	vld [tilespmem:s23+$0x8210];
	[tilespmem:s18+$0x8250] =	vst v3;
	v3 =	vadd.f32 v8, v5  }
0x590: {  	v8 =	vld [tilespmem:s23+$0x14210]  }
0x591: {  	v11 =	vld [tilespmem:s23+$0x8220];
	v4 =	vadd.f32 v4, v10;
	[tilespmem:s18+$0x8260] =	vst v3;
	s18 =	smov.u32 s23  }
0x592: {  	v10 =	vld [tilespmem:s18+$0x14220]  }
.Ltmp17:
0x593: {  	v6 =	vadd.f32 v7, v6;
	v3 =	vld [tilespmem:s18+$0x8230];
	[tilespmem:s18+$0x8270] =	vst v4;
	(pc) =	sbr.rel @p0 .LBB2_36-.Ltmp17, $4  }
0x594: {  	v5 =	vld [tilespmem:s18+$0x14230]  }
0x595: {  	[tilespmem:s18+$0x8200] =	vst v6;
	v7 =	vadd.f32 v8, v9;
	v4 =	vld [tilespmem:s18+$0x8240]  }
0x596: {  	v6 =	vld [tilespmem:s18+$0x14240]  }
0x597: {  	s20 =	sadd.s32 $0x400, s20;
	s21 =	sadd.s32 $0x80, s21;
	[tilespmem:s18+$0x8210] =	vst v7;
	v8 =	vadd.f32 v10, v11;
	v7 =	vld [tilespmem:s18+$0x8250]  }
0x598: {  	v9 =	vld [tilespmem:s18+$0x14250]  }
0x599: {  	v10 =	vld [tilespmem:s18+$0x8260]  }
0x59a: {  	v11 =	vld [tilespmem:s18+$0x14260];
	_ =	sdelay $0x1  }
0x59b: {  	v3 =	vadd.f32 v5, v3  }
0x59c: {  	[tilespmem:s18+$0x8220] =	vst v8;
	v4 =	vadd.f32 v6, v4  }
0x59d: {  	[tilespmem:s18+$0x8230] =	vst v3;
	v3 =	vadd.f32 v9, v7  }
0x59e: {  	[tilespmem:s18+$0x8240] =	vst v4;
	v4 =	vadd.f32 v11, v10  }
0x59f: {  	[tilespmem:s18+$0x8250] =	vst v3  }
0x5a0: {  	[tilespmem:s18+$0x8260] =	vst v4  }
0x5a1: {  	s18 =	sld [smem:$0x7DD];
	_ =	sdelay $0x1  }
0x5a2: {  	s17 =	simm.s32 $0x0  }
0x5a3: {  	[hbm4b:s18+s17] =	stream.linear.scatter [tilespmem:s3], [sflag:$0x9], $0x4000, $0x38;
	[tilespmem:$0x18200] =	vst v63  }
0x5a4: {  	_ =	swait.ge [sflag:s0], $0x4000  }
0x5a5: {  	[sflag:s0] =	ssyncset.done $0x0  }
0x5a6: {  	[sflag:s0] =	ssyncadd.s32 $0xFFFFC000  }
0x5a7: {  	_ =	swait.ge [sflag:s2], $0x4000  }
0x5a8: {  	[sflag:s2] =	ssyncset.done $0x0  }
0x5a9: {  	[sflag:s2] =	ssyncadd.s32 $0xFFFFC000  }
0x5aa: {  	_ =	swait.ge [sflag:s15], $0x4000  }
0x5ab: {  	s24 =	sld [smem:$0x7E2]  }
0x5ac: {  	[sflag:s15] =	ssyncset.done $0x0  }
0x5ad: {  	[sflag:s15] =	ssyncadd.s32 $0xFFFFC000  }
0x5ae: {  	[tilespmem:s3], [sflag:$0x3] =	stream.linear.gather [hbm4b:s24+s17], $0x4000, $0x38;
	[tilespmem:$0x18200] =	vst v63  }
0x5af: {  	v3 =	vld [tilespmem:$0x140];
	_ =	sdelay $0x4  }
0x5b0: {  	v4 =	vshll.u32 v3, $0x3  }
0x5b1: {  	v3 =	vand.u32 $0x7, v3;
	v4 =	vand.u32 $0xFFFFFFC0, v4  }
0x5b2: {  	v3 =	vor.u32 v3, v4  }
0x5b3: {  	v4 =	vperm.xlane v3, v0;
	_ =	sdelay $0x1  }
0x5b4: {  	v4 =	vadd.s32 v1, v4;
	_ =	sdelay $0x3  }
0x5b5: {  	s19 =	simm.s32 $0x14200  }
0x5b6: {  	[tilespmem:s19], [sflag:$0x6] =	stream.indirect_vreg.gather [hbm4b:s7+s17], $0x80, v4, vm0, $0xb8;
	[tilespmem:$0x18200] =	vst v63  }
0x5b7: {  	s20 =	simm.s32 $0x14A00;
	v3 =	vperm.xlane v3, v2  }
0x5b8: {  	[tilespmem:s20], [sflag:$0x6] =	stream.indirect_vreg.gather [hbm4b:s8+s17], $0x80, v4, vm0, $0xb8;
	[tilespmem:$0x18200] =	vst v63  }
0x5b9: {  	s21 =	simm.s32 $0x15200;
	v3 =	vadd.s32 v1, v3  }
0x5ba: {  	[tilespmem:s21], [sflag:$0x6] =	stream.indirect_vreg.gather [hbm4b:s9+s17], $0x80, v4, vm0, $0xb8;
	[tilespmem:$0x18200] =	vst v63  }
0x5bb: {  	s23 =	simm.s32 $0x15A00  }
0x5bc: {  	[tilespmem:s23], [sflag:$0x6] =	stream.indirect_vreg.gather [hbm4b:s10+s17], $0x80, v4, vm0, $0xb8;
	[tilespmem:$0x18200] =	vst v63  }
0x5bd: {  	s24 =	simm.s32 $0x16200  }
0x5be: {  	[tilespmem:s24], [sflag:$0x6] =	stream.indirect_vreg.gather [hbm4b:s7+s17], $0x80, v3, vm0, $0xb8;
	[tilespmem:$0x18200] =	vst v63  }
0x5bf: {  	s19 =	simm.s32 $0x16A00  }
0x5c0: {  	[tilespmem:s19], [sflag:$0x6] =	stream.indirect_vreg.gather [hbm4b:s8+s17], $0x80, v3, vm0, $0xb8;
	[tilespmem:$0x18200] =	vst v63  }
0x5c1: {  	s23 =	sand.u32 $0x2000, s17;
	s19 =	sand.u32 $0x1C00, s17  }
0x5c2: {  	s20 =	simm.s32 $0x17200;
	s24 =	sand.u32 $0x380, s17;
	s18 =	sor.u32 s19, s23  }
0x5c3: {  	[tilespmem:s20], [sflag:$0x6] =	stream.indirect_vreg.gather [hbm4b:s9+s17], $0x80, v3, vm0, $0xb8;
	[tilespmem:$0x18200] =	vst v63  }
0x5c4: {  	s21 =	simm.s32 $0x17A00;
	s18 =	sor.u32 s24, s18  }
0x5c5: {  	[tilespmem:s21], [sflag:$0x6] =	stream.indirect_vreg.gather [hbm4b:s10+s17], $0x80, v3, vm0, $0xb8;
	[tilespmem:$0x18200] =	vst v63  }
0x5c6: {  	v3 =	vld [tilespmem:s18+$0x270]  }
0x5c7: {  	v4 =	vld [tilespmem:s18+$0xC270]  }
0x5c8: {  	v5 =	vld [tilespmem:s18+$0x200]  }
0x5c9: {  	v6 =	vld [tilespmem:s18+$0xC200]  }
0x5ca: {  	v7 =	vld [tilespmem:s18+$0x210]  }
0x5cb: {  	v8 =	vld [tilespmem:s18+$0xC210]  }
0x5cc: {  	v9 =	vld [tilespmem:s18+$0x220]  }
0x5cd: {  	v10 =	vld [tilespmem:s18+$0xC220]  }
0x5ce: {  	v4 =	vadd.f32 v4, v3;
	v3 =	vld [tilespmem:s18+$0x230]  }
0x5cf: {  	v6 =	vadd.f32 v6, v5;
	v5 =	vld [tilespmem:s18+$0xC230]  }
0x5d0: {  	v7 =	vadd.f32 v8, v7;
	[tilespmem:s18+$0x270] =	vst v4;
	v4 =	vld [tilespmem:s18+$0x240]  }
0x5d1: {  	[tilespmem:s18+$0x200] =	vst v6;
	v6 =	vld [tilespmem:s18+$0xC240]  }
0x5d2: {  	s19 =	simm.s32 $0x0;
	s20 =	simm.s32 $0x400;
	s21 =	simm.s32 $0x80;
	v8 =	vadd.f32 v10, v9;
	[tilespmem:s18+$0x210] =	vst v7;
	v7 =	vld [tilespmem:s18+$0x250]  }
.LBB2_38:
0x5d3: {  	s23 =	sand.u32 $0x2000, s21;
	s24 =	sand.u32 $0x1C00, s20;
	v9 =	vld [tilespmem:s18+$0xC250];
	s17 =	sadd.s32 $0x10, s17  }
0x5d4: {  	s19 =	sadd.s32 $0x8, s19;
	s23 =	sor.u32 s24, s23;
	s24 =	sand.u32 $0x380, s17;
	[tilespmem:s18+$0x220] =	vst v8;
	v3 =	vadd.f32 v5, v3;
	v5 =	vld [tilespmem:s18+$0x260]  }
0x5d5: {  	p0 =	slt.u32 s19, $0x3F8;
	s23 =	sor.u32 s24, s23;
	v8 =	vld [tilespmem:s18+$0xC260]  }
0x5d6: {  	v10 =	vld [tilespmem:s23+$0x270];
	[tilespmem:s18+$0x230] =	vst v3;
	v3 =	vadd.f32 v6, v4  }
0x5d7: {  	v4 =	vld [tilespmem:s23+$0xC270]  }
0x5d8: {  	v6 =	vld [tilespmem:s23+$0x200];
	[tilespmem:s18+$0x240] =	vst v3;
	v3 =	vadd.f32 v9, v7  }
0x5d9: {  	v7 =	vld [tilespmem:s23+$0xC200]  }
0x5da: {  	v9 =	vld [tilespmem:s23+$0x210];
	[tilespmem:s18+$0x250] =	vst v3;
	v3 =	vadd.f32 v8, v5  }
0x5db: {  	v8 =	vld [tilespmem:s23+$0xC210]  }
0x5dc: {  	v11 =	vld [tilespmem:s23+$0x220];
	v4 =	vadd.f32 v4, v10;
	[tilespmem:s18+$0x260] =	vst v3;
	s18 =	smov.u32 s23  }
0x5dd: {  	v10 =	vld [tilespmem:s18+$0xC220]  }
.Ltmp18:
0x5de: {  	v6 =	vadd.f32 v7, v6;
	v3 =	vld [tilespmem:s18+$0x230];
	[tilespmem:s18+$0x270] =	vst v4;
	(pc) =	sbr.rel @p0 .LBB2_38-.Ltmp18, $4  }
0x5df: {  	v5 =	vld [tilespmem:s18+$0xC230]  }
0x5e0: {  	[tilespmem:s18+$0x200] =	vst v6;
	v7 =	vadd.f32 v8, v9;
	v4 =	vld [tilespmem:s18+$0x240]  }
0x5e1: {  	v6 =	vld [tilespmem:s18+$0xC240]  }
0x5e2: {  	s20 =	sadd.s32 $0x400, s20;
	s21 =	sadd.s32 $0x80, s21;
	[tilespmem:s18+$0x210] =	vst v7;
	v8 =	vadd.f32 v10, v11;
	v7 =	vld [tilespmem:s18+$0x250]  }
0x5e3: {  	v9 =	vld [tilespmem:s18+$0xC250]  }
0x5e4: {  	v10 =	vld [tilespmem:s18+$0x260]  }
0x5e5: {  	v11 =	vld [tilespmem:s18+$0xC260];
	_ =	sdelay $0x1  }
0x5e6: {  	v3 =	vadd.f32 v5, v3  }
0x5e7: {  	[tilespmem:s18+$0x220] =	vst v8;
	v4 =	vadd.f32 v6, v4  }
0x5e8: {  	[tilespmem:s18+$0x230] =	vst v3;
	v3 =	vadd.f32 v9, v7  }
0x5e9: {  	[tilespmem:s18+$0x240] =	vst v4;
	v4 =	vadd.f32 v11, v10  }
0x5ea: {  	[tilespmem:s18+$0x250] =	vst v3  }
0x5eb: {  	[tilespmem:s18+$0x260] =	vst v4  }
0x5ec: {  	s18 =	sld [smem:$0x7DF];
	_ =	sdelay $0x1  }
0x5ed: {  	s17 =	simm.s32 $0x0  }
0x5ee: {  	[hbm4b:s18+s17] =	stream.linear.scatter [tilespmem:s13], [sflag:$0x7], $0x4000, $0x38;
	[tilespmem:$0x18200] =	vst v63  }
0x5ef: {  	_ =	swait.ge [sflag:s11], $0x4000  }
0x5f0: {  	[sflag:s11] =	ssyncset.done $0x0  }
0x5f1: {  	[sflag:s11] =	ssyncadd.s32 $0xFFFFC000  }
0x5f2: {  	_ =	swait.ge [sflag:s12], $0x4000  }
0x5f3: {  	[sflag:s12] =	ssyncset.done $0x0  }
0x5f4: {  	[sflag:s12] =	ssyncadd.s32 $0xFFFFC000  }
0x5f5: {  	_ =	swait.ge [sflag:s4], $0x4000  }
0x5f6: {  	s24 =	sld [smem:$0x7E4]  }
0x5f7: {  	[sflag:s4] =	ssyncset.done $0x0  }
0x5f8: {  	[sflag:s4] =	ssyncadd.s32 $0xFFFFC000  }
0x5f9: {  	[tilespmem:s13], [sflag:$0x1] =	stream.linear.gather [hbm4b:s24+s17], $0x4000, $0x38;
	[tilespmem:$0x18200] =	vst v63  }
0x5fa: {  	v3 =	vld [tilespmem:$0x150];
	_ =	sdelay $0x4  }
0x5fb: {  	v4 =	vshll.u32 v3, $0x3  }
0x5fc: {  	v3 =	vand.u32 $0x7, v3;
	v4 =	vand.u32 $0xFFFFFFC0, v4  }
0x5fd: {  	v3 =	vor.u32 v3, v4  }
0x5fe: {  	v4 =	vperm.xlane v3, v0;
	_ =	sdelay $0x1  }
0x5ff: {  	v4 =	vadd.s32 v1, v4;
	_ =	sdelay $0x3  }
0x600: {  	s19 =	simm.s32 $0xC200  }
0x601: {  	[tilespmem:s19], [sflag:$0x4] =	stream.indirect_vreg.gather [hbm4b:s7+s17], $0x80, v4, vm0, $0xb8;
	[tilespmem:$0x18200] =	vst v63  }
0x602: {  	s20 =	simm.s32 $0xCA00;
	v3 =	vperm.xlane v3, v2  }
0x603: {  	[tilespmem:s20], [sflag:$0x4] =	stream.indirect_vreg.gather [hbm4b:s8+s17], $0x80, v4, vm0, $0xb8;
	[tilespmem:$0x18200] =	vst v63  }
0x604: {  	s21 =	simm.s32 $0xD200;
	v3 =	vadd.s32 v1, v3  }
0x605: {  	[tilespmem:s21], [sflag:$0x4] =	stream.indirect_vreg.gather [hbm4b:s9+s17], $0x80, v4, vm0, $0xb8;
	[tilespmem:$0x18200] =	vst v63  }
0x606: {  	s23 =	simm.s32 $0xDA00  }
0x607: {  	[tilespmem:s23], [sflag:$0x4] =	stream.indirect_vreg.gather [hbm4b:s10+s17], $0x80, v4, vm0, $0xb8;
	[tilespmem:$0x18200] =	vst v63  }
0x608: {  	s24 =	simm.s32 $0xE200  }
0x609: {  	[tilespmem:s24], [sflag:$0x4] =	stream.indirect_vreg.gather [hbm4b:s7+s17], $0x80, v3, vm0, $0xb8;
	[tilespmem:$0x18200] =	vst v63  }
0x60a: {  	s19 =	simm.s32 $0xEA00  }
0x60b: {  	[tilespmem:s19], [sflag:$0x4] =	stream.indirect_vreg.gather [hbm4b:s8+s17], $0x80, v3, vm0, $0xb8;
	[tilespmem:$0x18200] =	vst v63  }
0x60c: {  	s23 =	sand.u32 $0x2000, s17;
	s19 =	sand.u32 $0x1C00, s17  }
0x60d: {  	s20 =	simm.s32 $0xF200;
	s24 =	sand.u32 $0x380, s17;
	s18 =	sor.u32 s19, s23  }
0x60e: {  	[tilespmem:s20], [sflag:$0x4] =	stream.indirect_vreg.gather [hbm4b:s9+s17], $0x80, v3, vm0, $0xb8;
	[tilespmem:$0x18200] =	vst v63  }
0x60f: {  	s21 =	simm.s32 $0xFA00;
	s18 =	sor.u32 s24, s18  }
0x610: {  	[tilespmem:s21], [sflag:$0x4] =	stream.indirect_vreg.gather [hbm4b:s10+s17], $0x80, v3, vm0, $0xb8;
	[tilespmem:$0x18200] =	vst v63  }
0x611: {  	v3 =	vld [tilespmem:s18+$0x4270]  }
0x612: {  	v4 =	vld [tilespmem:s18+$0x10270]  }
0x613: {  	v5 =	vld [tilespmem:s18+$0x4200]  }
0x614: {  	v6 =	vld [tilespmem:s18+$0x10200]  }
0x615: {  	v7 =	vld [tilespmem:s18+$0x4210]  }
0x616: {  	v8 =	vld [tilespmem:s18+$0x10210]  }
0x617: {  	v9 =	vld [tilespmem:s18+$0x4220]  }
0x618: {  	v10 =	vld [tilespmem:s18+$0x10220]  }
0x619: {  	v4 =	vadd.f32 v4, v3;
	v3 =	vld [tilespmem:s18+$0x4230]  }
0x61a: {  	v6 =	vadd.f32 v6, v5;
	v5 =	vld [tilespmem:s18+$0x10230]  }
0x61b: {  	v7 =	vadd.f32 v8, v7;
	[tilespmem:s18+$0x4270] =	vst v4;
	v4 =	vld [tilespmem:s18+$0x4240]  }
0x61c: {  	[tilespmem:s18+$0x4200] =	vst v6;
	v6 =	vld [tilespmem:s18+$0x10240]  }
0x61d: {  	s19 =	simm.s32 $0x0;
	s20 =	simm.s32 $0x400;
	s21 =	simm.s32 $0x80;
	v8 =	vadd.f32 v10, v9;
	[tilespmem:s18+$0x4210] =	vst v7;
	v7 =	vld [tilespmem:s18+$0x4250]  }
.LBB2_40:
0x61e: {  	s23 =	sand.u32 $0x2000, s21;
	s24 =	sand.u32 $0x1C00, s20;
	v9 =	vld [tilespmem:s18+$0x10250];
	s17 =	sadd.s32 $0x10, s17  }
0x61f: {  	s19 =	sadd.s32 $0x8, s19;
	s23 =	sor.u32 s24, s23;
	s24 =	sand.u32 $0x380, s17;
	[tilespmem:s18+$0x4220] =	vst v8;
	v3 =	vadd.f32 v5, v3;
	v5 =	vld [tilespmem:s18+$0x4260]  }
0x620: {  	p0 =	slt.u32 s19, $0x3F8;
	s23 =	sor.u32 s24, s23;
	v8 =	vld [tilespmem:s18+$0x10260]  }
0x621: {  	v10 =	vld [tilespmem:s23+$0x4270];
	[tilespmem:s18+$0x4230] =	vst v3;
	v3 =	vadd.f32 v6, v4  }
0x622: {  	v4 =	vld [tilespmem:s23+$0x10270]  }
0x623: {  	v6 =	vld [tilespmem:s23+$0x4200];
	[tilespmem:s18+$0x4240] =	vst v3;
	v3 =	vadd.f32 v9, v7  }
0x624: {  	v7 =	vld [tilespmem:s23+$0x10200]  }
0x625: {  	v9 =	vld [tilespmem:s23+$0x4210];
	[tilespmem:s18+$0x4250] =	vst v3;
	v3 =	vadd.f32 v8, v5  }
0x626: {  	v8 =	vld [tilespmem:s23+$0x10210]  }
0x627: {  	v11 =	vld [tilespmem:s23+$0x4220];
	v4 =	vadd.f32 v4, v10;
	[tilespmem:s18+$0x4260] =	vst v3;
	s18 =	smov.u32 s23  }
0x628: {  	v10 =	vld [tilespmem:s18+$0x10220]  }
.Ltmp19:
0x629: {  	v6 =	vadd.f32 v7, v6;
	v3 =	vld [tilespmem:s18+$0x4230];
	[tilespmem:s18+$0x4270] =	vst v4;
	(pc) =	sbr.rel @p0 .LBB2_40-.Ltmp19, $4  }
0x62a: {  	v5 =	vld [tilespmem:s18+$0x10230]  }
0x62b: {  	[tilespmem:s18+$0x4200] =	vst v6;
	v7 =	vadd.f32 v8, v9;
	v4 =	vld [tilespmem:s18+$0x4240]  }
0x62c: {  	v6 =	vld [tilespmem:s18+$0x10240]  }
0x62d: {  	s20 =	sadd.s32 $0x400, s20;
	s21 =	sadd.s32 $0x80, s21;
	[tilespmem:s18+$0x4210] =	vst v7;
	v8 =	vadd.f32 v10, v11;
	v7 =	vld [tilespmem:s18+$0x4250]  }
0x62e: {  	v9 =	vld [tilespmem:s18+$0x10250]  }
0x62f: {  	v10 =	vld [tilespmem:s18+$0x4260]  }
0x630: {  	v11 =	vld [tilespmem:s18+$0x10260];
	_ =	sdelay $0x1  }
0x631: {  	v3 =	vadd.f32 v5, v3  }
0x632: {  	[tilespmem:s18+$0x4220] =	vst v8;
	v4 =	vadd.f32 v6, v4  }
0x633: {  	[tilespmem:s18+$0x4230] =	vst v3;
	v3 =	vadd.f32 v9, v7  }
0x634: {  	[tilespmem:s18+$0x4240] =	vst v4;
	v4 =	vadd.f32 v11, v10  }
0x635: {  	[tilespmem:s18+$0x4250] =	vst v3  }
0x636: {  	[tilespmem:s18+$0x4260] =	vst v4  }
0x637: {  	s18 =	sld [smem:$0x7E1];
	_ =	sdelay $0x1  }
0x638: {  	s17 =	simm.s32 $0x0  }
0x639: {  	[hbm4b:s18+s17] =	stream.linear.scatter [tilespmem:s22], [sflag:$0x8], $0x4000, $0x38;
	[tilespmem:$0x18200] =	vst v63  }
0x63a: {  	_ =	swait.ge [sflag:s5], $0x4000  }
0x63b: {  	[sflag:s5] =	ssyncset.done $0x0  }
0x63c: {  	[sflag:s5] =	ssyncadd.s32 $0xFFFFC000  }
0x63d: {  	_ =	swait.ge [sflag:s6], $0x4000  }
0x63e: {  	[sflag:s6] =	ssyncset.done $0x0  }
0x63f: {  	[sflag:s6] =	ssyncadd.s32 $0xFFFFC000  }
0x640: {  	_ =	swait.ge [sflag:s14], $0x4000  }
0x641: {  	s19 =	sld [smem:$0x7E6]  }
0x642: {  	[sflag:s14] =	ssyncset.done $0x0  }
0x643: {  	[sflag:s14] =	ssyncadd.s32 $0xFFFFC000  }
0x644: {  	[tilespmem:s22], [sflag:$0x2] =	stream.linear.gather [hbm4b:s19+s17], $0x4000, $0x38;
	[tilespmem:$0x18200] =	vst v63  }
0x645: {  	v3 =	vld [tilespmem:$0x160];
	_ =	sdelay $0x4  }
0x646: {  	v4 =	vshll.u32 v3, $0x3  }
0x647: {  	v3 =	vand.u32 $0x7, v3;
	v4 =	vand.u32 $0xFFFFFFC0, v4  }
0x648: {  	v3 =	vor.u32 v3, v4  }
0x649: {  	v4 =	vperm.xlane v3, v0;
	_ =	sdelay $0x1  }
0x64a: {  	v4 =	vadd.s32 v1, v4;
	_ =	sdelay $0x3  }
0x64b: {  	s20 =	simm.s32 $0x10200  }
0x64c: {  	[tilespmem:s20], [sflag:$0x5] =	stream.indirect_vreg.gather [hbm4b:s7+s17], $0x80, v4, vm0, $0xb8;
	[tilespmem:$0x18200] =	vst v63  }
0x64d: {  	s21 =	simm.s32 $0x10A00;
	v3 =	vperm.xlane v3, v2  }
0x64e: {  	[tilespmem:s21], [sflag:$0x5] =	stream.indirect_vreg.gather [hbm4b:s8+s17], $0x80, v4, vm0, $0xb8;
	[tilespmem:$0x18200] =	vst v63  }
0x64f: {  	v3 =	vadd.s32 v1, v3  }
0x650: {  	[tilespmem:s25], [sflag:$0x5] =	stream.indirect_vreg.gather [hbm4b:s9+s17], $0x80, v4, vm0, $0xb8;
	[tilespmem:$0x18200] =	vst v63  }
0x651: {  	_ = 	snop  }
0x652: {  	[tilespmem:s26], [sflag:$0x5] =	stream.indirect_vreg.gather [hbm4b:s10+s17], $0x80, v4, vm0, $0xb8;
	[tilespmem:$0x18200] =	vst v63  }
0x653: {  	_ = 	snop  }
0x654: {  	[tilespmem:s28], [sflag:$0x5] =	stream.indirect_vreg.gather [hbm4b:s7+s17], $0x80, v3, vm0, $0xb8;
	[tilespmem:$0x18200] =	vst v63  }
0x655: {  	s23 =	sand.u32 $0x2000, s17;
	s19 =	sand.u32 $0x1C00, s17  }
0x656: {  	[tilespmem:s29], [sflag:$0x5] =	stream.indirect_vreg.gather [hbm4b:s8+s17], $0x80, v3, vm0, $0xb8;
	[tilespmem:$0x18200] =	vst v63  }
0x657: {  	s24 =	sand.u32 $0x380, s17;
	s18 =	sor.u32 s19, s23  }
0x658: {  	[tilespmem:s30], [sflag:$0x5] =	stream.indirect_vreg.gather [hbm4b:s9+s17], $0x80, v3, vm0, $0xb8;
	[tilespmem:$0x18200] =	vst v63  }
0x659: {  	s18 =	sor.u32 s24, s18  }
0x65a: {  	[tilespmem:s31], [sflag:$0x5] =	stream.indirect_vreg.gather [hbm4b:s10+s17], $0x80, v3, vm0, $0xb8;
	[tilespmem:$0x18200] =	vst v63  }
0x65b: {  	v3 =	vld [tilespmem:s18+$0x8270]  }
0x65c: {  	v4 =	vld [tilespmem:s18+$0x14270]  }
0x65d: {  	v5 =	vld [tilespmem:s18+$0x8200]  }
0x65e: {  	v6 =	vld [tilespmem:s18+$0x14200]  }
0x65f: {  	v7 =	vld [tilespmem:s18+$0x8210]  }
0x660: {  	v8 =	vld [tilespmem:s18+$0x14210]  }
0x661: {  	v9 =	vld [tilespmem:s18+$0x8220]  }
0x662: {  	v10 =	vld [tilespmem:s18+$0x14220]  }
0x663: {  	v4 =	vadd.f32 v4, v3;
	v3 =	vld [tilespmem:s18+$0x8230]  }
0x664: {  	v6 =	vadd.f32 v6, v5;
	v5 =	vld [tilespmem:s18+$0x14230]  }
0x665: {  	v7 =	vadd.f32 v8, v7;
	[tilespmem:s18+$0x8270] =	vst v4;
	v4 =	vld [tilespmem:s18+$0x8240]  }
0x666: {  	[tilespmem:s18+$0x8200] =	vst v6;
	v6 =	vld [tilespmem:s18+$0x14240]  }
0x667: {  	s19 =	simm.s32 $0x0;
	s20 =	simm.s32 $0x400;
	s21 =	simm.s32 $0x80;
	v8 =	vadd.f32 v10, v9;
	[tilespmem:s18+$0x8210] =	vst v7;
	v7 =	vld [tilespmem:s18+$0x8250]  }
.LBB2_42:
0x668: {  	s23 =	sand.u32 $0x2000, s21;
	s24 =	sand.u32 $0x1C00, s20;
	v9 =	vld [tilespmem:s18+$0x14250];
	s17 =	sadd.s32 $0x10, s17  }
0x669: {  	s19 =	sadd.s32 $0x8, s19;
	s23 =	sor.u32 s24, s23;
	s24 =	sand.u32 $0x380, s17;
	[tilespmem:s18+$0x8220] =	vst v8;
	v3 =	vadd.f32 v5, v3;
	v5 =	vld [tilespmem:s18+$0x8260]  }
0x66a: {  	p0 =	slt.u32 s19, $0x3F8;
	s23 =	sor.u32 s24, s23;
	v8 =	vld [tilespmem:s18+$0x14260]  }
0x66b: {  	v10 =	vld [tilespmem:s23+$0x8270];
	[tilespmem:s18+$0x8230] =	vst v3;
	v3 =	vadd.f32 v6, v4  }
0x66c: {  	v4 =	vld [tilespmem:s23+$0x14270]  }
0x66d: {  	v6 =	vld [tilespmem:s23+$0x8200];
	[tilespmem:s18+$0x8240] =	vst v3;
	v3 =	vadd.f32 v9, v7  }
0x66e: {  	v7 =	vld [tilespmem:s23+$0x14200]  }
0x66f: {  	v9 =	vld [tilespmem:s23+$0x8210];
	[tilespmem:s18+$0x8250] =	vst v3;
	v3 =	vadd.f32 v8, v5  }
0x670: {  	v8 =	vld [tilespmem:s23+$0x14210]  }
0x671: {  	v11 =	vld [tilespmem:s23+$0x8220];
	v4 =	vadd.f32 v4, v10;
	[tilespmem:s18+$0x8260] =	vst v3;
	s18 =	smov.u32 s23  }
0x672: {  	v10 =	vld [tilespmem:s18+$0x14220]  }
.Ltmp20:
0x673: {  	v6 =	vadd.f32 v7, v6;
	v3 =	vld [tilespmem:s18+$0x8230];
	[tilespmem:s18+$0x8270] =	vst v4;
	(pc) =	sbr.rel @p0 .LBB2_42-.Ltmp20, $4  }
0x674: {  	v5 =	vld [tilespmem:s18+$0x14230]  }
0x675: {  	[tilespmem:s18+$0x8200] =	vst v6;
	v7 =	vadd.f32 v8, v9;
	v4 =	vld [tilespmem:s18+$0x8240]  }
0x676: {  	v6 =	vld [tilespmem:s18+$0x14240]  }
0x677: {  	s20 =	sadd.s32 $0x400, s20;
	s21 =	sadd.s32 $0x80, s21;
	[tilespmem:s18+$0x8210] =	vst v7;
	v8 =	vadd.f32 v10, v11;
	v7 =	vld [tilespmem:s18+$0x8250]  }
0x678: {  	v9 =	vld [tilespmem:s18+$0x14250]  }
0x679: {  	v10 =	vld [tilespmem:s18+$0x8260]  }
0x67a: {  	v11 =	vld [tilespmem:s18+$0x14260];
	_ =	sdelay $0x1  }
0x67b: {  	v3 =	vadd.f32 v5, v3  }
0x67c: {  	[tilespmem:s18+$0x8220] =	vst v8;
	v4 =	vadd.f32 v6, v4  }
0x67d: {  	[tilespmem:s18+$0x8230] =	vst v3;
	v3 =	vadd.f32 v9, v7  }
0x67e: {  	[tilespmem:s18+$0x8240] =	vst v4;
	v4 =	vadd.f32 v11, v10  }
0x67f: {  	[tilespmem:s18+$0x8250] =	vst v3  }
0x680: {  	[tilespmem:s18+$0x8260] =	vst v4  }
0x681: {  	s18 =	sld [smem:$0x7E3];
	_ =	sdelay $0x1  }
0x682: {  	s17 =	simm.s32 $0x0  }
0x683: {  	[hbm4b:s18+s17] =	stream.linear.scatter [tilespmem:s3], [sflag:$0x9], $0x4000, $0x38;
	[tilespmem:$0x18200] =	vst v63  }
0x684: {  	_ =	swait.ge [sflag:s0], $0x4000  }
0x685: {  	[sflag:s0] =	ssyncset.done $0x0  }
0x686: {  	[sflag:s0] =	ssyncadd.s32 $0xFFFFC000  }
0x687: {  	_ =	swait.ge [sflag:s2], $0x4000  }
0x688: {  	[sflag:s2] =	ssyncset.done $0x0  }
0x689: {  	[sflag:s2] =	ssyncadd.s32 $0xFFFFC000  }
0x68a: {  	_ =	swait.ge [sflag:s15], $0x4000  }
0x68b: {  	s24 =	sld [smem:$0x7E8]  }
0x68c: {  	[sflag:s15] =	ssyncset.done $0x0  }
0x68d: {  	[sflag:s15] =	ssyncadd.s32 $0xFFFFC000  }
0x68e: {  	[tilespmem:s3], [sflag:$0x3] =	stream.linear.gather [hbm4b:s24+s17], $0x4000, $0x38;
	[tilespmem:$0x18200] =	vst v63  }
0x68f: {  	v3 =	vld [tilespmem:$0x170];
	_ =	sdelay $0x4  }
0x690: {  	v4 =	vshll.u32 v3, $0x3  }
0x691: {  	v3 =	vand.u32 $0x7, v3;
	v4 =	vand.u32 $0xFFFFFFC0, v4  }
0x692: {  	v3 =	vor.u32 v3, v4  }
0x693: {  	v4 =	vperm.xlane v3, v0;
	_ =	sdelay $0x1  }
0x694: {  	v4 =	vadd.s32 v1, v4;
	_ =	sdelay $0x3  }
0x695: {  	s19 =	simm.s32 $0x14200  }
0x696: {  	[tilespmem:s19], [sflag:$0x6] =	stream.indirect_vreg.gather [hbm4b:s7+s17], $0x80, v4, vm0, $0xb8;
	[tilespmem:$0x18200] =	vst v63  }
0x697: {  	s20 =	simm.s32 $0x14A00;
	v3 =	vperm.xlane v3, v2  }
0x698: {  	[tilespmem:s20], [sflag:$0x6] =	stream.indirect_vreg.gather [hbm4b:s8+s17], $0x80, v4, vm0, $0xb8;
	[tilespmem:$0x18200] =	vst v63  }
0x699: {  	s21 =	simm.s32 $0x15200;
	v3 =	vadd.s32 v1, v3  }
0x69a: {  	[tilespmem:s21], [sflag:$0x6] =	stream.indirect_vreg.gather [hbm4b:s9+s17], $0x80, v4, vm0, $0xb8;
	[tilespmem:$0x18200] =	vst v63  }
0x69b: {  	s23 =	simm.s32 $0x15A00  }
0x69c: {  	[tilespmem:s23], [sflag:$0x6] =	stream.indirect_vreg.gather [hbm4b:s10+s17], $0x80, v4, vm0, $0xb8;
	[tilespmem:$0x18200] =	vst v63  }
0x69d: {  	s24 =	simm.s32 $0x16200  }
0x69e: {  	[tilespmem:s24], [sflag:$0x6] =	stream.indirect_vreg.gather [hbm4b:s7+s17], $0x80, v3, vm0, $0xb8;
	[tilespmem:$0x18200] =	vst v63  }
0x69f: {  	s19 =	simm.s32 $0x16A00  }
0x6a0: {  	[tilespmem:s19], [sflag:$0x6] =	stream.indirect_vreg.gather [hbm4b:s8+s17], $0x80, v3, vm0, $0xb8;
	[tilespmem:$0x18200] =	vst v63  }
0x6a1: {  	s23 =	sand.u32 $0x2000, s17;
	s19 =	sand.u32 $0x1C00, s17  }
0x6a2: {  	s20 =	simm.s32 $0x17200;
	s24 =	sand.u32 $0x380, s17;
	s18 =	sor.u32 s19, s23  }
0x6a3: {  	[tilespmem:s20], [sflag:$0x6] =	stream.indirect_vreg.gather [hbm4b:s9+s17], $0x80, v3, vm0, $0xb8;
	[tilespmem:$0x18200] =	vst v63  }
0x6a4: {  	s21 =	simm.s32 $0x17A00;
	s18 =	sor.u32 s24, s18  }
0x6a5: {  	[tilespmem:s21], [sflag:$0x6] =	stream.indirect_vreg.gather [hbm4b:s10+s17], $0x80, v3, vm0, $0xb8;
	[tilespmem:$0x18200] =	vst v63  }
0x6a6: {  	v3 =	vld [tilespmem:s18+$0x270]  }
0x6a7: {  	v4 =	vld [tilespmem:s18+$0xC270]  }
0x6a8: {  	v5 =	vld [tilespmem:s18+$0x200]  }
0x6a9: {  	v6 =	vld [tilespmem:s18+$0xC200]  }
0x6aa: {  	v7 =	vld [tilespmem:s18+$0x210]  }
0x6ab: {  	v8 =	vld [tilespmem:s18+$0xC210]  }
0x6ac: {  	v9 =	vld [tilespmem:s18+$0x220]  }
0x6ad: {  	v10 =	vld [tilespmem:s18+$0xC220]  }
0x6ae: {  	v4 =	vadd.f32 v4, v3;
	v3 =	vld [tilespmem:s18+$0x230]  }
0x6af: {  	v6 =	vadd.f32 v6, v5;
	v5 =	vld [tilespmem:s18+$0xC230]  }
0x6b0: {  	v7 =	vadd.f32 v8, v7;
	[tilespmem:s18+$0x270] =	vst v4;
	v4 =	vld [tilespmem:s18+$0x240]  }
0x6b1: {  	[tilespmem:s18+$0x200] =	vst v6;
	v6 =	vld [tilespmem:s18+$0xC240]  }
0x6b2: {  	s19 =	simm.s32 $0x0;
	s20 =	simm.s32 $0x400;
	s21 =	simm.s32 $0x80;
	v8 =	vadd.f32 v10, v9;
	[tilespmem:s18+$0x210] =	vst v7;
	v7 =	vld [tilespmem:s18+$0x250]  }
.LBB2_44:
0x6b3: {  	s23 =	sand.u32 $0x2000, s21;
	s24 =	sand.u32 $0x1C00, s20;
	v9 =	vld [tilespmem:s18+$0xC250];
	s17 =	sadd.s32 $0x10, s17  }
0x6b4: {  	s19 =	sadd.s32 $0x8, s19;
	s23 =	sor.u32 s24, s23;
	s24 =	sand.u32 $0x380, s17;
	[tilespmem:s18+$0x220] =	vst v8;
	v3 =	vadd.f32 v5, v3;
	v5 =	vld [tilespmem:s18+$0x260]  }
0x6b5: {  	p0 =	slt.u32 s19, $0x3F8;
	s23 =	sor.u32 s24, s23;
	v8 =	vld [tilespmem:s18+$0xC260]  }
0x6b6: {  	v10 =	vld [tilespmem:s23+$0x270];
	[tilespmem:s18+$0x230] =	vst v3;
	v3 =	vadd.f32 v6, v4  }
0x6b7: {  	v4 =	vld [tilespmem:s23+$0xC270]  }
0x6b8: {  	v6 =	vld [tilespmem:s23+$0x200];
	[tilespmem:s18+$0x240] =	vst v3;
	v3 =	vadd.f32 v9, v7  }
0x6b9: {  	v7 =	vld [tilespmem:s23+$0xC200]  }
0x6ba: {  	v9 =	vld [tilespmem:s23+$0x210];
	[tilespmem:s18+$0x250] =	vst v3;
	v3 =	vadd.f32 v8, v5  }
0x6bb: {  	v8 =	vld [tilespmem:s23+$0xC210]  }
0x6bc: {  	v11 =	vld [tilespmem:s23+$0x220];
	v4 =	vadd.f32 v4, v10;
	[tilespmem:s18+$0x260] =	vst v3;
	s18 =	smov.u32 s23  }
0x6bd: {  	v10 =	vld [tilespmem:s18+$0xC220]  }
.Ltmp21:
0x6be: {  	v6 =	vadd.f32 v7, v6;
	v3 =	vld [tilespmem:s18+$0x230];
	[tilespmem:s18+$0x270] =	vst v4;
	(pc) =	sbr.rel @p0 .LBB2_44-.Ltmp21, $4  }
0x6bf: {  	v5 =	vld [tilespmem:s18+$0xC230]  }
0x6c0: {  	[tilespmem:s18+$0x200] =	vst v6;
	v7 =	vadd.f32 v8, v9;
	v4 =	vld [tilespmem:s18+$0x240]  }
0x6c1: {  	v6 =	vld [tilespmem:s18+$0xC240]  }
0x6c2: {  	s20 =	sadd.s32 $0x400, s20;
	s21 =	sadd.s32 $0x80, s21;
	[tilespmem:s18+$0x210] =	vst v7;
	v8 =	vadd.f32 v10, v11;
	v7 =	vld [tilespmem:s18+$0x250]  }
0x6c3: {  	v9 =	vld [tilespmem:s18+$0xC250]  }
0x6c4: {  	v10 =	vld [tilespmem:s18+$0x260]  }
0x6c5: {  	v11 =	vld [tilespmem:s18+$0xC260];
	_ =	sdelay $0x1  }
0x6c6: {  	v3 =	vadd.f32 v5, v3  }
0x6c7: {  	[tilespmem:s18+$0x220] =	vst v8;
	v4 =	vadd.f32 v6, v4  }
0x6c8: {  	[tilespmem:s18+$0x230] =	vst v3;
	v3 =	vadd.f32 v9, v7  }
0x6c9: {  	[tilespmem:s18+$0x240] =	vst v4;
	v4 =	vadd.f32 v11, v10  }
0x6ca: {  	[tilespmem:s18+$0x250] =	vst v3  }
0x6cb: {  	[tilespmem:s18+$0x260] =	vst v4  }
0x6cc: {  	s18 =	sld [smem:$0x7E5];
	_ =	sdelay $0x1  }
0x6cd: {  	s17 =	simm.s32 $0x0  }
0x6ce: {  	[hbm4b:s18+s17] =	stream.linear.scatter [tilespmem:s13], [sflag:$0x7], $0x4000, $0x38;
	[tilespmem:$0x18200] =	vst v63  }
0x6cf: {  	_ =	swait.ge [sflag:s11], $0x4000  }
0x6d0: {  	[sflag:s11] =	ssyncset.done $0x0  }
0x6d1: {  	[sflag:s11] =	ssyncadd.s32 $0xFFFFC000  }
0x6d2: {  	_ =	swait.ge [sflag:s12], $0x4000  }
0x6d3: {  	[sflag:s12] =	ssyncset.done $0x0  }
0x6d4: {  	[sflag:s12] =	ssyncadd.s32 $0xFFFFC000  }
0x6d5: {  	_ =	swait.ge [sflag:s4], $0x4000  }
0x6d6: {  	s24 =	sld [smem:$0x7EA]  }
0x6d7: {  	[sflag:s4] =	ssyncset.done $0x0  }
0x6d8: {  	[sflag:s4] =	ssyncadd.s32 $0xFFFFC000  }
0x6d9: {  	[tilespmem:s13], [sflag:$0x1] =	stream.linear.gather [hbm4b:s24+s17], $0x4000, $0x38;
	[tilespmem:$0x18200] =	vst v63  }
0x6da: {  	v3 =	vld [tilespmem:$0x180];
	_ =	sdelay $0x4  }
0x6db: {  	v4 =	vshll.u32 v3, $0x3  }
0x6dc: {  	v3 =	vand.u32 $0x7, v3;
	v4 =	vand.u32 $0xFFFFFFC0, v4  }
0x6dd: {  	v3 =	vor.u32 v3, v4  }
0x6de: {  	v4 =	vperm.xlane v3, v0;
	_ =	sdelay $0x1  }
0x6df: {  	v4 =	vadd.s32 v1, v4;
	_ =	sdelay $0x3  }
0x6e0: {  	s19 =	simm.s32 $0xC200  }
0x6e1: {  	[tilespmem:s19], [sflag:$0x4] =	stream.indirect_vreg.gather [hbm4b:s7+s17], $0x80, v4, vm0, $0xb8;
	[tilespmem:$0x18200] =	vst v63  }
0x6e2: {  	s20 =	simm.s32 $0xCA00;
	v3 =	vperm.xlane v3, v2  }
0x6e3: {  	[tilespmem:s20], [sflag:$0x4] =	stream.indirect_vreg.gather [hbm4b:s8+s17], $0x80, v4, vm0, $0xb8;
	[tilespmem:$0x18200] =	vst v63  }
0x6e4: {  	s21 =	simm.s32 $0xD200;
	v3 =	vadd.s32 v1, v3  }
0x6e5: {  	[tilespmem:s21], [sflag:$0x4] =	stream.indirect_vreg.gather [hbm4b:s9+s17], $0x80, v4, vm0, $0xb8;
	[tilespmem:$0x18200] =	vst v63  }
0x6e6: {  	s23 =	simm.s32 $0xDA00  }
0x6e7: {  	[tilespmem:s23], [sflag:$0x4] =	stream.indirect_vreg.gather [hbm4b:s10+s17], $0x80, v4, vm0, $0xb8;
	[tilespmem:$0x18200] =	vst v63  }
0x6e8: {  	s24 =	simm.s32 $0xE200  }
0x6e9: {  	[tilespmem:s24], [sflag:$0x4] =	stream.indirect_vreg.gather [hbm4b:s7+s17], $0x80, v3, vm0, $0xb8;
	[tilespmem:$0x18200] =	vst v63  }
0x6ea: {  	s19 =	simm.s32 $0xEA00  }
0x6eb: {  	[tilespmem:s19], [sflag:$0x4] =	stream.indirect_vreg.gather [hbm4b:s8+s17], $0x80, v3, vm0, $0xb8;
	[tilespmem:$0x18200] =	vst v63  }
0x6ec: {  	s23 =	sand.u32 $0x2000, s17;
	s19 =	sand.u32 $0x1C00, s17  }
0x6ed: {  	s20 =	simm.s32 $0xF200;
	s24 =	sand.u32 $0x380, s17;
	s18 =	sor.u32 s19, s23  }
0x6ee: {  	[tilespmem:s20], [sflag:$0x4] =	stream.indirect_vreg.gather [hbm4b:s9+s17], $0x80, v3, vm0, $0xb8;
	[tilespmem:$0x18200] =	vst v63  }
0x6ef: {  	s21 =	simm.s32 $0xFA00;
	s18 =	sor.u32 s24, s18  }
0x6f0: {  	[tilespmem:s21], [sflag:$0x4] =	stream.indirect_vreg.gather [hbm4b:s10+s17], $0x80, v3, vm0, $0xb8;
	[tilespmem:$0x18200] =	vst v63  }
0x6f1: {  	v3 =	vld [tilespmem:s18+$0x4270]  }
0x6f2: {  	v4 =	vld [tilespmem:s18+$0x10270]  }
0x6f3: {  	v5 =	vld [tilespmem:s18+$0x4200]  }
0x6f4: {  	v6 =	vld [tilespmem:s18+$0x10200]  }
0x6f5: {  	v7 =	vld [tilespmem:s18+$0x4210]  }
0x6f6: {  	v8 =	vld [tilespmem:s18+$0x10210]  }
0x6f7: {  	v9 =	vld [tilespmem:s18+$0x4220]  }
0x6f8: {  	v10 =	vld [tilespmem:s18+$0x10220]  }
0x6f9: {  	v4 =	vadd.f32 v4, v3;
	v3 =	vld [tilespmem:s18+$0x4230]  }
0x6fa: {  	v6 =	vadd.f32 v6, v5;
	v5 =	vld [tilespmem:s18+$0x10230]  }
0x6fb: {  	v7 =	vadd.f32 v8, v7;
	[tilespmem:s18+$0x4270] =	vst v4;
	v4 =	vld [tilespmem:s18+$0x4240]  }
0x6fc: {  	[tilespmem:s18+$0x4200] =	vst v6;
	v6 =	vld [tilespmem:s18+$0x10240]  }
0x6fd: {  	s19 =	simm.s32 $0x0;
	s20 =	simm.s32 $0x400;
	s21 =	simm.s32 $0x80;
	v8 =	vadd.f32 v10, v9;
	[tilespmem:s18+$0x4210] =	vst v7;
	v7 =	vld [tilespmem:s18+$0x4250]  }
.LBB2_46:
0x6fe: {  	s23 =	sand.u32 $0x2000, s21;
	s24 =	sand.u32 $0x1C00, s20;
	v9 =	vld [tilespmem:s18+$0x10250];
	s17 =	sadd.s32 $0x10, s17  }
0x6ff: {  	s19 =	sadd.s32 $0x8, s19;
	s23 =	sor.u32 s24, s23;
	s24 =	sand.u32 $0x380, s17;
	[tilespmem:s18+$0x4220] =	vst v8;
	v3 =	vadd.f32 v5, v3;
	v5 =	vld [tilespmem:s18+$0x4260]  }
0x700: {  	p0 =	slt.u32 s19, $0x3F8;
	s23 =	sor.u32 s24, s23;
	v8 =	vld [tilespmem:s18+$0x10260]  }
0x701: {  	v10 =	vld [tilespmem:s23+$0x4270];
	[tilespmem:s18+$0x4230] =	vst v3;
	v3 =	vadd.f32 v6, v4  }
0x702: {  	v4 =	vld [tilespmem:s23+$0x10270]  }
0x703: {  	v6 =	vld [tilespmem:s23+$0x4200];
	[tilespmem:s18+$0x4240] =	vst v3;
	v3 =	vadd.f32 v9, v7  }
0x704: {  	v7 =	vld [tilespmem:s23+$0x10200]  }
0x705: {  	v9 =	vld [tilespmem:s23+$0x4210];
	[tilespmem:s18+$0x4250] =	vst v3;
	v3 =	vadd.f32 v8, v5  }
0x706: {  	v8 =	vld [tilespmem:s23+$0x10210]  }
0x707: {  	v11 =	vld [tilespmem:s23+$0x4220];
	v4 =	vadd.f32 v4, v10;
	[tilespmem:s18+$0x4260] =	vst v3;
	s18 =	smov.u32 s23  }
0x708: {  	v10 =	vld [tilespmem:s18+$0x10220]  }
.Ltmp22:
0x709: {  	v6 =	vadd.f32 v7, v6;
	v3 =	vld [tilespmem:s18+$0x4230];
	[tilespmem:s18+$0x4270] =	vst v4;
	(pc) =	sbr.rel @p0 .LBB2_46-.Ltmp22, $4  }
0x70a: {  	v5 =	vld [tilespmem:s18+$0x10230]  }
0x70b: {  	[tilespmem:s18+$0x4200] =	vst v6;
	v7 =	vadd.f32 v8, v9;
	v4 =	vld [tilespmem:s18+$0x4240]  }
0x70c: {  	v6 =	vld [tilespmem:s18+$0x10240]  }
0x70d: {  	s20 =	sadd.s32 $0x400, s20;
	s21 =	sadd.s32 $0x80, s21;
	[tilespmem:s18+$0x4210] =	vst v7;
	v8 =	vadd.f32 v10, v11;
	v7 =	vld [tilespmem:s18+$0x4250]  }
0x70e: {  	v9 =	vld [tilespmem:s18+$0x10250]  }
0x70f: {  	v10 =	vld [tilespmem:s18+$0x4260]  }
0x710: {  	v11 =	vld [tilespmem:s18+$0x10260];
	_ =	sdelay $0x1  }
0x711: {  	v3 =	vadd.f32 v5, v3  }
0x712: {  	[tilespmem:s18+$0x4220] =	vst v8;
	v4 =	vadd.f32 v6, v4  }
0x713: {  	[tilespmem:s18+$0x4230] =	vst v3;
	v3 =	vadd.f32 v9, v7  }
0x714: {  	[tilespmem:s18+$0x4240] =	vst v4;
	v4 =	vadd.f32 v11, v10  }
0x715: {  	[tilespmem:s18+$0x4250] =	vst v3  }
0x716: {  	[tilespmem:s18+$0x4260] =	vst v4  }
0x717: {  	s18 =	sld [smem:$0x7E7];
	_ =	sdelay $0x1  }
0x718: {  	s17 =	simm.s32 $0x0  }
0x719: {  	[hbm4b:s18+s17] =	stream.linear.scatter [tilespmem:s22], [sflag:$0x8], $0x4000, $0x38;
	[tilespmem:$0x18200] =	vst v63  }
0x71a: {  	_ =	swait.ge [sflag:s5], $0x4000  }
0x71b: {  	[sflag:s5] =	ssyncset.done $0x0  }
0x71c: {  	[sflag:s5] =	ssyncadd.s32 $0xFFFFC000  }
0x71d: {  	_ =	swait.ge [sflag:s6], $0x4000  }
0x71e: {  	[sflag:s6] =	ssyncset.done $0x0  }
0x71f: {  	[sflag:s6] =	ssyncadd.s32 $0xFFFFC000  }
0x720: {  	_ =	swait.ge [sflag:s14], $0x4000  }
0x721: {  	s19 =	sld [smem:$0x7EC]  }
0x722: {  	[sflag:s14] =	ssyncset.done $0x0  }
0x723: {  	[sflag:s14] =	ssyncadd.s32 $0xFFFFC000  }
0x724: {  	[tilespmem:s22], [sflag:$0x2] =	stream.linear.gather [hbm4b:s19+s17], $0x4000, $0x38;
	[tilespmem:$0x18200] =	vst v63  }
0x725: {  	v3 =	vld [tilespmem:$0x190];
	_ =	sdelay $0x4  }
0x726: {  	v4 =	vshll.u32 v3, $0x3  }
0x727: {  	v3 =	vand.u32 $0x7, v3;
	v4 =	vand.u32 $0xFFFFFFC0, v4  }
0x728: {  	v3 =	vor.u32 v3, v4  }
0x729: {  	v4 =	vperm.xlane v3, v0;
	_ =	sdelay $0x1  }
0x72a: {  	v4 =	vadd.s32 v1, v4;
	_ =	sdelay $0x3  }
0x72b: {  	s20 =	simm.s32 $0x10200  }
0x72c: {  	[tilespmem:s20], [sflag:$0x5] =	stream.indirect_vreg.gather [hbm4b:s7+s17], $0x80, v4, vm0, $0xb8;
	[tilespmem:$0x18200] =	vst v63  }
0x72d: {  	s21 =	simm.s32 $0x10A00;
	v3 =	vperm.xlane v3, v2  }
0x72e: {  	[tilespmem:s21], [sflag:$0x5] =	stream.indirect_vreg.gather [hbm4b:s8+s17], $0x80, v4, vm0, $0xb8;
	[tilespmem:$0x18200] =	vst v63  }
0x72f: {  	v3 =	vadd.s32 v1, v3  }
0x730: {  	[tilespmem:s25], [sflag:$0x5] =	stream.indirect_vreg.gather [hbm4b:s9+s17], $0x80, v4, vm0, $0xb8;
	[tilespmem:$0x18200] =	vst v63  }
0x731: {  	_ = 	snop  }
0x732: {  	[tilespmem:s26], [sflag:$0x5] =	stream.indirect_vreg.gather [hbm4b:s10+s17], $0x80, v4, vm0, $0xb8;
	[tilespmem:$0x18200] =	vst v63  }
0x733: {  	_ = 	snop  }
0x734: {  	[tilespmem:s28], [sflag:$0x5] =	stream.indirect_vreg.gather [hbm4b:s7+s17], $0x80, v3, vm0, $0xb8;
	[tilespmem:$0x18200] =	vst v63  }
0x735: {  	s23 =	sand.u32 $0x2000, s17;
	s19 =	sand.u32 $0x1C00, s17  }
0x736: {  	[tilespmem:s29], [sflag:$0x5] =	stream.indirect_vreg.gather [hbm4b:s8+s17], $0x80, v3, vm0, $0xb8;
	[tilespmem:$0x18200] =	vst v63  }
0x737: {  	s24 =	sand.u32 $0x380, s17;
	s18 =	sor.u32 s19, s23  }
0x738: {  	[tilespmem:s30], [sflag:$0x5] =	stream.indirect_vreg.gather [hbm4b:s9+s17], $0x80, v3, vm0, $0xb8;
	[tilespmem:$0x18200] =	vst v63  }
0x739: {  	s18 =	sor.u32 s24, s18  }
0x73a: {  	[tilespmem:s31], [sflag:$0x5] =	stream.indirect_vreg.gather [hbm4b:s10+s17], $0x80, v3, vm0, $0xb8;
	[tilespmem:$0x18200] =	vst v63  }
0x73b: {  	v3 =	vld [tilespmem:s18+$0x8270]  }
0x73c: {  	v4 =	vld [tilespmem:s18+$0x14270]  }
0x73d: {  	v5 =	vld [tilespmem:s18+$0x8200]  }
0x73e: {  	v6 =	vld [tilespmem:s18+$0x14200]  }
0x73f: {  	v7 =	vld [tilespmem:s18+$0x8210]  }
0x740: {  	v8 =	vld [tilespmem:s18+$0x14210]  }
0x741: {  	v9 =	vld [tilespmem:s18+$0x8220]  }
0x742: {  	v10 =	vld [tilespmem:s18+$0x14220]  }
0x743: {  	v4 =	vadd.f32 v4, v3;
	v3 =	vld [tilespmem:s18+$0x8230]  }
0x744: {  	v6 =	vadd.f32 v6, v5;
	v5 =	vld [tilespmem:s18+$0x14230]  }
0x745: {  	v7 =	vadd.f32 v8, v7;
	[tilespmem:s18+$0x8270] =	vst v4;
	v4 =	vld [tilespmem:s18+$0x8240]  }
0x746: {  	[tilespmem:s18+$0x8200] =	vst v6;
	v6 =	vld [tilespmem:s18+$0x14240]  }
0x747: {  	s19 =	simm.s32 $0x0;
	s20 =	simm.s32 $0x400;
	s21 =	simm.s32 $0x80;
	v8 =	vadd.f32 v10, v9;
	[tilespmem:s18+$0x8210] =	vst v7;
	v7 =	vld [tilespmem:s18+$0x8250]  }
.LBB2_48:
0x748: {  	s23 =	sand.u32 $0x2000, s21;
	s24 =	sand.u32 $0x1C00, s20;
	v9 =	vld [tilespmem:s18+$0x14250];
	s17 =	sadd.s32 $0x10, s17  }
0x749: {  	s19 =	sadd.s32 $0x8, s19;
	s23 =	sor.u32 s24, s23;
	s24 =	sand.u32 $0x380, s17;
	[tilespmem:s18+$0x8220] =	vst v8;
	v3 =	vadd.f32 v5, v3;
	v5 =	vld [tilespmem:s18+$0x8260]  }
0x74a: {  	p0 =	slt.u32 s19, $0x3F8;
	s23 =	sor.u32 s24, s23;
	v8 =	vld [tilespmem:s18+$0x14260]  }
0x74b: {  	v10 =	vld [tilespmem:s23+$0x8270];
	[tilespmem:s18+$0x8230] =	vst v3;
	v3 =	vadd.f32 v6, v4  }
0x74c: {  	v4 =	vld [tilespmem:s23+$0x14270]  }
0x74d: {  	v6 =	vld [tilespmem:s23+$0x8200];
	[tilespmem:s18+$0x8240] =	vst v3;
	v3 =	vadd.f32 v9, v7  }
0x74e: {  	v7 =	vld [tilespmem:s23+$0x14200]  }
0x74f: {  	v9 =	vld [tilespmem:s23+$0x8210];
	[tilespmem:s18+$0x8250] =	vst v3;
	v3 =	vadd.f32 v8, v5  }
0x750: {  	v8 =	vld [tilespmem:s23+$0x14210]  }
0x751: {  	v11 =	vld [tilespmem:s23+$0x8220];
	v4 =	vadd.f32 v4, v10;
	[tilespmem:s18+$0x8260] =	vst v3;
	s18 =	smov.u32 s23  }
0x752: {  	v10 =	vld [tilespmem:s18+$0x14220]  }
.Ltmp23:
0x753: {  	v6 =	vadd.f32 v7, v6;
	v3 =	vld [tilespmem:s18+$0x8230];
	[tilespmem:s18+$0x8270] =	vst v4;
	(pc) =	sbr.rel @p0 .LBB2_48-.Ltmp23, $4  }
0x754: {  	v5 =	vld [tilespmem:s18+$0x14230]  }
0x755: {  	[tilespmem:s18+$0x8200] =	vst v6;
	v7 =	vadd.f32 v8, v9;
	v4 =	vld [tilespmem:s18+$0x8240]  }
0x756: {  	v6 =	vld [tilespmem:s18+$0x14240]  }
0x757: {  	s20 =	sadd.s32 $0x400, s20;
	s21 =	sadd.s32 $0x80, s21;
	[tilespmem:s18+$0x8210] =	vst v7;
	v8 =	vadd.f32 v10, v11;
	v7 =	vld [tilespmem:s18+$0x8250]  }
0x758: {  	v9 =	vld [tilespmem:s18+$0x14250]  }
0x759: {  	v10 =	vld [tilespmem:s18+$0x8260]  }
0x75a: {  	v11 =	vld [tilespmem:s18+$0x14260];
	_ =	sdelay $0x1  }
0x75b: {  	v3 =	vadd.f32 v5, v3  }
0x75c: {  	[tilespmem:s18+$0x8220] =	vst v8;
	v4 =	vadd.f32 v6, v4  }
0x75d: {  	[tilespmem:s18+$0x8230] =	vst v3;
	v3 =	vadd.f32 v9, v7  }
0x75e: {  	[tilespmem:s18+$0x8240] =	vst v4;
	v4 =	vadd.f32 v11, v10  }
0x75f: {  	[tilespmem:s18+$0x8250] =	vst v3  }
0x760: {  	[tilespmem:s18+$0x8260] =	vst v4  }
0x761: {  	s18 =	sld [smem:$0x7E9];
	_ =	sdelay $0x1  }
0x762: {  	s17 =	simm.s32 $0x0  }
0x763: {  	[hbm4b:s18+s17] =	stream.linear.scatter [tilespmem:s3], [sflag:$0x9], $0x4000, $0x38;
	[tilespmem:$0x18200] =	vst v63  }
0x764: {  	_ =	swait.ge [sflag:s0], $0x4000  }
0x765: {  	[sflag:s0] =	ssyncset.done $0x0  }
0x766: {  	[sflag:s0] =	ssyncadd.s32 $0xFFFFC000  }
0x767: {  	_ =	swait.ge [sflag:s2], $0x4000  }
0x768: {  	[sflag:s2] =	ssyncset.done $0x0  }
0x769: {  	[sflag:s2] =	ssyncadd.s32 $0xFFFFC000  }
0x76a: {  	_ =	swait.ge [sflag:s15], $0x4000  }
0x76b: {  	s24 =	sld [smem:$0x7EE]  }
0x76c: {  	[sflag:s15] =	ssyncset.done $0x0  }
0x76d: {  	[sflag:s15] =	ssyncadd.s32 $0xFFFFC000  }
0x76e: {  	[tilespmem:s3], [sflag:$0x3] =	stream.linear.gather [hbm4b:s24+s17], $0x4000, $0x38;
	[tilespmem:$0x18200] =	vst v63  }
0x76f: {  	v3 =	vld [tilespmem:$0x1A0];
	_ =	sdelay $0x4  }
0x770: {  	v4 =	vshll.u32 v3, $0x3  }
0x771: {  	v3 =	vand.u32 $0x7, v3;
	v4 =	vand.u32 $0xFFFFFFC0, v4  }
0x772: {  	v3 =	vor.u32 v3, v4  }
0x773: {  	v4 =	vperm.xlane v3, v0;
	_ =	sdelay $0x1  }
0x774: {  	v4 =	vadd.s32 v1, v4;
	_ =	sdelay $0x3  }
0x775: {  	s19 =	simm.s32 $0x14200  }
0x776: {  	[tilespmem:s19], [sflag:$0x6] =	stream.indirect_vreg.gather [hbm4b:s7+s17], $0x80, v4, vm0, $0xb8;
	[tilespmem:$0x18200] =	vst v63  }
0x777: {  	s20 =	simm.s32 $0x14A00;
	v3 =	vperm.xlane v3, v2  }
0x778: {  	[tilespmem:s20], [sflag:$0x6] =	stream.indirect_vreg.gather [hbm4b:s8+s17], $0x80, v4, vm0, $0xb8;
	[tilespmem:$0x18200] =	vst v63  }
0x779: {  	s21 =	simm.s32 $0x15200;
	v3 =	vadd.s32 v1, v3  }
0x77a: {  	[tilespmem:s21], [sflag:$0x6] =	stream.indirect_vreg.gather [hbm4b:s9+s17], $0x80, v4, vm0, $0xb8;
	[tilespmem:$0x18200] =	vst v63  }
0x77b: {  	s23 =	simm.s32 $0x15A00  }
0x77c: {  	[tilespmem:s23], [sflag:$0x6] =	stream.indirect_vreg.gather [hbm4b:s10+s17], $0x80, v4, vm0, $0xb8;
	[tilespmem:$0x18200] =	vst v63  }
0x77d: {  	s24 =	simm.s32 $0x16200  }
0x77e: {  	[tilespmem:s24], [sflag:$0x6] =	stream.indirect_vreg.gather [hbm4b:s7+s17], $0x80, v3, vm0, $0xb8;
	[tilespmem:$0x18200] =	vst v63  }
0x77f: {  	s19 =	simm.s32 $0x16A00  }
0x780: {  	[tilespmem:s19], [sflag:$0x6] =	stream.indirect_vreg.gather [hbm4b:s8+s17], $0x80, v3, vm0, $0xb8;
	[tilespmem:$0x18200] =	vst v63  }
0x781: {  	s23 =	sand.u32 $0x2000, s17;
	s19 =	sand.u32 $0x1C00, s17  }
0x782: {  	s20 =	simm.s32 $0x17200;
	s24 =	sand.u32 $0x380, s17;
	s18 =	sor.u32 s19, s23  }
0x783: {  	[tilespmem:s20], [sflag:$0x6] =	stream.indirect_vreg.gather [hbm4b:s9+s17], $0x80, v3, vm0, $0xb8;
	[tilespmem:$0x18200] =	vst v63  }
0x784: {  	s21 =	simm.s32 $0x17A00;
	s18 =	sor.u32 s24, s18  }
0x785: {  	[tilespmem:s21], [sflag:$0x6] =	stream.indirect_vreg.gather [hbm4b:s10+s17], $0x80, v3, vm0, $0xb8;
	[tilespmem:$0x18200] =	vst v63  }
0x786: {  	v3 =	vld [tilespmem:s18+$0x270]  }
0x787: {  	v4 =	vld [tilespmem:s18+$0xC270]  }
0x788: {  	v5 =	vld [tilespmem:s18+$0x200]  }
0x789: {  	v6 =	vld [tilespmem:s18+$0xC200]  }
0x78a: {  	v7 =	vld [tilespmem:s18+$0x210]  }
0x78b: {  	v8 =	vld [tilespmem:s18+$0xC210]  }
0x78c: {  	v9 =	vld [tilespmem:s18+$0x220]  }
0x78d: {  	v10 =	vld [tilespmem:s18+$0xC220]  }
0x78e: {  	v4 =	vadd.f32 v4, v3;
	v3 =	vld [tilespmem:s18+$0x230]  }
0x78f: {  	v6 =	vadd.f32 v6, v5;
	v5 =	vld [tilespmem:s18+$0xC230]  }
0x790: {  	v7 =	vadd.f32 v8, v7;
	[tilespmem:s18+$0x270] =	vst v4;
	v4 =	vld [tilespmem:s18+$0x240]  }
0x791: {  	[tilespmem:s18+$0x200] =	vst v6;
	v6 =	vld [tilespmem:s18+$0xC240]  }
0x792: {  	s19 =	simm.s32 $0x0;
	s20 =	simm.s32 $0x400;
	s21 =	simm.s32 $0x80;
	v8 =	vadd.f32 v10, v9;
	[tilespmem:s18+$0x210] =	vst v7;
	v7 =	vld [tilespmem:s18+$0x250]  }
.LBB2_50:
0x793: {  	s23 =	sand.u32 $0x2000, s21;
	s24 =	sand.u32 $0x1C00, s20;
	v9 =	vld [tilespmem:s18+$0xC250];
	s17 =	sadd.s32 $0x10, s17  }
0x794: {  	s19 =	sadd.s32 $0x8, s19;
	s23 =	sor.u32 s24, s23;
	s24 =	sand.u32 $0x380, s17;
	[tilespmem:s18+$0x220] =	vst v8;
	v3 =	vadd.f32 v5, v3;
	v5 =	vld [tilespmem:s18+$0x260]  }
0x795: {  	p0 =	slt.u32 s19, $0x3F8;
	s23 =	sor.u32 s24, s23;
	v8 =	vld [tilespmem:s18+$0xC260]  }
0x796: {  	v10 =	vld [tilespmem:s23+$0x270];
	[tilespmem:s18+$0x230] =	vst v3;
	v3 =	vadd.f32 v6, v4  }
0x797: {  	v4 =	vld [tilespmem:s23+$0xC270]  }
0x798: {  	v6 =	vld [tilespmem:s23+$0x200];
	[tilespmem:s18+$0x240] =	vst v3;
	v3 =	vadd.f32 v9, v7  }
0x799: {  	v7 =	vld [tilespmem:s23+$0xC200]  }
0x79a: {  	v9 =	vld [tilespmem:s23+$0x210];
	[tilespmem:s18+$0x250] =	vst v3;
	v3 =	vadd.f32 v8, v5  }
0x79b: {  	v8 =	vld [tilespmem:s23+$0xC210]  }
0x79c: {  	v11 =	vld [tilespmem:s23+$0x220];
	v4 =	vadd.f32 v4, v10;
	[tilespmem:s18+$0x260] =	vst v3;
	s18 =	smov.u32 s23  }
0x79d: {  	v10 =	vld [tilespmem:s18+$0xC220]  }
.Ltmp24:
0x79e: {  	v6 =	vadd.f32 v7, v6;
	v3 =	vld [tilespmem:s18+$0x230];
	[tilespmem:s18+$0x270] =	vst v4;
	(pc) =	sbr.rel @p0 .LBB2_50-.Ltmp24, $4  }
0x79f: {  	v5 =	vld [tilespmem:s18+$0xC230]  }
0x7a0: {  	[tilespmem:s18+$0x200] =	vst v6;
	v7 =	vadd.f32 v8, v9;
	v4 =	vld [tilespmem:s18+$0x240]  }
0x7a1: {  	v6 =	vld [tilespmem:s18+$0xC240]  }
0x7a2: {  	s20 =	sadd.s32 $0x400, s20;
	s21 =	sadd.s32 $0x80, s21;
	[tilespmem:s18+$0x210] =	vst v7;
	v8 =	vadd.f32 v10, v11;
	v7 =	vld [tilespmem:s18+$0x250]  }
0x7a3: {  	v9 =	vld [tilespmem:s18+$0xC250]  }
0x7a4: {  	v10 =	vld [tilespmem:s18+$0x260]  }
0x7a5: {  	v11 =	vld [tilespmem:s18+$0xC260];
	_ =	sdelay $0x1  }
0x7a6: {  	v3 =	vadd.f32 v5, v3  }
0x7a7: {  	[tilespmem:s18+$0x220] =	vst v8;
	v4 =	vadd.f32 v6, v4  }
0x7a8: {  	[tilespmem:s18+$0x230] =	vst v3;
	v3 =	vadd.f32 v9, v7  }
0x7a9: {  	[tilespmem:s18+$0x240] =	vst v4;
	v4 =	vadd.f32 v11, v10  }
0x7aa: {  	[tilespmem:s18+$0x250] =	vst v3  }
0x7ab: {  	[tilespmem:s18+$0x260] =	vst v4  }
0x7ac: {  	s18 =	sld [smem:$0x7EB];
	_ =	sdelay $0x1  }
0x7ad: {  	s17 =	simm.s32 $0x0  }
0x7ae: {  	[hbm4b:s18+s17] =	stream.linear.scatter [tilespmem:s13], [sflag:$0x7], $0x4000, $0x38;
	[tilespmem:$0x18200] =	vst v63  }
0x7af: {  	_ =	swait.ge [sflag:s11], $0x4000  }
0x7b0: {  	[sflag:s11] =	ssyncset.done $0x0  }
0x7b1: {  	[sflag:s11] =	ssyncadd.s32 $0xFFFFC000  }
0x7b2: {  	_ =	swait.ge [sflag:s12], $0x4000  }
0x7b3: {  	[sflag:s12] =	ssyncset.done $0x0  }
0x7b4: {  	[sflag:s12] =	ssyncadd.s32 $0xFFFFC000  }
0x7b5: {  	_ =	swait.ge [sflag:s4], $0x4000  }
0x7b6: {  	s24 =	sld [smem:$0x7F0]  }
0x7b7: {  	[sflag:s4] =	ssyncset.done $0x0  }
0x7b8: {  	[sflag:s4] =	ssyncadd.s32 $0xFFFFC000  }
0x7b9: {  	[tilespmem:s13], [sflag:$0x1] =	stream.linear.gather [hbm4b:s24+s17], $0x4000, $0x38;
	[tilespmem:$0x18200] =	vst v63  }
0x7ba: {  	v3 =	vld [tilespmem:$0x1B0];
	_ =	sdelay $0x4  }
0x7bb: {  	v4 =	vshll.u32 v3, $0x3  }
0x7bc: {  	v3 =	vand.u32 $0x7, v3;
	v4 =	vand.u32 $0xFFFFFFC0, v4  }
0x7bd: {  	v3 =	vor.u32 v3, v4  }
0x7be: {  	v4 =	vperm.xlane v3, v0;
	_ =	sdelay $0x1  }
0x7bf: {  	v4 =	vadd.s32 v1, v4;
	_ =	sdelay $0x3  }
0x7c0: {  	s19 =	simm.s32 $0xC200  }
0x7c1: {  	[tilespmem:s19], [sflag:$0x4] =	stream.indirect_vreg.gather [hbm4b:s7+s17], $0x80, v4, vm0, $0xb8;
	[tilespmem:$0x18200] =	vst v63  }
0x7c2: {  	s20 =	simm.s32 $0xCA00;
	v3 =	vperm.xlane v3, v2  }
0x7c3: {  	[tilespmem:s20], [sflag:$0x4] =	stream.indirect_vreg.gather [hbm4b:s8+s17], $0x80, v4, vm0, $0xb8;
	[tilespmem:$0x18200] =	vst v63  }
0x7c4: {  	s21 =	simm.s32 $0xD200;
	v3 =	vadd.s32 v1, v3  }
0x7c5: {  	[tilespmem:s21], [sflag:$0x4] =	stream.indirect_vreg.gather [hbm4b:s9+s17], $0x80, v4, vm0, $0xb8;
	[tilespmem:$0x18200] =	vst v63  }
0x7c6: {  	s23 =	simm.s32 $0xDA00  }
0x7c7: {  	[tilespmem:s23], [sflag:$0x4] =	stream.indirect_vreg.gather [hbm4b:s10+s17], $0x80, v4, vm0, $0xb8;
	[tilespmem:$0x18200] =	vst v63  }
0x7c8: {  	s24 =	simm.s32 $0xE200  }
0x7c9: {  	[tilespmem:s24], [sflag:$0x4] =	stream.indirect_vreg.gather [hbm4b:s7+s17], $0x80, v3, vm0, $0xb8;
	[tilespmem:$0x18200] =	vst v63  }
0x7ca: {  	s19 =	simm.s32 $0xEA00  }
0x7cb: {  	[tilespmem:s19], [sflag:$0x4] =	stream.indirect_vreg.gather [hbm4b:s8+s17], $0x80, v3, vm0, $0xb8;
	[tilespmem:$0x18200] =	vst v63  }
0x7cc: {  	s23 =	sand.u32 $0x2000, s17;
	s19 =	sand.u32 $0x1C00, s17  }
0x7cd: {  	s20 =	simm.s32 $0xF200;
	s24 =	sand.u32 $0x380, s17;
	s18 =	sor.u32 s19, s23  }
0x7ce: {  	[tilespmem:s20], [sflag:$0x4] =	stream.indirect_vreg.gather [hbm4b:s9+s17], $0x80, v3, vm0, $0xb8;
	[tilespmem:$0x18200] =	vst v63  }
0x7cf: {  	s21 =	simm.s32 $0xFA00;
	s18 =	sor.u32 s24, s18  }
0x7d0: {  	[tilespmem:s21], [sflag:$0x4] =	stream.indirect_vreg.gather [hbm4b:s10+s17], $0x80, v3, vm0, $0xb8;
	[tilespmem:$0x18200] =	vst v63  }
0x7d1: {  	v3 =	vld [tilespmem:s18+$0x4270]  }
0x7d2: {  	v4 =	vld [tilespmem:s18+$0x10270]  }
0x7d3: {  	v5 =	vld [tilespmem:s18+$0x4200]  }
0x7d4: {  	v6 =	vld [tilespmem:s18+$0x10200]  }
0x7d5: {  	v7 =	vld [tilespmem:s18+$0x4210]  }
0x7d6: {  	v8 =	vld [tilespmem:s18+$0x10210]  }
0x7d7: {  	v9 =	vld [tilespmem:s18+$0x4220]  }
0x7d8: {  	v10 =	vld [tilespmem:s18+$0x10220]  }
0x7d9: {  	v4 =	vadd.f32 v4, v3;
	v3 =	vld [tilespmem:s18+$0x4230]  }
0x7da: {  	v6 =	vadd.f32 v6, v5;
	v5 =	vld [tilespmem:s18+$0x10230]  }
0x7db: {  	v7 =	vadd.f32 v8, v7;
	[tilespmem:s18+$0x4270] =	vst v4;
	v4 =	vld [tilespmem:s18+$0x4240]  }
0x7dc: {  	[tilespmem:s18+$0x4200] =	vst v6;
	v6 =	vld [tilespmem:s18+$0x10240]  }
0x7dd: {  	s19 =	simm.s32 $0x0;
	s20 =	simm.s32 $0x400;
	s21 =	simm.s32 $0x80;
	v8 =	vadd.f32 v10, v9;
	[tilespmem:s18+$0x4210] =	vst v7;
	v7 =	vld [tilespmem:s18+$0x4250]  }
.LBB2_52:
0x7de: {  	s23 =	sand.u32 $0x2000, s21;
	s24 =	sand.u32 $0x1C00, s20;
	v9 =	vld [tilespmem:s18+$0x10250];
	s17 =	sadd.s32 $0x10, s17  }
0x7df: {  	s19 =	sadd.s32 $0x8, s19;
	s23 =	sor.u32 s24, s23;
	s24 =	sand.u32 $0x380, s17;
	[tilespmem:s18+$0x4220] =	vst v8;
	v3 =	vadd.f32 v5, v3;
	v5 =	vld [tilespmem:s18+$0x4260]  }
0x7e0: {  	p0 =	slt.u32 s19, $0x3F8;
	s23 =	sor.u32 s24, s23;
	v8 =	vld [tilespmem:s18+$0x10260]  }
0x7e1: {  	v10 =	vld [tilespmem:s23+$0x4270];
	[tilespmem:s18+$0x4230] =	vst v3;
	v3 =	vadd.f32 v6, v4  }
0x7e2: {  	v4 =	vld [tilespmem:s23+$0x10270]  }
0x7e3: {  	v6 =	vld [tilespmem:s23+$0x4200];
	[tilespmem:s18+$0x4240] =	vst v3;
	v3 =	vadd.f32 v9, v7  }
0x7e4: {  	v7 =	vld [tilespmem:s23+$0x10200]  }
0x7e5: {  	v9 =	vld [tilespmem:s23+$0x4210];
	[tilespmem:s18+$0x4250] =	vst v3;
	v3 =	vadd.f32 v8, v5  }
0x7e6: {  	v8 =	vld [tilespmem:s23+$0x10210]  }
0x7e7: {  	v11 =	vld [tilespmem:s23+$0x4220];
	v4 =	vadd.f32 v4, v10;
	[tilespmem:s18+$0x4260] =	vst v3;
	s18 =	smov.u32 s23  }
0x7e8: {  	v10 =	vld [tilespmem:s18+$0x10220]  }
.Ltmp25:
0x7e9: {  	v6 =	vadd.f32 v7, v6;
	v3 =	vld [tilespmem:s18+$0x4230];
	[tilespmem:s18+$0x4270] =	vst v4;
	(pc) =	sbr.rel @p0 .LBB2_52-.Ltmp25, $4  }
0x7ea: {  	v5 =	vld [tilespmem:s18+$0x10230]  }
0x7eb: {  	[tilespmem:s18+$0x4200] =	vst v6;
	v7 =	vadd.f32 v8, v9;
	v4 =	vld [tilespmem:s18+$0x4240]  }
0x7ec: {  	v6 =	vld [tilespmem:s18+$0x10240]  }
0x7ed: {  	s20 =	sadd.s32 $0x400, s20;
	s21 =	sadd.s32 $0x80, s21;
	[tilespmem:s18+$0x4210] =	vst v7;
	v8 =	vadd.f32 v10, v11;
	v7 =	vld [tilespmem:s18+$0x4250]  }
0x7ee: {  	v9 =	vld [tilespmem:s18+$0x10250]  }
0x7ef: {  	v10 =	vld [tilespmem:s18+$0x4260]  }
0x7f0: {  	v11 =	vld [tilespmem:s18+$0x10260];
	_ =	sdelay $0x1  }
0x7f1: {  	v3 =	vadd.f32 v5, v3  }
0x7f2: {  	[tilespmem:s18+$0x4220] =	vst v8;
	v4 =	vadd.f32 v6, v4  }
0x7f3: {  	[tilespmem:s18+$0x4230] =	vst v3;
	v3 =	vadd.f32 v9, v7  }
0x7f4: {  	[tilespmem:s18+$0x4240] =	vst v4;
	v4 =	vadd.f32 v11, v10  }
0x7f5: {  	[tilespmem:s18+$0x4250] =	vst v3  }
0x7f6: {  	[tilespmem:s18+$0x4260] =	vst v4  }
0x7f7: {  	s18 =	sld [smem:$0x7ED];
	_ =	sdelay $0x1  }
0x7f8: {  	s17 =	simm.s32 $0x0  }
0x7f9: {  	[hbm4b:s18+s17] =	stream.linear.scatter [tilespmem:s22], [sflag:$0x8], $0x4000, $0x38;
	[tilespmem:$0x18200] =	vst v63  }
0x7fa: {  	_ =	swait.ge [sflag:s5], $0x4000  }
0x7fb: {  	[sflag:s5] =	ssyncset.done $0x0  }
0x7fc: {  	[sflag:s5] =	ssyncadd.s32 $0xFFFFC000  }
0x7fd: {  	_ =	swait.ge [sflag:s6], $0x4000  }
0x7fe: {  	[sflag:s6] =	ssyncset.done $0x0  }
0x7ff: {  	[sflag:s6] =	ssyncadd.s32 $0xFFFFC000  }
0x800: {  	_ =	swait.ge [sflag:s14], $0x4000  }
0x801: {  	s19 =	sld [smem:$0x7F2]  }
0x802: {  	[sflag:s14] =	ssyncset.done $0x0  }
0x803: {  	[sflag:s14] =	ssyncadd.s32 $0xFFFFC000  }
0x804: {  	[tilespmem:s22], [sflag:$0x2] =	stream.linear.gather [hbm4b:s19+s17], $0x4000, $0x38;
	[tilespmem:$0x18200] =	vst v63  }
0x805: {  	v3 =	vld [tilespmem:$0x1C0];
	_ =	sdelay $0x4  }
0x806: {  	v4 =	vshll.u32 v3, $0x3  }
0x807: {  	v3 =	vand.u32 $0x7, v3;
	v4 =	vand.u32 $0xFFFFFFC0, v4  }
0x808: {  	v3 =	vor.u32 v3, v4  }
0x809: {  	v4 =	vperm.xlane v3, v0;
	_ =	sdelay $0x1  }
0x80a: {  	v4 =	vadd.s32 v1, v4;
	_ =	sdelay $0x3  }
0x80b: {  	s20 =	simm.s32 $0x10200  }
0x80c: {  	[tilespmem:s20], [sflag:$0x5] =	stream.indirect_vreg.gather [hbm4b:s7+s17], $0x80, v4, vm0, $0xb8;
	[tilespmem:$0x18200] =	vst v63  }
0x80d: {  	s21 =	simm.s32 $0x10A00;
	v3 =	vperm.xlane v3, v2  }
0x80e: {  	[tilespmem:s21], [sflag:$0x5] =	stream.indirect_vreg.gather [hbm4b:s8+s17], $0x80, v4, vm0, $0xb8;
	[tilespmem:$0x18200] =	vst v63  }
0x80f: {  	v3 =	vadd.s32 v1, v3  }
0x810: {  	[tilespmem:s25], [sflag:$0x5] =	stream.indirect_vreg.gather [hbm4b:s9+s17], $0x80, v4, vm0, $0xb8;
	[tilespmem:$0x18200] =	vst v63  }
0x811: {  	_ = 	snop  }
0x812: {  	[tilespmem:s26], [sflag:$0x5] =	stream.indirect_vreg.gather [hbm4b:s10+s17], $0x80, v4, vm0, $0xb8;
	[tilespmem:$0x18200] =	vst v63  }
0x813: {  	_ = 	snop  }
0x814: {  	[tilespmem:s28], [sflag:$0x5] =	stream.indirect_vreg.gather [hbm4b:s7+s17], $0x80, v3, vm0, $0xb8;
	[tilespmem:$0x18200] =	vst v63  }
0x815: {  	s23 =	sand.u32 $0x2000, s17;
	s19 =	sand.u32 $0x1C00, s17  }
0x816: {  	[tilespmem:s29], [sflag:$0x5] =	stream.indirect_vreg.gather [hbm4b:s8+s17], $0x80, v3, vm0, $0xb8;
	[tilespmem:$0x18200] =	vst v63  }
0x817: {  	s24 =	sand.u32 $0x380, s17;
	s18 =	sor.u32 s19, s23  }
0x818: {  	[tilespmem:s30], [sflag:$0x5] =	stream.indirect_vreg.gather [hbm4b:s9+s17], $0x80, v3, vm0, $0xb8;
	[tilespmem:$0x18200] =	vst v63  }
0x819: {  	s18 =	sor.u32 s24, s18  }
0x81a: {  	[tilespmem:s31], [sflag:$0x5] =	stream.indirect_vreg.gather [hbm4b:s10+s17], $0x80, v3, vm0, $0xb8;
	[tilespmem:$0x18200] =	vst v63  }
0x81b: {  	v3 =	vld [tilespmem:s18+$0x8270]  }
0x81c: {  	v4 =	vld [tilespmem:s18+$0x14270]  }
0x81d: {  	v5 =	vld [tilespmem:s18+$0x8200]  }
0x81e: {  	v6 =	vld [tilespmem:s18+$0x14200]  }
0x81f: {  	v7 =	vld [tilespmem:s18+$0x8210]  }
0x820: {  	v8 =	vld [tilespmem:s18+$0x14210]  }
0x821: {  	v9 =	vld [tilespmem:s18+$0x8220]  }
0x822: {  	v10 =	vld [tilespmem:s18+$0x14220]  }
0x823: {  	v4 =	vadd.f32 v4, v3;
	v3 =	vld [tilespmem:s18+$0x8230]  }
0x824: {  	v6 =	vadd.f32 v6, v5;
	v5 =	vld [tilespmem:s18+$0x14230]  }
0x825: {  	v7 =	vadd.f32 v8, v7;
	[tilespmem:s18+$0x8270] =	vst v4;
	v4 =	vld [tilespmem:s18+$0x8240]  }
0x826: {  	[tilespmem:s18+$0x8200] =	vst v6;
	v6 =	vld [tilespmem:s18+$0x14240]  }
0x827: {  	s19 =	simm.s32 $0x0;
	s20 =	simm.s32 $0x400;
	s21 =	simm.s32 $0x80;
	v8 =	vadd.f32 v10, v9;
	[tilespmem:s18+$0x8210] =	vst v7;
	v7 =	vld [tilespmem:s18+$0x8250]  }
.LBB2_54:
0x828: {  	s23 =	sand.u32 $0x2000, s21;
	s24 =	sand.u32 $0x1C00, s20;
	v9 =	vld [tilespmem:s18+$0x14250];
	s17 =	sadd.s32 $0x10, s17  }
0x829: {  	s19 =	sadd.s32 $0x8, s19;
	s23 =	sor.u32 s24, s23;
	s24 =	sand.u32 $0x380, s17;
	[tilespmem:s18+$0x8220] =	vst v8;
	v3 =	vadd.f32 v5, v3;
	v5 =	vld [tilespmem:s18+$0x8260]  }
0x82a: {  	p0 =	slt.u32 s19, $0x3F8;
	s23 =	sor.u32 s24, s23;
	v8 =	vld [tilespmem:s18+$0x14260]  }
0x82b: {  	v10 =	vld [tilespmem:s23+$0x8270];
	[tilespmem:s18+$0x8230] =	vst v3;
	v3 =	vadd.f32 v6, v4  }
0x82c: {  	v4 =	vld [tilespmem:s23+$0x14270]  }
0x82d: {  	v6 =	vld [tilespmem:s23+$0x8200];
	[tilespmem:s18+$0x8240] =	vst v3;
	v3 =	vadd.f32 v9, v7  }
0x82e: {  	v7 =	vld [tilespmem:s23+$0x14200]  }
0x82f: {  	v9 =	vld [tilespmem:s23+$0x8210];
	[tilespmem:s18+$0x8250] =	vst v3;
	v3 =	vadd.f32 v8, v5  }
0x830: {  	v8 =	vld [tilespmem:s23+$0x14210]  }
0x831: {  	v11 =	vld [tilespmem:s23+$0x8220];
	v4 =	vadd.f32 v4, v10;
	[tilespmem:s18+$0x8260] =	vst v3;
	s18 =	smov.u32 s23  }
0x832: {  	v10 =	vld [tilespmem:s18+$0x14220]  }
.Ltmp26:
0x833: {  	v6 =	vadd.f32 v7, v6;
	v3 =	vld [tilespmem:s18+$0x8230];
	[tilespmem:s18+$0x8270] =	vst v4;
	(pc) =	sbr.rel @p0 .LBB2_54-.Ltmp26, $4  }
0x834: {  	v5 =	vld [tilespmem:s18+$0x14230]  }
0x835: {  	[tilespmem:s18+$0x8200] =	vst v6;
	v7 =	vadd.f32 v8, v9;
	v4 =	vld [tilespmem:s18+$0x8240]  }
0x836: {  	v6 =	vld [tilespmem:s18+$0x14240]  }
0x837: {  	s20 =	sadd.s32 $0x400, s20;
	s21 =	sadd.s32 $0x80, s21;
	[tilespmem:s18+$0x8210] =	vst v7;
	v8 =	vadd.f32 v10, v11;
	v7 =	vld [tilespmem:s18+$0x8250]  }
0x838: {  	v9 =	vld [tilespmem:s18+$0x14250]  }
0x839: {  	v10 =	vld [tilespmem:s18+$0x8260]  }
0x83a: {  	v11 =	vld [tilespmem:s18+$0x14260];
	_ =	sdelay $0x1  }
0x83b: {  	v3 =	vadd.f32 v5, v3  }
0x83c: {  	[tilespmem:s18+$0x8220] =	vst v8;
	v4 =	vadd.f32 v6, v4  }
0x83d: {  	[tilespmem:s18+$0x8230] =	vst v3;
	v3 =	vadd.f32 v9, v7  }
0x83e: {  	[tilespmem:s18+$0x8240] =	vst v4;
	v4 =	vadd.f32 v11, v10  }
0x83f: {  	[tilespmem:s18+$0x8250] =	vst v3  }
0x840: {  	[tilespmem:s18+$0x8260] =	vst v4  }
0x841: {  	s18 =	sld [smem:$0x7EF];
	_ =	sdelay $0x1  }
0x842: {  	s17 =	simm.s32 $0x0  }
0x843: {  	[hbm4b:s18+s17] =	stream.linear.scatter [tilespmem:s3], [sflag:$0x9], $0x4000, $0x38;
	[tilespmem:$0x18200] =	vst v63  }
0x844: {  	_ =	swait.ge [sflag:s0], $0x4000  }
0x845: {  	[sflag:s0] =	ssyncset.done $0x0  }
0x846: {  	[sflag:s0] =	ssyncadd.s32 $0xFFFFC000  }
0x847: {  	_ =	swait.ge [sflag:s2], $0x4000  }
0x848: {  	[sflag:s2] =	ssyncset.done $0x0  }
0x849: {  	[sflag:s2] =	ssyncadd.s32 $0xFFFFC000  }
0x84a: {  	_ =	swait.ge [sflag:s15], $0x4000  }
0x84b: {  	s24 =	sld [smem:$0x7F6]  }
0x84c: {  	[sflag:s15] =	ssyncset.done $0x0  }
0x84d: {  	[sflag:s15] =	ssyncadd.s32 $0xFFFFC000  }
0x84e: {  	[tilespmem:s3], [sflag:$0x3] =	stream.linear.gather [hbm4b:s24+s17], $0x4000, $0x38;
	[tilespmem:$0x18200] =	vst v63  }
0x84f: {  	v3 =	vld [tilespmem:$0x1D0];
	_ =	sdelay $0x4  }
0x850: {  	v4 =	vshll.u32 v3, $0x3  }
0x851: {  	v3 =	vand.u32 $0x7, v3;
	v4 =	vand.u32 $0xFFFFFFC0, v4  }
0x852: {  	v3 =	vor.u32 v3, v4  }
0x853: {  	v4 =	vperm.xlane v3, v0;
	_ =	sdelay $0x1  }
0x854: {  	v4 =	vadd.s32 v1, v4;
	_ =	sdelay $0x3  }
0x855: {  	s19 =	simm.s32 $0x14200  }
0x856: {  	[tilespmem:s19], [sflag:$0x6] =	stream.indirect_vreg.gather [hbm4b:s7+s17], $0x80, v4, vm0, $0xb8;
	[tilespmem:$0x18200] =	vst v63  }
0x857: {  	s20 =	simm.s32 $0x14A00;
	v3 =	vperm.xlane v3, v2  }
0x858: {  	[tilespmem:s20], [sflag:$0x6] =	stream.indirect_vreg.gather [hbm4b:s8+s17], $0x80, v4, vm0, $0xb8;
	[tilespmem:$0x18200] =	vst v63  }
0x859: {  	s21 =	simm.s32 $0x15200;
	v3 =	vadd.s32 v1, v3  }
0x85a: {  	[tilespmem:s21], [sflag:$0x6] =	stream.indirect_vreg.gather [hbm4b:s9+s17], $0x80, v4, vm0, $0xb8;
	[tilespmem:$0x18200] =	vst v63  }
0x85b: {  	s23 =	simm.s32 $0x15A00  }
0x85c: {  	[tilespmem:s23], [sflag:$0x6] =	stream.indirect_vreg.gather [hbm4b:s10+s17], $0x80, v4, vm0, $0xb8;
	[tilespmem:$0x18200] =	vst v63  }
0x85d: {  	s24 =	simm.s32 $0x16200  }
0x85e: {  	[tilespmem:s24], [sflag:$0x6] =	stream.indirect_vreg.gather [hbm4b:s7+s17], $0x80, v3, vm0, $0xb8;
	[tilespmem:$0x18200] =	vst v63  }
0x85f: {  	s19 =	simm.s32 $0x16A00  }
0x860: {  	[tilespmem:s19], [sflag:$0x6] =	stream.indirect_vreg.gather [hbm4b:s8+s17], $0x80, v3, vm0, $0xb8;
	[tilespmem:$0x18200] =	vst v63  }
0x861: {  	s23 =	sand.u32 $0x2000, s17;
	s19 =	sand.u32 $0x1C00, s17  }
0x862: {  	s20 =	simm.s32 $0x17200;
	s24 =	sand.u32 $0x380, s17;
	s18 =	sor.u32 s19, s23  }
0x863: {  	[tilespmem:s20], [sflag:$0x6] =	stream.indirect_vreg.gather [hbm4b:s9+s17], $0x80, v3, vm0, $0xb8;
	[tilespmem:$0x18200] =	vst v63  }
0x864: {  	s21 =	simm.s32 $0x17A00;
	s18 =	sor.u32 s24, s18  }
0x865: {  	[tilespmem:s21], [sflag:$0x6] =	stream.indirect_vreg.gather [hbm4b:s10+s17], $0x80, v3, vm0, $0xb8;
	[tilespmem:$0x18200] =	vst v63  }
0x866: {  	v3 =	vld [tilespmem:s18+$0x270]  }
0x867: {  	v4 =	vld [tilespmem:s18+$0xC270]  }
0x868: {  	v5 =	vld [tilespmem:s18+$0x200]  }
0x869: {  	v6 =	vld [tilespmem:s18+$0xC200]  }
0x86a: {  	v7 =	vld [tilespmem:s18+$0x210]  }
0x86b: {  	v8 =	vld [tilespmem:s18+$0xC210]  }
0x86c: {  	v9 =	vld [tilespmem:s18+$0x220]  }
0x86d: {  	v10 =	vld [tilespmem:s18+$0xC220]  }
0x86e: {  	v4 =	vadd.f32 v4, v3;
	v3 =	vld [tilespmem:s18+$0x230]  }
0x86f: {  	v6 =	vadd.f32 v6, v5;
	v5 =	vld [tilespmem:s18+$0xC230]  }
0x870: {  	v7 =	vadd.f32 v8, v7;
	[tilespmem:s18+$0x270] =	vst v4;
	v4 =	vld [tilespmem:s18+$0x240]  }
0x871: {  	[tilespmem:s18+$0x200] =	vst v6;
	v6 =	vld [tilespmem:s18+$0xC240]  }
0x872: {  	s19 =	simm.s32 $0x0;
	s20 =	simm.s32 $0x400;
	s21 =	simm.s32 $0x80;
	v8 =	vadd.f32 v10, v9;
	[tilespmem:s18+$0x210] =	vst v7;
	v7 =	vld [tilespmem:s18+$0x250]  }
.LBB2_56:
0x873: {  	s23 =	sand.u32 $0x2000, s21;
	s24 =	sand.u32 $0x1C00, s20;
	v9 =	vld [tilespmem:s18+$0xC250];
	s17 =	sadd.s32 $0x10, s17  }
0x874: {  	s19 =	sadd.s32 $0x8, s19;
	s23 =	sor.u32 s24, s23;
	s24 =	sand.u32 $0x380, s17;
	[tilespmem:s18+$0x220] =	vst v8;
	v3 =	vadd.f32 v5, v3;
	v5 =	vld [tilespmem:s18+$0x260]  }
0x875: {  	p0 =	slt.u32 s19, $0x3F8;
	s23 =	sor.u32 s24, s23;
	v8 =	vld [tilespmem:s18+$0xC260]  }
0x876: {  	v10 =	vld [tilespmem:s23+$0x270];
	[tilespmem:s18+$0x230] =	vst v3;
	v3 =	vadd.f32 v6, v4  }
0x877: {  	v4 =	vld [tilespmem:s23+$0xC270]  }
0x878: {  	v6 =	vld [tilespmem:s23+$0x200];
	[tilespmem:s18+$0x240] =	vst v3;
	v3 =	vadd.f32 v9, v7  }
0x879: {  	v7 =	vld [tilespmem:s23+$0xC200]  }
0x87a: {  	v9 =	vld [tilespmem:s23+$0x210];
	[tilespmem:s18+$0x250] =	vst v3;
	v3 =	vadd.f32 v8, v5  }
0x87b: {  	v8 =	vld [tilespmem:s23+$0xC210]  }
0x87c: {  	v11 =	vld [tilespmem:s23+$0x220];
	v4 =	vadd.f32 v4, v10;
	[tilespmem:s18+$0x260] =	vst v3;
	s18 =	smov.u32 s23  }
0x87d: {  	v10 =	vld [tilespmem:s18+$0xC220]  }
.Ltmp27:
0x87e: {  	v6 =	vadd.f32 v7, v6;
	v3 =	vld [tilespmem:s18+$0x230];
	[tilespmem:s18+$0x270] =	vst v4;
	(pc) =	sbr.rel @p0 .LBB2_56-.Ltmp27, $4  }
0x87f: {  	v5 =	vld [tilespmem:s18+$0xC230]  }
0x880: {  	[tilespmem:s18+$0x200] =	vst v6;
	v7 =	vadd.f32 v8, v9;
	v4 =	vld [tilespmem:s18+$0x240]  }
0x881: {  	v6 =	vld [tilespmem:s18+$0xC240]  }
0x882: {  	s20 =	sadd.s32 $0x400, s20;
	s21 =	sadd.s32 $0x80, s21;
	[tilespmem:s18+$0x210] =	vst v7;
	v8 =	vadd.f32 v10, v11;
	v7 =	vld [tilespmem:s18+$0x250]  }
0x883: {  	v9 =	vld [tilespmem:s18+$0xC250]  }
0x884: {  	v10 =	vld [tilespmem:s18+$0x260]  }
0x885: {  	v11 =	vld [tilespmem:s18+$0xC260];
	_ =	sdelay $0x1  }
0x886: {  	v3 =	vadd.f32 v5, v3  }
0x887: {  	[tilespmem:s18+$0x220] =	vst v8;
	v4 =	vadd.f32 v6, v4  }
0x888: {  	[tilespmem:s18+$0x230] =	vst v3;
	v3 =	vadd.f32 v9, v7  }
0x889: {  	[tilespmem:s18+$0x240] =	vst v4;
	v4 =	vadd.f32 v11, v10  }
0x88a: {  	[tilespmem:s18+$0x250] =	vst v3  }
0x88b: {  	[tilespmem:s18+$0x260] =	vst v4  }
0x88c: {  	s18 =	sld [smem:$0x7F1];
	_ =	sdelay $0x1  }
0x88d: {  	s17 =	simm.s32 $0x0  }
0x88e: {  	[hbm4b:s18+s17] =	stream.linear.scatter [tilespmem:s13], [sflag:$0x7], $0x4000, $0x38;
	[tilespmem:$0x18200] =	vst v63  }
0x88f: {  	_ =	swait.ge [sflag:s11], $0x4000  }
0x890: {  	[sflag:s11] =	ssyncset.done $0x0  }
0x891: {  	[sflag:s11] =	ssyncadd.s32 $0xFFFFC000  }
0x892: {  	_ =	swait.ge [sflag:s12], $0x4000  }
0x893: {  	[sflag:s12] =	ssyncset.done $0x0  }
0x894: {  	[sflag:s12] =	ssyncadd.s32 $0xFFFFC000  }
0x895: {  	_ =	swait.ge [sflag:s4], $0x4000  }
0x896: {  	s24 =	sld [smem:$0x7F7]  }
0x897: {  	[sflag:s4] =	ssyncset.done $0x0  }
0x898: {  	[sflag:s4] =	ssyncadd.s32 $0xFFFFC000  }
0x899: {  	[tilespmem:s13], [sflag:$0x1] =	stream.linear.gather [hbm4b:s24+s17], $0x4000, $0x38;
	[tilespmem:$0x18200] =	vst v63  }
0x89a: {  	v3 =	vld [tilespmem:$0x1E0];
	_ =	sdelay $0x4  }
0x89b: {  	v4 =	vshll.u32 v3, $0x3  }
0x89c: {  	v3 =	vand.u32 $0x7, v3;
	v4 =	vand.u32 $0xFFFFFFC0, v4  }
0x89d: {  	v3 =	vor.u32 v3, v4  }
0x89e: {  	v4 =	vperm.xlane v3, v0;
	_ =	sdelay $0x1  }
0x89f: {  	v4 =	vadd.s32 v1, v4;
	_ =	sdelay $0x3  }
0x8a0: {  	s19 =	simm.s32 $0xC200  }
0x8a1: {  	[tilespmem:s19], [sflag:$0x4] =	stream.indirect_vreg.gather [hbm4b:s7+s17], $0x80, v4, vm0, $0xb8;
	[tilespmem:$0x18200] =	vst v63  }
0x8a2: {  	s20 =	simm.s32 $0xCA00;
	v3 =	vperm.xlane v3, v2  }
0x8a3: {  	[tilespmem:s20], [sflag:$0x4] =	stream.indirect_vreg.gather [hbm4b:s8+s17], $0x80, v4, vm0, $0xb8;
	[tilespmem:$0x18200] =	vst v63  }
0x8a4: {  	s21 =	simm.s32 $0xD200;
	v3 =	vadd.s32 v1, v3  }
0x8a5: {  	[tilespmem:s21], [sflag:$0x4] =	stream.indirect_vreg.gather [hbm4b:s9+s17], $0x80, v4, vm0, $0xb8;
	[tilespmem:$0x18200] =	vst v63  }
0x8a6: {  	s23 =	simm.s32 $0xDA00  }
0x8a7: {  	[tilespmem:s23], [sflag:$0x4] =	stream.indirect_vreg.gather [hbm4b:s10+s17], $0x80, v4, vm0, $0xb8;
	[tilespmem:$0x18200] =	vst v63  }
0x8a8: {  	s24 =	simm.s32 $0xE200  }
0x8a9: {  	[tilespmem:s24], [sflag:$0x4] =	stream.indirect_vreg.gather [hbm4b:s7+s17], $0x80, v3, vm0, $0xb8;
	[tilespmem:$0x18200] =	vst v63  }
0x8aa: {  	s19 =	simm.s32 $0xEA00  }
0x8ab: {  	[tilespmem:s19], [sflag:$0x4] =	stream.indirect_vreg.gather [hbm4b:s8+s17], $0x80, v3, vm0, $0xb8;
	[tilespmem:$0x18200] =	vst v63  }
0x8ac: {  	s23 =	sand.u32 $0x2000, s17;
	s19 =	sand.u32 $0x1C00, s17  }
0x8ad: {  	s20 =	simm.s32 $0xF200;
	s24 =	sand.u32 $0x380, s17;
	s18 =	sor.u32 s19, s23  }
0x8ae: {  	[tilespmem:s20], [sflag:$0x4] =	stream.indirect_vreg.gather [hbm4b:s9+s17], $0x80, v3, vm0, $0xb8;
	[tilespmem:$0x18200] =	vst v63  }
0x8af: {  	s21 =	simm.s32 $0xFA00;
	s18 =	sor.u32 s24, s18  }
0x8b0: {  	[tilespmem:s21], [sflag:$0x4] =	stream.indirect_vreg.gather [hbm4b:s10+s17], $0x80, v3, vm0, $0xb8;
	[tilespmem:$0x18200] =	vst v63  }
0x8b1: {  	v3 =	vld [tilespmem:s18+$0x4270]  }
0x8b2: {  	v4 =	vld [tilespmem:s18+$0x10270]  }
0x8b3: {  	v5 =	vld [tilespmem:s18+$0x4200]  }
0x8b4: {  	v6 =	vld [tilespmem:s18+$0x10200]  }
0x8b5: {  	v7 =	vld [tilespmem:s18+$0x4210]  }
0x8b6: {  	v8 =	vld [tilespmem:s18+$0x10210]  }
0x8b7: {  	v9 =	vld [tilespmem:s18+$0x4220]  }
0x8b8: {  	v10 =	vld [tilespmem:s18+$0x10220]  }
0x8b9: {  	v4 =	vadd.f32 v4, v3;
	v3 =	vld [tilespmem:s18+$0x4230]  }
0x8ba: {  	v6 =	vadd.f32 v6, v5;
	v5 =	vld [tilespmem:s18+$0x10230]  }
0x8bb: {  	v7 =	vadd.f32 v8, v7;
	[tilespmem:s18+$0x4270] =	vst v4;
	v4 =	vld [tilespmem:s18+$0x4240]  }
0x8bc: {  	[tilespmem:s18+$0x4200] =	vst v6;
	v6 =	vld [tilespmem:s18+$0x10240]  }
0x8bd: {  	s19 =	simm.s32 $0x0;
	s20 =	simm.s32 $0x400;
	s21 =	simm.s32 $0x80;
	v8 =	vadd.f32 v10, v9;
	[tilespmem:s18+$0x4210] =	vst v7;
	v7 =	vld [tilespmem:s18+$0x4250]  }
.LBB2_58:
0x8be: {  	s23 =	sand.u32 $0x2000, s21;
	s24 =	sand.u32 $0x1C00, s20;
	v9 =	vld [tilespmem:s18+$0x10250];
	s17 =	sadd.s32 $0x10, s17  }
0x8bf: {  	s19 =	sadd.s32 $0x8, s19;
	s23 =	sor.u32 s24, s23;
	s24 =	sand.u32 $0x380, s17;
	[tilespmem:s18+$0x4220] =	vst v8;
	v3 =	vadd.f32 v5, v3;
	v5 =	vld [tilespmem:s18+$0x4260]  }
0x8c0: {  	p0 =	slt.u32 s19, $0x3F8;
	s23 =	sor.u32 s24, s23;
	v8 =	vld [tilespmem:s18+$0x10260]  }
0x8c1: {  	v10 =	vld [tilespmem:s23+$0x4270];
	[tilespmem:s18+$0x4230] =	vst v3;
	v3 =	vadd.f32 v6, v4  }
0x8c2: {  	v4 =	vld [tilespmem:s23+$0x10270]  }
0x8c3: {  	v6 =	vld [tilespmem:s23+$0x4200];
	[tilespmem:s18+$0x4240] =	vst v3;
	v3 =	vadd.f32 v9, v7  }
0x8c4: {  	v7 =	vld [tilespmem:s23+$0x10200]  }
0x8c5: {  	v9 =	vld [tilespmem:s23+$0x4210];
	[tilespmem:s18+$0x4250] =	vst v3;
	v3 =	vadd.f32 v8, v5  }
0x8c6: {  	v8 =	vld [tilespmem:s23+$0x10210]  }
0x8c7: {  	v11 =	vld [tilespmem:s23+$0x4220];
	v4 =	vadd.f32 v4, v10;
	[tilespmem:s18+$0x4260] =	vst v3;
	s18 =	smov.u32 s23  }
0x8c8: {  	v10 =	vld [tilespmem:s18+$0x10220]  }
.Ltmp28:
0x8c9: {  	v6 =	vadd.f32 v7, v6;
	v3 =	vld [tilespmem:s18+$0x4230];
	[tilespmem:s18+$0x4270] =	vst v4;
	(pc) =	sbr.rel @p0 .LBB2_58-.Ltmp28, $4  }
0x8ca: {  	v5 =	vld [tilespmem:s18+$0x10230]  }
0x8cb: {  	[tilespmem:s18+$0x4200] =	vst v6;
	v7 =	vadd.f32 v8, v9;
	v4 =	vld [tilespmem:s18+$0x4240]  }
0x8cc: {  	v6 =	vld [tilespmem:s18+$0x10240]  }
0x8cd: {  	s20 =	sadd.s32 $0x400, s20;
	s21 =	sadd.s32 $0x80, s21;
	[tilespmem:s18+$0x4210] =	vst v7;
	v8 =	vadd.f32 v10, v11;
	v7 =	vld [tilespmem:s18+$0x4250]  }
0x8ce: {  	v9 =	vld [tilespmem:s18+$0x10250]  }
0x8cf: {  	v10 =	vld [tilespmem:s18+$0x4260]  }
0x8d0: {  	v11 =	vld [tilespmem:s18+$0x10260];
	_ =	sdelay $0x1  }
0x8d1: {  	v3 =	vadd.f32 v5, v3  }
0x8d2: {  	[tilespmem:s18+$0x4220] =	vst v8;
	v4 =	vadd.f32 v6, v4  }
0x8d3: {  	[tilespmem:s18+$0x4230] =	vst v3;
	v3 =	vadd.f32 v9, v7  }
0x8d4: {  	[tilespmem:s18+$0x4240] =	vst v4;
	v4 =	vadd.f32 v11, v10  }
0x8d5: {  	[tilespmem:s18+$0x4250] =	vst v3  }
0x8d6: {  	[tilespmem:s18+$0x4260] =	vst v4  }
0x8d7: {  	s18 =	sld [smem:$0x7F3];
	_ =	sdelay $0x1  }
0x8d8: {  	s17 =	simm.s32 $0x0  }
0x8d9: {  	[hbm4b:s18+s17] =	stream.linear.scatter [tilespmem:s22], [sflag:$0x8], $0x4000, $0x38;
	[tilespmem:$0x18200] =	vst v63  }
0x8da: {  	_ =	swait.ge [sflag:s5], $0x4000  }
0x8db: {  	[sflag:s5] =	ssyncset.done $0x0  }
0x8dc: {  	[sflag:s5] =	ssyncadd.s32 $0xFFFFC000  }
0x8dd: {  	_ =	swait.ge [sflag:s6], $0x4000  }
0x8de: {  	[sflag:s6] =	ssyncset.done $0x0  }
0x8df: {  	[sflag:s6] =	ssyncadd.s32 $0xFFFFC000  }
0x8e0: {  	_ =	swait.ge [sflag:s14], $0x4000  }
0x8e1: {  	s19 =	sld [smem:$0x7F8]  }
0x8e2: {  	[sflag:s14] =	ssyncset.done $0x0  }
0x8e3: {  	[sflag:s14] =	ssyncadd.s32 $0xFFFFC000  }
0x8e4: {  	[tilespmem:s22], [sflag:$0x2] =	stream.linear.gather [hbm4b:s19+s17], $0x4000, $0x38;
	[tilespmem:$0x18200] =	vst v63  }
0x8e5: {  	v3 =	vld [tilespmem:$0x1F0];
	_ =	sdelay $0x4  }
0x8e6: {  	v4 =	vshll.u32 v3, $0x3  }
0x8e7: {  	v3 =	vand.u32 $0x7, v3;
	v4 =	vand.u32 $0xFFFFFFC0, v4  }
0x8e8: {  	v3 =	vor.u32 v3, v4  }
0x8e9: {  	v4 =	vperm.xlane v3, v0;
	_ =	sdelay $0x1  }
0x8ea: {  	v4 =	vadd.s32 v1, v4;
	_ =	sdelay $0x3  }
0x8eb: {  	s20 =	simm.s32 $0x10200  }
0x8ec: {  	[tilespmem:s20], [sflag:$0x5] =	stream.indirect_vreg.gather [hbm4b:s7+s17], $0x80, v4, vm0, $0xb8;
	[tilespmem:$0x18200] =	vst v63  }
0x8ed: {  	s21 =	simm.s32 $0x10A00;
	v3 =	vperm.xlane v3, v2  }
0x8ee: {  	[tilespmem:s21], [sflag:$0x5] =	stream.indirect_vreg.gather [hbm4b:s8+s17], $0x80, v4, vm0, $0xb8;
	[tilespmem:$0x18200] =	vst v63  }
0x8ef: {  	v3 =	vadd.s32 v1, v3  }
0x8f0: {  	[tilespmem:s25], [sflag:$0x5] =	stream.indirect_vreg.gather [hbm4b:s9+s17], $0x80, v4, vm0, $0xb8;
	[tilespmem:$0x18200] =	vst v63  }
0x8f1: {  	_ = 	snop  }
0x8f2: {  	[tilespmem:s26], [sflag:$0x5] =	stream.indirect_vreg.gather [hbm4b:s10+s17], $0x80, v4, vm0, $0xb8;
	[tilespmem:$0x18200] =	vst v63  }
0x8f3: {  	_ = 	snop  }
0x8f4: {  	[tilespmem:s28], [sflag:$0x5] =	stream.indirect_vreg.gather [hbm4b:s7+s17], $0x80, v3, vm0, $0xb8;
	[tilespmem:$0x18200] =	vst v63  }
0x8f5: {  	s23 =	sand.u32 $0x2000, s17;
	s19 =	sand.u32 $0x1C00, s17  }
0x8f6: {  	[tilespmem:s29], [sflag:$0x5] =	stream.indirect_vreg.gather [hbm4b:s8+s17], $0x80, v3, vm0, $0xb8;
	[tilespmem:$0x18200] =	vst v63  }
0x8f7: {  	s24 =	sand.u32 $0x380, s17;
	s18 =	sor.u32 s19, s23  }
0x8f8: {  	[tilespmem:s30], [sflag:$0x5] =	stream.indirect_vreg.gather [hbm4b:s9+s17], $0x80, v3, vm0, $0xb8;
	[tilespmem:$0x18200] =	vst v63  }
0x8f9: {  	s18 =	sor.u32 s24, s18  }
0x8fa: {  	[tilespmem:s31], [sflag:$0x5] =	stream.indirect_vreg.gather [hbm4b:s10+s17], $0x80, v3, vm0, $0xb8;
	[tilespmem:$0x18200] =	vst v63  }
0x8fb: {  	v3 =	vld [tilespmem:s18+$0x8270]  }
0x8fc: {  	v4 =	vld [tilespmem:s18+$0x14270]  }
0x8fd: {  	v5 =	vld [tilespmem:s18+$0x8200]  }
0x8fe: {  	v6 =	vld [tilespmem:s18+$0x14200]  }
0x8ff: {  	v7 =	vld [tilespmem:s18+$0x8210]  }
0x900: {  	v8 =	vld [tilespmem:s18+$0x14210]  }
0x901: {  	v9 =	vld [tilespmem:s18+$0x8220]  }
0x902: {  	v10 =	vld [tilespmem:s18+$0x14220]  }
0x903: {  	v4 =	vadd.f32 v4, v3;
	v3 =	vld [tilespmem:s18+$0x8230]  }
0x904: {  	v6 =	vadd.f32 v6, v5;
	v5 =	vld [tilespmem:s18+$0x14230]  }
0x905: {  	v7 =	vadd.f32 v8, v7;
	[tilespmem:s18+$0x8270] =	vst v4;
	v4 =	vld [tilespmem:s18+$0x8240]  }
0x906: {  	[tilespmem:s18+$0x8200] =	vst v6;
	v6 =	vld [tilespmem:s18+$0x14240]  }
0x907: {  	s19 =	simm.s32 $0x0;
	s20 =	simm.s32 $0x400;
	s21 =	simm.s32 $0x80;
	v8 =	vadd.f32 v10, v9;
	[tilespmem:s18+$0x8210] =	vst v7;
	v7 =	vld [tilespmem:s18+$0x8250]  }
.LBB2_60:
0x908: {  	s23 =	sand.u32 $0x2000, s21;
	s24 =	sand.u32 $0x1C00, s20;
	v9 =	vld [tilespmem:s18+$0x14250];
	s17 =	sadd.s32 $0x10, s17  }
0x909: {  	s19 =	sadd.s32 $0x8, s19;
	s23 =	sor.u32 s24, s23;
	s24 =	sand.u32 $0x380, s17;
	[tilespmem:s18+$0x8220] =	vst v8;
	v3 =	vadd.f32 v5, v3;
	v5 =	vld [tilespmem:s18+$0x8260]  }
0x90a: {  	p0 =	slt.u32 s19, $0x3F8;
	s23 =	sor.u32 s24, s23;
	v8 =	vld [tilespmem:s18+$0x14260]  }
0x90b: {  	v10 =	vld [tilespmem:s23+$0x8270];
	[tilespmem:s18+$0x8230] =	vst v3;
	v3 =	vadd.f32 v6, v4  }
0x90c: {  	v4 =	vld [tilespmem:s23+$0x14270]  }
0x90d: {  	v6 =	vld [tilespmem:s23+$0x8200];
	[tilespmem:s18+$0x8240] =	vst v3;
	v3 =	vadd.f32 v9, v7  }
0x90e: {  	v7 =	vld [tilespmem:s23+$0x14200]  }
0x90f: {  	v9 =	vld [tilespmem:s23+$0x8210];
	[tilespmem:s18+$0x8250] =	vst v3;
	v3 =	vadd.f32 v8, v5  }
0x910: {  	v8 =	vld [tilespmem:s23+$0x14210]  }
0x911: {  	v11 =	vld [tilespmem:s23+$0x8220];
	v4 =	vadd.f32 v4, v10;
	[tilespmem:s18+$0x8260] =	vst v3;
	s18 =	smov.u32 s23  }
0x912: {  	v10 =	vld [tilespmem:s18+$0x14220]  }
.Ltmp29:
0x913: {  	v6 =	vadd.f32 v7, v6;
	v3 =	vld [tilespmem:s18+$0x8230];
	[tilespmem:s18+$0x8270] =	vst v4;
	(pc) =	sbr.rel @p0 .LBB2_60-.Ltmp29, $4  }
0x914: {  	v5 =	vld [tilespmem:s18+$0x14230]  }
0x915: {  	[tilespmem:s18+$0x8200] =	vst v6;
	v7 =	vadd.f32 v8, v9;
	v4 =	vld [tilespmem:s18+$0x8240]  }
0x916: {  	v6 =	vld [tilespmem:s18+$0x14240]  }
0x917: {  	s20 =	sadd.s32 $0x400, s20;
	s21 =	sadd.s32 $0x80, s21;
	[tilespmem:s18+$0x8210] =	vst v7;
	v8 =	vadd.f32 v10, v11;
	v7 =	vld [tilespmem:s18+$0x8250]  }
0x918: {  	v9 =	vld [tilespmem:s18+$0x14250]  }
0x919: {  	v10 =	vld [tilespmem:s18+$0x8260]  }
0x91a: {  	v11 =	vld [tilespmem:s18+$0x14260];
	_ =	sdelay $0x1  }
0x91b: {  	v3 =	vadd.f32 v5, v3  }
0x91c: {  	[tilespmem:s18+$0x8220] =	vst v8;
	v4 =	vadd.f32 v6, v4  }
0x91d: {  	[tilespmem:s18+$0x8230] =	vst v3;
	v3 =	vadd.f32 v9, v7  }
0x91e: {  	[tilespmem:s18+$0x8240] =	vst v4;
	v4 =	vadd.f32 v11, v10  }
0x91f: {  	[tilespmem:s18+$0x8250] =	vst v3  }
0x920: {  	[tilespmem:s18+$0x8260] =	vst v4  }
0x921: {  	s18 =	sld [smem:$0x7F9];
	_ =	sdelay $0x1  }
0x922: {  	s17 =	simm.s32 $0x0  }
0x923: {  	[hbm4b:s18+s17] =	stream.linear.scatter [tilespmem:s3], [sflag:$0x9], $0x4000, $0x38;
	[tilespmem:$0x18200] =	vst v63  }
0x924: {  	_ =	swait.ge [sflag:s0], $0x4000  }
0x925: {  	[sflag:s0] =	ssyncset.done $0x0  }
0x926: {  	[sflag:s0] =	ssyncadd.s32 $0xFFFFC000  }
0x927: {  	s23 =	sand.u32 $0x2000, s17;
	s19 =	sand.u32 $0x1C00, s17;
	_ =	swait.ge [sflag:s2], $0x4000  }
0x928: {  	s24 =	sand.u32 $0x380, s17;
	s18 =	sor.u32 s19, s23;
	[sflag:s2] =	ssyncset.done $0x0  }
0x929: {  	s18 =	sor.u32 s24, s18;
	[sflag:s2] =	ssyncadd.s32 $0xFFFFC000  }
0x92a: {  	v3 =	vld [tilespmem:s18+$0x270]  }
0x92b: {  	v4 =	vld [tilespmem:s18+$0xC270]  }
0x92c: {  	v5 =	vld [tilespmem:s18+$0x200]  }
0x92d: {  	v6 =	vld [tilespmem:s18+$0xC200]  }
0x92e: {  	v7 =	vld [tilespmem:s18+$0x210]  }
0x92f: {  	v8 =	vld [tilespmem:s18+$0xC210]  }
0x930: {  	v9 =	vld [tilespmem:s18+$0x220]  }
0x931: {  	v10 =	vld [tilespmem:s18+$0xC220]  }
0x932: {  	v4 =	vadd.f32 v4, v3;
	v3 =	vld [tilespmem:s18+$0x230]  }
0x933: {  	v6 =	vadd.f32 v6, v5;
	v5 =	vld [tilespmem:s18+$0xC230]  }
0x934: {  	v7 =	vadd.f32 v8, v7;
	[tilespmem:s18+$0x270] =	vst v4;
	v4 =	vld [tilespmem:s18+$0x240]  }
0x935: {  	[tilespmem:s18+$0x200] =	vst v6;
	v6 =	vld [tilespmem:s18+$0xC240]  }
0x936: {  	s20 =	simm.s32 $0x400;
	s21 =	simm.s32 $0x80;
	s19 =	simm.s32 $0x0;
	v8 =	vadd.f32 v10, v9;
	[tilespmem:s18+$0x210] =	vst v7;
	v7 =	vld [tilespmem:s18+$0x250]  }
.LBB2_62:
0x937: {  	s23 =	sand.u32 $0x2000, s21;
	s24 =	sand.u32 $0x1C00, s20;
	v9 =	vld [tilespmem:s18+$0xC250];
	s17 =	sadd.s32 $0x10, s17  }
0x938: {  	s19 =	sadd.s32 $0x8, s19;
	s23 =	sor.u32 s24, s23;
	s24 =	sand.u32 $0x380, s17;
	[tilespmem:s18+$0x220] =	vst v8;
	v3 =	vadd.f32 v5, v3;
	v5 =	vld [tilespmem:s18+$0x260]  }
0x939: {  	p0 =	slt.u32 s19, $0x3F8;
	s23 =	sor.u32 s24, s23;
	v8 =	vld [tilespmem:s18+$0xC260]  }
0x93a: {  	v10 =	vld [tilespmem:s23+$0x270];
	[tilespmem:s18+$0x230] =	vst v3;
	v3 =	vadd.f32 v6, v4  }
0x93b: {  	v4 =	vld [tilespmem:s23+$0xC270]  }
0x93c: {  	v6 =	vld [tilespmem:s23+$0x200];
	[tilespmem:s18+$0x240] =	vst v3;
	v3 =	vadd.f32 v9, v7  }
0x93d: {  	v7 =	vld [tilespmem:s23+$0xC200]  }
0x93e: {  	v9 =	vld [tilespmem:s23+$0x210];
	[tilespmem:s18+$0x250] =	vst v3;
	v3 =	vadd.f32 v8, v5  }
0x93f: {  	v8 =	vld [tilespmem:s23+$0xC210]  }
0x940: {  	v11 =	vld [tilespmem:s23+$0x220];
	v4 =	vadd.f32 v4, v10;
	[tilespmem:s18+$0x260] =	vst v3;
	s18 =	smov.u32 s23  }
0x941: {  	v10 =	vld [tilespmem:s18+$0xC220]  }
.Ltmp30:
0x942: {  	v6 =	vadd.f32 v7, v6;
	v3 =	vld [tilespmem:s18+$0x230];
	[tilespmem:s18+$0x270] =	vst v4;
	(pc) =	sbr.rel @p0 .LBB2_62-.Ltmp30, $4  }
0x943: {  	v5 =	vld [tilespmem:s18+$0xC230]  }
0x944: {  	[tilespmem:s18+$0x200] =	vst v6;
	v7 =	vadd.f32 v8, v9;
	v4 =	vld [tilespmem:s18+$0x240]  }
0x945: {  	v6 =	vld [tilespmem:s18+$0xC240]  }
0x946: {  	s20 =	sadd.s32 $0x400, s20;
	s21 =	sadd.s32 $0x80, s21;
	[tilespmem:s18+$0x210] =	vst v7;
	v8 =	vadd.f32 v10, v11;
	v7 =	vld [tilespmem:s18+$0x250]  }
0x947: {  	v9 =	vld [tilespmem:s18+$0xC250]  }
0x948: {  	v10 =	vld [tilespmem:s18+$0x260]  }
0x949: {  	v11 =	vld [tilespmem:s18+$0xC260];
	_ =	sdelay $0x1  }
0x94a: {  	v3 =	vadd.f32 v5, v3  }
0x94b: {  	[tilespmem:s18+$0x220] =	vst v8;
	v4 =	vadd.f32 v6, v4  }
0x94c: {  	[tilespmem:s18+$0x230] =	vst v3;
	v3 =	vadd.f32 v9, v7  }
0x94d: {  	[tilespmem:s18+$0x240] =	vst v4;
	v4 =	vadd.f32 v11, v10  }
0x94e: {  	[tilespmem:s18+$0x250] =	vst v3  }
0x94f: {  	[tilespmem:s18+$0x260] =	vst v4  }
0x950: {  	s18 =	sld [smem:$0x7FA];
	_ =	sdelay $0x1  }
0x951: {  	s17 =	simm.s32 $0x0  }
0x952: {  	[hbm4b:s18+s17] =	stream.linear.scatter [tilespmem:s13], [sflag:$0x7], $0x4000, $0x38;
	[tilespmem:$0x18200] =	vst v63  }
0x953: {  	_ =	swait.ge [sflag:s11], $0x4000  }
0x954: {  	[sflag:s11] =	ssyncset.done $0x0  }
0x955: {  	[sflag:s11] =	ssyncadd.s32 $0xFFFFC000  }
0x956: {  	s23 =	sand.u32 $0x2000, s17;
	s19 =	sand.u32 $0x1C00, s17;
	_ =	swait.ge [sflag:s12], $0x4000  }
0x957: {  	s24 =	sand.u32 $0x380, s17;
	s18 =	sor.u32 s19, s23;
	[sflag:s12] =	ssyncset.done $0x0  }
0x958: {  	s18 =	sor.u32 s24, s18;
	[sflag:s12] =	ssyncadd.s32 $0xFFFFC000  }
0x959: {  	v3 =	vld [tilespmem:s18+$0x4270]  }
0x95a: {  	v4 =	vld [tilespmem:s18+$0x10270]  }
0x95b: {  	v5 =	vld [tilespmem:s18+$0x4200]  }
0x95c: {  	v6 =	vld [tilespmem:s18+$0x10200]  }
0x95d: {  	v7 =	vld [tilespmem:s18+$0x4210]  }
0x95e: {  	v8 =	vld [tilespmem:s18+$0x10210]  }
0x95f: {  	v9 =	vld [tilespmem:s18+$0x4220]  }
0x960: {  	v10 =	vld [tilespmem:s18+$0x10220]  }
0x961: {  	v4 =	vadd.f32 v4, v3;
	v3 =	vld [tilespmem:s18+$0x4230]  }
0x962: {  	v6 =	vadd.f32 v6, v5;
	v5 =	vld [tilespmem:s18+$0x10230]  }
0x963: {  	v7 =	vadd.f32 v8, v7;
	[tilespmem:s18+$0x4270] =	vst v4;
	v4 =	vld [tilespmem:s18+$0x4240]  }
0x964: {  	[tilespmem:s18+$0x4200] =	vst v6;
	v6 =	vld [tilespmem:s18+$0x10240]  }
0x965: {  	s20 =	simm.s32 $0x400;
	s21 =	simm.s32 $0x80;
	s19 =	simm.s32 $0x0;
	v8 =	vadd.f32 v10, v9;
	[tilespmem:s18+$0x4210] =	vst v7;
	v7 =	vld [tilespmem:s18+$0x4250]  }
.LBB2_64:
0x966: {  	s23 =	sand.u32 $0x2000, s21;
	s24 =	sand.u32 $0x1C00, s20;
	v9 =	vld [tilespmem:s18+$0x10250];
	s17 =	sadd.s32 $0x10, s17  }
0x967: {  	s19 =	sadd.s32 $0x8, s19;
	s23 =	sor.u32 s24, s23;
	s24 =	sand.u32 $0x380, s17;
	[tilespmem:s18+$0x4220] =	vst v8;
	v3 =	vadd.f32 v5, v3;
	v5 =	vld [tilespmem:s18+$0x4260]  }
0x968: {  	p0 =	slt.u32 s19, $0x3F8;
	s23 =	sor.u32 s24, s23;
	v8 =	vld [tilespmem:s18+$0x10260]  }
0x969: {  	v10 =	vld [tilespmem:s23+$0x4270];
	[tilespmem:s18+$0x4230] =	vst v3;
	v3 =	vadd.f32 v6, v4  }
0x96a: {  	v4 =	vld [tilespmem:s23+$0x10270]  }
0x96b: {  	v6 =	vld [tilespmem:s23+$0x4200];
	[tilespmem:s18+$0x4240] =	vst v3;
	v3 =	vadd.f32 v9, v7  }
0x96c: {  	v7 =	vld [tilespmem:s23+$0x10200]  }
0x96d: {  	v9 =	vld [tilespmem:s23+$0x4210];
	[tilespmem:s18+$0x4250] =	vst v3;
	v3 =	vadd.f32 v8, v5  }
0x96e: {  	v8 =	vld [tilespmem:s23+$0x10210]  }
0x96f: {  	v11 =	vld [tilespmem:s23+$0x4220];
	v4 =	vadd.f32 v4, v10;
	[tilespmem:s18+$0x4260] =	vst v3;
	s18 =	smov.u32 s23  }
0x970: {  	v10 =	vld [tilespmem:s18+$0x10220]  }
.Ltmp31:
0x971: {  	v6 =	vadd.f32 v7, v6;
	v3 =	vld [tilespmem:s18+$0x4230];
	[tilespmem:s18+$0x4270] =	vst v4;
	(pc) =	sbr.rel @p0 .LBB2_64-.Ltmp31, $4  }
0x972: {  	v5 =	vld [tilespmem:s18+$0x10230]  }
0x973: {  	[tilespmem:s18+$0x4200] =	vst v6;
	v7 =	vadd.f32 v8, v9;
	v4 =	vld [tilespmem:s18+$0x4240]  }
0x974: {  	v6 =	vld [tilespmem:s18+$0x10240]  }
0x975: {  	s20 =	sadd.s32 $0x400, s20;
	s21 =	sadd.s32 $0x80, s21;
	[tilespmem:s18+$0x4210] =	vst v7;
	v8 =	vadd.f32 v10, v11;
	v7 =	vld [tilespmem:s18+$0x4250]  }
0x976: {  	v9 =	vld [tilespmem:s18+$0x10250]  }
0x977: {  	v10 =	vld [tilespmem:s18+$0x4260]  }
0x978: {  	v11 =	vld [tilespmem:s18+$0x10260];
	_ =	sdelay $0x1  }
0x979: {  	v3 =	vadd.f32 v5, v3  }
0x97a: {  	[tilespmem:s18+$0x4220] =	vst v8;
	v4 =	vadd.f32 v6, v4  }
0x97b: {  	[tilespmem:s18+$0x4230] =	vst v3;
	v3 =	vadd.f32 v9, v7  }
0x97c: {  	[tilespmem:s18+$0x4240] =	vst v4;
	v63 =	vadd.f32 v11, v10  }
0x97d: {  	[tilespmem:s18+$0x4250] =	vst v3  }
0x97e: {  	[tilespmem:s18+$0x4260] =	vst v63  }
0x97f: {  	s17 =	sld [smem:$0x7FB];
	_ =	sdelay $0x2  }
0x980: {  	[hbm4b:s17+s1] =	stream.linear.scatter [tilespmem:s22], [sflag:$0x8], $0x4000, $0x38;
	[tilespmem:$0x18200] =	vst v63  }
0x981: {  	_ =	swait.ge [sflag:s4], $0x4000  }
0x982: {  	[sflag:s4] =	ssyncset.done $0x0  }
0x983: {  	[sflag:s4] =	ssyncadd.s32 $0xFFFFC000  }
0x984: {  	_ =	swait.ge [sflag:s14], $0x4000  }
0x985: {  	[sflag:s14] =	ssyncset.done $0x0  }
0x986: {  	[sflag:s14] =	ssyncadd.s32 $0xFFFFC000  }
0x987: {  	_ =	swait.ge [sflag:s15], $0x4000  }
0x988: {  	s24 =	sld [smem:$0x7FD];
	_ =	sdelay $0x1  }
0x989: {  	s16 =	sadd.s32 $0x1, s16  }
0x98a: {  	p0 =	sne.s32 s16, s24  }
.Ltmp32:
0x98b: {  	_ = 	snop;
	(pc) =	sbr.rel @p0 .LBB2_1-.Ltmp32, $3  }
0x98c: {  	_ =	sdelay $0x1  }
0x98d: {  	[sflag:s15] =	ssyncset.done $0x0  }
0x98e: {  	[sflag:s15] =	ssyncadd.s32 $0xFFFFC000  }
0x98f: {  	_ =	sfence.sel $0x180000  }
0x990: {  	[bflag:$0x0] =	sbarrier.arrive $0xFFFF  }
0x991: {  	_ =	strace $0x90000047  }
0x992: {  	s0 =	stileid.u32;
	[bflag:$0x2] =	sbarrier.arrive $0xFFFF  }
0x993: {  	p0 =	sne.s32 s0, $0x0;
	s0 =	rddreg [dreg:$0x3]  }
0x994: {  	s0 =	sadd.s32 @!p0 $0x100000, s0  }
0x995: {  	[sflag:s0] =	ssyncadd.tile.s32 @!p0 $0x1;
	_ =	shalt  }
.Lfunc_end2:
_tile_overlayer_lowered:
.L_overlay_start_2:
0x996: {  	(tag) =	ssettag $0x2  }
0x997: {  	s0 =	rddreg [dreg:$0x0];
	s2 =	stileid.u32  }
0x998: {  	s1 =	rddreg [dreg:$0x1];
	p0 =	sne.s32 s2, $0x0  }
0x999: {  	s3 =	rddreg [dreg:$0x2];
	[bflag:$0x3] =	sbarrier.arrive $0xFFFF;
	s2 =	simm.s32 @!p0 $0x1C0A  }
0x99a: {  	[timem:s3], [sflag:s2] =	dma.local @!p0 [hbm:s0], s1  }
0x99b: {  	s0 =	simm.s32 @!p0 $0xA  }
0x99c: {  	_ =	swait.ge @!p0 [sflag:s0], s1  }
0x99d: {  	s1 =	ssub.s32 @!p0 $0x0, s1;
	[sflag:s0] =	ssyncset.done @!p0 $0x0  }
0x99e: {  	[sflag:s0] =	ssyncadd.s32 @!p0 s1  }
0x99f: {  	[bflag:$0x3] =	sbarrier.arrive $0xFFFF  }
0x9a0: {  	_ =	shalt  }

</sc_bundles>
